<compile_context>
chip_gen: v7x
topology: tpu7x:2x2x1
jax: 0.10.2.dev20260603
libtpu: 0.0.44.dev20260713+nightly
codegen_flags: <defaults>
</compile_context>

<pallas_src>
import jax
import jax.numpy as jnp
from jax import lax
from jax.experimental import pallas as pl
from jax.experimental.pallas import tpu as pltpu
from jax.experimental.pallas import tpu_sc as plsc

VOCAB = 1000000
SEQ_LEN = 200
EMBED_DIM = 64
BATCH = 4096

NUM_CORES = 2
NUM_SUBCORES = 16
NUM_WORKERS = NUM_CORES * NUM_SUBCORES
SEQ_PER_WORKER = BATCH // NUM_WORKERS
LANES = 16
VREGS_PER_ROW = EMBED_DIM // LANES

SEQ_PER_CHUNK = 2
ROWS_PER_CHUNK = SEQ_PER_CHUNK * SEQ_LEN
NUM_CHUNKS = SEQ_PER_WORKER // SEQ_PER_CHUNK
NBUF = 4

GATHER_SPLITS = ((0, 128), (128, 72))

EMBED_SCALE = 8.0


def _sc_kernel_body(inputs_hbm, tok_hbm, pos_hbm, out_hbm,
                    idx0, idx1, idx2, idx3,
                    rows0, rows1, rows2, rows3, pos_v,
                    sg0, sg1, sg2, sg3, so0, so1, so2, so3,
                    si0, si1, si2, si3):
    wid = lax.axis_index("s") * NUM_CORES + lax.axis_index("c")
    base_seq = wid * SEQ_PER_WORKER

    idx = (idx0, idx1, idx2, idx3)
    rows = (rows0, rows1, rows2, rows3)
    sem_g = (sg0, sg1, sg2, sg3)
    sem_o = (so0, so1, so2, so3)
    sem_i = (si0, si1, si2, si3)

    pltpu.sync_copy(pos_hbm, pos_v)

    def idx_io(g, b, start):
        desc = pltpu.make_async_copy(
            inputs_hbm.at[pl.ds(base_seq + g * SEQ_PER_CHUNK, SEQ_PER_CHUNK)],
            idx[b], sem_i[b])
        desc.start() if start else desc.wait()

    def gather_io(b, start):
        for s in range(SEQ_PER_CHUNK):
            for (off, n) in GATHER_SPLITS:
                desc = pltpu.make_async_copy(
                    tok_hbm.at[idx[b].at[s, pl.ds(off, n)]],
                    rows[b].at[pl.ds(s * SEQ_LEN + off, n)],
                    sem_g[b])
                desc.start() if start else desc.wait()

    def out_io(g, b, start):
        for s in range(SEQ_PER_CHUNK):
            desc = pltpu.make_async_copy(
                rows[b].at[pl.ds(s * SEQ_LEN, SEQ_LEN)],
                out_hbm.at[base_seq + g * SEQ_PER_CHUNK + s, :,
                           pl.ds(0, EMBED_DIM)],
                sem_o[b])
            desc.start() if start else desc.wait()

    def compute(b):
        def row_body(t, c2):
            for c in range(VREGS_PER_ROW):
                sl = pl.ds(c * LANES, LANES)
                p = pos_v[t, sl]
                for s in range(SEQ_PER_CHUNK):
                    r = s * SEQ_LEN + t
                    rows[b][r, sl] = rows[b][r, sl] * EMBED_SCALE + p
            return c2

        lax.fori_loop(0, SEQ_LEN, row_body, 0, unroll=4)

    for j in range(NBUF):
        idx_io(j, j, True)
    for j in range(NBUF - 1):
        idx_io(j, j, False)
        gather_io(j, True)

    def outer_body(gg, carry):
        for b in range(NBUF):
            g = gg * NBUF + b
            nb = (b + 3) % NBUF

            @pl.when(g >= 1)
            def _():
                out_io(g - 1, nb, False)

            @pl.when(g + 3 < NUM_CHUNKS)
            def _():
                idx_io(g + 3, nb, False)
                gather_io(nb, True)

            gather_io(b, False)

            @pl.when(g + 4 < NUM_CHUNKS)
            def _():
                idx_io(g + 4, b, True)

            compute(b)
            out_io(g, b, True)
        return carry

    lax.fori_loop(0, NUM_CHUNKS // NBUF, outer_body, 0)

    out_io(NUM_CHUNKS - 1, 3, False)


@jax.jit
def _embed(inputs, tok_table, pos_table):
    mesh = plsc.VectorSubcoreMesh(core_axis_name="c", subcore_axis_name="s")
    fn = pl.kernel(
        _sc_kernel_body,
        out_type=jax.ShapeDtypeStruct((BATCH, SEQ_LEN, 2 * EMBED_DIM),
                                      jnp.float32),
        mesh=mesh,
        scratch_types=(
            [pltpu.VMEM((SEQ_PER_CHUNK, SEQ_LEN), jnp.int32)] * NBUF
            + [pltpu.VMEM((ROWS_PER_CHUNK, EMBED_DIM), jnp.float32)] * NBUF
            + [pltpu.VMEM((SEQ_LEN, EMBED_DIM), jnp.float32)]
            + [pltpu.SemaphoreType.DMA] * (3 * NBUF)
        ),
        compiler_params=pltpu.CompilerParams(use_tc_tiling_on_sc=False),
    )
    return fn(inputs, tok_table, pos_table)


def kernel(inputs, tok_table, pos_table):
    return _embed(inputs, tok_table, pos_table)[:, :, :EMBED_DIM]

# --- scband reference (transcript-rebuilt; emitter-appended) ---
"""Pipeline reference for scband-transformer-embedding-30923764531254 (READ-ONLY COPY).

The authoritative reference and input builder live on the scoring server;
editing this copy changes nothing except your own understanding.
"""

import jax, jax.numpy as jnp
import numpy as np

VOCAB = 1000000
SEQ_LEN = 200
EMBED_DIM = 64
BATCH = 4096


def setup_inputs(seed: int = 0) -> dict:
    key = jax.random.key(seed)
    k1, k2, k3 = jax.random.split(key, 3)
    inputs = jax.random.randint(k1, (BATCH, SEQ_LEN), 0, VOCAB, dtype=jnp.int32)
    tok_table = jax.random.normal(k2, (VOCAB, EMBED_DIM), dtype=jnp.float32) * 0.02
    pos_table = jax.random.normal(k3, (SEQ_LEN, EMBED_DIM), dtype=jnp.float32) * 0.02
    return {"inputs": inputs, "tok_table": tok_table, "pos_table": pos_table}


def reference(inputs, tok_table, pos_table):
    # learned positional embedding: positions = range(seq_length)
    positions = jnp.arange(SEQ_LEN)
    positions_info = jnp.take(pos_table, positions, axis=0)  # [SEQ_LEN, D]
    # token embedding lookup (SparseCore gather)
    x = jnp.take(tok_table, inputs, axis=0)  # [B, SEQ_LEN, D]
    # embed scale = sqrt(embedding_dim)
    embed_scale = jnp.sqrt(jnp.asarray(EMBED_DIM, dtype=jnp.float32))
    x = x * embed_scale
    return x + positions_info[None, :, :]

if __name__ == "__main__":
    import jax
    _d = setup_inputs()
    print(jax.jit(kernel)(*tuple(_d.values())))

</pallas_src>

<mosaic_0001>
#map = affine_map<(d0, d1) -> (0, 0)>
#map1 = affine_map<(d0, d1) -> (0, 0, 0)>
module attributes {stable_mosaic.version = 14 : i64} {
  func.func @_sc_kernel_body(%arg0: i32, %arg1: i32, %arg2: memref<4096x200xi32, #tpu.memory_space<hbm>>, %arg3: memref<1000000x64xf32, #tpu.memory_space<hbm>>, %arg4: memref<200x64xf32, #tpu.memory_space<hbm>>, %arg5: memref<4096x200x128xf32, #tpu.memory_space<hbm>>, %arg6: memref<2x200xi32, #tpu.memory_space<vmem>>, %arg7: memref<2x200xi32, #tpu.memory_space<vmem>>, %arg8: memref<2x200xi32, #tpu.memory_space<vmem>>, %arg9: memref<2x200xi32, #tpu.memory_space<vmem>>, %arg10: memref<400x64xf32, #tpu.memory_space<vmem>>, %arg11: memref<400x64xf32, #tpu.memory_space<vmem>>, %arg12: memref<400x64xf32, #tpu.memory_space<vmem>>, %arg13: memref<400x64xf32, #tpu.memory_space<vmem>>, %arg14: memref<200x64xf32, #tpu.memory_space<vmem>>, %arg15: memref<!tpu.dma_semaphore, #tpu.memory_space<semaphore_mem>>, %arg16: memref<!tpu.dma_semaphore, #tpu.memory_space<semaphore_mem>>, %arg17: memref<!tpu.dma_semaphore, #tpu.memory_space<semaphore_mem>>, %arg18: memref<!tpu.dma_semaphore, #tpu.memory_space<semaphore_mem>>, %arg19: memref<!tpu.dma_semaphore, #tpu.memory_space<semaphore_mem>>, %arg20: memref<!tpu.dma_semaphore, #tpu.memory_space<semaphore_mem>>, %arg21: memref<!tpu.dma_semaphore, #tpu.memory_space<semaphore_mem>>, %arg22: memref<!tpu.dma_semaphore, #tpu.memory_space<semaphore_mem>>, %arg23: memref<!tpu.dma_semaphore, #tpu.memory_space<semaphore_mem>>, %arg24: memref<!tpu.dma_semaphore, #tpu.memory_space<semaphore_mem>>, %arg25: memref<!tpu.dma_semaphore, #tpu.memory_space<semaphore_mem>>, %arg26: memref<!tpu.dma_semaphore, #tpu.memory_space<semaphore_mem>>) attributes {dimension_semantics = [#tpu.dimension_semantics<core_parallel>, #tpu.dimension_semantics<subcore_parallel>], iteration_bounds = array<i64: 2, 16>, scalar_prefetch = 0 : i64, scratch_operands = 21 : i64, tpu.core_type = #tpu.core_type<sc_vector_subcore>, window_params = [{transform_indices = #map}, {transform_indices = #map}, {transform_indices = #map}, {transform_indices = #map1}]} {
    %mul3A = arith.constant 2 : i32
    %mul3A_0 = arith.muli %arg1, %mul3A : i32
    %add3A = arith.addi %mul3A_0, %arg0 : i32
    %mul3A_1 = arith.constant 128 : i32
    %mul3A_2 = arith.muli %add3A, %mul3A_1 : i32
    "tpu.region"() ({
      %run_scoped3A = tpu.sem_alloc : memref<!tpu.dma_semaphore, #tpu.memory_space<semaphore_mem>>
      tpu.enqueue_dma source(%arg4 : memref<200x64xf32, #tpu.memory_space<hbm>>) target(%arg14 : memref<200x64xf32, #tpu.memory_space<vmem>>) target_semaphore(%run_scoped3A : memref<!tpu.dma_semaphore, #tpu.memory_space<semaphore_mem>>)
      tpu.wait_dma2 semaphore(%run_scoped3A : memref<!tpu.dma_semaphore, #tpu.memory_space<semaphore_mem>>) src(%arg4 : memref<200x64xf32, #tpu.memory_space<hbm>>) dst(%arg14 : memref<200x64xf32, #tpu.memory_space<vmem>>)
      tpu.yield
    }) : () -> ()
    %add3A_3 = arith.constant 0 : i32
    %add3A_4 = arith.addi %mul3A_2, %add3A_3 : i32
    %dma_start3A = arith.constant 0 : i32
    %dma_start3A_5 = tpu.memref_slice %arg2[%add3A_4, %dma_start3A] : memref<4096x200xi32, #tpu.memory_space<hbm>> -> memref<2x200xi32, #tpu.memory_space<hbm>>
    %dma_start3A_6 = arith.constant 0 : i32
    %dma_start3A_7 = tpu.memref_slice %arg2[%add3A_4, %dma_start3A_6] : memref<4096x200xi32, #tpu.memory_space<hbm>> -> memref<2x200xi32, #tpu.memory_space<hbm>>
    tpu.enqueue_dma source(%dma_start3A_7 : memref<2x200xi32, #tpu.memory_space<hbm>>) target(%arg6 : memref<2x200xi32, #tpu.memory_space<vmem>>) target_semaphore(%arg23 : memref<!tpu.dma_semaphore, #tpu.memory_space<semaphore_mem>>)
    %add3A_8 = arith.constant 2 : i32
    %add3A_9 = arith.addi %mul3A_2, %add3A_8 : i32
    %dma_start3A_10 = arith.constant 0 : i32
    %dma_start3A_11 = tpu.memref_slice %arg2[%add3A_9, %dma_start3A_10] : memref<4096x200xi32, #tpu.memory_space<hbm>> -> memref<2x200xi32, #tpu.memory_space<hbm>>
    %dma_start3A_12 = arith.constant 0 : i32
    %dma_start3A_13 = tpu.memref_slice %arg2[%add3A_9, %dma_start3A_12] : memref<4096x200xi32, #tpu.memory_space<hbm>> -> memref<2x200xi32, #tpu.memory_space<hbm>>
    tpu.enqueue_dma source(%dma_start3A_13 : memref<2x200xi32, #tpu.memory_space<hbm>>) target(%arg7 : memref<2x200xi32, #tpu.memory_space<vmem>>) target_semaphore(%arg24 : memref<!tpu.dma_semaphore, #tpu.memory_space<semaphore_mem>>)
    %add3A_14 = arith.constant 4 : i32
    %add3A_15 = arith.addi %mul3A_2, %add3A_14 : i32
    %dma_start3A_16 = arith.constant 0 : i32
    %dma_start3A_17 = tpu.memref_slice %arg2[%add3A_15, %dma_start3A_16] : memref<4096x200xi32, #tpu.memory_space<hbm>> -> memref<2x200xi32, #tpu.memory_space<hbm>>
    %dma_start3A_18 = arith.constant 0 : i32
    %dma_start3A_19 = tpu.memref_slice %arg2[%add3A_15, %dma_start3A_18] : memref<4096x200xi32, #tpu.memory_space<hbm>> -> memref<2x200xi32, #tpu.memory_space<hbm>>
    tpu.enqueue_dma source(%dma_start3A_19 : memref<2x200xi32, #tpu.memory_space<hbm>>) target(%arg8 : memref<2x200xi32, #tpu.memory_space<vmem>>) target_semaphore(%arg25 : memref<!tpu.dma_semaphore, #tpu.memory_space<semaphore_mem>>)
    %add3A_20 = arith.constant 6 : i32
    %add3A_21 = arith.addi %mul3A_2, %add3A_20 : i32
    %dma_start3A_22 = arith.constant 0 : i32
    %dma_start3A_23 = tpu.memref_slice %arg2[%add3A_21, %dma_start3A_22] : memref<4096x200xi32, #tpu.memory_space<hbm>> -> memref<2x200xi32, #tpu.memory_space<hbm>>
    %dma_start3A_24 = arith.constant 0 : i32
    %dma_start3A_25 = tpu.memref_slice %arg2[%add3A_21, %dma_start3A_24] : memref<4096x200xi32, #tpu.memory_space<hbm>> -> memref<2x200xi32, #tpu.memory_space<hbm>>
    tpu.enqueue_dma source(%dma_start3A_25 : memref<2x200xi32, #tpu.memory_space<hbm>>) target(%arg9 : memref<2x200xi32, #tpu.memory_space<vmem>>) target_semaphore(%arg26 : memref<!tpu.dma_semaphore, #tpu.memory_space<semaphore_mem>>)
    %add3A_26 = arith.constant 0 : i32
    %add3A_27 = arith.addi %mul3A_2, %add3A_26 : i32
    %dma_wait3A = arith.constant 0 : i32
    %dma_wait3A_28 = tpu.memref_slice %arg2[%add3A_27, %dma_wait3A] : memref<4096x200xi32, #tpu.memory_space<hbm>> -> memref<2x200xi32, #tpu.memory_space<hbm>>
    %dma_wait3A_29 = arith.constant 0 : i32
    %dma_wait3A_30 = tpu.memref_slice %arg2[%add3A_27, %dma_wait3A_29] : memref<4096x200xi32, #tpu.memory_space<hbm>> -> memref<2x200xi32, #tpu.memory_space<hbm>>
    tpu.wait_dma2 semaphore(%arg23 : memref<!tpu.dma_semaphore, #tpu.memory_space<semaphore_mem>>) src(%dma_wait3A_30 : memref<2x200xi32, #tpu.memory_space<hbm>>) dst(%arg6 : memref<2x200xi32, #tpu.memory_space<vmem>>)
    %dma_start3A_31 = arith.constant 0 : i32
    %dma_start3A_32 = arith.constant 0 : i32
    %dma_start3A_33 = arith.constant 0 : i32
    %dma_start3A_34 = tpu.memref_slice %arg10[%dma_start3A_32, %dma_start3A_33] : memref<400x64xf32, #tpu.memory_space<vmem>> -> memref<128x64xf32, #tpu.memory_space<vmem>>
    %dma_start3A_35 = arith.constant 0 : i32
    %dma_start3A_36 = tpu.memref_slice %arg6[%dma_start3A_31, %dma_start3A_35] : memref<2x200xi32, #tpu.memory_space<vmem>> -> memref<1x128xi32, #tpu.memory_space<vmem>>
    %dma_start3A_37 = tpu.memref_squeeze %dma_start3A_36 : memref<1x128xi32, #tpu.memory_space<vmem>> -> memref<128xi32, #tpu.memory_space<vmem>>
    %dma_start3A_38 = arith.constant 0 : i32
    %dma_start3A_39 = arith.constant 0 : i32
    %dma_start3A_40 = tpu.memref_slice %arg3[%dma_start3A_38, %dma_start3A_39] : memref<1000000x64xf32, #tpu.memory_space<hbm>> -> memref<1000000x64xf32, #tpu.memory_space<hbm>>
    tpu.enqueue_indirect_dma source(%dma_start3A_40 : memref<1000000x64xf32, #tpu.memory_space<hbm>>) target(%dma_start3A_34 : memref<128x64xf32, #tpu.memory_space<vmem>>) offsets(%dma_start3A_37 : memref<128xi32, #tpu.memory_space<vmem>>) semaphore(%arg15 : memref<!tpu.dma_semaphore, #tpu.memory_space<semaphore_mem>>)
    %dma_start3A_41 = arith.constant 0 : i32
    %dma_start3A_42 = arith.constant 128 : i32
    %dma_start3A_43 = arith.constant 0 : i32
    %dma_start3A_44 = tpu.memref_slice %arg10[%dma_start3A_42, %dma_start3A_43] : memref<400x64xf32, #tpu.memory_space<vmem>> -> memref<72x64xf32, #tpu.memory_space<vmem>>
    %dma_start3A_45 = arith.constant 128 : i32
    %dma_start3A_46 = tpu.memref_slice %arg6[%dma_start3A_41, %dma_start3A_45] : memref<2x200xi32, #tpu.memory_space<vmem>> -> memref<1x72xi32, #tpu.memory_space<vmem>>
    %dma_start3A_47 = tpu.memref_squeeze %dma_start3A_46 : memref<1x72xi32, #tpu.memory_space<vmem>> -> memref<72xi32, #tpu.memory_space<vmem>>
    %dma_start3A_48 = arith.constant 0 : i32
    %dma_start3A_49 = arith.constant 0 : i32
    %dma_start3A_50 = tpu.memref_slice %arg3[%dma_start3A_48, %dma_start3A_49] : memref<1000000x64xf32, #tpu.memory_space<hbm>> -> memref<1000000x64xf32, #tpu.memory_space<hbm>>
    tpu.enqueue_indirect_dma source(%dma_start3A_50 : memref<1000000x64xf32, #tpu.memory_space<hbm>>) target(%dma_start3A_44 : memref<72x64xf32, #tpu.memory_space<vmem>>) offsets(%dma_start3A_47 : memref<72xi32, #tpu.memory_space<vmem>>) semaphore(%arg15 : memref<!tpu.dma_semaphore, #tpu.memory_space<semaphore_mem>>)
    %dma_start3A_51 = arith.constant 1 : i32
    %dma_start3A_52 = arith.constant 200 : i32
    %dma_start3A_53 = arith.constant 0 : i32
    %dma_start3A_54 = tpu.memref_slice %arg10[%dma_start3A_52, %dma_start3A_53] : memref<400x64xf32, #tpu.memory_space<vmem>> -> memref<128x64xf32, #tpu.memory_space<vmem>>
    %dma_start3A_55 = arith.constant 0 : i32
    %dma_start3A_56 = tpu.memref_slice %arg6[%dma_start3A_51, %dma_start3A_55] : memref<2x200xi32, #tpu.memory_space<vmem>> -> memref<1x128xi32, #tpu.memory_space<vmem>>
    %dma_start3A_57 = tpu.memref_squeeze %dma_start3A_56 : memref<1x128xi32, #tpu.memory_space<vmem>> -> memref<128xi32, #tpu.memory_space<vmem>>
    %dma_start3A_58 = arith.constant 0 : i32
    %dma_start3A_59 = arith.constant 0 : i32
    %dma_start3A_60 = tpu.memref_slice %arg3[%dma_start3A_58, %dma_start3A_59] : memref<1000000x64xf32, #tpu.memory_space<hbm>> -> memref<1000000x64xf32, #tpu.memory_space<hbm>>
    tpu.enqueue_indirect_dma source(%dma_start3A_60 : memref<1000000x64xf32, #tpu.memory_space<hbm>>) target(%dma_start3A_54 : memref<128x64xf32, #tpu.memory_space<vmem>>) offsets(%dma_start3A_57 : memref<128xi32, #tpu.memory_space<vmem>>) semaphore(%arg15 : memref<!tpu.dma_semaphore, #tpu.memory_space<semaphore_mem>>)
    %dma_start3A_61 = arith.constant 1 : i32
    %dma_start3A_62 = arith.constant 328 : i32
    %dma_start3A_63 = arith.constant 0 : i32
    %dma_start3A_64 = tpu.memref_slice %arg10[%dma_start3A_62, %dma_start3A_63] : memref<400x64xf32, #tpu.memory_space<vmem>> -> memref<72x64xf32, #tpu.memory_space<vmem>>
    %dma_start3A_65 = arith.constant 128 : i32
    %dma_start3A_66 = tpu.memref_slice %arg6[%dma_start3A_61, %dma_start3A_65] : memref<2x200xi32, #tpu.memory_space<vmem>> -> memref<1x72xi32, #tpu.memory_space<vmem>>
    %dma_start3A_67 = tpu.memref_squeeze %dma_start3A_66 : memref<1x72xi32, #tpu.memory_space<vmem>> -> memref<72xi32, #tpu.memory_space<vmem>>
    %dma_start3A_68 = arith.constant 0 : i32
    %dma_start3A_69 = arith.constant 0 : i32
    %dma_start3A_70 = tpu.memref_slice %arg3[%dma_start3A_68, %dma_start3A_69] : memref<1000000x64xf32, #tpu.memory_space<hbm>> -> memref<1000000x64xf32, #tpu.memory_space<hbm>>
    tpu.enqueue_indirect_dma source(%dma_start3A_70 : memref<1000000x64xf32, #tpu.memory_space<hbm>>) target(%dma_start3A_64 : memref<72x64xf32, #tpu.memory_space<vmem>>) offsets(%dma_start3A_67 : memref<72xi32, #tpu.memory_space<vmem>>) semaphore(%arg15 : memref<!tpu.dma_semaphore, #tpu.memory_space<semaphore_mem>>)
    %add3A_71 = arith.constant 2 : i32
    %add3A_72 = arith.addi %mul3A_2, %add3A_71 : i32
    %dma_wait3A_73 = arith.constant 0 : i32
    %dma_wait3A_74 = tpu.memref_slice %arg2[%add3A_72, %dma_wait3A_73] : memref<4096x200xi32, #tpu.memory_space<hbm>> -> memref<2x200xi32, #tpu.memory_space<hbm>>
    %dma_wait3A_75 = arith.constant 0 : i32
    %dma_wait3A_76 = tpu.memref_slice %arg2[%add3A_72, %dma_wait3A_75] : memref<4096x200xi32, #tpu.memory_space<hbm>> -> memref<2x200xi32, #tpu.memory_space<hbm>>
    tpu.wait_dma2 semaphore(%arg24 : memref<!tpu.dma_semaphore, #tpu.memory_space<semaphore_mem>>) src(%dma_wait3A_76 : memref<2x200xi32, #tpu.memory_space<hbm>>) dst(%arg7 : memref<2x200xi32, #tpu.memory_space<vmem>>)
    %dma_start3A_77 = arith.constant 0 : i32
    %dma_start3A_78 = arith.constant 0 : i32
    %dma_start3A_79 = arith.constant 0 : i32
    %dma_start3A_80 = tpu.memref_slice %arg11[%dma_start3A_78, %dma_start3A_79] : memref<400x64xf32, #tpu.memory_space<vmem>> -> memref<128x64xf32, #tpu.memory_space<vmem>>
    %dma_start3A_81 = arith.constant 0 : i32
    %dma_start3A_82 = tpu.memref_slice %arg7[%dma_start3A_77, %dma_start3A_81] : memref<2x200xi32, #tpu.memory_space<vmem>> -> memref<1x128xi32, #tpu.memory_space<vmem>>
    %dma_start3A_83 = tpu.memref_squeeze %dma_start3A_82 : memref<1x128xi32, #tpu.memory_space<vmem>> -> memref<128xi32, #tpu.memory_space<vmem>>
    %dma_start3A_84 = arith.constant 0 : i32
    %dma_start3A_85 = arith.constant 0 : i32
    %dma_start3A_86 = tpu.memref_slice %arg3[%dma_start3A_84, %dma_start3A_85] : memref<1000000x64xf32, #tpu.memory_space<hbm>> -> memref<1000000x64xf32, #tpu.memory_space<hbm>>
    tpu.enqueue_indirect_dma source(%dma_start3A_86 : memref<1000000x64xf32, #tpu.memory_space<hbm>>) target(%dma_start3A_80 : memref<128x64xf32, #tpu.memory_space<vmem>>) offsets(%dma_start3A_83 : memref<128xi32, #tpu.memory_space<vmem>>) semaphore(%arg16 : memref<!tpu.dma_semaphore, #tpu.memory_space<semaphore_mem>>)
    %dma_start3A_87 = arith.constant 0 : i32
    %dma_start3A_88 = arith.constant 128 : i32
    %dma_start3A_89 = arith.constant 0 : i32
    %dma_start3A_90 = tpu.memref_slice %arg11[%dma_start3A_88, %dma_start3A_89] : memref<400x64xf32, #tpu.memory_space<vmem>> -> memref<72x64xf32, #tpu.memory_space<vmem>>
    %dma_start3A_91 = arith.constant 128 : i32
    %dma_start3A_92 = tpu.memref_slice %arg7[%dma_start3A_87, %dma_start3A_91] : memref<2x200xi32, #tpu.memory_space<vmem>> -> memref<1x72xi32, #tpu.memory_space<vmem>>
    %dma_start3A_93 = tpu.memref_squeeze %dma_start3A_92 : memref<1x72xi32, #tpu.memory_space<vmem>> -> memref<72xi32, #tpu.memory_space<vmem>>
    %dma_start3A_94 = arith.constant 0 : i32
    %dma_start3A_95 = arith.constant 0 : i32
    %dma_start3A_96 = tpu.memref_slice %arg3[%dma_start3A_94, %dma_start3A_95] : memref<1000000x64xf32, #tpu.memory_space<hbm>> -> memref<1000000x64xf32, #tpu.memory_space<hbm>>
    tpu.enqueue_indirect_dma source(%dma_start3A_96 : memref<1000000x64xf32, #tpu.memory_space<hbm>>) target(%dma_start3A_90 : memref<72x64xf32, #tpu.memory_space<vmem>>) offsets(%dma_start3A_93 : memref<72xi32, #tpu.memory_space<vmem>>) semaphore(%arg16 : memref<!tpu.dma_semaphore, #tpu.memory_space<semaphore_mem>>)
    %dma_start3A_97 = arith.constant 1 : i32
    %dma_start3A_98 = arith.constant 200 : i32
    %dma_start3A_99 = arith.constant 0 : i32
    %dma_start3A_100 = tpu.memref_slice %arg11[%dma_start3A_98, %dma_start3A_99] : memref<400x64xf32, #tpu.memory_space<vmem>> -> memref<128x64xf32, #tpu.memory_space<vmem>>
    %dma_start3A_101 = arith.constant 0 : i32
    %dma_start3A_102 = tpu.memref_slice %arg7[%dma_start3A_97, %dma_start3A_101] : memref<2x200xi32, #tpu.memory_space<vmem>> -> memref<1x128xi32, #tpu.memory_space<vmem>>
    %dma_start3A_103 = tpu.memref_squeeze %dma_start3A_102 : memref<1x128xi32, #tpu.memory_space<vmem>> -> memref<128xi32, #tpu.memory_space<vmem>>
    %dma_start3A_104 = arith.constant 0 : i32
    %dma_start3A_105 = arith.constant 0 : i32
    %dma_start3A_106 = tpu.memref_slice %arg3[%dma_start3A_104, %dma_start3A_105] : memref<1000000x64xf32, #tpu.memory_space<hbm>> -> memref<1000000x64xf32, #tpu.memory_space<hbm>>
    tpu.enqueue_indirect_dma source(%dma_start3A_106 : memref<1000000x64xf32, #tpu.memory_space<hbm>>) target(%dma_start3A_100 : memref<128x64xf32, #tpu.memory_space<vmem>>) offsets(%dma_start3A_103 : memref<128xi32, #tpu.memory_space<vmem>>) semaphore(%arg16 : memref<!tpu.dma_semaphore, #tpu.memory_space<semaphore_mem>>)
    %dma_start3A_107 = arith.constant 1 : i32
    %dma_start3A_108 = arith.constant 328 : i32
    %dma_start3A_109 = arith.constant 0 : i32
    %dma_start3A_110 = tpu.memref_slice %arg11[%dma_start3A_108, %dma_start3A_109] : memref<400x64xf32, #tpu.memory_space<vmem>> -> memref<72x64xf32, #tpu.memory_space<vmem>>
    %dma_start3A_111 = arith.constant 128 : i32
    %dma_start3A_112 = tpu.memref_slice %arg7[%dma_start3A_107, %dma_start3A_111] : memref<2x200xi32, #tpu.memory_space<vmem>> -> memref<1x72xi32, #tpu.memory_space<vmem>>
    %dma_start3A_113 = tpu.memref_squeeze %dma_start3A_112 : memref<1x72xi32, #tpu.memory_space<vmem>> -> memref<72xi32, #tpu.memory_space<vmem>>
    %dma_start3A_114 = arith.constant 0 : i32
    %dma_start3A_115 = arith.constant 0 : i32
    %dma_start3A_116 = tpu.memref_slice %arg3[%dma_start3A_114, %dma_start3A_115] : memref<1000000x64xf32, #tpu.memory_space<hbm>> -> memref<1000000x64xf32, #tpu.memory_space<hbm>>
    tpu.enqueue_indirect_dma source(%dma_start3A_116 : memref<1000000x64xf32, #tpu.memory_space<hbm>>) target(%dma_start3A_110 : memref<72x64xf32, #tpu.memory_space<vmem>>) offsets(%dma_start3A_113 : memref<72xi32, #tpu.memory_space<vmem>>) semaphore(%arg16 : memref<!tpu.dma_semaphore, #tpu.memory_space<semaphore_mem>>)
    %add3A_117 = arith.constant 4 : i32
    %add3A_118 = arith.addi %mul3A_2, %add3A_117 : i32
    %dma_wait3A_119 = arith.constant 0 : i32
    %dma_wait3A_120 = tpu.memref_slice %arg2[%add3A_118, %dma_wait3A_119] : memref<4096x200xi32, #tpu.memory_space<hbm>> -> memref<2x200xi32, #tpu.memory_space<hbm>>
    %dma_wait3A_121 = arith.constant 0 : i32
    %dma_wait3A_122 = tpu.memref_slice %arg2[%add3A_118, %dma_wait3A_121] : memref<4096x200xi32, #tpu.memory_space<hbm>> -> memref<2x200xi32, #tpu.memory_space<hbm>>
    tpu.wait_dma2 semaphore(%arg25 : memref<!tpu.dma_semaphore, #tpu.memory_space<semaphore_mem>>) src(%dma_wait3A_122 : memref<2x200xi32, #tpu.memory_space<hbm>>) dst(%arg8 : memref<2x200xi32, #tpu.memory_space<vmem>>)
    %dma_start3A_123 = arith.constant 0 : i32
    %dma_start3A_124 = arith.constant 0 : i32
    %dma_start3A_125 = arith.constant 0 : i32
    %dma_start3A_126 = tpu.memref_slice %arg12[%dma_start3A_124, %dma_start3A_125] : memref<400x64xf32, #tpu.memory_space<vmem>> -> memref<128x64xf32, #tpu.memory_space<vmem>>
    %dma_start3A_127 = arith.constant 0 : i32
    %dma_start3A_128 = tpu.memref_slice %arg8[%dma_start3A_123, %dma_start3A_127] : memref<2x200xi32, #tpu.memory_space<vmem>> -> memref<1x128xi32, #tpu.memory_space<vmem>>
    %dma_start3A_129 = tpu.memref_squeeze %dma_start3A_128 : memref<1x128xi32, #tpu.memory_space<vmem>> -> memref<128xi32, #tpu.memory_space<vmem>>
    %dma_start3A_130 = arith.constant 0 : i32
    %dma_start3A_131 = arith.constant 0 : i32
    %dma_start3A_132 = tpu.memref_slice %arg3[%dma_start3A_130, %dma_start3A_131] : memref<1000000x64xf32, #tpu.memory_space<hbm>> -> memref<1000000x64xf32, #tpu.memory_space<hbm>>
    tpu.enqueue_indirect_dma source(%dma_start3A_132 : memref<1000000x64xf32, #tpu.memory_space<hbm>>) target(%dma_start3A_126 : memref<128x64xf32, #tpu.memory_space<vmem>>) offsets(%dma_start3A_129 : memref<128xi32, #tpu.memory_space<vmem>>) semaphore(%arg17 : memref<!tpu.dma_semaphore, #tpu.memory_space<semaphore_mem>>)
    %dma_start3A_133 = arith.constant 0 : i32
    %dma_start3A_134 = arith.constant 128 : i32
    %dma_start3A_135 = arith.constant 0 : i32
    %dma_start3A_136 = tpu.memref_slice %arg12[%dma_start3A_134, %dma_start3A_135] : memref<400x64xf32, #tpu.memory_space<vmem>> -> memref<72x64xf32, #tpu.memory_space<vmem>>
    %dma_start3A_137 = arith.constant 128 : i32
    %dma_start3A_138 = tpu.memref_slice %arg8[%dma_start3A_133, %dma_start3A_137] : memref<2x200xi32, #tpu.memory_space<vmem>> -> memref<1x72xi32, #tpu.memory_space<vmem>>
    %dma_start3A_139 = tpu.memref_squeeze %dma_start3A_138 : memref<1x72xi32, #tpu.memory_space<vmem>> -> memref<72xi32, #tpu.memory_space<vmem>>
    %dma_start3A_140 = arith.constant 0 : i32
    %dma_start3A_141 = arith.constant 0 : i32
    %dma_start3A_142 = tpu.memref_slice %arg3[%dma_start3A_140, %dma_start3A_141] : memref<1000000x64xf32, #tpu.memory_space<hbm>> -> memref<1000000x64xf32, #tpu.memory_space<hbm>>
    tpu.enqueue_indirect_dma source(%dma_start3A_142 : memref<1000000x64xf32, #tpu.memory_space<hbm>>) target(%dma_start3A_136 : memref<72x64xf32, #tpu.memory_space<vmem>>) offsets(%dma_start3A_139 : memref<72xi32, #tpu.memory_space<vmem>>) semaphore(%arg17 : memref<!tpu.dma_semaphore, #tpu.memory_space<semaphore_mem>>)
    %dma_start3A_143 = arith.constant 1 : i32
    %dma_start3A_144 = arith.constant 200 : i32
    %dma_start3A_145 = arith.constant 0 : i32
    %dma_start3A_146 = tpu.memref_slice %arg12[%dma_start3A_144, %dma_start3A_145] : memref<400x64xf32, #tpu.memory_space<vmem>> -> memref<128x64xf32, #tpu.memory_space<vmem>>
    %dma_start3A_147 = arith.constant 0 : i32
    %dma_start3A_148 = tpu.memref_slice %arg8[%dma_start3A_143, %dma_start3A_147] : memref<2x200xi32, #tpu.memory_space<vmem>> -> memref<1x128xi32, #tpu.memory_space<vmem>>
    %dma_start3A_149 = tpu.memref_squeeze %dma_start3A_148 : memref<1x128xi32, #tpu.memory_space<vmem>> -> memref<128xi32, #tpu.memory_space<vmem>>
    %dma_start3A_150 = arith.constant 0 : i32
    %dma_start3A_151 = arith.constant 0 : i32
    %dma_start3A_152 = tpu.memref_slice %arg3[%dma_start3A_150, %dma_start3A_151] : memref<1000000x64xf32, #tpu.memory_space<hbm>> -> memref<1000000x64xf32, #tpu.memory_space<hbm>>
    tpu.enqueue_indirect_dma source(%dma_start3A_152 : memref<1000000x64xf32, #tpu.memory_space<hbm>>) target(%dma_start3A_146 : memref<128x64xf32, #tpu.memory_space<vmem>>) offsets(%dma_start3A_149 : memref<128xi32, #tpu.memory_space<vmem>>) semaphore(%arg17 : memref<!tpu.dma_semaphore, #tpu.memory_space<semaphore_mem>>)
    %dma_start3A_153 = arith.constant 1 : i32
    %dma_start3A_154 = arith.constant 328 : i32
    %dma_start3A_155 = arith.constant 0 : i32
    %dma_start3A_156 = tpu.memref_slice %arg12[%dma_start3A_154, %dma_start3A_155] : memref<400x64xf32, #tpu.memory_space<vmem>> -> memref<72x64xf32, #tpu.memory_space<vmem>>
    %dma_start3A_157 = arith.constant 128 : i32
    %dma_start3A_158 = tpu.memref_slice %arg8[%dma_start3A_153, %dma_start3A_157] : memref<2x200xi32, #tpu.memory_space<vmem>> -> memref<1x72xi32, #tpu.memory_space<vmem>>
    %dma_start3A_159 = tpu.memref_squeeze %dma_start3A_158 : memref<1x72xi32, #tpu.memory_space<vmem>> -> memref<72xi32, #tpu.memory_space<vmem>>
    %dma_start3A_160 = arith.constant 0 : i32
    %dma_start3A_161 = arith.constant 0 : i32
    %dma_start3A_162 = tpu.memref_slice %arg3[%dma_start3A_160, %dma_start3A_161] : memref<1000000x64xf32, #tpu.memory_space<hbm>> -> memref<1000000x64xf32, #tpu.memory_space<hbm>>
    tpu.enqueue_indirect_dma source(%dma_start3A_162 : memref<1000000x64xf32, #tpu.memory_space<hbm>>) target(%dma_start3A_156 : memref<72x64xf32, #tpu.memory_space<vmem>>) offsets(%dma_start3A_159 : memref<72xi32, #tpu.memory_space<vmem>>) semaphore(%arg17 : memref<!tpu.dma_semaphore, #tpu.memory_space<semaphore_mem>>)
    %scan3A = arith.constant 0 : i32
    %scan3A_163 = arith.constant 0 : i32
    %scan3A_164 = arith.constant 16 : i32
    %scan3A_165 = arith.addi %scan3A_163, %scan3A_164 : i32
    %scan3A_166 = arith.constant 1 : i32
    scf.for %scan3A_204 = %scan3A_163 to %scan3A_165 step %scan3A_166  : i32 {
      %mul3A_205 = arith.constant 4 : i32
      %mul3A_206 = arith.muli %scan3A_204, %mul3A_205 : i32
      %add3A_207 = arith.constant 0 : i32
      %add3A_208 = arith.addi %mul3A_206, %add3A_207 : i32
      %ge3A = arith.constant 1 : i32
      %ge3A_209 = arith.cmpi sge, %add3A_208, %ge3A : i32
      %convert_element_type3A = arith.extui %ge3A_209 : i1 to i32
      %cond3A = arith.constant 0 : i32
      %cond3A_210 = arith.cmpi ne, %convert_element_type3A, %cond3A : i32
      scf.if %cond3A_210 {
        %sub3A = arith.constant 1 : i32
        %sub3A_629 = arith.subi %add3A_208, %sub3A : i32
        %mul3A_630 = arith.constant 2 : i32
        %mul3A_631 = arith.muli %sub3A_629, %mul3A_630 : i32
        %add3A_632 = arith.addi %mul3A_2, %mul3A_631 : i32
        %add3A_633 = arith.constant 0 : i32
        %add3A_634 = arith.addi %add3A_632, %add3A_633 : i32
        %dma_wait3A_635 = arith.constant 0 : i32
        %dma_wait3A_636 = arith.constant 0 : i32
        %dma_wait3A_637 = tpu.memref_slice %arg13[%dma_wait3A_635, %dma_wait3A_636] : memref<400x64xf32, #tpu.memory_space<vmem>> -> memref<200x64xf32, #tpu.memory_space<vmem>>
        %dma_wait3A_638 = arith.constant 0 : i32
        %dma_wait3A_639 = arith.constant 0 : i32
        %dma_wait3A_640 = tpu.memref_slice %arg5[%add3A_634, %dma_wait3A_638, %dma_wait3A_639] : memref<4096x200x128xf32, #tpu.memory_space<hbm>> -> memref<1x200x64xf32, #tpu.memory_space<hbm>>
        %dma_wait3A_641 = tpu.memref_squeeze %dma_wait3A_640 : memref<1x200x64xf32, #tpu.memory_space<hbm>> -> memref<200x64xf32, #tpu.memory_space<hbm>>
        %dma_wait3A_642 = arith.constant 0 : i32
        %dma_wait3A_643 = arith.constant 0 : i32
        %dma_wait3A_644 = tpu.memref_slice %arg5[%add3A_634, %dma_wait3A_642, %dma_wait3A_643] : memref<4096x200x128xf32, #tpu.memory_space<hbm>> -> memref<1x200x64xf32, #tpu.memory_space<hbm>>
        %dma_wait3A_645 = tpu.memref_squeeze %dma_wait3A_644 : memref<1x200x64xf32, #tpu.memory_space<hbm>> -> memref<200x64xf32, #tpu.memory_space<hbm>>
        %dma_wait3A_646 = arith.constant 0 : i32
        %dma_wait3A_647 = arith.constant 0 : i32
        %dma_wait3A_648 = tpu.memref_slice %arg13[%dma_wait3A_646, %dma_wait3A_647] : memref<400x64xf32, #tpu.memory_space<vmem>> -> memref<200x64xf32, #tpu.memory_space<vmem>>
        tpu.wait_dma2 semaphore(%arg22 : memref<!tpu.dma_semaphore, #tpu.memory_space<semaphore_mem>>) src(%dma_wait3A_648 : memref<200x64xf32, #tpu.memory_space<vmem>>) dst(%dma_wait3A_645 : memref<200x64xf32, #tpu.memory_space<hbm>>)
        %mul3A_649 = arith.constant 2 : i32
        %mul3A_650 = arith.muli %sub3A_629, %mul3A_649 : i32
        %add3A_651 = arith.addi %mul3A_2, %mul3A_650 : i32
        %add3A_652 = arith.constant 1 : i32
        %add3A_653 = arith.addi %add3A_651, %add3A_652 : i32
        %dma_wait3A_654 = arith.constant 200 : i32
        %dma_wait3A_655 = arith.constant 0 : i32
        %dma_wait3A_656 = tpu.memref_slice %arg13[%dma_wait3A_654, %dma_wait3A_655] : memref<400x64xf32, #tpu.memory_space<vmem>> -> memref<200x64xf32, #tpu.memory_space<vmem>>
        %dma_wait3A_657 = arith.constant 0 : i32
        %dma_wait3A_658 = arith.constant 0 : i32
        %dma_wait3A_659 = tpu.memref_slice %arg5[%add3A_653, %dma_wait3A_657, %dma_wait3A_658] : memref<4096x200x128xf32, #tpu.memory_space<hbm>> -> memref<1x200x64xf32, #tpu.memory_space<hbm>>
        %dma_wait3A_660 = tpu.memref_squeeze %dma_wait3A_659 : memref<1x200x64xf32, #tpu.memory_space<hbm>> -> memref<200x64xf32, #tpu.memory_space<hbm>>
        %dma_wait3A_661 = arith.constant 0 : i32
        %dma_wait3A_662 = arith.constant 0 : i32
        %dma_wait3A_663 = tpu.memref_slice %arg5[%add3A_653, %dma_wait3A_661, %dma_wait3A_662] : memref<4096x200x128xf32, #tpu.memory_space<hbm>> -> memref<1x200x64xf32, #tpu.memory_space<hbm>>
        %dma_wait3A_664 = tpu.memref_squeeze %dma_wait3A_663 : memref<1x200x64xf32, #tpu.memory_space<hbm>> -> memref<200x64xf32, #tpu.memory_space<hbm>>
        %dma_wait3A_665 = arith.constant 200 : i32
        %dma_wait3A_666 = arith.constant 0 : i32
        %dma_wait3A_667 = tpu.memref_slice %arg13[%dma_wait3A_665, %dma_wait3A_666] : memref<400x64xf32, #tpu.memory_space<vmem>> -> memref<200x64xf32, #tpu.memory_space<vmem>>
        tpu.wait_dma2 semaphore(%arg22 : memref<!tpu.dma_semaphore, #tpu.memory_space<semaphore_mem>>) src(%dma_wait3A_667 : memref<200x64xf32, #tpu.memory_space<vmem>>) dst(%dma_wait3A_664 : memref<200x64xf32, #tpu.memory_space<hbm>>)
      } else {
      }
      %add3A_211 = arith.constant 3 : i32
      %add3A_212 = arith.addi %add3A_208, %add3A_211 : i32
      %lt3A = arith.constant 64 : i32
      %lt3A_213 = arith.cmpi slt, %add3A_212, %lt3A : i32
      %convert_element_type3A_214 = arith.extui %lt3A_213 : i1 to i32
      %cond3A_215 = arith.constant 0 : i32
      %cond3A_216 = arith.cmpi ne, %convert_element_type3A_214, %cond3A_215 : i32
      scf.if %cond3A_216 {
        %add3A_629 = arith.constant 3 : i32
        %add3A_630 = arith.addi %add3A_208, %add3A_629 : i32
        %mul3A_631 = arith.constant 2 : i32
        %mul3A_632 = arith.muli %add3A_630, %mul3A_631 : i32
        %add3A_633 = arith.addi %mul3A_2, %mul3A_632 : i32
        %dma_wait3A_634 = arith.constant 0 : i32
        %dma_wait3A_635 = tpu.memref_slice %arg2[%add3A_633, %dma_wait3A_634] : memref<4096x200xi32, #tpu.memory_space<hbm>> -> memref<2x200xi32, #tpu.memory_space<hbm>>
        %dma_wait3A_636 = arith.constant 0 : i32
        %dma_wait3A_637 = tpu.memref_slice %arg2[%add3A_633, %dma_wait3A_636] : memref<4096x200xi32, #tpu.memory_space<hbm>> -> memref<2x200xi32, #tpu.memory_space<hbm>>
        tpu.wait_dma2 semaphore(%arg26 : memref<!tpu.dma_semaphore, #tpu.memory_space<semaphore_mem>>) src(%dma_wait3A_637 : memref<2x200xi32, #tpu.memory_space<hbm>>) dst(%arg9 : memref<2x200xi32, #tpu.memory_space<vmem>>)
        %dma_start3A_638 = arith.constant 0 : i32
        %dma_start3A_639 = arith.constant 0 : i32
        %dma_start3A_640 = arith.constant 0 : i32
        %dma_start3A_641 = tpu.memref_slice %arg13[%dma_start3A_639, %dma_start3A_640] : memref<400x64xf32, #tpu.memory_space<vmem>> -> memref<128x64xf32, #tpu.memory_space<vmem>>
        %dma_start3A_642 = arith.constant 0 : i32
        %dma_start3A_643 = tpu.memref_slice %arg9[%dma_start3A_638, %dma_start3A_642] : memref<2x200xi32, #tpu.memory_space<vmem>> -> memref<1x128xi32, #tpu.memory_space<vmem>>
        %dma_start3A_644 = tpu.memref_squeeze %dma_start3A_643 : memref<1x128xi32, #tpu.memory_space<vmem>> -> memref<128xi32, #tpu.memory_space<vmem>>
        %dma_start3A_645 = arith.constant 0 : i32
        %dma_start3A_646 = arith.constant 0 : i32
        %dma_start3A_647 = tpu.memref_slice %arg3[%dma_start3A_645, %dma_start3A_646] : memref<1000000x64xf32, #tpu.memory_space<hbm>> -> memref<1000000x64xf32, #tpu.memory_space<hbm>>
        tpu.enqueue_indirect_dma source(%dma_start3A_647 : memref<1000000x64xf32, #tpu.memory_space<hbm>>) target(%dma_start3A_641 : memref<128x64xf32, #tpu.memory_space<vmem>>) offsets(%dma_start3A_644 : memref<128xi32, #tpu.memory_space<vmem>>) semaphore(%arg18 : memref<!tpu.dma_semaphore, #tpu.memory_space<semaphore_mem>>)
        %dma_start3A_648 = arith.constant 0 : i32
        %dma_start3A_649 = arith.constant 128 : i32
        %dma_start3A_650 = arith.constant 0 : i32
        %dma_start3A_651 = tpu.memref_slice %arg13[%dma_start3A_649, %dma_start3A_650] : memref<400x64xf32, #tpu.memory_space<vmem>> -> memref<72x64xf32, #tpu.memory_space<vmem>>
        %dma_start3A_652 = arith.constant 128 : i32
        %dma_start3A_653 = tpu.memref_slice %arg9[%dma_start3A_648, %dma_start3A_652] : memref<2x200xi32, #tpu.memory_space<vmem>> -> memref<1x72xi32, #tpu.memory_space<vmem>>
        %dma_start3A_654 = tpu.memref_squeeze %dma_start3A_653 : memref<1x72xi32, #tpu.memory_space<vmem>> -> memref<72xi32, #tpu.memory_space<vmem>>
        %dma_start3A_655 = arith.constant 0 : i32
        %dma_start3A_656 = arith.constant 0 : i32
        %dma_start3A_657 = tpu.memref_slice %arg3[%dma_start3A_655, %dma_start3A_656] : memref<1000000x64xf32, #tpu.memory_space<hbm>> -> memref<1000000x64xf32, #tpu.memory_space<hbm>>
        tpu.enqueue_indirect_dma source(%dma_start3A_657 : memref<1000000x64xf32, #tpu.memory_space<hbm>>) target(%dma_start3A_651 : memref<72x64xf32, #tpu.memory_space<vmem>>) offsets(%dma_start3A_654 : memref<72xi32, #tpu.memory_space<vmem>>) semaphore(%arg18 : memref<!tpu.dma_semaphore, #tpu.memory_space<semaphore_mem>>)
        %dma_start3A_658 = arith.constant 1 : i32
        %dma_start3A_659 = arith.constant 200 : i32
        %dma_start3A_660 = arith.constant 0 : i32
        %dma_start3A_661 = tpu.memref_slice %arg13[%dma_start3A_659, %dma_start3A_660] : memref<400x64xf32, #tpu.memory_space<vmem>> -> memref<128x64xf32, #tpu.memory_space<vmem>>
        %dma_start3A_662 = arith.constant 0 : i32
        %dma_start3A_663 = tpu.memref_slice %arg9[%dma_start3A_658, %dma_start3A_662] : memref<2x200xi32, #tpu.memory_space<vmem>> -> memref<1x128xi32, #tpu.memory_space<vmem>>
        %dma_start3A_664 = tpu.memref_squeeze %dma_start3A_663 : memref<1x128xi32, #tpu.memory_space<vmem>> -> memref<128xi32, #tpu.memory_space<vmem>>
        %dma_start3A_665 = arith.constant 0 : i32
        %dma_start3A_666 = arith.constant 0 : i32
        %dma_start3A_667 = tpu.memref_slice %arg3[%dma_start3A_665, %dma_start3A_666] : memref<1000000x64xf32, #tpu.memory_space<hbm>> -> memref<1000000x64xf32, #tpu.memory_space<hbm>>
        tpu.enqueue_indirect_dma source(%dma_start3A_667 : memref<1000000x64xf32, #tpu.memory_space<hbm>>) target(%dma_start3A_661 : memref<128x64xf32, #tpu.memory_space<vmem>>) offsets(%dma_start3A_664 : memref<128xi32, #tpu.memory_space<vmem>>) semaphore(%arg18 : memref<!tpu.dma_semaphore, #tpu.memory_space<semaphore_mem>>)
        %dma_start3A_668 = arith.constant 1 : i32
        %dma_start3A_669 = arith.constant 328 : i32
        %dma_start3A_670 = arith.constant 0 : i32
        %dma_start3A_671 = tpu.memref_slice %arg13[%dma_start3A_669, %dma_start3A_670] : memref<400x64xf32, #tpu.memory_space<vmem>> -> memref<72x64xf32, #tpu.memory_space<vmem>>
        %dma_start3A_672 = arith.constant 128 : i32
        %dma_start3A_673 = tpu.memref_slice %arg9[%dma_start3A_668, %dma_start3A_672] : memref<2x200xi32, #tpu.memory_space<vmem>> -> memref<1x72xi32, #tpu.memory_space<vmem>>
        %dma_start3A_674 = tpu.memref_squeeze %dma_start3A_673 : memref<1x72xi32, #tpu.memory_space<vmem>> -> memref<72xi32, #tpu.memory_space<vmem>>
        %dma_start3A_675 = arith.constant 0 : i32
        %dma_start3A_676 = arith.constant 0 : i32
        %dma_start3A_677 = tpu.memref_slice %arg3[%dma_start3A_675, %dma_start3A_676] : memref<1000000x64xf32, #tpu.memory_space<hbm>> -> memref<1000000x64xf32, #tpu.memory_space<hbm>>
        tpu.enqueue_indirect_dma source(%dma_start3A_677 : memref<1000000x64xf32, #tpu.memory_space<hbm>>) target(%dma_start3A_671 : memref<72x64xf32, #tpu.memory_space<vmem>>) offsets(%dma_start3A_674 : memref<72xi32, #tpu.memory_space<vmem>>) semaphore(%arg18 : memref<!tpu.dma_semaphore, #tpu.memory_space<semaphore_mem>>)
      } else {
      }
      %dma_wait3A_217 = arith.constant 0 : i32
      %dma_wait3A_218 = arith.constant 0 : i32
      %dma_wait3A_219 = arith.constant 0 : i32
      %dma_wait3A_220 = tpu.memref_slice %arg10[%dma_wait3A_218, %dma_wait3A_219] : memref<400x64xf32, #tpu.memory_space<vmem>> -> memref<128x64xf32, #tpu.memory_space<vmem>>
      %dma_wait3A_221 = arith.constant 0 : i32
      %dma_wait3A_222 = tpu.memref_slice %arg6[%dma_wait3A_217, %dma_wait3A_221] : memref<2x200xi32, #tpu.memory_space<vmem>> -> memref<1x128xi32, #tpu.memory_space<vmem>>
      %dma_wait3A_223 = tpu.memref_squeeze %dma_wait3A_222 : memref<1x128xi32, #tpu.memory_space<vmem>> -> memref<128xi32, #tpu.memory_space<vmem>>
      %dma_wait3A_224 = arith.constant 0 : i32
      %dma_wait3A_225 = arith.constant 0 : i32
      %dma_wait3A_226 = tpu.memref_slice %arg3[%dma_wait3A_224, %dma_wait3A_225] : memref<1000000x64xf32, #tpu.memory_space<hbm>> -> memref<1000000x64xf32, #tpu.memory_space<hbm>>
      tpu.wait_indirect_dma semaphore(%arg15 : memref<!tpu.dma_semaphore, #tpu.memory_space<semaphore_mem>>) src(%dma_wait3A_226 : memref<1000000x64xf32, #tpu.memory_space<hbm>>) dst(%dma_wait3A_220 : memref<128x64xf32, #tpu.memory_space<vmem>>)
      %dma_wait3A_227 = arith.constant 0 : i32
      %dma_wait3A_228 = arith.constant 128 : i32
      %dma_wait3A_229 = arith.constant 0 : i32
      %dma_wait3A_230 = tpu.memref_slice %arg10[%dma_wait3A_228, %dma_wait3A_229] : memref<400x64xf32, #tpu.memory_space<vmem>> -> memref<72x64xf32, #tpu.memory_space<vmem>>
      %dma_wait3A_231 = arith.constant 128 : i32
      %dma_wait3A_232 = tpu.memref_slice %arg6[%dma_wait3A_227, %dma_wait3A_231] : memref<2x200xi32, #tpu.memory_space<vmem>> -> memref<1x72xi32, #tpu.memory_space<vmem>>
      %dma_wait3A_233 = tpu.memref_squeeze %dma_wait3A_232 : memref<1x72xi32, #tpu.memory_space<vmem>> -> memref<72xi32, #tpu.memory_space<vmem>>
      %dma_wait3A_234 = arith.constant 0 : i32
      %dma_wait3A_235 = arith.constant 0 : i32
      %dma_wait3A_236 = tpu.memref_slice %arg3[%dma_wait3A_234, %dma_wait3A_235] : memref<1000000x64xf32, #tpu.memory_space<hbm>> -> memref<1000000x64xf32, #tpu.memory_space<hbm>>
      tpu.wait_indirect_dma semaphore(%arg15 : memref<!tpu.dma_semaphore, #tpu.memory_space<semaphore_mem>>) src(%dma_wait3A_236 : memref<1000000x64xf32, #tpu.memory_space<hbm>>) dst(%dma_wait3A_230 : memref<72x64xf32, #tpu.memory_space<vmem>>)
      %dma_wait3A_237 = arith.constant 1 : i32
      %dma_wait3A_238 = arith.constant 200 : i32
      %dma_wait3A_239 = arith.constant 0 : i32
      %dma_wait3A_240 = tpu.memref_slice %arg10[%dma_wait3A_238, %dma_wait3A_239] : memref<400x64xf32, #tpu.memory_space<vmem>> -> memref<128x64xf32, #tpu.memory_space<vmem>>
      %dma_wait3A_241 = arith.constant 0 : i32
      %dma_wait3A_242 = tpu.memref_slice %arg6[%dma_wait3A_237, %dma_wait3A_241] : memref<2x200xi32, #tpu.memory_space<vmem>> -> memref<1x128xi32, #tpu.memory_space<vmem>>
      %dma_wait3A_243 = tpu.memref_squeeze %dma_wait3A_242 : memref<1x128xi32, #tpu.memory_space<vmem>> -> memref<128xi32, #tpu.memory_space<vmem>>
      %dma_wait3A_244 = arith.constant 0 : i32
      %dma_wait3A_245 = arith.constant 0 : i32
      %dma_wait3A_246 = tpu.memref_slice %arg3[%dma_wait3A_244, %dma_wait3A_245] : memref<1000000x64xf32, #tpu.memory_space<hbm>> -> memref<1000000x64xf32, #tpu.memory_space<hbm>>
      tpu.wait_indirect_dma semaphore(%arg15 : memref<!tpu.dma_semaphore, #tpu.memory_space<semaphore_mem>>) src(%dma_wait3A_246 : memref<1000000x64xf32, #tpu.memory_space<hbm>>) dst(%dma_wait3A_240 : memref<128x64xf32, #tpu.memory_space<vmem>>)
      %dma_wait3A_247 = arith.constant 1 : i32
      %dma_wait3A_248 = arith.constant 328 : i32
      %dma_wait3A_249 = arith.constant 0 : i32
      %dma_wait3A_250 = tpu.memref_slice %arg10[%dma_wait3A_248, %dma_wait3A_249] : memref<400x64xf32, #tpu.memory_space<vmem>> -> memref<72x64xf32, #tpu.memory_space<vmem>>
      %dma_wait3A_251 = arith.constant 128 : i32
      %dma_wait3A_252 = tpu.memref_slice %arg6[%dma_wait3A_247, %dma_wait3A_251] : memref<2x200xi32, #tpu.memory_space<vmem>> -> memref<1x72xi32, #tpu.memory_space<vmem>>
      %dma_wait3A_253 = tpu.memref_squeeze %dma_wait3A_252 : memref<1x72xi32, #tpu.memory_space<vmem>> -> memref<72xi32, #tpu.memory_space<vmem>>
      %dma_wait3A_254 = arith.constant 0 : i32
      %dma_wait3A_255 = arith.constant 0 : i32
      %dma_wait3A_256 = tpu.memref_slice %arg3[%dma_wait3A_254, %dma_wait3A_255] : memref<1000000x64xf32, #tpu.memory_space<hbm>> -> memref<1000000x64xf32, #tpu.memory_space<hbm>>
      tpu.wait_indirect_dma semaphore(%arg15 : memref<!tpu.dma_semaphore, #tpu.memory_space<semaphore_mem>>) src(%dma_wait3A_256 : memref<1000000x64xf32, #tpu.memory_space<hbm>>) dst(%dma_wait3A_250 : memref<72x64xf32, #tpu.memory_space<vmem>>)
      %add3A_257 = arith.constant 4 : i32
      %add3A_258 = arith.addi %add3A_208, %add3A_257 : i32
      %lt3A_259 = arith.constant 64 : i32
      %lt3A_260 = arith.cmpi slt, %add3A_258, %lt3A_259 : i32
      %convert_element_type3A_261 = arith.extui %lt3A_260 : i1 to i32
      %cond3A_262 = arith.constant 0 : i32
      %cond3A_263 = arith.cmpi ne, %convert_element_type3A_261, %cond3A_262 : i32
      scf.if %cond3A_263 {
        %add3A_629 = arith.constant 4 : i32
        %add3A_630 = arith.addi %add3A_208, %add3A_629 : i32
        %mul3A_631 = arith.constant 2 : i32
        %mul3A_632 = arith.muli %add3A_630, %mul3A_631 : i32
        %add3A_633 = arith.addi %mul3A_2, %mul3A_632 : i32
        %dma_start3A_634 = arith.constant 0 : i32
        %dma_start3A_635 = tpu.memref_slice %arg2[%add3A_633, %dma_start3A_634] : memref<4096x200xi32, #tpu.memory_space<hbm>> -> memref<2x200xi32, #tpu.memory_space<hbm>>
        %dma_start3A_636 = arith.constant 0 : i32
        %dma_start3A_637 = tpu.memref_slice %arg2[%add3A_633, %dma_start3A_636] : memref<4096x200xi32, #tpu.memory_space<hbm>> -> memref<2x200xi32, #tpu.memory_space<hbm>>
        tpu.enqueue_dma source(%dma_start3A_637 : memref<2x200xi32, #tpu.memory_space<hbm>>) target(%arg6 : memref<2x200xi32, #tpu.memory_space<vmem>>) target_semaphore(%arg23 : memref<!tpu.dma_semaphore, #tpu.memory_space<semaphore_mem>>)
      } else {
      }
      %scan3A_264 = arith.constant 0 : i32
      %scan3A_265 = arith.constant 0 : i32
      %scan3A_266 = arith.constant 200 : i32
      %scan3A_267 = arith.addi %scan3A_265, %scan3A_266 : i32
      %scan3A_268 = arith.constant 4 : i32
      scf.for %scan3A_629 = %scan3A_265 to %scan3A_267 step %scan3A_268  : i32 {
        %get3A = arith.index_cast %scan3A_629 : i32 to index
        %get3A_630 = arith.constant 0 : index
        %get3A_631 = tpu.vector_load %arg14[%get3A, %get3A_630] {strides = array<i32>} : memref<200x64xf32, #tpu.memory_space<vmem>>, vector<1x16xf32>,
        %get3A_632 = vector.shape_cast %get3A_631 : vector<1x16xf32> to vector<16xf32>
        %add3A_633 = arith.constant 0 : i32
        %add3A_634 = arith.addi %add3A_633, %scan3A_629 : i32
        %get3A_635 = arith.index_cast %add3A_634 : i32 to index
        %get3A_636 = arith.constant 0 : index
        %get3A_637 = tpu.vector_load %arg10[%get3A_635, %get3A_636] {strides = array<i32>} : memref<400x64xf32, #tpu.memory_space<vmem>>, vector<1x16xf32>,
        %get3A_638 = vector.shape_cast %get3A_637 : vector<1x16xf32> to vector<16xf32>
        %mul3A_639 = arith.constant 8.000000e+00 : f32
        %mul3A_640 = vector.broadcast %mul3A_639 : f32 to vector<16xf32>
        %mul3A_641 = arith.mulf %get3A_638, %mul3A_640 : vector<16xf32>
        %add3A_642 = arith.addf %mul3A_641, %get3A_632 : vector<16xf32>
        %swap3A = arith.index_cast %add3A_634 : i32 to index
        %swap3A_643 = arith.constant 0 : index
        %swap3A_644 = tpu.vector_load %arg10[%swap3A, %swap3A_643] {strides = array<i32>} : memref<400x64xf32, #tpu.memory_space<vmem>>, vector<1x16xf32>,
        %swap3A_645 = vector.shape_cast %swap3A_644 : vector<1x16xf32> to vector<16xf32>
        %swap3A_646 = vector.shape_cast %add3A_642 : vector<16xf32> to vector<1x16xf32>
        tpu.vector_store %arg10[%swap3A, %swap3A_643], %swap3A_646 {strides = array<i32>} : memref<400x64xf32, #tpu.memory_space<vmem>>, vector<1x16xf32>,
        %add3A_647 = arith.constant 200 : i32
        %add3A_648 = arith.addi %add3A_647, %scan3A_629 : i32
        %get3A_649 = arith.index_cast %add3A_648 : i32 to index
        %get3A_650 = arith.constant 0 : index
        %get3A_651 = tpu.vector_load %arg10[%get3A_649, %get3A_650] {strides = array<i32>} : memref<400x64xf32, #tpu.memory_space<vmem>>, vector<1x16xf32>,
        %get3A_652 = vector.shape_cast %get3A_651 : vector<1x16xf32> to vector<16xf32>
        %mul3A_653 = arith.constant 8.000000e+00 : f32
        %mul3A_654 = vector.broadcast %mul3A_653 : f32 to vector<16xf32>
        %mul3A_655 = arith.mulf %get3A_652, %mul3A_654 : vector<16xf32>
        %add3A_656 = arith.addf %mul3A_655, %get3A_632 : vector<16xf32>
        %swap3A_657 = arith.index_cast %add3A_648 : i32 to index
        %swap3A_658 = arith.constant 0 : index
        %swap3A_659 = tpu.vector_load %arg10[%swap3A_657, %swap3A_658] {strides = array<i32>} : memref<400x64xf32, #tpu.memory_space<vmem>>, vector<1x16xf32>,
        %swap3A_660 = vector.shape_cast %swap3A_659 : vector<1x16xf32> to vector<16xf32>
        %swap3A_661 = vector.shape_cast %add3A_656 : vector<16xf32> to vector<1x16xf32>
        tpu.vector_store %arg10[%swap3A_657, %swap3A_658], %swap3A_661 {strides = array<i32>} : memref<400x64xf32, #tpu.memory_space<vmem>>, vector<1x16xf32>,
        %get3A_662 = arith.index_cast %scan3A_629 : i32 to index
        %get3A_663 = arith.constant 16 : index
        %get3A_664 = tpu.vector_load %arg14[%get3A_662, %get3A_663] {strides = array<i32>} : memref<200x64xf32, #tpu.memory_space<vmem>>, vector<1x16xf32>,
        %get3A_665 = vector.shape_cast %get3A_664 : vector<1x16xf32> to vector<16xf32>
        %add3A_666 = arith.constant 0 : i32
        %add3A_667 = arith.addi %add3A_666, %scan3A_629 : i32
        %get3A_668 = arith.index_cast %add3A_667 : i32 to index
        %get3A_669 = arith.constant 16 : index
        %get3A_670 = tpu.vector_load %arg10[%get3A_668, %get3A_669] {strides = array<i32>} : memref<400x64xf32, #tpu.memory_space<vmem>>, vector<1x16xf32>,
        %get3A_671 = vector.shape_cast %get3A_670 : vector<1x16xf32> to vector<16xf32>
        %mul3A_672 = arith.constant 8.000000e+00 : f32
        %mul3A_673 = vector.broadcast %mul3A_672 : f32 to vector<16xf32>
        %mul3A_674 = arith.mulf %get3A_671, %mul3A_673 : vector<16xf32>
        %add3A_675 = arith.addf %mul3A_674, %get3A_665 : vector<16xf32>
        %swap3A_676 = arith.index_cast %add3A_667 : i32 to index
        %swap3A_677 = arith.constant 16 : index
        %swap3A_678 = tpu.vector_load %arg10[%swap3A_676, %swap3A_677] {strides = array<i32>} : memref<400x64xf32, #tpu.memory_space<vmem>>, vector<1x16xf32>,
        %swap3A_679 = vector.shape_cast %swap3A_678 : vector<1x16xf32> to vector<16xf32>
        %swap3A_680 = vector.shape_cast %add3A_675 : vector<16xf32> to vector<1x16xf32>
        tpu.vector_store %arg10[%swap3A_676, %swap3A_677], %swap3A_680 {strides = array<i32>} : memref<400x64xf32, #tpu.memory_space<vmem>>, vector<1x16xf32>,
        %add3A_681 = arith.constant 200 : i32
        %add3A_682 = arith.addi %add3A_681, %scan3A_629 : i32
        %get3A_683 = arith.index_cast %add3A_682 : i32 to index
        %get3A_684 = arith.constant 16 : index
        %get3A_685 = tpu.vector_load %arg10[%get3A_683, %get3A_684] {strides = array<i32>} : memref<400x64xf32, #tpu.memory_space<vmem>>, vector<1x16xf32>,
        %get3A_686 = vector.shape_cast %get3A_685 : vector<1x16xf32> to vector<16xf32>
        %mul3A_687 = arith.constant 8.000000e+00 : f32
        %mul3A_688 = vector.broadcast %mul3A_687 : f32 to vector<16xf32>
        %mul3A_689 = arith.mulf %get3A_686, %mul3A_688 : vector<16xf32>
        %add3A_690 = arith.addf %mul3A_689, %get3A_665 : vector<16xf32>
        %swap3A_691 = arith.index_cast %add3A_682 : i32 to index
        %swap3A_692 = arith.constant 16 : index
        %swap3A_693 = tpu.vector_load %arg10[%swap3A_691, %swap3A_692] {strides = array<i32>} : memref<400x64xf32, #tpu.memory_space<vmem>>, vector<1x16xf32>,
        %swap3A_694 = vector.shape_cast %swap3A_693 : vector<1x16xf32> to vector<16xf32>
        %swap3A_695 = vector.shape_cast %add3A_690 : vector<16xf32> to vector<1x16xf32>
        tpu.vector_store %arg10[%swap3A_691, %swap3A_692], %swap3A_695 {strides = array<i32>} : memref<400x64xf32, #tpu.memory_space<vmem>>, vector<1x16xf32>,
        %get3A_696 = arith.index_cast %scan3A_629 : i32 to index
        %get3A_697 = arith.constant 32 : index
        %get3A_698 = tpu.vector_load %arg14[%get3A_696, %get3A_697] {strides = array<i32>} : memref<200x64xf32, #tpu.memory_space<vmem>>, vector<1x16xf32>,
        %get3A_699 = vector.shape_cast %get3A_698 : vector<1x16xf32> to vector<16xf32>
        %add3A_700 = arith.constant 0 : i32
        %add3A_701 = arith.addi %add3A_700, %scan3A_629 : i32
        %get3A_702 = arith.index_cast %add3A_701 : i32 to index
        %get3A_703 = arith.constant 32 : index
        %get3A_704 = tpu.vector_load %arg10[%get3A_702, %get3A_703] {strides = array<i32>} : memref<400x64xf32, #tpu.memory_space<vmem>>, vector<1x16xf32>,
        %get3A_705 = vector.shape_cast %get3A_704 : vector<1x16xf32> to vector<16xf32>
        %mul3A_706 = arith.constant 8.000000e+00 : f32
        %mul3A_707 = vector.broadcast %mul3A_706 : f32 to vector<16xf32>
        %mul3A_708 = arith.mulf %get3A_705, %mul3A_707 : vector<16xf32>
        %add3A_709 = arith.addf %mul3A_708, %get3A_699 : vector<16xf32>
        %swap3A_710 = arith.index_cast %add3A_701 : i32 to index
        %swap3A_711 = arith.constant 32 : index
        %swap3A_712 = tpu.vector_load %arg10[%swap3A_710, %swap3A_711] {strides = array<i32>} : memref<400x64xf32, #tpu.memory_space<vmem>>, vector<1x16xf32>,
        %swap3A_713 = vector.shape_cast %swap3A_712 : vector<1x16xf32> to vector<16xf32>
        %swap3A_714 = vector.shape_cast %add3A_709 : vector<16xf32> to vector<1x16xf32>
        tpu.vector_store %arg10[%swap3A_710, %swap3A_711], %swap3A_714 {strides = array<i32>} : memref<400x64xf32, #tpu.memory_space<vmem>>, vector<1x16xf32>,
        %add3A_715 = arith.constant 200 : i32
        %add3A_716 = arith.addi %add3A_715, %scan3A_629 : i32
        %get3A_717 = arith.index_cast %add3A_716 : i32 to index
        %get3A_718 = arith.constant 32 : index
        %get3A_719 = tpu.vector_load %arg10[%get3A_717, %get3A_718] {strides = array<i32>} : memref<400x64xf32, #tpu.memory_space<vmem>>, vector<1x16xf32>,
        %get3A_720 = vector.shape_cast %get3A_719 : vector<1x16xf32> to vector<16xf32>
        %mul3A_721 = arith.constant 8.000000e+00 : f32
        %mul3A_722 = vector.broadcast %mul3A_721 : f32 to vector<16xf32>
        %mul3A_723 = arith.mulf %get3A_720, %mul3A_722 : vector<16xf32>
        %add3A_724 = arith.addf %mul3A_723, %get3A_699 : vector<16xf32>
        %swap3A_725 = arith.index_cast %add3A_716 : i32 to index
        %swap3A_726 = arith.constant 32 : index
        %swap3A_727 = tpu.vector_load %arg10[%swap3A_725, %swap3A_726] {strides = array<i32>} : memref<400x64xf32, #tpu.memory_space<vmem>>, vector<1x16xf32>,
        %swap3A_728 = vector.shape_cast %swap3A_727 : vector<1x16xf32> to vector<16xf32>
        %swap3A_729 = vector.shape_cast %add3A_724 : vector<16xf32> to vector<1x16xf32>
        tpu.vector_store %arg10[%swap3A_725, %swap3A_726], %swap3A_729 {strides = array<i32>} : memref<400x64xf32, #tpu.memory_space<vmem>>, vector<1x16xf32>,
        %get3A_730 = arith.index_cast %scan3A_629 : i32 to index
        %get3A_731 = arith.constant 48 : index
        %get3A_732 = tpu.vector_load %arg14[%get3A_730, %get3A_731] {strides = array<i32>} : memref<200x64xf32, #tpu.memory_space<vmem>>, vector<1x16xf32>,
        %get3A_733 = vector.shape_cast %get3A_732 : vector<1x16xf32> to vector<16xf32>
        %add3A_734 = arith.constant 0 : i32
        %add3A_735 = arith.addi %add3A_734, %scan3A_629 : i32
        %get3A_736 = arith.index_cast %add3A_735 : i32 to index
        %get3A_737 = arith.constant 48 : index
        %get3A_738 = tpu.vector_load %arg10[%get3A_736, %get3A_737] {strides = array<i32>} : memref<400x64xf32, #tpu.memory_space<vmem>>, vector<1x16xf32>,
        %get3A_739 = vector.shape_cast %get3A_738 : vector<1x16xf32> to vector<16xf32>
        %mul3A_740 = arith.constant 8.000000e+00 : f32
        %mul3A_741 = vector.broadcast %mul3A_740 : f32 to vector<16xf32>
        %mul3A_742 = arith.mulf %get3A_739, %mul3A_741 : vector<16xf32>
        %add3A_743 = arith.addf %mul3A_742, %get3A_733 : vector<16xf32>
        %swap3A_744 = arith.index_cast %add3A_735 : i32 to index
        %swap3A_745 = arith.constant 48 : index
        %swap3A_746 = tpu.vector_load %arg10[%swap3A_744, %swap3A_745] {strides = array<i32>} : memref<400x64xf32, #tpu.memory_space<vmem>>, vector<1x16xf32>,
        %swap3A_747 = vector.shape_cast %swap3A_746 : vector<1x16xf32> to vector<16xf32>
        %swap3A_748 = vector.shape_cast %add3A_743 : vector<16xf32> to vector<1x16xf32>
        tpu.vector_store %arg10[%swap3A_744, %swap3A_745], %swap3A_748 {strides = array<i32>} : memref<400x64xf32, #tpu.memory_space<vmem>>, vector<1x16xf32>,
        %add3A_749 = arith.constant 200 : i32
        %add3A_750 = arith.addi %add3A_749, %scan3A_629 : i32
        %get3A_751 = arith.index_cast %add3A_750 : i32 to index
        %get3A_752 = arith.constant 48 : index
        %get3A_753 = tpu.vector_load %arg10[%get3A_751, %get3A_752] {strides = array<i32>} : memref<400x64xf32, #tpu.memory_space<vmem>>, vector<1x16xf32>,
        %get3A_754 = vector.shape_cast %get3A_753 : vector<1x16xf32> to vector<16xf32>
        %mul3A_755 = arith.constant 8.000000e+00 : f32
        %mul3A_756 = vector.broadcast %mul3A_755 : f32 to vector<16xf32>
        %mul3A_757 = arith.mulf %get3A_754, %mul3A_756 : vector<16xf32>
        %add3A_758 = arith.addf %mul3A_757, %get3A_733 : vector<16xf32>
        %swap3A_759 = arith.index_cast %add3A_750 : i32 to index
        %swap3A_760 = arith.constant 48 : index
        %swap3A_761 = tpu.vector_load %arg10[%swap3A_759, %swap3A_760] {strides = array<i32>} : memref<400x64xf32, #tpu.memory_space<vmem>>, vector<1x16xf32>,
        %swap3A_762 = vector.shape_cast %swap3A_761 : vector<1x16xf32> to vector<16xf32>
        %swap3A_763 = vector.shape_cast %add3A_758 : vector<16xf32> to vector<1x16xf32>
        tpu.vector_store %arg10[%swap3A_759, %swap3A_760], %swap3A_763 {strides = array<i32>} : memref<400x64xf32, #tpu.memory_space<vmem>>, vector<1x16xf32>,
        %scan3A_764 = arith.constant 1 : i32
        %scan3A_765 = arith.addi %scan3A_629, %scan3A_764 : i32
        %get3A_766 = arith.index_cast %scan3A_765 : i32 to index
        %get3A_767 = arith.constant 0 : index
        %get3A_768 = tpu.vector_load %arg14[%get3A_766, %get3A_767] {strides = array<i32>} : memref<200x64xf32, #tpu.memory_space<vmem>>, vector<1x16xf32>,
        %get3A_769 = vector.shape_cast %get3A_768 : vector<1x16xf32> to vector<16xf32>
        %add3A_770 = arith.constant 0 : i32
        %add3A_771 = arith.addi %add3A_770, %scan3A_765 : i32
        %get3A_772 = arith.index_cast %add3A_771 : i32 to index
        %get3A_773 = arith.constant 0 : index
        %get3A_774 = tpu.vector_load %arg10[%get3A_772, %get3A_773] {strides = array<i32>} : memref<400x64xf32, #tpu.memory_space<vmem>>, vector<1x16xf32>,
        %get3A_775 = vector.shape_cast %get3A_774 : vector<1x16xf32> to vector<16xf32>
        %mul3A_776 = arith.constant 8.000000e+00 : f32
        %mul3A_777 = vector.broadcast %mul3A_776 : f32 to vector<16xf32>
        %mul3A_778 = arith.mulf %get3A_775, %mul3A_777 : vector<16xf32>
        %add3A_779 = arith.addf %mul3A_778, %get3A_769 : vector<16xf32>
        %swap3A_780 = arith.index_cast %add3A_771 : i32 to index
        %swap3A_781 = arith.constant 0 : index
        %swap3A_782 = tpu.vector_load %arg10[%swap3A_780, %swap3A_781] {strides = array<i32>} : memref<400x64xf32, #tpu.memory_space<vmem>>, vector<1x16xf32>,
        %swap3A_783 = vector.shape_cast %swap3A_782 : vector<1x16xf32> to vector<16xf32>
        %swap3A_784 = vector.shape_cast %add3A_779 : vector<16xf32> to vector<1x16xf32>
        tpu.vector_store %arg10[%swap3A_780, %swap3A_781], %swap3A_784 {strides = array<i32>} : memref<400x64xf32, #tpu.memory_space<vmem>>, vector<1x16xf32>,
        %add3A_785 = arith.constant 200 : i32
        %add3A_786 = arith.addi %add3A_785, %scan3A_765 : i32
        %get3A_787 = arith.index_cast %add3A_786 : i32 to index
        %get3A_788 = arith.constant 0 : index
        %get3A_789 = tpu.vector_load %arg10[%get3A_787, %get3A_788] {strides = array<i32>} : memref<400x64xf32, #tpu.memory_space<vmem>>, vector<1x16xf32>,
        %get3A_790 = vector.shape_cast %get3A_789 : vector<1x16xf32> to vector<16xf32>
        %mul3A_791 = arith.constant 8.000000e+00 : f32
        %mul3A_792 = vector.broadcast %mul3A_791 : f32 to vector<16xf32>
        %mul3A_793 = arith.mulf %get3A_790, %mul3A_792 : vector<16xf32>
        %add3A_794 = arith.addf %mul3A_793, %get3A_769 : vector<16xf32>
        %swap3A_795 = arith.index_cast %add3A_786 : i32 to index
        %swap3A_796 = arith.constant 0 : index
        %swap3A_797 = tpu.vector_load %arg10[%swap3A_795, %swap3A_796] {strides = array<i32>} : memref<400x64xf32, #tpu.memory_space<vmem>>, vector<1x16xf32>,
        %swap3A_798 = vector.shape_cast %swap3A_797 : vector<1x16xf32> to vector<16xf32>
        %swap3A_799 = vector.shape_cast %add3A_794 : vector<16xf32> to vector<1x16xf32>
        tpu.vector_store %arg10[%swap3A_795, %swap3A_796], %swap3A_799 {strides = array<i32>} : memref<400x64xf32, #tpu.memory_space<vmem>>, vector<1x16xf32>,
        %get3A_800 = arith.index_cast %scan3A_765 : i32 to index
        %get3A_801 = arith.constant 16 : index
        %get3A_802 = tpu.vector_load %arg14[%get3A_800, %get3A_801] {strides = array<i32>} : memref<200x64xf32, #tpu.memory_space<vmem>>, vector<1x16xf32>,
        %get3A_803 = vector.shape_cast %get3A_802 : vector<1x16xf32> to vector<16xf32>
        %add3A_804 = arith.constant 0 : i32
        %add3A_805 = arith.addi %add3A_804, %scan3A_765 : i32
        %get3A_806 = arith.index_cast %add3A_805 : i32 to index
        %get3A_807 = arith.constant 16 : index
        %get3A_808 = tpu.vector_load %arg10[%get3A_806, %get3A_807] {strides = array<i32>} : memref<400x64xf32, #tpu.memory_space<vmem>>, vector<1x16xf32>,
        %get3A_809 = vector.shape_cast %get3A_808 : vector<1x16xf32> to vector<16xf32>
        %mul3A_810 = arith.constant 8.000000e+00 : f32
        %mul3A_811 = vector.broadcast %mul3A_810 : f32 to vector<16xf32>
        %mul3A_812 = arith.mulf %get3A_809, %mul3A_811 : vector<16xf32>
        %add3A_813 = arith.addf %mul3A_812, %get3A_803 : vector<16xf32>
        %swap3A_814 = arith.index_cast %add3A_805 : i32 to index
        %swap3A_815 = arith.constant 16 : index
        %swap3A_816 = tpu.vector_load %arg10[%swap3A_814, %swap3A_815] {strides = array<i32>} : memref<400x64xf32, #tpu.memory_space<vmem>>, vector<1x16xf32>,
        %swap3A_817 = vector.shape_cast %swap3A_816 : vector<1x16xf32> to vector<16xf32>
        %swap3A_818 = vector.shape_cast %add3A_813 : vector<16xf32> to vector<1x16xf32>
        tpu.vector_store %arg10[%swap3A_814, %swap3A_815], %swap3A_818 {strides = array<i32>} : memref<400x64xf32, #tpu.memory_space<vmem>>, vector<1x16xf32>,
        %add3A_819 = arith.constant 200 : i32
        %add3A_820 = arith.addi %add3A_819, %scan3A_765 : i32
        %get3A_821 = arith.index_cast %add3A_820 : i32 to index
        %get3A_822 = arith.constant 16 : index
        %get3A_823 = tpu.vector_load %arg10[%get3A_821, %get3A_822] {strides = array<i32>} : memref<400x64xf32, #tpu.memory_space<vmem>>, vector<1x16xf32>,
        %get3A_824 = vector.shape_cast %get3A_823 : vector<1x16xf32> to vector<16xf32>
        %mul3A_825 = arith.constant 8.000000e+00 : f32
        %mul3A_826 = vector.broadcast %mul3A_825 : f32 to vector<16xf32>
        %mul3A_827 = arith.mulf %get3A_824, %mul3A_826 : vector<16xf32>
        %add3A_828 = arith.addf %mul3A_827, %get3A_803 : vector<16xf32>
        %swap3A_829 = arith.index_cast %add3A_820 : i32 to index
        %swap3A_830 = arith.constant 16 : index
        %swap3A_831 = tpu.vector_load %arg10[%swap3A_829, %swap3A_830] {strides = array<i32>} : memref<400x64xf32, #tpu.memory_space<vmem>>, vector<1x16xf32>,
        %swap3A_832 = vector.shape_cast %swap3A_831 : vector<1x16xf32> to vector<16xf32>
        %swap3A_833 = vector.shape_cast %add3A_828 : vector<16xf32> to vector<1x16xf32>
        tpu.vector_store %arg10[%swap3A_829, %swap3A_830], %swap3A_833 {strides = array<i32>} : memref<400x64xf32, #tpu.memory_space<vmem>>, vector<1x16xf32>,
        %get3A_834 = arith.index_cast %scan3A_765 : i32 to index
        %get3A_835 = arith.constant 32 : index
        %get3A_836 = tpu.vector_load %arg14[%get3A_834, %get3A_835] {strides = array<i32>} : memref<200x64xf32, #tpu.memory_space<vmem>>, vector<1x16xf32>,
        %get3A_837 = vector.shape_cast %get3A_836 : vector<1x16xf32> to vector<16xf32>
        %add3A_838 = arith.constant 0 : i32
        %add3A_839 = arith.addi %add3A_838, %scan3A_765 : i32
        %get3A_840 = arith.index_cast %add3A_839 : i32 to index
        %get3A_841 = arith.constant 32 : index
        %get3A_842 = tpu.vector_load %arg10[%get3A_840, %get3A_841] {strides = array<i32>} : memref<400x64xf32, #tpu.memory_space<vmem>>, vector<1x16xf32>,
        %get3A_843 = vector.shape_cast %get3A_842 : vector<1x16xf32> to vector<16xf32>
        %mul3A_844 = arith.constant 8.000000e+00 : f32
        %mul3A_845 = vector.broadcast %mul3A_844 : f32 to vector<16xf32>
        %mul3A_846 = arith.mulf %get3A_843, %mul3A_845 : vector<16xf32>
        %add3A_847 = arith.addf %mul3A_846, %get3A_837 : vector<16xf32>
        %swap3A_848 = arith.index_cast %add3A_839 : i32 to index
        %swap3A_849 = arith.constant 32 : index
        %swap3A_850 = tpu.vector_load %arg10[%swap3A_848, %swap3A_849] {strides = array<i32>} : memref<400x64xf32, #tpu.memory_space<vmem>>, vector<1x16xf32>,
        %swap3A_851 = vector.shape_cast %swap3A_850 : vector<1x16xf32> to vector<16xf32>
        %swap3A_852 = vector.shape_cast %add3A_847 : vector<16xf32> to vector<1x16xf32>
        tpu.vector_store %arg10[%swap3A_848, %swap3A_849], %swap3A_852 {strides = array<i32>} : memref<400x64xf32, #tpu.memory_space<vmem>>, vector<1x16xf32>,
        %add3A_853 = arith.constant 200 : i32
        %add3A_854 = arith.addi %add3A_853, %scan3A_765 : i32
        %get3A_855 = arith.index_cast %add3A_854 : i32 to index
        %get3A_856 = arith.constant 32 : index
        %get3A_857 = tpu.vector_load %arg10[%get3A_855, %get3A_856] {strides = array<i32>} : memref<400x64xf32, #tpu.memory_space<vmem>>, vector<1x16xf32>,
        %get3A_858 = vector.shape_cast %get3A_857 : vector<1x16xf32> to vector<16xf32>
        %mul3A_859 = arith.constant 8.000000e+00 : f32
        %mul3A_860 = vector.broadcast %mul3A_859 : f32 to vector<16xf32>
        %mul3A_861 = arith.mulf %get3A_858, %mul3A_860 : vector<16xf32>
        %add3A_862 = arith.addf %mul3A_861, %get3A_837 : vector<16xf32>
        %swap3A_863 = arith.index_cast %add3A_854 : i32 to index
        %swap3A_864 = arith.constant 32 : index
        %swap3A_865 = tpu.vector_load %arg10[%swap3A_863, %swap3A_864] {strides = array<i32>} : memref<400x64xf32, #tpu.memory_space<vmem>>, vector<1x16xf32>,
        %swap3A_866 = vector.shape_cast %swap3A_865 : vector<1x16xf32> to vector<16xf32>
        %swap3A_867 = vector.shape_cast %add3A_862 : vector<16xf32> to vector<1x16xf32>
        tpu.vector_store %arg10[%swap3A_863, %swap3A_864], %swap3A_867 {strides = array<i32>} : memref<400x64xf32, #tpu.memory_space<vmem>>, vector<1x16xf32>,
        %get3A_868 = arith.index_cast %scan3A_765 : i32 to index
        %get3A_869 = arith.constant 48 : index
        %get3A_870 = tpu.vector_load %arg14[%get3A_868, %get3A_869] {strides = array<i32>} : memref<200x64xf32, #tpu.memory_space<vmem>>, vector<1x16xf32>,
        %get3A_871 = vector.shape_cast %get3A_870 : vector<1x16xf32> to vector<16xf32>
        %add3A_872 = arith.constant 0 : i32
        %add3A_873 = arith.addi %add3A_872, %scan3A_765 : i32
        %get3A_874 = arith.index_cast %add3A_873 : i32 to index
        %get3A_875 = arith.constant 48 : index
        %get3A_876 = tpu.vector_load %arg10[%get3A_874, %get3A_875] {strides = array<i32>} : memref<400x64xf32, #tpu.memory_space<vmem>>, vector<1x16xf32>,
        %get3A_877 = vector.shape_cast %get3A_876 : vector<1x16xf32> to vector<16xf32>
        %mul3A_878 = arith.constant 8.000000e+00 : f32
        %mul3A_879 = vector.broadcast %mul3A_878 : f32 to vector<16xf32>
        %mul3A_880 = arith.mulf %get3A_877, %mul3A_879 : vector<16xf32>
        %add3A_881 = arith.addf %mul3A_880, %get3A_871 : vector<16xf32>
        %swap3A_882 = arith.index_cast %add3A_873 : i32 to index
        %swap3A_883 = arith.constant 48 : index
        %swap3A_884 = tpu.vector_load %arg10[%swap3A_882, %swap3A_883] {strides = array<i32>} : memref<400x64xf32, #tpu.memory_space<vmem>>, vector<1x16xf32>,
        %swap3A_885 = vector.shape_cast %swap3A_884 : vector<1x16xf32> to vector<16xf32>
        %swap3A_886 = vector.shape_cast %add3A_881 : vector<16xf32> to vector<1x16xf32>
        tpu.vector_store %arg10[%swap3A_882, %swap3A_883], %swap3A_886 {strides = array<i32>} : memref<400x64xf32, #tpu.memory_space<vmem>>, vector<1x16xf32>,
        %add3A_887 = arith.constant 200 : i32
        %add3A_888 = arith.addi %add3A_887, %scan3A_765 : i32
        %get3A_889 = arith.index_cast %add3A_888 : i32 to index
        %get3A_890 = arith.constant 48 : index
        %get3A_891 = tpu.vector_load %arg10[%get3A_889, %get3A_890] {strides = array<i32>} : memref<400x64xf32, #tpu.memory_space<vmem>>, vector<1x16xf32>,
        %get3A_892 = vector.shape_cast %get3A_891 : vector<1x16xf32> to vector<16xf32>
        %mul3A_893 = arith.constant 8.000000e+00 : f32
        %mul3A_894 = vector.broadcast %mul3A_893 : f32 to vector<16xf32>
        %mul3A_895 = arith.mulf %get3A_892, %mul3A_894 : vector<16xf32>
        %add3A_896 = arith.addf %mul3A_895, %get3A_871 : vector<16xf32>
        %swap3A_897 = arith.index_cast %add3A_888 : i32 to index
        %swap3A_898 = arith.constant 48 : index
        %swap3A_899 = tpu.vector_load %arg10[%swap3A_897, %swap3A_898] {strides = array<i32>} : memref<400x64xf32, #tpu.memory_space<vmem>>, vector<1x16xf32>,
        %swap3A_900 = vector.shape_cast %swap3A_899 : vector<1x16xf32> to vector<16xf32>
        %swap3A_901 = vector.shape_cast %add3A_896 : vector<16xf32> to vector<1x16xf32>
        tpu.vector_store %arg10[%swap3A_897, %swap3A_898], %swap3A_901 {strides = array<i32>} : memref<400x64xf32, #tpu.memory_space<vmem>>, vector<1x16xf32>,
        %scan3A_902 = arith.constant 2 : i32
        %scan3A_903 = arith.addi %scan3A_629, %scan3A_902 : i32
        %get3A_904 = arith.index_cast %scan3A_903 : i32 to index
        %get3A_905 = arith.constant 0 : index
        %get3A_906 = tpu.vector_load %arg14[%get3A_904, %get3A_905] {strides = array<i32>} : memref<200x64xf32, #tpu.memory_space<vmem>>, vector<1x16xf32>,
        %get3A_907 = vector.shape_cast %get3A_906 : vector<1x16xf32> to vector<16xf32>
        %add3A_908 = arith.constant 0 : i32
        %add3A_909 = arith.addi %add3A_908, %scan3A_903 : i32
        %get3A_910 = arith.index_cast %add3A_909 : i32 to index
        %get3A_911 = arith.constant 0 : index
        %get3A_912 = tpu.vector_load %arg10[%get3A_910, %get3A_911] {strides = array<i32>} : memref<400x64xf32, #tpu.memory_space<vmem>>, vector<1x16xf32>,
        %get3A_913 = vector.shape_cast %get3A_912 : vector<1x16xf32> to vector<16xf32>
        %mul3A_914 = arith.constant 8.000000e+00 : f32
        %mul3A_915 = vector.broadcast %mul3A_914 : f32 to vector<16xf32>
        %mul3A_916 = arith.mulf %get3A_913, %mul3A_915 : vector<16xf32>
        %add3A_917 = arith.addf %mul3A_916, %get3A_907 : vector<16xf32>
        %swap3A_918 = arith.index_cast %add3A_909 : i32 to index
        %swap3A_919 = arith.constant 0 : index
        %swap3A_920 = tpu.vector_load %arg10[%swap3A_918, %swap3A_919] {strides = array<i32>} : memref<400x64xf32, #tpu.memory_space<vmem>>, vector<1x16xf32>,
        %swap3A_921 = vector.shape_cast %swap3A_920 : vector<1x16xf32> to vector<16xf32>
        %swap3A_922 = vector.shape_cast %add3A_917 : vector<16xf32> to vector<1x16xf32>
        tpu.vector_store %arg10[%swap3A_918, %swap3A_919], %swap3A_922 {strides = array<i32>} : memref<400x64xf32, #tpu.memory_space<vmem>>, vector<1x16xf32>,
        %add3A_923 = arith.constant 200 : i32
        %add3A_924 = arith.addi %add3A_923, %scan3A_903 : i32
        %get3A_925 = arith.index_cast %add3A_924 : i32 to index
        %get3A_926 = arith.constant 0 : index
        %get3A_927 = tpu.vector_load %arg10[%get3A_925, %get3A_926] {strides = array<i32>} : memref<400x64xf32, #tpu.memory_space<vmem>>, vector<1x16xf32>,
        %get3A_928 = vector.shape_cast %get3A_927 : vector<1x16xf32> to vector<16xf32>
        %mul3A_929 = arith.constant 8.000000e+00 : f32
        %mul3A_930 = vector.broadcast %mul3A_929 : f32 to vector<16xf32>
        %mul3A_931 = arith.mulf %get3A_928, %mul3A_930 : vector<16xf32>
        %add3A_932 = arith.addf %mul3A_931, %get3A_907 : vector<16xf32>
        %swap3A_933 = arith.index_cast %add3A_924 : i32 to index
        %swap3A_934 = arith.constant 0 : index
        %swap3A_935 = tpu.vector_load %arg10[%swap3A_933, %swap3A_934] {strides = array<i32>} : memref<400x64xf32, #tpu.memory_space<vmem>>, vector<1x16xf32>,
        %swap3A_936 = vector.shape_cast %swap3A_935 : vector<1x16xf32> to vector<16xf32>
        %swap3A_937 = vector.shape_cast %add3A_932 : vector<16xf32> to vector<1x16xf32>
        tpu.vector_store %arg10[%swap3A_933, %swap3A_934], %swap3A_937 {strides = array<i32>} : memref<400x64xf32, #tpu.memory_space<vmem>>, vector<1x16xf32>,
        %get3A_938 = arith.index_cast %scan3A_903 : i32 to index
        %get3A_939 = arith.constant 16 : index
        %get3A_940 = tpu.vector_load %arg14[%get3A_938, %get3A_939] {strides = array<i32>} : memref<200x64xf32, #tpu.memory_space<vmem>>, vector<1x16xf32>,
        %get3A_941 = vector.shape_cast %get3A_940 : vector<1x16xf32> to vector<16xf32>
        %add3A_942 = arith.constant 0 : i32
        %add3A_943 = arith.addi %add3A_942, %scan3A_903 : i32
        %get3A_944 = arith.index_cast %add3A_943 : i32 to index
        %get3A_945 = arith.constant 16 : index
        %get3A_946 = tpu.vector_load %arg10[%get3A_944, %get3A_945] {strides = array<i32>} : memref<400x64xf32, #tpu.memory_space<vmem>>, vector<1x16xf32>,
        %get3A_947 = vector.shape_cast %get3A_946 : vector<1x16xf32> to vector<16xf32>
        %mul3A_948 = arith.constant 8.000000e+00 : f32
        %mul3A_949 = vector.broadcast %mul3A_948 : f32 to vector<16xf32>
        %mul3A_950 = arith.mulf %get3A_947, %mul3A_949 : vector<16xf32>
        %add3A_951 = arith.addf %mul3A_950, %get3A_941 : vector<16xf32>
        %swap3A_952 = arith.index_cast %add3A_943 : i32 to index
        %swap3A_953 = arith.constant 16 : index
        %swap3A_954 = tpu.vector_load %arg10[%swap3A_952, %swap3A_953] {strides = array<i32>} : memref<400x64xf32, #tpu.memory_space<vmem>>, vector<1x16xf32>,
        %swap3A_955 = vector.shape_cast %swap3A_954 : vector<1x16xf32> to vector<16xf32>
        %swap3A_956 = vector.shape_cast %add3A_951 : vector<16xf32> to vector<1x16xf32>
        tpu.vector_store %arg10[%swap3A_952, %swap3A_953], %swap3A_956 {strides = array<i32>} : memref<400x64xf32, #tpu.memory_space<vmem>>, vector<1x16xf32>,
        %add3A_957 = arith.constant 200 : i32
        %add3A_958 = arith.addi %add3A_957, %scan3A_903 : i32
        %get3A_959 = arith.index_cast %add3A_958 : i32 to index
        %get3A_960 = arith.constant 16 : index
        %get3A_961 = tpu.vector_load %arg10[%get3A_959, %get3A_960] {strides = array<i32>} : memref<400x64xf32, #tpu.memory_space<vmem>>, vector<1x16xf32>,
        %get3A_962 = vector.shape_cast %get3A_961 : vector<1x16xf32> to vector<16xf32>
        %mul3A_963 = arith.constant 8.000000e+00 : f32
        %mul3A_964 = vector.broadcast %mul3A_963 : f32 to vector<16xf32>
        %mul3A_965 = arith.mulf %get3A_962, %mul3A_964 : vector<16xf32>
        %add3A_966 = arith.addf %mul3A_965, %get3A_941 : vector<16xf32>
        %swap3A_967 = arith.index_cast %add3A_958 : i32 to index
        %swap3A_968 = arith.constant 16 : index
        %swap3A_969 = tpu.vector_load %arg10[%swap3A_967, %swap3A_968] {strides = array<i32>} : memref<400x64xf32, #tpu.memory_space<vmem>>, vector<1x16xf32>,
        %swap3A_970 = vector.shape_cast %swap3A_969 : vector<1x16xf32> to vector<16xf32>
        %swap3A_971 = vector.shape_cast %add3A_966 : vector<16xf32> to vector<1x16xf32>
        tpu.vector_store %arg10[%swap3A_967, %swap3A_968], %swap3A_971 {strides = array<i32>} : memref<400x64xf32, #tpu.memory_space<vmem>>, vector<1x16xf32>,
        %get3A_972 = arith.index_cast %scan3A_903 : i32 to index
        %get3A_973 = arith.constant 32 : index
        %get3A_974 = tpu.vector_load %arg14[%get3A_972, %get3A_973] {strides = array<i32>} : memref<200x64xf32, #tpu.memory_space<vmem>>, vector<1x16xf32>,
        %get3A_975 = vector.shape_cast %get3A_974 : vector<1x16xf32> to vector<16xf32>
        %add3A_976 = arith.constant 0 : i32
        %add3A_977 = arith.addi %add3A_976, %scan3A_903 : i32
        %get3A_978 = arith.index_cast %add3A_977 : i32 to index
        %get3A_979 = arith.constant 32 : index
        %get3A_980 = tpu.vector_load %arg10[%get3A_978, %get3A_979] {strides = array<i32>} : memref<400x64xf32, #tpu.memory_space<vmem>>, vector<1x16xf32>,
        %get3A_981 = vector.shape_cast %get3A_980 : vector<1x16xf32> to vector<16xf32>
        %mul3A_982 = arith.constant 8.000000e+00 : f32
        %mul3A_983 = vector.broadcast %mul3A_982 : f32 to vector<16xf32>
        %mul3A_984 = arith.mulf %get3A_981, %mul3A_983 : vector<16xf32>
        %add3A_985 = arith.addf %mul3A_984, %get3A_975 : vector<16xf32>
        %swap3A_986 = arith.index_cast %add3A_977 : i32 to index
        %swap3A_987 = arith.constant 32 : index
        %swap3A_988 = tpu.vector_load %arg10[%swap3A_986, %swap3A_987] {strides = array<i32>} : memref<400x64xf32, #tpu.memory_space<vmem>>, vector<1x16xf32>,
        %swap3A_989 = vector.shape_cast %swap3A_988 : vector<1x16xf32> to vector<16xf32>
        %swap3A_990 = vector.shape_cast %add3A_985 : vector<16xf32> to vector<1x16xf32>
        tpu.vector_store %arg10[%swap3A_986, %swap3A_987], %swap3A_990 {strides = array<i32>} : memref<400x64xf32, #tpu.memory_space<vmem>>, vector<1x16xf32>,
        %add3A_991 = arith.constant 200 : i32
        %add3A_992 = arith.addi %add3A_991, %scan3A_903 : i32
        %get3A_993 = arith.index_cast %add3A_992 : i32 to index
        %get3A_994 = arith.constant 32 : index
        %get3A_995 = tpu.vector_load %arg10[%get3A_993, %get3A_994] {strides = array<i32>} : memref<400x64xf32, #tpu.memory_space<vmem>>, vector<1x16xf32>,
        %get3A_996 = vector.shape_cast %get3A_995 : vector<1x16xf32> to vector<16xf32>
        %mul3A_997 = arith.constant 8.000000e+00 : f32
        %mul3A_998 = vector.broadcast %mul3A_997 : f32 to vector<16xf32>
        %mul3A_999 = arith.mulf %get3A_996, %mul3A_998 : vector<16xf32>
        %add3A_1000 = arith.addf %mul3A_999, %get3A_975 : vector<16xf32>
        %swap3A_1001 = arith.index_cast %add3A_992 : i32 to index
        %swap3A_1002 = arith.constant 32 : index
        %swap3A_1003 = tpu.vector_load %arg10[%swap3A_1001, %swap3A_1002] {strides = array<i32>} : memref<400x64xf32, #tpu.memory_space<vmem>>, vector<1x16xf32>,
        %swap3A_1004 = vector.shape_cast %swap3A_1003 : vector<1x16xf32> to vector<16xf32>
        %swap3A_1005 = vector.shape_cast %add3A_1000 : vector<16xf32> to vector<1x16xf32>
        tpu.vector_store %arg10[%swap3A_1001, %swap3A_1002], %swap3A_1005 {strides = array<i32>} : memref<400x64xf32, #tpu.memory_space<vmem>>, vector<1x16xf32>,
        %get3A_1006 = arith.index_cast %scan3A_903 : i32 to index
        %get3A_1007 = arith.constant 48 : index
        %get3A_1008 = tpu.vector_load %arg14[%get3A_1006, %get3A_1007] {strides = array<i32>} : memref<200x64xf32, #tpu.memory_space<vmem>>, vector<1x16xf32>,
        %get3A_1009 = vector.shape_cast %get3A_1008 : vector<1x16xf32> to vector<16xf32>
        %add3A_1010 = arith.constant 0 : i32
        %add3A_1011 = arith.addi %add3A_1010, %scan3A_903 : i32
        %get3A_1012 = arith.index_cast %add3A_1011 : i32 to index
        %get3A_1013 = arith.constant 48 : index
        %get3A_1014 = tpu.vector_load %arg10[%get3A_1012, %get3A_1013] {strides = array<i32>} : memref<400x64xf32, #tpu.memory_space<vmem>>, vector<1x16xf32>,
        %get3A_1015 = vector.shape_cast %get3A_1014 : vector<1x16xf32> to vector<16xf32>
        %mul3A_1016 = arith.constant 8.000000e+00 : f32
        %mul3A_1017 = vector.broadcast %mul3A_1016 : f32 to vector<16xf32>
        %mul3A_1018 = arith.mulf %get3A_1015, %mul3A_1017 : vector<16xf32>
        %add3A_1019 = arith.addf %mul3A_1018, %get3A_1009 : vector<16xf32>
        %swap3A_1020 = arith.index_cast %add3A_1011 : i32 to index
        %swap3A_1021 = arith.constant 48 : index
        %swap3A_1022 = tpu.vector_load %arg10[%swap3A_1020, %swap3A_1021] {strides = array<i32>} : memref<400x64xf32, #tpu.memory_space<vmem>>, vector<1x16xf32>,
        %swap3A_1023 = vector.shape_cast %swap3A_1022 : vector<1x16xf32> to vector<16xf32>
        %swap3A_1024 = vector.shape_cast %add3A_1019 : vector<16xf32> to vector<1x16xf32>
        tpu.vector_store %arg10[%swap3A_1020, %swap3A_1021], %swap3A_1024 {strides = array<i32>} : memref<400x64xf32, #tpu.memory_space<vmem>>, vector<1x16xf32>,
        %add3A_1025 = arith.constant 200 : i32
        %add3A_1026 = arith.addi %add3A_1025, %scan3A_903 : i32
        %get3A_1027 = arith.index_cast %add3A_1026 : i32 to index
        %get3A_1028 = arith.constant 48 : index
        %get3A_1029 = tpu.vector_load %arg10[%get3A_1027, %get3A_1028] {strides = array<i32>} : memref<400x64xf32, #tpu.memory_space<vmem>>, vector<1x16xf32>,
        %get3A_1030 = vector.shape_cast %get3A_1029 : vector<1x16xf32> to vector<16xf32>
        %mul3A_1031 = arith.constant 8.000000e+00 : f32
        %mul3A_1032 = vector.broadcast %mul3A_1031 : f32 to vector<16xf32>
        %mul3A_1033 = arith.mulf %get3A_1030, %mul3A_1032 : vector<16xf32>
        %add3A_1034 = arith.addf %mul3A_1033, %get3A_1009 : vector<16xf32>
        %swap3A_1035 = arith.index_cast %add3A_1026 : i32 to index
        %swap3A_1036 = arith.constant 48 : index
        %swap3A_1037 = tpu.vector_load %arg10[%swap3A_1035, %swap3A_1036] {strides = array<i32>} : memref<400x64xf32, #tpu.memory_space<vmem>>, vector<1x16xf32>,
        %swap3A_1038 = vector.shape_cast %swap3A_1037 : vector<1x16xf32> to vector<16xf32>
        %swap3A_1039 = vector.shape_cast %add3A_1034 : vector<16xf32> to vector<1x16xf32>
        tpu.vector_store %arg10[%swap3A_1035, %swap3A_1036], %swap3A_1039 {strides = array<i32>} : memref<400x64xf32, #tpu.memory_space<vmem>>, vector<1x16xf32>,
        %scan3A_1040 = arith.constant 3 : i32
        %scan3A_1041 = arith.addi %scan3A_629, %scan3A_1040 : i32
        %get3A_1042 = arith.index_cast %scan3A_1041 : i32 to index
        %get3A_1043 = arith.constant 0 : index
        %get3A_1044 = tpu.vector_load %arg14[%get3A_1042, %get3A_1043] {strides = array<i32>} : memref<200x64xf32, #tpu.memory_space<vmem>>, vector<1x16xf32>,
        %get3A_1045 = vector.shape_cast %get3A_1044 : vector<1x16xf32> to vector<16xf32>
        %add3A_1046 = arith.constant 0 : i32
        %add3A_1047 = arith.addi %add3A_1046, %scan3A_1041 : i32
        %get3A_1048 = arith.index_cast %add3A_1047 : i32 to index
        %get3A_1049 = arith.constant 0 : index
        %get3A_1050 = tpu.vector_load %arg10[%get3A_1048, %get3A_1049] {strides = array<i32>} : memref<400x64xf32, #tpu.memory_space<vmem>>, vector<1x16xf32>,
        %get3A_1051 = vector.shape_cast %get3A_1050 : vector<1x16xf32> to vector<16xf32>
        %mul3A_1052 = arith.constant 8.000000e+00 : f32
        %mul3A_1053 = vector.broadcast %mul3A_1052 : f32 to vector<16xf32>
        %mul3A_1054 = arith.mulf %get3A_1051, %mul3A_1053 : vector<16xf32>
        %add3A_1055 = arith.addf %mul3A_1054, %get3A_1045 : vector<16xf32>
        %swap3A_1056 = arith.index_cast %add3A_1047 : i32 to index
        %swap3A_1057 = arith.constant 0 : index
        %swap3A_1058 = tpu.vector_load %arg10[%swap3A_1056, %swap3A_1057] {strides = array<i32>} : memref<400x64xf32, #tpu.memory_space<vmem>>, vector<1x16xf32>,
        %swap3A_1059 = vector.shape_cast %swap3A_1058 : vector<1x16xf32> to vector<16xf32>
        %swap3A_1060 = vector.shape_cast %add3A_1055 : vector<16xf32> to vector<1x16xf32>
        tpu.vector_store %arg10[%swap3A_1056, %swap3A_1057], %swap3A_1060 {strides = array<i32>} : memref<400x64xf32, #tpu.memory_space<vmem>>, vector<1x16xf32>,
        %add3A_1061 = arith.constant 200 : i32
        %add3A_1062 = arith.addi %add3A_1061, %scan3A_1041 : i32
        %get3A_1063 = arith.index_cast %add3A_1062 : i32 to index
        %get3A_1064 = arith.constant 0 : index
        %get3A_1065 = tpu.vector_load %arg10[%get3A_1063, %get3A_1064] {strides = array<i32>} : memref<400x64xf32, #tpu.memory_space<vmem>>, vector<1x16xf32>,
        %get3A_1066 = vector.shape_cast %get3A_1065 : vector<1x16xf32> to vector<16xf32>
        %mul3A_1067 = arith.constant 8.000000e+00 : f32
        %mul3A_1068 = vector.broadcast %mul3A_1067 : f32 to vector<16xf32>
        %mul3A_1069 = arith.mulf %get3A_1066, %mul3A_1068 : vector<16xf32>
        %add3A_1070 = arith.addf %mul3A_1069, %get3A_1045 : vector<16xf32>
        %swap3A_1071 = arith.index_cast %add3A_1062 : i32 to index
        %swap3A_1072 = arith.constant 0 : index
        %swap3A_1073 = tpu.vector_load %arg10[%swap3A_1071, %swap3A_1072] {strides = array<i32>} : memref<400x64xf32, #tpu.memory_space<vmem>>, vector<1x16xf32>,
        %swap3A_1074 = vector.shape_cast %swap3A_1073 : vector<1x16xf32> to vector<16xf32>
        %swap3A_1075 = vector.shape_cast %add3A_1070 : vector<16xf32> to vector<1x16xf32>
        tpu.vector_store %arg10[%swap3A_1071, %swap3A_1072], %swap3A_1075 {strides = array<i32>} : memref<400x64xf32, #tpu.memory_space<vmem>>, vector<1x16xf32>,
        %get3A_1076 = arith.index_cast %scan3A_1041 : i32 to index
        %get3A_1077 = arith.constant 16 : index
        %get3A_1078 = tpu.vector_load %arg14[%get3A_1076, %get3A_1077] {strides = array<i32>} : memref<200x64xf32, #tpu.memory_space<vmem>>, vector<1x16xf32>,
        %get3A_1079 = vector.shape_cast %get3A_1078 : vector<1x16xf32> to vector<16xf32>
        %add3A_1080 = arith.constant 0 : i32
        %add3A_1081 = arith.addi %add3A_1080, %scan3A_1041 : i32
        %get3A_1082 = arith.index_cast %add3A_1081 : i32 to index
        %get3A_1083 = arith.constant 16 : index
        %get3A_1084 = tpu.vector_load %arg10[%get3A_1082, %get3A_1083] {strides = array<i32>} : memref<400x64xf32, #tpu.memory_space<vmem>>, vector<1x16xf32>,
        %get3A_1085 = vector.shape_cast %get3A_1084 : vector<1x16xf32> to vector<16xf32>
        %mul3A_1086 = arith.constant 8.000000e+00 : f32
        %mul3A_1087 = vector.broadcast %mul3A_1086 : f32 to vector<16xf32>
        %mul3A_1088 = arith.mulf %get3A_1085, %mul3A_1087 : vector<16xf32>
        %add3A_1089 = arith.addf %mul3A_1088, %get3A_1079 : vector<16xf32>
        %swap3A_1090 = arith.index_cast %add3A_1081 : i32 to index
        %swap3A_1091 = arith.constant 16 : index
        %swap3A_1092 = tpu.vector_load %arg10[%swap3A_1090, %swap3A_1091] {strides = array<i32>} : memref<400x64xf32, #tpu.memory_space<vmem>>, vector<1x16xf32>,
        %swap3A_1093 = vector.shape_cast %swap3A_1092 : vector<1x16xf32> to vector<16xf32>
        %swap3A_1094 = vector.shape_cast %add3A_1089 : vector<16xf32> to vector<1x16xf32>
        tpu.vector_store %arg10[%swap3A_1090, %swap3A_1091], %swap3A_1094 {strides = array<i32>} : memref<400x64xf32, #tpu.memory_space<vmem>>, vector<1x16xf32>,
        %add3A_1095 = arith.constant 200 : i32
        %add3A_1096 = arith.addi %add3A_1095, %scan3A_1041 : i32
        %get3A_1097 = arith.index_cast %add3A_1096 : i32 to index
        %get3A_1098 = arith.constant 16 : index
        %get3A_1099 = tpu.vector_load %arg10[%get3A_1097, %get3A_1098] {strides = array<i32>} : memref<400x64xf32, #tpu.memory_space<vmem>>, vector<1x16xf32>,
        %get3A_1100 = vector.shape_cast %get3A_1099 : vector<1x16xf32> to vector<16xf32>
        %mul3A_1101 = arith.constant 8.000000e+00 : f32
        %mul3A_1102 = vector.broadcast %mul3A_1101 : f32 to vector<16xf32>
        %mul3A_1103 = arith.mulf %get3A_1100, %mul3A_1102 : vector<16xf32>
        %add3A_1104 = arith.addf %mul3A_1103, %get3A_1079 : vector<16xf32>
        %swap3A_1105 = arith.index_cast %add3A_1096 : i32 to index
        %swap3A_1106 = arith.constant 16 : index
        %swap3A_1107 = tpu.vector_load %arg10[%swap3A_1105, %swap3A_1106] {strides = array<i32>} : memref<400x64xf32, #tpu.memory_space<vmem>>, vector<1x16xf32>,
        %swap3A_1108 = vector.shape_cast %swap3A_1107 : vector<1x16xf32> to vector<16xf32>
        %swap3A_1109 = vector.shape_cast %add3A_1104 : vector<16xf32> to vector<1x16xf32>
        tpu.vector_store %arg10[%swap3A_1105, %swap3A_1106], %swap3A_1109 {strides = array<i32>} : memref<400x64xf32, #tpu.memory_space<vmem>>, vector<1x16xf32>,
        %get3A_1110 = arith.index_cast %scan3A_1041 : i32 to index
        %get3A_1111 = arith.constant 32 : index
        %get3A_1112 = tpu.vector_load %arg14[%get3A_1110, %get3A_1111] {strides = array<i32>} : memref<200x64xf32, #tpu.memory_space<vmem>>, vector<1x16xf32>,
        %get3A_1113 = vector.shape_cast %get3A_1112 : vector<1x16xf32> to vector<16xf32>
        %add3A_1114 = arith.constant 0 : i32
        %add3A_1115 = arith.addi %add3A_1114, %scan3A_1041 : i32
        %get3A_1116 = arith.index_cast %add3A_1115 : i32 to index
        %get3A_1117 = arith.constant 32 : index
        %get3A_1118 = tpu.vector_load %arg10[%get3A_1116, %get3A_1117] {strides = array<i32>} : memref<400x64xf32, #tpu.memory_space<vmem>>, vector<1x16xf32>,
        %get3A_1119 = vector.shape_cast %get3A_1118 : vector<1x16xf32> to vector<16xf32>
        %mul3A_1120 = arith.constant 8.000000e+00 : f32
        %mul3A_1121 = vector.broadcast %mul3A_1120 : f32 to vector<16xf32>
        %mul3A_1122 = arith.mulf %get3A_1119, %mul3A_1121 : vector<16xf32>
        %add3A_1123 = arith.addf %mul3A_1122, %get3A_1113 : vector<16xf32>
        %swap3A_1124 = arith.index_cast %add3A_1115 : i32 to index
        %swap3A_1125 = arith.constant 32 : index
        %swap3A_1126 = tpu.vector_load %arg10[%swap3A_1124, %swap3A_1125] {strides = array<i32>} : memref<400x64xf32, #tpu.memory_space<vmem>>, vector<1x16xf32>,
        %swap3A_1127 = vector.shape_cast %swap3A_1126 : vector<1x16xf32> to vector<16xf32>
        %swap3A_1128 = vector.shape_cast %add3A_1123 : vector<16xf32> to vector<1x16xf32>
        tpu.vector_store %arg10[%swap3A_1124, %swap3A_1125], %swap3A_1128 {strides = array<i32>} : memref<400x64xf32, #tpu.memory_space<vmem>>, vector<1x16xf32>,
        %add3A_1129 = arith.constant 200 : i32
        %add3A_1130 = arith.addi %add3A_1129, %scan3A_1041 : i32
        %get3A_1131 = arith.index_cast %add3A_1130 : i32 to index
        %get3A_1132 = arith.constant 32 : index
        %get3A_1133 = tpu.vector_load %arg10[%get3A_1131, %get3A_1132] {strides = array<i32>} : memref<400x64xf32, #tpu.memory_space<vmem>>, vector<1x16xf32>,
        %get3A_1134 = vector.shape_cast %get3A_1133 : vector<1x16xf32> to vector<16xf32>
        %mul3A_1135 = arith.constant 8.000000e+00 : f32
        %mul3A_1136 = vector.broadcast %mul3A_1135 : f32 to vector<16xf32>
        %mul3A_1137 = arith.mulf %get3A_1134, %mul3A_1136 : vector<16xf32>
        %add3A_1138 = arith.addf %mul3A_1137, %get3A_1113 : vector<16xf32>
        %swap3A_1139 = arith.index_cast %add3A_1130 : i32 to index
        %swap3A_1140 = arith.constant 32 : index
        %swap3A_1141 = tpu.vector_load %arg10[%swap3A_1139, %swap3A_1140] {strides = array<i32>} : memref<400x64xf32, #tpu.memory_space<vmem>>, vector<1x16xf32>,
        %swap3A_1142 = vector.shape_cast %swap3A_1141 : vector<1x16xf32> to vector<16xf32>
        %swap3A_1143 = vector.shape_cast %add3A_1138 : vector<16xf32> to vector<1x16xf32>
        tpu.vector_store %arg10[%swap3A_1139, %swap3A_1140], %swap3A_1143 {strides = array<i32>} : memref<400x64xf32, #tpu.memory_space<vmem>>, vector<1x16xf32>,
        %get3A_1144 = arith.index_cast %scan3A_1041 : i32 to index
        %get3A_1145 = arith.constant 48 : index
        %get3A_1146 = tpu.vector_load %arg14[%get3A_1144, %get3A_1145] {strides = array<i32>} : memref<200x64xf32, #tpu.memory_space<vmem>>, vector<1x16xf32>,
        %get3A_1147 = vector.shape_cast %get3A_1146 : vector<1x16xf32> to vector<16xf32>
        %add3A_1148 = arith.constant 0 : i32
        %add3A_1149 = arith.addi %add3A_1148, %scan3A_1041 : i32
        %get3A_1150 = arith.index_cast %add3A_1149 : i32 to index
        %get3A_1151 = arith.constant 48 : index
        %get3A_1152 = tpu.vector_load %arg10[%get3A_1150, %get3A_1151] {strides = array<i32>} : memref<400x64xf32, #tpu.memory_space<vmem>>, vector<1x16xf32>,
        %get3A_1153 = vector.shape_cast %get3A_1152 : vector<1x16xf32> to vector<16xf32>
        %mul3A_1154 = arith.constant 8.000000e+00 : f32
        %mul3A_1155 = vector.broadcast %mul3A_1154 : f32 to vector<16xf32>
        %mul3A_1156 = arith.mulf %get3A_1153, %mul3A_1155 : vector<16xf32>
        %add3A_1157 = arith.addf %mul3A_1156, %get3A_1147 : vector<16xf32>
        %swap3A_1158 = arith.index_cast %add3A_1149 : i32 to index
        %swap3A_1159 = arith.constant 48 : index
        %swap3A_1160 = tpu.vector_load %arg10[%swap3A_1158, %swap3A_1159] {strides = array<i32>} : memref<400x64xf32, #tpu.memory_space<vmem>>, vector<1x16xf32>,
        %swap3A_1161 = vector.shape_cast %swap3A_1160 : vector<1x16xf32> to vector<16xf32>
        %swap3A_1162 = vector.shape_cast %add3A_1157 : vector<16xf32> to vector<1x16xf32>
        tpu.vector_store %arg10[%swap3A_1158, %swap3A_1159], %swap3A_1162 {strides = array<i32>} : memref<400x64xf32, #tpu.memory_space<vmem>>, vector<1x16xf32>,
        %add3A_1163 = arith.constant 200 : i32
        %add3A_1164 = arith.addi %add3A_1163, %scan3A_1041 : i32
        %get3A_1165 = arith.index_cast %add3A_1164 : i32 to index
        %get3A_1166 = arith.constant 48 : index
        %get3A_1167 = tpu.vector_load %arg10[%get3A_1165, %get3A_1166] {strides = array<i32>} : memref<400x64xf32, #tpu.memory_space<vmem>>, vector<1x16xf32>,
        %get3A_1168 = vector.shape_cast %get3A_1167 : vector<1x16xf32> to vector<16xf32>
        %mul3A_1169 = arith.constant 8.000000e+00 : f32
        %mul3A_1170 = vector.broadcast %mul3A_1169 : f32 to vector<16xf32>
        %mul3A_1171 = arith.mulf %get3A_1168, %mul3A_1170 : vector<16xf32>
        %add3A_1172 = arith.addf %mul3A_1171, %get3A_1147 : vector<16xf32>
        %swap3A_1173 = arith.index_cast %add3A_1164 : i32 to index
        %swap3A_1174 = arith.constant 48 : index
        %swap3A_1175 = tpu.vector_load %arg10[%swap3A_1173, %swap3A_1174] {strides = array<i32>} : memref<400x64xf32, #tpu.memory_space<vmem>>, vector<1x16xf32>,
        %swap3A_1176 = vector.shape_cast %swap3A_1175 : vector<1x16xf32> to vector<16xf32>
        %swap3A_1177 = vector.shape_cast %add3A_1172 : vector<16xf32> to vector<1x16xf32>
        tpu.vector_store %arg10[%swap3A_1173, %swap3A_1174], %swap3A_1177 {strides = array<i32>} : memref<400x64xf32, #tpu.memory_space<vmem>>, vector<1x16xf32>,
      }
      %scan3A_269 = arith.constant 200 : i32
      %mul3A_270 = arith.constant 2 : i32
      %mul3A_271 = arith.muli %add3A_208, %mul3A_270 : i32
      %add3A_272 = arith.addi %mul3A_2, %mul3A_271 : i32
      %add3A_273 = arith.constant 0 : i32
      %add3A_274 = arith.addi %add3A_272, %add3A_273 : i32
      %dma_start3A_275 = arith.constant 0 : i32
      %dma_start3A_276 = arith.constant 0 : i32
      %dma_start3A_277 = tpu.memref_slice %arg10[%dma_start3A_275, %dma_start3A_276] : memref<400x64xf32, #tpu.memory_space<vmem>> -> memref<200x64xf32, #tpu.memory_space<vmem>>
      %dma_start3A_278 = arith.constant 0 : i32
      %dma_start3A_279 = arith.constant 0 : i32
      %dma_start3A_280 = tpu.memref_slice %arg5[%add3A_274, %dma_start3A_278, %dma_start3A_279] : memref<4096x200x128xf32, #tpu.memory_space<hbm>> -> memref<1x200x64xf32, #tpu.memory_space<hbm>>
      %dma_start3A_281 = tpu.memref_squeeze %dma_start3A_280 : memref<1x200x64xf32, #tpu.memory_space<hbm>> -> memref<200x64xf32, #tpu.memory_space<hbm>>
      %dma_start3A_282 = arith.constant 0 : i32
      %dma_start3A_283 = arith.constant 0 : i32
      %dma_start3A_284 = tpu.memref_slice %arg5[%add3A_274, %dma_start3A_282, %dma_start3A_283] : memref<4096x200x128xf32, #tpu.memory_space<hbm>> -> memref<1x200x64xf32, #tpu.memory_space<hbm>>
      %dma_start3A_285 = tpu.memref_squeeze %dma_start3A_284 : memref<1x200x64xf32, #tpu.memory_space<hbm>> -> memref<200x64xf32, #tpu.memory_space<hbm>>
      %dma_start3A_286 = arith.constant 0 : i32
      %dma_start3A_287 = arith.constant 0 : i32
      %dma_start3A_288 = tpu.memref_slice %arg10[%dma_start3A_286, %dma_start3A_287] : memref<400x64xf32, #tpu.memory_space<vmem>> -> memref<200x64xf32, #tpu.memory_space<vmem>>
      tpu.enqueue_dma source(%dma_start3A_288 : memref<200x64xf32, #tpu.memory_space<vmem>>) target(%dma_start3A_285 : memref<200x64xf32, #tpu.memory_space<hbm>>) target_semaphore(%arg19 : memref<!tpu.dma_semaphore, #tpu.memory_space<semaphore_mem>>)
      %mul3A_289 = arith.constant 2 : i32
      %mul3A_290 = arith.muli %add3A_208, %mul3A_289 : i32
      %add3A_291 = arith.addi %mul3A_2, %mul3A_290 : i32
      %add3A_292 = arith.constant 1 : i32
      %add3A_293 = arith.addi %add3A_291, %add3A_292 : i32
      %dma_start3A_294 = arith.constant 200 : i32
      %dma_start3A_295 = arith.constant 0 : i32
      %dma_start3A_296 = tpu.memref_slice %arg10[%dma_start3A_294, %dma_start3A_295] : memref<400x64xf32, #tpu.memory_space<vmem>> -> memref<200x64xf32, #tpu.memory_space<vmem>>
      %dma_start3A_297 = arith.constant 0 : i32
      %dma_start3A_298 = arith.constant 0 : i32
      %dma_start3A_299 = tpu.memref_slice %arg5[%add3A_293, %dma_start3A_297, %dma_start3A_298] : memref<4096x200x128xf32, #tpu.memory_space<hbm>> -> memref<1x200x64xf32, #tpu.memory_space<hbm>>
      %dma_start3A_300 = tpu.memref_squeeze %dma_start3A_299 : memref<1x200x64xf32, #tpu.memory_space<hbm>> -> memref<200x64xf32, #tpu.memory_space<hbm>>
      %dma_start3A_301 = arith.constant 0 : i32
      %dma_start3A_302 = arith.constant 0 : i32
      %dma_start3A_303 = tpu.memref_slice %arg5[%add3A_293, %dma_start3A_301, %dma_start3A_302] : memref<4096x200x128xf32, #tpu.memory_space<hbm>> -> memref<1x200x64xf32, #tpu.memory_space<hbm>>
      %dma_start3A_304 = tpu.memref_squeeze %dma_start3A_303 : memref<1x200x64xf32, #tpu.memory_space<hbm>> -> memref<200x64xf32, #tpu.memory_space<hbm>>
      %dma_start3A_305 = arith.constant 200 : i32
      %dma_start3A_306 = arith.constant 0 : i32
      %dma_start3A_307 = tpu.memref_slice %arg10[%dma_start3A_305, %dma_start3A_306] : memref<400x64xf32, #tpu.memory_space<vmem>> -> memref<200x64xf32, #tpu.memory_space<vmem>>
      tpu.enqueue_dma source(%dma_start3A_307 : memref<200x64xf32, #tpu.memory_space<vmem>>) target(%dma_start3A_304 : memref<200x64xf32, #tpu.memory_space<hbm>>) target_semaphore(%arg19 : memref<!tpu.dma_semaphore, #tpu.memory_space<semaphore_mem>>)
      %mul3A_308 = arith.constant 4 : i32
      %mul3A_309 = arith.muli %scan3A_204, %mul3A_308 : i32
      %add3A_310 = arith.constant 1 : i32
      %add3A_311 = arith.addi %mul3A_309, %add3A_310 : i32
      %ge3A_312 = arith.constant 1 : i32
      %ge3A_313 = arith.cmpi sge, %add3A_311, %ge3A_312 : i32
      %convert_element_type3A_314 = arith.extui %ge3A_313 : i1 to i32
      %cond3A_315 = arith.constant 0 : i32
      %cond3A_316 = arith.cmpi ne, %convert_element_type3A_314, %cond3A_315 : i32
      scf.if %cond3A_316 {
        %sub3A = arith.constant 1 : i32
        %sub3A_629 = arith.subi %add3A_311, %sub3A : i32
        %mul3A_630 = arith.constant 2 : i32
        %mul3A_631 = arith.muli %sub3A_629, %mul3A_630 : i32
        %add3A_632 = arith.addi %mul3A_2, %mul3A_631 : i32
        %add3A_633 = arith.constant 0 : i32
        %add3A_634 = arith.addi %add3A_632, %add3A_633 : i32
        %dma_wait3A_635 = arith.constant 0 : i32
        %dma_wait3A_636 = arith.constant 0 : i32
        %dma_wait3A_637 = tpu.memref_slice %arg10[%dma_wait3A_635, %dma_wait3A_636] : memref<400x64xf32, #tpu.memory_space<vmem>> -> memref<200x64xf32, #tpu.memory_space<vmem>>
        %dma_wait3A_638 = arith.constant 0 : i32
        %dma_wait3A_639 = arith.constant 0 : i32
        %dma_wait3A_640 = tpu.memref_slice %arg5[%add3A_634, %dma_wait3A_638, %dma_wait3A_639] : memref<4096x200x128xf32, #tpu.memory_space<hbm>> -> memref<1x200x64xf32, #tpu.memory_space<hbm>>
        %dma_wait3A_641 = tpu.memref_squeeze %dma_wait3A_640 : memref<1x200x64xf32, #tpu.memory_space<hbm>> -> memref<200x64xf32, #tpu.memory_space<hbm>>
        %dma_wait3A_642 = arith.constant 0 : i32
        %dma_wait3A_643 = arith.constant 0 : i32
        %dma_wait3A_644 = tpu.memref_slice %arg5[%add3A_634, %dma_wait3A_642, %dma_wait3A_643] : memref<4096x200x128xf32, #tpu.memory_space<hbm>> -> memref<1x200x64xf32, #tpu.memory_space<hbm>>
        %dma_wait3A_645 = tpu.memref_squeeze %dma_wait3A_644 : memref<1x200x64xf32, #tpu.memory_space<hbm>> -> memref<200x64xf32, #tpu.memory_space<hbm>>
        %dma_wait3A_646 = arith.constant 0 : i32
        %dma_wait3A_647 = arith.constant 0 : i32
        %dma_wait3A_648 = tpu.memref_slice %arg10[%dma_wait3A_646, %dma_wait3A_647] : memref<400x64xf32, #tpu.memory_space<vmem>> -> memref<200x64xf32, #tpu.memory_space<vmem>>
        tpu.wait_dma2 semaphore(%arg19 : memref<!tpu.dma_semaphore, #tpu.memory_space<semaphore_mem>>) src(%dma_wait3A_648 : memref<200x64xf32, #tpu.memory_space<vmem>>) dst(%dma_wait3A_645 : memref<200x64xf32, #tpu.memory_space<hbm>>)
        %mul3A_649 = arith.constant 2 : i32
        %mul3A_650 = arith.muli %sub3A_629, %mul3A_649 : i32
        %add3A_651 = arith.addi %mul3A_2, %mul3A_650 : i32
        %add3A_652 = arith.constant 1 : i32
        %add3A_653 = arith.addi %add3A_651, %add3A_652 : i32
        %dma_wait3A_654 = arith.constant 200 : i32
        %dma_wait3A_655 = arith.constant 0 : i32
        %dma_wait3A_656 = tpu.memref_slice %arg10[%dma_wait3A_654, %dma_wait3A_655] : memref<400x64xf32, #tpu.memory_space<vmem>> -> memref<200x64xf32, #tpu.memory_space<vmem>>
        %dma_wait3A_657 = arith.constant 0 : i32
        %dma_wait3A_658 = arith.constant 0 : i32
        %dma_wait3A_659 = tpu.memref_slice %arg5[%add3A_653, %dma_wait3A_657, %dma_wait3A_658] : memref<4096x200x128xf32, #tpu.memory_space<hbm>> -> memref<1x200x64xf32, #tpu.memory_space<hbm>>
        %dma_wait3A_660 = tpu.memref_squeeze %dma_wait3A_659 : memref<1x200x64xf32, #tpu.memory_space<hbm>> -> memref<200x64xf32, #tpu.memory_space<hbm>>
        %dma_wait3A_661 = arith.constant 0 : i32
        %dma_wait3A_662 = arith.constant 0 : i32
        %dma_wait3A_663 = tpu.memref_slice %arg5[%add3A_653, %dma_wait3A_661, %dma_wait3A_662] : memref<4096x200x128xf32, #tpu.memory_space<hbm>> -> memref<1x200x64xf32, #tpu.memory_space<hbm>>
        %dma_wait3A_664 = tpu.memref_squeeze %dma_wait3A_663 : memref<1x200x64xf32, #tpu.memory_space<hbm>> -> memref<200x64xf32, #tpu.memory_space<hbm>>
        %dma_wait3A_665 = arith.constant 200 : i32
        %dma_wait3A_666 = arith.constant 0 : i32
        %dma_wait3A_667 = tpu.memref_slice %arg10[%dma_wait3A_665, %dma_wait3A_666] : memref<400x64xf32, #tpu.memory_space<vmem>> -> memref<200x64xf32, #tpu.memory_space<vmem>>
        tpu.wait_dma2 semaphore(%arg19 : memref<!tpu.dma_semaphore, #tpu.memory_space<semaphore_mem>>) src(%dma_wait3A_667 : memref<200x64xf32, #tpu.memory_space<vmem>>) dst(%dma_wait3A_664 : memref<200x64xf32, #tpu.memory_space<hbm>>)
      } else {
      }
      %add3A_317 = arith.constant 3 : i32
      %add3A_318 = arith.addi %add3A_311, %add3A_317 : i32
      %lt3A_319 = arith.constant 64 : i32
      %lt3A_320 = arith.cmpi slt, %add3A_318, %lt3A_319 : i32
      %convert_element_type3A_321 = arith.extui %lt3A_320 : i1 to i32
      %cond3A_322 = arith.constant 0 : i32
      %cond3A_323 = arith.cmpi ne, %convert_element_type3A_321, %cond3A_322 : i32
      scf.if %cond3A_323 {
        %add3A_629 = arith.constant 3 : i32
        %add3A_630 = arith.addi %add3A_311, %add3A_629 : i32
        %mul3A_631 = arith.constant 2 : i32
        %mul3A_632 = arith.muli %add3A_630, %mul3A_631 : i32
        %add3A_633 = arith.addi %mul3A_2, %mul3A_632 : i32
        %dma_wait3A_634 = arith.constant 0 : i32
        %dma_wait3A_635 = tpu.memref_slice %arg2[%add3A_633, %dma_wait3A_634] : memref<4096x200xi32, #tpu.memory_space<hbm>> -> memref<2x200xi32, #tpu.memory_space<hbm>>
        %dma_wait3A_636 = arith.constant 0 : i32
        %dma_wait3A_637 = tpu.memref_slice %arg2[%add3A_633, %dma_wait3A_636] : memref<4096x200xi32, #tpu.memory_space<hbm>> -> memref<2x200xi32, #tpu.memory_space<hbm>>
        tpu.wait_dma2 semaphore(%arg23 : memref<!tpu.dma_semaphore, #tpu.memory_space<semaphore_mem>>) src(%dma_wait3A_637 : memref<2x200xi32, #tpu.memory_space<hbm>>) dst(%arg6 : memref<2x200xi32, #tpu.memory_space<vmem>>)
        %dma_start3A_638 = arith.constant 0 : i32
        %dma_start3A_639 = arith.constant 0 : i32
        %dma_start3A_640 = arith.constant 0 : i32
        %dma_start3A_641 = tpu.memref_slice %arg10[%dma_start3A_639, %dma_start3A_640] : memref<400x64xf32, #tpu.memory_space<vmem>> -> memref<128x64xf32, #tpu.memory_space<vmem>>
        %dma_start3A_642 = arith.constant 0 : i32
        %dma_start3A_643 = tpu.memref_slice %arg6[%dma_start3A_638, %dma_start3A_642] : memref<2x200xi32, #tpu.memory_space<vmem>> -> memref<1x128xi32, #tpu.memory_space<vmem>>
        %dma_start3A_644 = tpu.memref_squeeze %dma_start3A_643 : memref<1x128xi32, #tpu.memory_space<vmem>> -> memref<128xi32, #tpu.memory_space<vmem>>
        %dma_start3A_645 = arith.constant 0 : i32
        %dma_start3A_646 = arith.constant 0 : i32
        %dma_start3A_647 = tpu.memref_slice %arg3[%dma_start3A_645, %dma_start3A_646] : memref<1000000x64xf32, #tpu.memory_space<hbm>> -> memref<1000000x64xf32, #tpu.memory_space<hbm>>
        tpu.enqueue_indirect_dma source(%dma_start3A_647 : memref<1000000x64xf32, #tpu.memory_space<hbm>>) target(%dma_start3A_641 : memref<128x64xf32, #tpu.memory_space<vmem>>) offsets(%dma_start3A_644 : memref<128xi32, #tpu.memory_space<vmem>>) semaphore(%arg15 : memref<!tpu.dma_semaphore, #tpu.memory_space<semaphore_mem>>)
        %dma_start3A_648 = arith.constant 0 : i32
        %dma_start3A_649 = arith.constant 128 : i32
        %dma_start3A_650 = arith.constant 0 : i32
        %dma_start3A_651 = tpu.memref_slice %arg10[%dma_start3A_649, %dma_start3A_650] : memref<400x64xf32, #tpu.memory_space<vmem>> -> memref<72x64xf32, #tpu.memory_space<vmem>>
        %dma_start3A_652 = arith.constant 128 : i32
        %dma_start3A_653 = tpu.memref_slice %arg6[%dma_start3A_648, %dma_start3A_652] : memref<2x200xi32, #tpu.memory_space<vmem>> -> memref<1x72xi32, #tpu.memory_space<vmem>>
        %dma_start3A_654 = tpu.memref_squeeze %dma_start3A_653 : memref<1x72xi32, #tpu.memory_space<vmem>> -> memref<72xi32, #tpu.memory_space<vmem>>
        %dma_start3A_655 = arith.constant 0 : i32
        %dma_start3A_656 = arith.constant 0 : i32
        %dma_start3A_657 = tpu.memref_slice %arg3[%dma_start3A_655, %dma_start3A_656] : memref<1000000x64xf32, #tpu.memory_space<hbm>> -> memref<1000000x64xf32, #tpu.memory_space<hbm>>
        tpu.enqueue_indirect_dma source(%dma_start3A_657 : memref<1000000x64xf32, #tpu.memory_space<hbm>>) target(%dma_start3A_651 : memref<72x64xf32, #tpu.memory_space<vmem>>) offsets(%dma_start3A_654 : memref<72xi32, #tpu.memory_space<vmem>>) semaphore(%arg15 : memref<!tpu.dma_semaphore, #tpu.memory_space<semaphore_mem>>)
        %dma_start3A_658 = arith.constant 1 : i32
        %dma_start3A_659 = arith.constant 200 : i32
        %dma_start3A_660 = arith.constant 0 : i32
        %dma_start3A_661 = tpu.memref_slice %arg10[%dma_start3A_659, %dma_start3A_660] : memref<400x64xf32, #tpu.memory_space<vmem>> -> memref<128x64xf32, #tpu.memory_space<vmem>>
        %dma_start3A_662 = arith.constant 0 : i32
        %dma_start3A_663 = tpu.memref_slice %arg6[%dma_start3A_658, %dma_start3A_662] : memref<2x200xi32, #tpu.memory_space<vmem>> -> memref<1x128xi32, #tpu.memory_space<vmem>>
        %dma_start3A_664 = tpu.memref_squeeze %dma_start3A_663 : memref<1x128xi32, #tpu.memory_space<vmem>> -> memref<128xi32, #tpu.memory_space<vmem>>
        %dma_start3A_665 = arith.constant 0 : i32
        %dma_start3A_666 = arith.constant 0 : i32
        %dma_start3A_667 = tpu.memref_slice %arg3[%dma_start3A_665, %dma_start3A_666] : memref<1000000x64xf32, #tpu.memory_space<hbm>> -> memref<1000000x64xf32, #tpu.memory_space<hbm>>
        tpu.enqueue_indirect_dma source(%dma_start3A_667 : memref<1000000x64xf32, #tpu.memory_space<hbm>>) target(%dma_start3A_661 : memref<128x64xf32, #tpu.memory_space<vmem>>) offsets(%dma_start3A_664 : memref<128xi32, #tpu.memory_space<vmem>>) semaphore(%arg15 : memref<!tpu.dma_semaphore, #tpu.memory_space<semaphore_mem>>)
        %dma_start3A_668 = arith.constant 1 : i32
        %dma_start3A_669 = arith.constant 328 : i32
        %dma_start3A_670 = arith.constant 0 : i32
        %dma_start3A_671 = tpu.memref_slice %arg10[%dma_start3A_669, %dma_start3A_670] : memref<400x64xf32, #tpu.memory_space<vmem>> -> memref<72x64xf32, #tpu.memory_space<vmem>>
        %dma_start3A_672 = arith.constant 128 : i32
        %dma_start3A_673 = tpu.memref_slice %arg6[%dma_start3A_668, %dma_start3A_672] : memref<2x200xi32, #tpu.memory_space<vmem>> -> memref<1x72xi32, #tpu.memory_space<vmem>>
        %dma_start3A_674 = tpu.memref_squeeze %dma_start3A_673 : memref<1x72xi32, #tpu.memory_space<vmem>> -> memref<72xi32, #tpu.memory_space<vmem>>
        %dma_start3A_675 = arith.constant 0 : i32
        %dma_start3A_676 = arith.constant 0 : i32
        %dma_start3A_677 = tpu.memref_slice %arg3[%dma_start3A_675, %dma_start3A_676] : memref<1000000x64xf32, #tpu.memory_space<hbm>> -> memref<1000000x64xf32, #tpu.memory_space<hbm>>
        tpu.enqueue_indirect_dma source(%dma_start3A_677 : memref<1000000x64xf32, #tpu.memory_space<hbm>>) target(%dma_start3A_671 : memref<72x64xf32, #tpu.memory_space<vmem>>) offsets(%dma_start3A_674 : memref<72xi32, #tpu.memory_space<vmem>>) semaphore(%arg15 : memref<!tpu.dma_semaphore, #tpu.memory_space<semaphore_mem>>)
      } else {
      }
      %dma_wait3A_324 = arith.constant 0 : i32
      %dma_wait3A_325 = arith.constant 0 : i32
      %dma_wait3A_326 = arith.constant 0 : i32
      %dma_wait3A_327 = tpu.memref_slice %arg11[%dma_wait3A_325, %dma_wait3A_326] : memref<400x64xf32, #tpu.memory_space<vmem>> -> memref<128x64xf32, #tpu.memory_space<vmem>>
      %dma_wait3A_328 = arith.constant 0 : i32
      %dma_wait3A_329 = tpu.memref_slice %arg7[%dma_wait3A_324, %dma_wait3A_328] : memref<2x200xi32, #tpu.memory_space<vmem>> -> memref<1x128xi32, #tpu.memory_space<vmem>>
      %dma_wait3A_330 = tpu.memref_squeeze %dma_wait3A_329 : memref<1x128xi32, #tpu.memory_space<vmem>> -> memref<128xi32, #tpu.memory_space<vmem>>
      %dma_wait3A_331 = arith.constant 0 : i32
      %dma_wait3A_332 = arith.constant 0 : i32
      %dma_wait3A_333 = tpu.memref_slice %arg3[%dma_wait3A_331, %dma_wait3A_332] : memref<1000000x64xf32, #tpu.memory_space<hbm>> -> memref<1000000x64xf32, #tpu.memory_space<hbm>>
      tpu.wait_indirect_dma semaphore(%arg16 : memref<!tpu.dma_semaphore, #tpu.memory_space<semaphore_mem>>) src(%dma_wait3A_333 : memref<1000000x64xf32, #tpu.memory_space<hbm>>) dst(%dma_wait3A_327 : memref<128x64xf32, #tpu.memory_space<vmem>>)
      %dma_wait3A_334 = arith.constant 0 : i32
      %dma_wait3A_335 = arith.constant 128 : i32
      %dma_wait3A_336 = arith.constant 0 : i32
      %dma_wait3A_337 = tpu.memref_slice %arg11[%dma_wait3A_335, %dma_wait3A_336] : memref<400x64xf32, #tpu.memory_space<vmem>> -> memref<72x64xf32, #tpu.memory_space<vmem>>
      %dma_wait3A_338 = arith.constant 128 : i32
      %dma_wait3A_339 = tpu.memref_slice %arg7[%dma_wait3A_334, %dma_wait3A_338] : memref<2x200xi32, #tpu.memory_space<vmem>> -> memref<1x72xi32, #tpu.memory_space<vmem>>
      %dma_wait3A_340 = tpu.memref_squeeze %dma_wait3A_339 : memref<1x72xi32, #tpu.memory_space<vmem>> -> memref<72xi32, #tpu.memory_space<vmem>>
      %dma_wait3A_341 = arith.constant 0 : i32
      %dma_wait3A_342 = arith.constant 0 : i32
      %dma_wait3A_343 = tpu.memref_slice %arg3[%dma_wait3A_341, %dma_wait3A_342] : memref<1000000x64xf32, #tpu.memory_space<hbm>> -> memref<1000000x64xf32, #tpu.memory_space<hbm>>
      tpu.wait_indirect_dma semaphore(%arg16 : memref<!tpu.dma_semaphore, #tpu.memory_space<semaphore_mem>>) src(%dma_wait3A_343 : memref<1000000x64xf32, #tpu.memory_space<hbm>>) dst(%dma_wait3A_337 : memref<72x64xf32, #tpu.memory_space<vmem>>)
      %dma_wait3A_344 = arith.constant 1 : i32
      %dma_wait3A_345 = arith.constant 200 : i32
      %dma_wait3A_346 = arith.constant 0 : i32
      %dma_wait3A_347 = tpu.memref_slice %arg11[%dma_wait3A_345, %dma_wait3A_346] : memref<400x64xf32, #tpu.memory_space<vmem>> -> memref<128x64xf32, #tpu.memory_space<vmem>>
      %dma_wait3A_348 = arith.constant 0 : i32
      %dma_wait3A_349 = tpu.memref_slice %arg7[%dma_wait3A_344, %dma_wait3A_348] : memref<2x200xi32, #tpu.memory_space<vmem>> -> memref<1x128xi32, #tpu.memory_space<vmem>>
      %dma_wait3A_350 = tpu.memref_squeeze %dma_wait3A_349 : memref<1x128xi32, #tpu.memory_space<vmem>> -> memref<128xi32, #tpu.memory_space<vmem>>
      %dma_wait3A_351 = arith.constant 0 : i32
      %dma_wait3A_352 = arith.constant 0 : i32
      %dma_wait3A_353 = tpu.memref_slice %arg3[%dma_wait3A_351, %dma_wait3A_352] : memref<1000000x64xf32, #tpu.memory_space<hbm>> -> memref<1000000x64xf32, #tpu.memory_space<hbm>>
      tpu.wait_indirect_dma semaphore(%arg16 : memref<!tpu.dma_semaphore, #tpu.memory_space<semaphore_mem>>) src(%dma_wait3A_353 : memref<1000000x64xf32, #tpu.memory_space<hbm>>) dst(%dma_wait3A_347 : memref<128x64xf32, #tpu.memory_space<vmem>>)
      %dma_wait3A_354 = arith.constant 1 : i32
      %dma_wait3A_355 = arith.constant 328 : i32
      %dma_wait3A_356 = arith.constant 0 : i32
      %dma_wait3A_357 = tpu.memref_slice %arg11[%dma_wait3A_355, %dma_wait3A_356] : memref<400x64xf32, #tpu.memory_space<vmem>> -> memref<72x64xf32, #tpu.memory_space<vmem>>
      %dma_wait3A_358 = arith.constant 128 : i32
      %dma_wait3A_359 = tpu.memref_slice %arg7[%dma_wait3A_354, %dma_wait3A_358] : memref<2x200xi32, #tpu.memory_space<vmem>> -> memref<1x72xi32, #tpu.memory_space<vmem>>
      %dma_wait3A_360 = tpu.memref_squeeze %dma_wait3A_359 : memref<1x72xi32, #tpu.memory_space<vmem>> -> memref<72xi32, #tpu.memory_space<vmem>>
      %dma_wait3A_361 = arith.constant 0 : i32
      %dma_wait3A_362 = arith.constant 0 : i32
      %dma_wait3A_363 = tpu.memref_slice %arg3[%dma_wait3A_361, %dma_wait3A_362] : memref<1000000x64xf32, #tpu.memory_space<hbm>> -> memref<1000000x64xf32, #tpu.memory_space<hbm>>
      tpu.wait_indirect_dma semaphore(%arg16 : memref<!tpu.dma_semaphore, #tpu.memory_space<semaphore_mem>>) src(%dma_wait3A_363 : memref<1000000x64xf32, #tpu.memory_space<hbm>>) dst(%dma_wait3A_357 : memref<72x64xf32, #tpu.memory_space<vmem>>)
      %add3A_364 = arith.constant 4 : i32
      %add3A_365 = arith.addi %add3A_311, %add3A_364 : i32
      %lt3A_366 = arith.constant 64 : i32
      %lt3A_367 = arith.cmpi slt, %add3A_365, %lt3A_366 : i32
      %convert_element_type3A_368 = arith.extui %lt3A_367 : i1 to i32
      %cond3A_369 = arith.constant 0 : i32
      %cond3A_370 = arith.cmpi ne, %convert_element_type3A_368, %cond3A_369 : i32
      scf.if %cond3A_370 {
        %add3A_629 = arith.constant 4 : i32
        %add3A_630 = arith.addi %add3A_311, %add3A_629 : i32
        %mul3A_631 = arith.constant 2 : i32
        %mul3A_632 = arith.muli %add3A_630, %mul3A_631 : i32
        %add3A_633 = arith.addi %mul3A_2, %mul3A_632 : i32
        %dma_start3A_634 = arith.constant 0 : i32
        %dma_start3A_635 = tpu.memref_slice %arg2[%add3A_633, %dma_start3A_634] : memref<4096x200xi32, #tpu.memory_space<hbm>> -> memref<2x200xi32, #tpu.memory_space<hbm>>
        %dma_start3A_636 = arith.constant 0 : i32
        %dma_start3A_637 = tpu.memref_slice %arg2[%add3A_633, %dma_start3A_636] : memref<4096x200xi32, #tpu.memory_space<hbm>> -> memref<2x200xi32, #tpu.memory_space<hbm>>
        tpu.enqueue_dma source(%dma_start3A_637 : memref<2x200xi32, #tpu.memory_space<hbm>>) target(%arg7 : memref<2x200xi32, #tpu.memory_space<vmem>>) target_semaphore(%arg24 : memref<!tpu.dma_semaphore, #tpu.memory_space<semaphore_mem>>)
      } else {
      }
      %scan3A_371 = arith.constant 0 : i32
      %scan3A_372 = arith.constant 0 : i32
      %scan3A_373 = arith.constant 200 : i32
      %scan3A_374 = arith.addi %scan3A_372, %scan3A_373 : i32
      %scan3A_375 = arith.constant 4 : i32
      scf.for %scan3A_629 = %scan3A_372 to %scan3A_374 step %scan3A_375  : i32 {
        %get3A = arith.index_cast %scan3A_629 : i32 to index
        %get3A_630 = arith.constant 0 : index
        %get3A_631 = tpu.vector_load %arg14[%get3A, %get3A_630] {strides = array<i32>} : memref<200x64xf32, #tpu.memory_space<vmem>>, vector<1x16xf32>,
        %get3A_632 = vector.shape_cast %get3A_631 : vector<1x16xf32> to vector<16xf32>
        %add3A_633 = arith.constant 0 : i32
        %add3A_634 = arith.addi %add3A_633, %scan3A_629 : i32
        %get3A_635 = arith.index_cast %add3A_634 : i32 to index
        %get3A_636 = arith.constant 0 : index
        %get3A_637 = tpu.vector_load %arg11[%get3A_635, %get3A_636] {strides = array<i32>} : memref<400x64xf32, #tpu.memory_space<vmem>>, vector<1x16xf32>,
        %get3A_638 = vector.shape_cast %get3A_637 : vector<1x16xf32> to vector<16xf32>
        %mul3A_639 = arith.constant 8.000000e+00 : f32
        %mul3A_640 = vector.broadcast %mul3A_639 : f32 to vector<16xf32>
        %mul3A_641 = arith.mulf %get3A_638, %mul3A_640 : vector<16xf32>
        %add3A_642 = arith.addf %mul3A_641, %get3A_632 : vector<16xf32>
        %swap3A = arith.index_cast %add3A_634 : i32 to index
        %swap3A_643 = arith.constant 0 : index
        %swap3A_644 = tpu.vector_load %arg11[%swap3A, %swap3A_643] {strides = array<i32>} : memref<400x64xf32, #tpu.memory_space<vmem>>, vector<1x16xf32>,
        %swap3A_645 = vector.shape_cast %swap3A_644 : vector<1x16xf32> to vector<16xf32>
        %swap3A_646 = vector.shape_cast %add3A_642 : vector<16xf32> to vector<1x16xf32>
        tpu.vector_store %arg11[%swap3A, %swap3A_643], %swap3A_646 {strides = array<i32>} : memref<400x64xf32, #tpu.memory_space<vmem>>, vector<1x16xf32>,
        %add3A_647 = arith.constant 200 : i32
        %add3A_648 = arith.addi %add3A_647, %scan3A_629 : i32
        %get3A_649 = arith.index_cast %add3A_648 : i32 to index
        %get3A_650 = arith.constant 0 : index
        %get3A_651 = tpu.vector_load %arg11[%get3A_649, %get3A_650] {strides = array<i32>} : memref<400x64xf32, #tpu.memory_space<vmem>>, vector<1x16xf32>,
        %get3A_652 = vector.shape_cast %get3A_651 : vector<1x16xf32> to vector<16xf32>
        %mul3A_653 = arith.constant 8.000000e+00 : f32
        %mul3A_654 = vector.broadcast %mul3A_653 : f32 to vector<16xf32>
        %mul3A_655 = arith.mulf %get3A_652, %mul3A_654 : vector<16xf32>
        %add3A_656 = arith.addf %mul3A_655, %get3A_632 : vector<16xf32>
        %swap3A_657 = arith.index_cast %add3A_648 : i32 to index
        %swap3A_658 = arith.constant 0 : index
        %swap3A_659 = tpu.vector_load %arg11[%swap3A_657, %swap3A_658] {strides = array<i32>} : memref<400x64xf32, #tpu.memory_space<vmem>>, vector<1x16xf32>,
        %swap3A_660 = vector.shape_cast %swap3A_659 : vector<1x16xf32> to vector<16xf32>
        %swap3A_661 = vector.shape_cast %add3A_656 : vector<16xf32> to vector<1x16xf32>
        tpu.vector_store %arg11[%swap3A_657, %swap3A_658], %swap3A_661 {strides = array<i32>} : memref<400x64xf32, #tpu.memory_space<vmem>>, vector<1x16xf32>,
        %get3A_662 = arith.index_cast %scan3A_629 : i32 to index
        %get3A_663 = arith.constant 16 : index
        %get3A_664 = tpu.vector_load %arg14[%get3A_662, %get3A_663] {strides = array<i32>} : memref<200x64xf32, #tpu.memory_space<vmem>>, vector<1x16xf32>,
        %get3A_665 = vector.shape_cast %get3A_664 : vector<1x16xf32> to vector<16xf32>
        %add3A_666 = arith.constant 0 : i32
        %add3A_667 = arith.addi %add3A_666, %scan3A_629 : i32
        %get3A_668 = arith.index_cast %add3A_667 : i32 to index
        %get3A_669 = arith.constant 16 : index
        %get3A_670 = tpu.vector_load %arg11[%get3A_668, %get3A_669] {strides = array<i32>} : memref<400x64xf32, #tpu.memory_space<vmem>>, vector<1x16xf32>,
        %get3A_671 = vector.shape_cast %get3A_670 : vector<1x16xf32> to vector<16xf32>
        %mul3A_672 = arith.constant 8.000000e+00 : f32
        %mul3A_673 = vector.broadcast %mul3A_672 : f32 to vector<16xf32>
        %mul3A_674 = arith.mulf %get3A_671, %mul3A_673 : vector<16xf32>
        %add3A_675 = arith.addf %mul3A_674, %get3A_665 : vector<16xf32>
        %swap3A_676 = arith.index_cast %add3A_667 : i32 to index
        %swap3A_677 = arith.constant 16 : index
        %swap3A_678 = tpu.vector_load %arg11[%swap3A_676, %swap3A_677] {strides = array<i32>} : memref<400x64xf32, #tpu.memory_space<vmem>>, vector<1x16xf32>,
        %swap3A_679 = vector.shape_cast %swap3A_678 : vector<1x16xf32> to vector<16xf32>
        %swap3A_680 = vector.shape_cast %add3A_675 : vector<16xf32> to vector<1x16xf32>
        tpu.vector_store %arg11[%swap3A_676, %swap3A_677], %swap3A_680 {strides = array<i32>} : memref<400x64xf32, #tpu.memory_space<vmem>>, vector<1x16xf32>,
        %add3A_681 = arith.constant 200 : i32
        %add3A_682 = arith.addi %add3A_681, %scan3A_629 : i32
        %get3A_683 = arith.index_cast %add3A_682 : i32 to index
        %get3A_684 = arith.constant 16 : index
        %get3A_685 = tpu.vector_load %arg11[%get3A_683, %get3A_684] {strides = array<i32>} : memref<400x64xf32, #tpu.memory_space<vmem>>, vector<1x16xf32>,
        %get3A_686 = vector.shape_cast %get3A_685 : vector<1x16xf32> to vector<16xf32>
        %mul3A_687 = arith.constant 8.000000e+00 : f32
        %mul3A_688 = vector.broadcast %mul3A_687 : f32 to vector<16xf32>
        %mul3A_689 = arith.mulf %get3A_686, %mul3A_688 : vector<16xf32>
        %add3A_690 = arith.addf %mul3A_689, %get3A_665 : vector<16xf32>
        %swap3A_691 = arith.index_cast %add3A_682 : i32 to index
        %swap3A_692 = arith.constant 16 : index
        %swap3A_693 = tpu.vector_load %arg11[%swap3A_691, %swap3A_692] {strides = array<i32>} : memref<400x64xf32, #tpu.memory_space<vmem>>, vector<1x16xf32>,
        %swap3A_694 = vector.shape_cast %swap3A_693 : vector<1x16xf32> to vector<16xf32>
        %swap3A_695 = vector.shape_cast %add3A_690 : vector<16xf32> to vector<1x16xf32>
        tpu.vector_store %arg11[%swap3A_691, %swap3A_692], %swap3A_695 {strides = array<i32>} : memref<400x64xf32, #tpu.memory_space<vmem>>, vector<1x16xf32>,
        %get3A_696 = arith.index_cast %scan3A_629 : i32 to index
        %get3A_697 = arith.constant 32 : index
        %get3A_698 = tpu.vector_load %arg14[%get3A_696, %get3A_697] {strides = array<i32>} : memref<200x64xf32, #tpu.memory_space<vmem>>, vector<1x16xf32>,
        %get3A_699 = vector.shape_cast %get3A_698 : vector<1x16xf32> to vector<16xf32>
        %add3A_700 = arith.constant 0 : i32
        %add3A_701 = arith.addi %add3A_700, %scan3A_629 : i32
        %get3A_702 = arith.index_cast %add3A_701 : i32 to index
        %get3A_703 = arith.constant 32 : index
        %get3A_704 = tpu.vector_load %arg11[%get3A_702, %get3A_703] {strides = array<i32>} : memref<400x64xf32, #tpu.memory_space<vmem>>, vector<1x16xf32>,
        %get3A_705 = vector.shape_cast %get3A_704 : vector<1x16xf32> to vector<16xf32>
        %mul3A_706 = arith.constant 8.000000e+00 : f32
        %mul3A_707 = vector.broadcast %mul3A_706 : f32 to vector<16xf32>
        %mul3A_708 = arith.mulf %get3A_705, %mul3A_707 : vector<16xf32>
        %add3A_709 = arith.addf %mul3A_708, %get3A_699 : vector<16xf32>
        %swap3A_710 = arith.index_cast %add3A_701 : i32 to index
        %swap3A_711 = arith.constant 32 : index
        %swap3A_712 = tpu.vector_load %arg11[%swap3A_710, %swap3A_711] {strides = array<i32>} : memref<400x64xf32, #tpu.memory_space<vmem>>, vector<1x16xf32>,
        %swap3A_713 = vector.shape_cast %swap3A_712 : vector<1x16xf32> to vector<16xf32>
        %swap3A_714 = vector.shape_cast %add3A_709 : vector<16xf32> to vector<1x16xf32>
        tpu.vector_store %arg11[%swap3A_710, %swap3A_711], %swap3A_714 {strides = array<i32>} : memref<400x64xf32, #tpu.memory_space<vmem>>, vector<1x16xf32>,
        %add3A_715 = arith.constant 200 : i32
        %add3A_716 = arith.addi %add3A_715, %scan3A_629 : i32
        %get3A_717 = arith.index_cast %add3A_716 : i32 to index
        %get3A_718 = arith.constant 32 : index
        %get3A_719 = tpu.vector_load %arg11[%get3A_717, %get3A_718] {strides = array<i32>} : memref<400x64xf32, #tpu.memory_space<vmem>>, vector<1x16xf32>,
        %get3A_720 = vector.shape_cast %get3A_719 : vector<1x16xf32> to vector<16xf32>
        %mul3A_721 = arith.constant 8.000000e+00 : f32
        %mul3A_722 = vector.broadcast %mul3A_721 : f32 to vector<16xf32>
        %mul3A_723 = arith.mulf %get3A_720, %mul3A_722 : vector<16xf32>
        %add3A_724 = arith.addf %mul3A_723, %get3A_699 : vector<16xf32>
        %swap3A_725 = arith.index_cast %add3A_716 : i32 to index
        %swap3A_726 = arith.constant 32 : index
        %swap3A_727 = tpu.vector_load %arg11[%swap3A_725, %swap3A_726] {strides = array<i32>} : memref<400x64xf32, #tpu.memory_space<vmem>>, vector<1x16xf32>,
        %swap3A_728 = vector.shape_cast %swap3A_727 : vector<1x16xf32> to vector<16xf32>
        %swap3A_729 = vector.shape_cast %add3A_724 : vector<16xf32> to vector<1x16xf32>
        tpu.vector_store %arg11[%swap3A_725, %swap3A_726], %swap3A_729 {strides = array<i32>} : memref<400x64xf32, #tpu.memory_space<vmem>>, vector<1x16xf32>,
        %get3A_730 = arith.index_cast %scan3A_629 : i32 to index
        %get3A_731 = arith.constant 48 : index
        %get3A_732 = tpu.vector_load %arg14[%get3A_730, %get3A_731] {strides = array<i32>} : memref<200x64xf32, #tpu.memory_space<vmem>>, vector<1x16xf32>,
        %get3A_733 = vector.shape_cast %get3A_732 : vector<1x16xf32> to vector<16xf32>
        %add3A_734 = arith.constant 0 : i32
        %add3A_735 = arith.addi %add3A_734, %scan3A_629 : i32
        %get3A_736 = arith.index_cast %add3A_735 : i32 to index
        %get3A_737 = arith.constant 48 : index
        %get3A_738 = tpu.vector_load %arg11[%get3A_736, %get3A_737] {strides = array<i32>} : memref<400x64xf32, #tpu.memory_space<vmem>>, vector<1x16xf32>,
        %get3A_739 = vector.shape_cast %get3A_738 : vector<1x16xf32> to vector<16xf32>
        %mul3A_740 = arith.constant 8.000000e+00 : f32
        %mul3A_741 = vector.broadcast %mul3A_740 : f32 to vector<16xf32>
        %mul3A_742 = arith.mulf %get3A_739, %mul3A_741 : vector<16xf32>
        %add3A_743 = arith.addf %mul3A_742, %get3A_733 : vector<16xf32>
        %swap3A_744 = arith.index_cast %add3A_735 : i32 to index
        %swap3A_745 = arith.constant 48 : index
        %swap3A_746 = tpu.vector_load %arg11[%swap3A_744, %swap3A_745] {strides = array<i32>} : memref<400x64xf32, #tpu.memory_space<vmem>>, vector<1x16xf32>,
        %swap3A_747 = vector.shape_cast %swap3A_746 : vector<1x16xf32> to vector<16xf32>
        %swap3A_748 = vector.shape_cast %add3A_743 : vector<16xf32> to vector<1x16xf32>
        tpu.vector_store %arg11[%swap3A_744, %swap3A_745], %swap3A_748 {strides = array<i32>} : memref<400x64xf32, #tpu.memory_space<vmem>>, vector<1x16xf32>,
        %add3A_749 = arith.constant 200 : i32
        %add3A_750 = arith.addi %add3A_749, %scan3A_629 : i32
        %get3A_751 = arith.index_cast %add3A_750 : i32 to index
        %get3A_752 = arith.constant 48 : index
        %get3A_753 = tpu.vector_load %arg11[%get3A_751, %get3A_752] {strides = array<i32>} : memref<400x64xf32, #tpu.memory_space<vmem>>, vector<1x16xf32>,
        %get3A_754 = vector.shape_cast %get3A_753 : vector<1x16xf32> to vector<16xf32>
        %mul3A_755 = arith.constant 8.000000e+00 : f32
        %mul3A_756 = vector.broadcast %mul3A_755 : f32 to vector<16xf32>
        %mul3A_757 = arith.mulf %get3A_754, %mul3A_756 : vector<16xf32>
        %add3A_758 = arith.addf %mul3A_757, %get3A_733 : vector<16xf32>
        %swap3A_759 = arith.index_cast %add3A_750 : i32 to index
        %swap3A_760 = arith.constant 48 : index
        %swap3A_761 = tpu.vector_load %arg11[%swap3A_759, %swap3A_760] {strides = array<i32>} : memref<400x64xf32, #tpu.memory_space<vmem>>, vector<1x16xf32>,
        %swap3A_762 = vector.shape_cast %swap3A_761 : vector<1x16xf32> to vector<16xf32>
        %swap3A_763 = vector.shape_cast %add3A_758 : vector<16xf32> to vector<1x16xf32>
        tpu.vector_store %arg11[%swap3A_759, %swap3A_760], %swap3A_763 {strides = array<i32>} : memref<400x64xf32, #tpu.memory_space<vmem>>, vector<1x16xf32>,
        %scan3A_764 = arith.constant 1 : i32
        %scan3A_765 = arith.addi %scan3A_629, %scan3A_764 : i32
        %get3A_766 = arith.index_cast %scan3A_765 : i32 to index
        %get3A_767 = arith.constant 0 : index
        %get3A_768 = tpu.vector_load %arg14[%get3A_766, %get3A_767] {strides = array<i32>} : memref<200x64xf32, #tpu.memory_space<vmem>>, vector<1x16xf32>,
        %get3A_769 = vector.shape_cast %get3A_768 : vector<1x16xf32> to vector<16xf32>
        %add3A_770 = arith.constant 0 : i32
        %add3A_771 = arith.addi %add3A_770, %scan3A_765 : i32
        %get3A_772 = arith.index_cast %add3A_771 : i32 to index
        %get3A_773 = arith.constant 0 : index
        %get3A_774 = tpu.vector_load %arg11[%get3A_772, %get3A_773] {strides = array<i32>} : memref<400x64xf32, #tpu.memory_space<vmem>>, vector<1x16xf32>,
        %get3A_775 = vector.shape_cast %get3A_774 : vector<1x16xf32> to vector<16xf32>
        %mul3A_776 = arith.constant 8.000000e+00 : f32
        %mul3A_777 = vector.broadcast %mul3A_776 : f32 to vector<16xf32>
        %mul3A_778 = arith.mulf %get3A_775, %mul3A_777 : vector<16xf32>
        %add3A_779 = arith.addf %mul3A_778, %get3A_769 : vector<16xf32>
        %swap3A_780 = arith.index_cast %add3A_771 : i32 to index
        %swap3A_781 = arith.constant 0 : index
        %swap3A_782 = tpu.vector_load %arg11[%swap3A_780, %swap3A_781] {strides = array<i32>} : memref<400x64xf32, #tpu.memory_space<vmem>>, vector<1x16xf32>,
        %swap3A_783 = vector.shape_cast %swap3A_782 : vector<1x16xf32> to vector<16xf32>
        %swap3A_784 = vector.shape_cast %add3A_779 : vector<16xf32> to vector<1x16xf32>
        tpu.vector_store %arg11[%swap3A_780, %swap3A_781], %swap3A_784 {strides = array<i32>} : memref<400x64xf32, #tpu.memory_space<vmem>>, vector<1x16xf32>,
        %add3A_785 = arith.constant 200 : i32
        %add3A_786 = arith.addi %add3A_785, %scan3A_765 : i32
        %get3A_787 = arith.index_cast %add3A_786 : i32 to index
        %get3A_788 = arith.constant 0 : index
        %get3A_789 = tpu.vector_load %arg11[%get3A_787, %get3A_788] {strides = array<i32>} : memref<400x64xf32, #tpu.memory_space<vmem>>, vector<1x16xf32>,
        %get3A_790 = vector.shape_cast %get3A_789 : vector<1x16xf32> to vector<16xf32>
        %mul3A_791 = arith.constant 8.000000e+00 : f32
        %mul3A_792 = vector.broadcast %mul3A_791 : f32 to vector<16xf32>
        %mul3A_793 = arith.mulf %get3A_790, %mul3A_792 : vector<16xf32>
        %add3A_794 = arith.addf %mul3A_793, %get3A_769 : vector<16xf32>
        %swap3A_795 = arith.index_cast %add3A_786 : i32 to index
        %swap3A_796 = arith.constant 0 : index
        %swap3A_797 = tpu.vector_load %arg11[%swap3A_795, %swap3A_796] {strides = array<i32>} : memref<400x64xf32, #tpu.memory_space<vmem>>, vector<1x16xf32>,
        %swap3A_798 = vector.shape_cast %swap3A_797 : vector<1x16xf32> to vector<16xf32>
        %swap3A_799 = vector.shape_cast %add3A_794 : vector<16xf32> to vector<1x16xf32>
        tpu.vector_store %arg11[%swap3A_795, %swap3A_796], %swap3A_799 {strides = array<i32>} : memref<400x64xf32, #tpu.memory_space<vmem>>, vector<1x16xf32>,
        %get3A_800 = arith.index_cast %scan3A_765 : i32 to index
        %get3A_801 = arith.constant 16 : index
        %get3A_802 = tpu.vector_load %arg14[%get3A_800, %get3A_801] {strides = array<i32>} : memref<200x64xf32, #tpu.memory_space<vmem>>, vector<1x16xf32>,
        %get3A_803 = vector.shape_cast %get3A_802 : vector<1x16xf32> to vector<16xf32>
        %add3A_804 = arith.constant 0 : i32
        %add3A_805 = arith.addi %add3A_804, %scan3A_765 : i32
        %get3A_806 = arith.index_cast %add3A_805 : i32 to index
        %get3A_807 = arith.constant 16 : index
        %get3A_808 = tpu.vector_load %arg11[%get3A_806, %get3A_807] {strides = array<i32>} : memref<400x64xf32, #tpu.memory_space<vmem>>, vector<1x16xf32>,
        %get3A_809 = vector.shape_cast %get3A_808 : vector<1x16xf32> to vector<16xf32>
        %mul3A_810 = arith.constant 8.000000e+00 : f32
        %mul3A_811 = vector.broadcast %mul3A_810 : f32 to vector<16xf32>
        %mul3A_812 = arith.mulf %get3A_809, %mul3A_811 : vector<16xf32>
        %add3A_813 = arith.addf %mul3A_812, %get3A_803 : vector<16xf32>
        %swap3A_814 = arith.index_cast %add3A_805 : i32 to index
        %swap3A_815 = arith.constant 16 : index
        %swap3A_816 = tpu.vector_load %arg11[%swap3A_814, %swap3A_815] {strides = array<i32>} : memref<400x64xf32, #tpu.memory_space<vmem>>, vector<1x16xf32>,
        %swap3A_817 = vector.shape_cast %swap3A_816 : vector<1x16xf32> to vector<16xf32>
        %swap3A_818 = vector.shape_cast %add3A_813 : vector<16xf32> to vector<1x16xf32>
        tpu.vector_store %arg11[%swap3A_814, %swap3A_815], %swap3A_818 {strides = array<i32>} : memref<400x64xf32, #tpu.memory_space<vmem>>, vector<1x16xf32>,
        %add3A_819 = arith.constant 200 : i32
        %add3A_820 = arith.addi %add3A_819, %scan3A_765 : i32
        %get3A_821 = arith.index_cast %add3A_820 : i32 to index
        %get3A_822 = arith.constant 16 : index
        %get3A_823 = tpu.vector_load %arg11[%get3A_821, %get3A_822] {strides = array<i32>} : memref<400x64xf32, #tpu.memory_space<vmem>>, vector<1x16xf32>,
        %get3A_824 = vector.shape_cast %get3A_823 : vector<1x16xf32> to vector<16xf32>
        %mul3A_825 = arith.constant 8.000000e+00 : f32
        %mul3A_826 = vector.broadcast %mul3A_825 : f32 to vector<16xf32>
        %mul3A_827 = arith.mulf %get3A_824, %mul3A_826 : vector<16xf32>
        %add3A_828 = arith.addf %mul3A_827, %get3A_803 : vector<16xf32>
        %swap3A_829 = arith.index_cast %add3A_820 : i32 to index
        %swap3A_830 = arith.constant 16 : index
        %swap3A_831 = tpu.vector_load %arg11[%swap3A_829, %swap3A_830] {strides = array<i32>} : memref<400x64xf32, #tpu.memory_space<vmem>>, vector<1x16xf32>,
        %swap3A_832 = vector.shape_cast %swap3A_831 : vector<1x16xf32> to vector<16xf32>
        %swap3A_833 = vector.shape_cast %add3A_828 : vector<16xf32> to vector<1x16xf32>
        tpu.vector_store %arg11[%swap3A_829, %swap3A_830], %swap3A_833 {strides = array<i32>} : memref<400x64xf32, #tpu.memory_space<vmem>>, vector<1x16xf32>,
        %get3A_834 = arith.index_cast %scan3A_765 : i32 to index
        %get3A_835 = arith.constant 32 : index
        %get3A_836 = tpu.vector_load %arg14[%get3A_834, %get3A_835] {strides = array<i32>} : memref<200x64xf32, #tpu.memory_space<vmem>>, vector<1x16xf32>,
        %get3A_837 = vector.shape_cast %get3A_836 : vector<1x16xf32> to vector<16xf32>
        %add3A_838 = arith.constant 0 : i32
        %add3A_839 = arith.addi %add3A_838, %scan3A_765 : i32
        %get3A_840 = arith.index_cast %add3A_839 : i32 to index
        %get3A_841 = arith.constant 32 : index
        %get3A_842 = tpu.vector_load %arg11[%get3A_840, %get3A_841] {strides = array<i32>} : memref<400x64xf32, #tpu.memory_space<vmem>>, vector<1x16xf32>,
        %get3A_843 = vector.shape_cast %get3A_842 : vector<1x16xf32> to vector<16xf32>
        %mul3A_844 = arith.constant 8.000000e+00 : f32
        %mul3A_845 = vector.broadcast %mul3A_844 : f32 to vector<16xf32>
        %mul3A_846 = arith.mulf %get3A_843, %mul3A_845 : vector<16xf32>
        %add3A_847 = arith.addf %mul3A_846, %get3A_837 : vector<16xf32>
        %swap3A_848 = arith.index_cast %add3A_839 : i32 to index
        %swap3A_849 = arith.constant 32 : index
        %swap3A_850 = tpu.vector_load %arg11[%swap3A_848, %swap3A_849] {strides = array<i32>} : memref<400x64xf32, #tpu.memory_space<vmem>>, vector<1x16xf32>,
        %swap3A_851 = vector.shape_cast %swap3A_850 : vector<1x16xf32> to vector<16xf32>
        %swap3A_852 = vector.shape_cast %add3A_847 : vector<16xf32> to vector<1x16xf32>
        tpu.vector_store %arg11[%swap3A_848, %swap3A_849], %swap3A_852 {strides = array<i32>} : memref<400x64xf32, #tpu.memory_space<vmem>>, vector<1x16xf32>,
        %add3A_853 = arith.constant 200 : i32
        %add3A_854 = arith.addi %add3A_853, %scan3A_765 : i32
        %get3A_855 = arith.index_cast %add3A_854 : i32 to index
        %get3A_856 = arith.constant 32 : index
        %get3A_857 = tpu.vector_load %arg11[%get3A_855, %get3A_856] {strides = array<i32>} : memref<400x64xf32, #tpu.memory_space<vmem>>, vector<1x16xf32>,
        %get3A_858 = vector.shape_cast %get3A_857 : vector<1x16xf32> to vector<16xf32>
        %mul3A_859 = arith.constant 8.000000e+00 : f32
        %mul3A_860 = vector.broadcast %mul3A_859 : f32 to vector<16xf32>
        %mul3A_861 = arith.mulf %get3A_858, %mul3A_860 : vector<16xf32>
        %add3A_862 = arith.addf %mul3A_861, %get3A_837 : vector<16xf32>
        %swap3A_863 = arith.index_cast %add3A_854 : i32 to index
        %swap3A_864 = arith.constant 32 : index
        %swap3A_865 = tpu.vector_load %arg11[%swap3A_863, %swap3A_864] {strides = array<i32>} : memref<400x64xf32, #tpu.memory_space<vmem>>, vector<1x16xf32>,
        %swap3A_866 = vector.shape_cast %swap3A_865 : vector<1x16xf32> to vector<16xf32>
        %swap3A_867 = vector.shape_cast %add3A_862 : vector<16xf32> to vector<1x16xf32>
        tpu.vector_store %arg11[%swap3A_863, %swap3A_864], %swap3A_867 {strides = array<i32>} : memref<400x64xf32, #tpu.memory_space<vmem>>, vector<1x16xf32>,
        %get3A_868 = arith.index_cast %scan3A_765 : i32 to index
        %get3A_869 = arith.constant 48 : index
        %get3A_870 = tpu.vector_load %arg14[%get3A_868, %get3A_869] {strides = array<i32>} : memref<200x64xf32, #tpu.memory_space<vmem>>, vector<1x16xf32>,
        %get3A_871 = vector.shape_cast %get3A_870 : vector<1x16xf32> to vector<16xf32>
        %add3A_872 = arith.constant 0 : i32
        %add3A_873 = arith.addi %add3A_872, %scan3A_765 : i32
        %get3A_874 = arith.index_cast %add3A_873 : i32 to index
        %get3A_875 = arith.constant 48 : index
        %get3A_876 = tpu.vector_load %arg11[%get3A_874, %get3A_875] {strides = array<i32>} : memref<400x64xf32, #tpu.memory_space<vmem>>, vector<1x16xf32>,
        %get3A_877 = vector.shape_cast %get3A_876 : vector<1x16xf32> to vector<16xf32>
        %mul3A_878 = arith.constant 8.000000e+00 : f32
        %mul3A_879 = vector.broadcast %mul3A_878 : f32 to vector<16xf32>
        %mul3A_880 = arith.mulf %get3A_877, %mul3A_879 : vector<16xf32>
        %add3A_881 = arith.addf %mul3A_880, %get3A_871 : vector<16xf32>
        %swap3A_882 = arith.index_cast %add3A_873 : i32 to index
        %swap3A_883 = arith.constant 48 : index
        %swap3A_884 = tpu.vector_load %arg11[%swap3A_882, %swap3A_883] {strides = array<i32>} : memref<400x64xf32, #tpu.memory_space<vmem>>, vector<1x16xf32>,
        %swap3A_885 = vector.shape_cast %swap3A_884 : vector<1x16xf32> to vector<16xf32>
        %swap3A_886 = vector.shape_cast %add3A_881 : vector<16xf32> to vector<1x16xf32>
        tpu.vector_store %arg11[%swap3A_882, %swap3A_883], %swap3A_886 {strides = array<i32>} : memref<400x64xf32, #tpu.memory_space<vmem>>, vector<1x16xf32>,
        %add3A_887 = arith.constant 200 : i32
        %add3A_888 = arith.addi %add3A_887, %scan3A_765 : i32
        %get3A_889 = arith.index_cast %add3A_888 : i32 to index
        %get3A_890 = arith.constant 48 : index
        %get3A_891 = tpu.vector_load %arg11[%get3A_889, %get3A_890] {strides = array<i32>} : memref<400x64xf32, #tpu.memory_space<vmem>>, vector<1x16xf32>,
        %get3A_892 = vector.shape_cast %get3A_891 : vector<1x16xf32> to vector<16xf32>
        %mul3A_893 = arith.constant 8.000000e+00 : f32
        %mul3A_894 = vector.broadcast %mul3A_893 : f32 to vector<16xf32>
        %mul3A_895 = arith.mulf %get3A_892, %mul3A_894 : vector<16xf32>
        %add3A_896 = arith.addf %mul3A_895, %get3A_871 : vector<16xf32>
        %swap3A_897 = arith.index_cast %add3A_888 : i32 to index
        %swap3A_898 = arith.constant 48 : index
        %swap3A_899 = tpu.vector_load %arg11[%swap3A_897, %swap3A_898] {strides = array<i32>} : memref<400x64xf32, #tpu.memory_space<vmem>>, vector<1x16xf32>,
        %swap3A_900 = vector.shape_cast %swap3A_899 : vector<1x16xf32> to vector<16xf32>
        %swap3A_901 = vector.shape_cast %add3A_896 : vector<16xf32> to vector<1x16xf32>
        tpu.vector_store %arg11[%swap3A_897, %swap3A_898], %swap3A_901 {strides = array<i32>} : memref<400x64xf32, #tpu.memory_space<vmem>>, vector<1x16xf32>,
        %scan3A_902 = arith.constant 2 : i32
        %scan3A_903 = arith.addi %scan3A_629, %scan3A_902 : i32
        %get3A_904 = arith.index_cast %scan3A_903 : i32 to index
        %get3A_905 = arith.constant 0 : index
        %get3A_906 = tpu.vector_load %arg14[%get3A_904, %get3A_905] {strides = array<i32>} : memref<200x64xf32, #tpu.memory_space<vmem>>, vector<1x16xf32>,
        %get3A_907 = vector.shape_cast %get3A_906 : vector<1x16xf32> to vector<16xf32>
        %add3A_908 = arith.constant 0 : i32
        %add3A_909 = arith.addi %add3A_908, %scan3A_903 : i32
        %get3A_910 = arith.index_cast %add3A_909 : i32 to index
        %get3A_911 = arith.constant 0 : index
        %get3A_912 = tpu.vector_load %arg11[%get3A_910, %get3A_911] {strides = array<i32>} : memref<400x64xf32, #tpu.memory_space<vmem>>, vector<1x16xf32>,
        %get3A_913 = vector.shape_cast %get3A_912 : vector<1x16xf32> to vector<16xf32>
        %mul3A_914 = arith.constant 8.000000e+00 : f32
        %mul3A_915 = vector.broadcast %mul3A_914 : f32 to vector<16xf32>
        %mul3A_916 = arith.mulf %get3A_913, %mul3A_915 : vector<16xf32>
        %add3A_917 = arith.addf %mul3A_916, %get3A_907 : vector<16xf32>
        %swap3A_918 = arith.index_cast %add3A_909 : i32 to index
        %swap3A_919 = arith.constant 0 : index
        %swap3A_920 = tpu.vector_load %arg11[%swap3A_918, %swap3A_919] {strides = array<i32>} : memref<400x64xf32, #tpu.memory_space<vmem>>, vector<1x16xf32>,
        %swap3A_921 = vector.shape_cast %swap3A_920 : vector<1x16xf32> to vector<16xf32>
        %swap3A_922 = vector.shape_cast %add3A_917 : vector<16xf32> to vector<1x16xf32>
        tpu.vector_store %arg11[%swap3A_918, %swap3A_919], %swap3A_922 {strides = array<i32>} : memref<400x64xf32, #tpu.memory_space<vmem>>, vector<1x16xf32>,
        %add3A_923 = arith.constant 200 : i32
        %add3A_924 = arith.addi %add3A_923, %scan3A_903 : i32
        %get3A_925 = arith.index_cast %add3A_924 : i32 to index
        %get3A_926 = arith.constant 0 : index
        %get3A_927 = tpu.vector_load %arg11[%get3A_925, %get3A_926] {strides = array<i32>} : memref<400x64xf32, #tpu.memory_space<vmem>>, vector<1x16xf32>,
        %get3A_928 = vector.shape_cast %get3A_927 : vector<1x16xf32> to vector<16xf32>
        %mul3A_929 = arith.constant 8.000000e+00 : f32
        %mul3A_930 = vector.broadcast %mul3A_929 : f32 to vector<16xf32>
        %mul3A_931 = arith.mulf %get3A_928, %mul3A_930 : vector<16xf32>
        %add3A_932 = arith.addf %mul3A_931, %get3A_907 : vector<16xf32>
        %swap3A_933 = arith.index_cast %add3A_924 : i32 to index
        %swap3A_934 = arith.constant 0 : index
        %swap3A_935 = tpu.vector_load %arg11[%swap3A_933, %swap3A_934] {strides = array<i32>} : memref<400x64xf32, #tpu.memory_space<vmem>>, vector<1x16xf32>,
        %swap3A_936 = vector.shape_cast %swap3A_935 : vector<1x16xf32> to vector<16xf32>
        %swap3A_937 = vector.shape_cast %add3A_932 : vector<16xf32> to vector<1x16xf32>
        tpu.vector_store %arg11[%swap3A_933, %swap3A_934], %swap3A_937 {strides = array<i32>} : memref<400x64xf32, #tpu.memory_space<vmem>>, vector<1x16xf32>,
        %get3A_938 = arith.index_cast %scan3A_903 : i32 to index
        %get3A_939 = arith.constant 16 : index
        %get3A_940 = tpu.vector_load %arg14[%get3A_938, %get3A_939] {strides = array<i32>} : memref<200x64xf32, #tpu.memory_space<vmem>>, vector<1x16xf32>,
        %get3A_941 = vector.shape_cast %get3A_940 : vector<1x16xf32> to vector<16xf32>
        %add3A_942 = arith.constant 0 : i32
        %add3A_943 = arith.addi %add3A_942, %scan3A_903 : i32
        %get3A_944 = arith.index_cast %add3A_943 : i32 to index
        %get3A_945 = arith.constant 16 : index
        %get3A_946 = tpu.vector_load %arg11[%get3A_944, %get3A_945] {strides = array<i32>} : memref<400x64xf32, #tpu.memory_space<vmem>>, vector<1x16xf32>,
        %get3A_947 = vector.shape_cast %get3A_946 : vector<1x16xf32> to vector<16xf32>
        %mul3A_948 = arith.constant 8.000000e+00 : f32
        %mul3A_949 = vector.broadcast %mul3A_948 : f32 to vector<16xf32>
        %mul3A_950 = arith.mulf %get3A_947, %mul3A_949 : vector<16xf32>
        %add3A_951 = arith.addf %mul3A_950, %get3A_941 : vector<16xf32>
        %swap3A_952 = arith.index_cast %add3A_943 : i32 to index
        %swap3A_953 = arith.constant 16 : index
        %swap3A_954 = tpu.vector_load %arg11[%swap3A_952, %swap3A_953] {strides = array<i32>} : memref<400x64xf32, #tpu.memory_space<vmem>>, vector<1x16xf32>,
        %swap3A_955 = vector.shape_cast %swap3A_954 : vector<1x16xf32> to vector<16xf32>
        %swap3A_956 = vector.shape_cast %add3A_951 : vector<16xf32> to vector<1x16xf32>
        tpu.vector_store %arg11[%swap3A_952, %swap3A_953], %swap3A_956 {strides = array<i32>} : memref<400x64xf32, #tpu.memory_space<vmem>>, vector<1x16xf32>,
        %add3A_957 = arith.constant 200 : i32
        %add3A_958 = arith.addi %add3A_957, %scan3A_903 : i32
        %get3A_959 = arith.index_cast %add3A_958 : i32 to index
        %get3A_960 = arith.constant 16 : index
        %get3A_961 = tpu.vector_load %arg11[%get3A_959, %get3A_960] {strides = array<i32>} : memref<400x64xf32, #tpu.memory_space<vmem>>, vector<1x16xf32>,
        %get3A_962 = vector.shape_cast %get3A_961 : vector<1x16xf32> to vector<16xf32>
        %mul3A_963 = arith.constant 8.000000e+00 : f32
        %mul3A_964 = vector.broadcast %mul3A_963 : f32 to vector<16xf32>
        %mul3A_965 = arith.mulf %get3A_962, %mul3A_964 : vector<16xf32>
        %add3A_966 = arith.addf %mul3A_965, %get3A_941 : vector<16xf32>
        %swap3A_967 = arith.index_cast %add3A_958 : i32 to index
        %swap3A_968 = arith.constant 16 : index
        %swap3A_969 = tpu.vector_load %arg11[%swap3A_967, %swap3A_968] {strides = array<i32>} : memref<400x64xf32, #tpu.memory_space<vmem>>, vector<1x16xf32>,
        %swap3A_970 = vector.shape_cast %swap3A_969 : vector<1x16xf32> to vector<16xf32>
        %swap3A_971 = vector.shape_cast %add3A_966 : vector<16xf32> to vector<1x16xf32>
        tpu.vector_store %arg11[%swap3A_967, %swap3A_968], %swap3A_971 {strides = array<i32>} : memref<400x64xf32, #tpu.memory_space<vmem>>, vector<1x16xf32>,
        %get3A_972 = arith.index_cast %scan3A_903 : i32 to index
        %get3A_973 = arith.constant 32 : index
        %get3A_974 = tpu.vector_load %arg14[%get3A_972, %get3A_973] {strides = array<i32>} : memref<200x64xf32, #tpu.memory_space<vmem>>, vector<1x16xf32>,
        %get3A_975 = vector.shape_cast %get3A_974 : vector<1x16xf32> to vector<16xf32>
        %add3A_976 = arith.constant 0 : i32
        %add3A_977 = arith.addi %add3A_976, %scan3A_903 : i32
        %get3A_978 = arith.index_cast %add3A_977 : i32 to index
        %get3A_979 = arith.constant 32 : index
        %get3A_980 = tpu.vector_load %arg11[%get3A_978, %get3A_979] {strides = array<i32>} : memref<400x64xf32, #tpu.memory_space<vmem>>, vector<1x16xf32>,
        %get3A_981 = vector.shape_cast %get3A_980 : vector<1x16xf32> to vector<16xf32>
        %mul3A_982 = arith.constant 8.000000e+00 : f32
        %mul3A_983 = vector.broadcast %mul3A_982 : f32 to vector<16xf32>
        %mul3A_984 = arith.mulf %get3A_981, %mul3A_983 : vector<16xf32>
        %add3A_985 = arith.addf %mul3A_984, %get3A_975 : vector<16xf32>
        %swap3A_986 = arith.index_cast %add3A_977 : i32 to index
        %swap3A_987 = arith.constant 32 : index
        %swap3A_988 = tpu.vector_load %arg11[%swap3A_986, %swap3A_987] {strides = array<i32>} : memref<400x64xf32, #tpu.memory_space<vmem>>, vector<1x16xf32>,
        %swap3A_989 = vector.shape_cast %swap3A_988 : vector<1x16xf32> to vector<16xf32>
        %swap3A_990 = vector.shape_cast %add3A_985 : vector<16xf32> to vector<1x16xf32>
        tpu.vector_store %arg11[%swap3A_986, %swap3A_987], %swap3A_990 {strides = array<i32>} : memref<400x64xf32, #tpu.memory_space<vmem>>, vector<1x16xf32>,
        %add3A_991 = arith.constant 200 : i32
        %add3A_992 = arith.addi %add3A_991, %scan3A_903 : i32
        %get3A_993 = arith.index_cast %add3A_992 : i32 to index
        %get3A_994 = arith.constant 32 : index
        %get3A_995 = tpu.vector_load %arg11[%get3A_993, %get3A_994] {strides = array<i32>} : memref<400x64xf32, #tpu.memory_space<vmem>>, vector<1x16xf32>,
        %get3A_996 = vector.shape_cast %get3A_995 : vector<1x16xf32> to vector<16xf32>
        %mul3A_997 = arith.constant 8.000000e+00 : f32
        %mul3A_998 = vector.broadcast %mul3A_997 : f32 to vector<16xf32>
        %mul3A_999 = arith.mulf %get3A_996, %mul3A_998 : vector<16xf32>
        %add3A_1000 = arith.addf %mul3A_999, %get3A_975 : vector<16xf32>
        %swap3A_1001 = arith.index_cast %add3A_992 : i32 to index
        %swap3A_1002 = arith.constant 32 : index
        %swap3A_1003 = tpu.vector_load %arg11[%swap3A_1001, %swap3A_1002] {strides = array<i32>} : memref<400x64xf32, #tpu.memory_space<vmem>>, vector<1x16xf32>,
        %swap3A_1004 = vector.shape_cast %swap3A_1003 : vector<1x16xf32> to vector<16xf32>
        %swap3A_1005 = vector.shape_cast %add3A_1000 : vector<16xf32> to vector<1x16xf32>
        tpu.vector_store %arg11[%swap3A_1001, %swap3A_1002], %swap3A_1005 {strides = array<i32>} : memref<400x64xf32, #tpu.memory_space<vmem>>, vector<1x16xf32>,
        %get3A_1006 = arith.index_cast %scan3A_903 : i32 to index
        %get3A_1007 = arith.constant 48 : index
        %get3A_1008 = tpu.vector_load %arg14[%get3A_1006, %get3A_1007] {strides = array<i32>} : memref<200x64xf32, #tpu.memory_space<vmem>>, vector<1x16xf32>,
        %get3A_1009 = vector.shape_cast %get3A_1008 : vector<1x16xf32> to vector<16xf32>
        %add3A_1010 = arith.constant 0 : i32
        %add3A_1011 = arith.addi %add3A_1010, %scan3A_903 : i32
        %get3A_1012 = arith.index_cast %add3A_1011 : i32 to index
        %get3A_1013 = arith.constant 48 : index
        %get3A_1014 = tpu.vector_load %arg11[%get3A_1012, %get3A_1013] {strides = array<i32>} : memref<400x64xf32, #tpu.memory_space<vmem>>, vector<1x16xf32>,
        %get3A_1015 = vector.shape_cast %get3A_1014 : vector<1x16xf32> to vector<16xf32>
        %mul3A_1016 = arith.constant 8.000000e+00 : f32
        %mul3A_1017 = vector.broadcast %mul3A_1016 : f32 to vector<16xf32>
        %mul3A_1018 = arith.mulf %get3A_1015, %mul3A_1017 : vector<16xf32>
        %add3A_1019 = arith.addf %mul3A_1018, %get3A_1009 : vector<16xf32>
        %swap3A_1020 = arith.index_cast %add3A_1011 : i32 to index
        %swap3A_1021 = arith.constant 48 : index
        %swap3A_1022 = tpu.vector_load %arg11[%swap3A_1020, %swap3A_1021] {strides = array<i32>} : memref<400x64xf32, #tpu.memory_space<vmem>>, vector<1x16xf32>,
        %swap3A_1023 = vector.shape_cast %swap3A_1022 : vector<1x16xf32> to vector<16xf32>
        %swap3A_1024 = vector.shape_cast %add3A_1019 : vector<16xf32> to vector<1x16xf32>
        tpu.vector_store %arg11[%swap3A_1020, %swap3A_1021], %swap3A_1024 {strides = array<i32>} : memref<400x64xf32, #tpu.memory_space<vmem>>, vector<1x16xf32>,
        %add3A_1025 = arith.constant 200 : i32
        %add3A_1026 = arith.addi %add3A_1025, %scan3A_903 : i32
        %get3A_1027 = arith.index_cast %add3A_1026 : i32 to index
        %get3A_1028 = arith.constant 48 : index
        %get3A_1029 = tpu.vector_load %arg11[%get3A_1027, %get3A_1028] {strides = array<i32>} : memref<400x64xf32, #tpu.memory_space<vmem>>, vector<1x16xf32>,
        %get3A_1030 = vector.shape_cast %get3A_1029 : vector<1x16xf32> to vector<16xf32>
        %mul3A_1031 = arith.constant 8.000000e+00 : f32
        %mul3A_1032 = vector.broadcast %mul3A_1031 : f32 to vector<16xf32>
        %mul3A_1033 = arith.mulf %get3A_1030, %mul3A_1032 : vector<16xf32>
        %add3A_1034 = arith.addf %mul3A_1033, %get3A_1009 : vector<16xf32>
        %swap3A_1035 = arith.index_cast %add3A_1026 : i32 to index
        %swap3A_1036 = arith.constant 48 : index
        %swap3A_1037 = tpu.vector_load %arg11[%swap3A_1035, %swap3A_1036] {strides = array<i32>} : memref<400x64xf32, #tpu.memory_space<vmem>>, vector<1x16xf32>,
        %swap3A_1038 = vector.shape_cast %swap3A_1037 : vector<1x16xf32> to vector<16xf32>
        %swap3A_1039 = vector.shape_cast %add3A_1034 : vector<16xf32> to vector<1x16xf32>
        tpu.vector_store %arg11[%swap3A_1035, %swap3A_1036], %swap3A_1039 {strides = array<i32>} : memref<400x64xf32, #tpu.memory_space<vmem>>, vector<1x16xf32>,
        %scan3A_1040 = arith.constant 3 : i32
        %scan3A_1041 = arith.addi %scan3A_629, %scan3A_1040 : i32
        %get3A_1042 = arith.index_cast %scan3A_1041 : i32 to index
        %get3A_1043 = arith.constant 0 : index
        %get3A_1044 = tpu.vector_load %arg14[%get3A_1042, %get3A_1043] {strides = array<i32>} : memref<200x64xf32, #tpu.memory_space<vmem>>, vector<1x16xf32>,
        %get3A_1045 = vector.shape_cast %get3A_1044 : vector<1x16xf32> to vector<16xf32>
        %add3A_1046 = arith.constant 0 : i32
        %add3A_1047 = arith.addi %add3A_1046, %scan3A_1041 : i32
        %get3A_1048 = arith.index_cast %add3A_1047 : i32 to index
        %get3A_1049 = arith.constant 0 : index
        %get3A_1050 = tpu.vector_load %arg11[%get3A_1048, %get3A_1049] {strides = array<i32>} : memref<400x64xf32, #tpu.memory_space<vmem>>, vector<1x16xf32>,
        %get3A_1051 = vector.shape_cast %get3A_1050 : vector<1x16xf32> to vector<16xf32>
        %mul3A_1052 = arith.constant 8.000000e+00 : f32
        %mul3A_1053 = vector.broadcast %mul3A_1052 : f32 to vector<16xf32>
        %mul3A_1054 = arith.mulf %get3A_1051, %mul3A_1053 : vector<16xf32>
        %add3A_1055 = arith.addf %mul3A_1054, %get3A_1045 : vector<16xf32>
        %swap3A_1056 = arith.index_cast %add3A_1047 : i32 to index
        %swap3A_1057 = arith.constant 0 : index
        %swap3A_1058 = tpu.vector_load %arg11[%swap3A_1056, %swap3A_1057] {strides = array<i32>} : memref<400x64xf32, #tpu.memory_space<vmem>>, vector<1x16xf32>,
        %swap3A_1059 = vector.shape_cast %swap3A_1058 : vector<1x16xf32> to vector<16xf32>
        %swap3A_1060 = vector.shape_cast %add3A_1055 : vector<16xf32> to vector<1x16xf32>
        tpu.vector_store %arg11[%swap3A_1056, %swap3A_1057], %swap3A_1060 {strides = array<i32>} : memref<400x64xf32, #tpu.memory_space<vmem>>, vector<1x16xf32>,
        %add3A_1061 = arith.constant 200 : i32
        %add3A_1062 = arith.addi %add3A_1061, %scan3A_1041 : i32
        %get3A_1063 = arith.index_cast %add3A_1062 : i32 to index
        %get3A_1064 = arith.constant 0 : index
        %get3A_1065 = tpu.vector_load %arg11[%get3A_1063, %get3A_1064] {strides = array<i32>} : memref<400x64xf32, #tpu.memory_space<vmem>>, vector<1x16xf32>,
        %get3A_1066 = vector.shape_cast %get3A_1065 : vector<1x16xf32> to vector<16xf32>
        %mul3A_1067 = arith.constant 8.000000e+00 : f32
        %mul3A_1068 = vector.broadcast %mul3A_1067 : f32 to vector<16xf32>
        %mul3A_1069 = arith.mulf %get3A_1066, %mul3A_1068 : vector<16xf32>
        %add3A_1070 = arith.addf %mul3A_1069, %get3A_1045 : vector<16xf32>
        %swap3A_1071 = arith.index_cast %add3A_1062 : i32 to index
        %swap3A_1072 = arith.constant 0 : index
        %swap3A_1073 = tpu.vector_load %arg11[%swap3A_1071, %swap3A_1072] {strides = array<i32>} : memref<400x64xf32, #tpu.memory_space<vmem>>, vector<1x16xf32>,
        %swap3A_1074 = vector.shape_cast %swap3A_1073 : vector<1x16xf32> to vector<16xf32>
        %swap3A_1075 = vector.shape_cast %add3A_1070 : vector<16xf32> to vector<1x16xf32>
        tpu.vector_store %arg11[%swap3A_1071, %swap3A_1072], %swap3A_1075 {strides = array<i32>} : memref<400x64xf32, #tpu.memory_space<vmem>>, vector<1x16xf32>,
        %get3A_1076 = arith.index_cast %scan3A_1041 : i32 to index
        %get3A_1077 = arith.constant 16 : index
        %get3A_1078 = tpu.vector_load %arg14[%get3A_1076, %get3A_1077] {strides = array<i32>} : memref<200x64xf32, #tpu.memory_space<vmem>>, vector<1x16xf32>,
        %get3A_1079 = vector.shape_cast %get3A_1078 : vector<1x16xf32> to vector<16xf32>
        %add3A_1080 = arith.constant 0 : i32
        %add3A_1081 = arith.addi %add3A_1080, %scan3A_1041 : i32
        %get3A_1082 = arith.index_cast %add3A_1081 : i32 to index
        %get3A_1083 = arith.constant 16 : index
        %get3A_1084 = tpu.vector_load %arg11[%get3A_1082, %get3A_1083] {strides = array<i32>} : memref<400x64xf32, #tpu.memory_space<vmem>>, vector<1x16xf32>,
        %get3A_1085 = vector.shape_cast %get3A_1084 : vector<1x16xf32> to vector<16xf32>
        %mul3A_1086 = arith.constant 8.000000e+00 : f32
        %mul3A_1087 = vector.broadcast %mul3A_1086 : f32 to vector<16xf32>
        %mul3A_1088 = arith.mulf %get3A_1085, %mul3A_1087 : vector<16xf32>
        %add3A_1089 = arith.addf %mul3A_1088, %get3A_1079 : vector<16xf32>
        %swap3A_1090 = arith.index_cast %add3A_1081 : i32 to index
        %swap3A_1091 = arith.constant 16 : index
        %swap3A_1092 = tpu.vector_load %arg11[%swap3A_1090, %swap3A_1091] {strides = array<i32>} : memref<400x64xf32, #tpu.memory_space<vmem>>, vector<1x16xf32>,
        %swap3A_1093 = vector.shape_cast %swap3A_1092 : vector<1x16xf32> to vector<16xf32>
        %swap3A_1094 = vector.shape_cast %add3A_1089 : vector<16xf32> to vector<1x16xf32>
        tpu.vector_store %arg11[%swap3A_1090, %swap3A_1091], %swap3A_1094 {strides = array<i32>} : memref<400x64xf32, #tpu.memory_space<vmem>>, vector<1x16xf32>,
        %add3A_1095 = arith.constant 200 : i32
        %add3A_1096 = arith.addi %add3A_1095, %scan3A_1041 : i32
        %get3A_1097 = arith.index_cast %add3A_1096 : i32 to index
        %get3A_1098 = arith.constant 16 : index
        %get3A_1099 = tpu.vector_load %arg11[%get3A_1097, %get3A_1098] {strides = array<i32>} : memref<400x64xf32, #tpu.memory_space<vmem>>, vector<1x16xf32>,
        %get3A_1100 = vector.shape_cast %get3A_1099 : vector<1x16xf32> to vector<16xf32>
        %mul3A_1101 = arith.constant 8.000000e+00 : f32
        %mul3A_1102 = vector.broadcast %mul3A_1101 : f32 to vector<16xf32>
        %mul3A_1103 = arith.mulf %get3A_1100, %mul3A_1102 : vector<16xf32>
        %add3A_1104 = arith.addf %mul3A_1103, %get3A_1079 : vector<16xf32>
        %swap3A_1105 = arith.index_cast %add3A_1096 : i32 to index
        %swap3A_1106 = arith.constant 16 : index
        %swap3A_1107 = tpu.vector_load %arg11[%swap3A_1105, %swap3A_1106] {strides = array<i32>} : memref<400x64xf32, #tpu.memory_space<vmem>>, vector<1x16xf32>,
        %swap3A_1108 = vector.shape_cast %swap3A_1107 : vector<1x16xf32> to vector<16xf32>
        %swap3A_1109 = vector.shape_cast %add3A_1104 : vector<16xf32> to vector<1x16xf32>
        tpu.vector_store %arg11[%swap3A_1105, %swap3A_1106], %swap3A_1109 {strides = array<i32>} : memref<400x64xf32, #tpu.memory_space<vmem>>, vector<1x16xf32>,
        %get3A_1110 = arith.index_cast %scan3A_1041 : i32 to index
        %get3A_1111 = arith.constant 32 : index
        %get3A_1112 = tpu.vector_load %arg14[%get3A_1110, %get3A_1111] {strides = array<i32>} : memref<200x64xf32, #tpu.memory_space<vmem>>, vector<1x16xf32>,
        %get3A_1113 = vector.shape_cast %get3A_1112 : vector<1x16xf32> to vector<16xf32>
        %add3A_1114 = arith.constant 0 : i32
        %add3A_1115 = arith.addi %add3A_1114, %scan3A_1041 : i32
        %get3A_1116 = arith.index_cast %add3A_1115 : i32 to index
        %get3A_1117 = arith.constant 32 : index
        %get3A_1118 = tpu.vector_load %arg11[%get3A_1116, %get3A_1117] {strides = array<i32>} : memref<400x64xf32, #tpu.memory_space<vmem>>, vector<1x16xf32>,
        %get3A_1119 = vector.shape_cast %get3A_1118 : vector<1x16xf32> to vector<16xf32>
        %mul3A_1120 = arith.constant 8.000000e+00 : f32
        %mul3A_1121 = vector.broadcast %mul3A_1120 : f32 to vector<16xf32>
        %mul3A_1122 = arith.mulf %get3A_1119, %mul3A_1121 : vector<16xf32>
        %add3A_1123 = arith.addf %mul3A_1122, %get3A_1113 : vector<16xf32>
        %swap3A_1124 = arith.index_cast %add3A_1115 : i32 to index
        %swap3A_1125 = arith.constant 32 : index
        %swap3A_1126 = tpu.vector_load %arg11[%swap3A_1124, %swap3A_1125] {strides = array<i32>} : memref<400x64xf32, #tpu.memory_space<vmem>>, vector<1x16xf32>,
        %swap3A_1127 = vector.shape_cast %swap3A_1126 : vector<1x16xf32> to vector<16xf32>
        %swap3A_1128 = vector.shape_cast %add3A_1123 : vector<16xf32> to vector<1x16xf32>
        tpu.vector_store %arg11[%swap3A_1124, %swap3A_1125], %swap3A_1128 {strides = array<i32>} : memref<400x64xf32, #tpu.memory_space<vmem>>, vector<1x16xf32>,
        %add3A_1129 = arith.constant 200 : i32
        %add3A_1130 = arith.addi %add3A_1129, %scan3A_1041 : i32
        %get3A_1131 = arith.index_cast %add3A_1130 : i32 to index
        %get3A_1132 = arith.constant 32 : index
        %get3A_1133 = tpu.vector_load %arg11[%get3A_1131, %get3A_1132] {strides = array<i32>} : memref<400x64xf32, #tpu.memory_space<vmem>>, vector<1x16xf32>,
        %get3A_1134 = vector.shape_cast %get3A_1133 : vector<1x16xf32> to vector<16xf32>
        %mul3A_1135 = arith.constant 8.000000e+00 : f32
        %mul3A_1136 = vector.broadcast %mul3A_1135 : f32 to vector<16xf32>
        %mul3A_1137 = arith.mulf %get3A_1134, %mul3A_1136 : vector<16xf32>
        %add3A_1138 = arith.addf %mul3A_1137, %get3A_1113 : vector<16xf32>
        %swap3A_1139 = arith.index_cast %add3A_1130 : i32 to index
        %swap3A_1140 = arith.constant 32 : index
        %swap3A_1141 = tpu.vector_load %arg11[%swap3A_1139, %swap3A_1140] {strides = array<i32>} : memref<400x64xf32, #tpu.memory_space<vmem>>, vector<1x16xf32>,
        %swap3A_1142 = vector.shape_cast %swap3A_1141 : vector<1x16xf32> to vector<16xf32>
        %swap3A_1143 = vector.shape_cast %add3A_1138 : vector<16xf32> to vector<1x16xf32>
        tpu.vector_store %arg11[%swap3A_1139, %swap3A_1140], %swap3A_1143 {strides = array<i32>} : memref<400x64xf32, #tpu.memory_space<vmem>>, vector<1x16xf32>,
        %get3A_1144 = arith.index_cast %scan3A_1041 : i32 to index
        %get3A_1145 = arith.constant 48 : index
        %get3A_1146 = tpu.vector_load %arg14[%get3A_1144, %get3A_1145] {strides = array<i32>} : memref<200x64xf32, #tpu.memory_space<vmem>>, vector<1x16xf32>,
        %get3A_1147 = vector.shape_cast %get3A_1146 : vector<1x16xf32> to vector<16xf32>
        %add3A_1148 = arith.constant 0 : i32
        %add3A_1149 = arith.addi %add3A_1148, %scan3A_1041 : i32
        %get3A_1150 = arith.index_cast %add3A_1149 : i32 to index
        %get3A_1151 = arith.constant 48 : index
        %get3A_1152 = tpu.vector_load %arg11[%get3A_1150, %get3A_1151] {strides = array<i32>} : memref<400x64xf32, #tpu.memory_space<vmem>>, vector<1x16xf32>,
        %get3A_1153 = vector.shape_cast %get3A_1152 : vector<1x16xf32> to vector<16xf32>
        %mul3A_1154 = arith.constant 8.000000e+00 : f32
        %mul3A_1155 = vector.broadcast %mul3A_1154 : f32 to vector<16xf32>
        %mul3A_1156 = arith.mulf %get3A_1153, %mul3A_1155 : vector<16xf32>
        %add3A_1157 = arith.addf %mul3A_1156, %get3A_1147 : vector<16xf32>
        %swap3A_1158 = arith.index_cast %add3A_1149 : i32 to index
        %swap3A_1159 = arith.constant 48 : index
        %swap3A_1160 = tpu.vector_load %arg11[%swap3A_1158, %swap3A_1159] {strides = array<i32>} : memref<400x64xf32, #tpu.memory_space<vmem>>, vector<1x16xf32>,
        %swap3A_1161 = vector.shape_cast %swap3A_1160 : vector<1x16xf32> to vector<16xf32>
        %swap3A_1162 = vector.shape_cast %add3A_1157 : vector<16xf32> to vector<1x16xf32>
        tpu.vector_store %arg11[%swap3A_1158, %swap3A_1159], %swap3A_1162 {strides = array<i32>} : memref<400x64xf32, #tpu.memory_space<vmem>>, vector<1x16xf32>,
        %add3A_1163 = arith.constant 200 : i32
        %add3A_1164 = arith.addi %add3A_1163, %scan3A_1041 : i32
        %get3A_1165 = arith.index_cast %add3A_1164 : i32 to index
        %get3A_1166 = arith.constant 48 : index
        %get3A_1167 = tpu.vector_load %arg11[%get3A_1165, %get3A_1166] {strides = array<i32>} : memref<400x64xf32, #tpu.memory_space<vmem>>, vector<1x16xf32>,
        %get3A_1168 = vector.shape_cast %get3A_1167 : vector<1x16xf32> to vector<16xf32>
        %mul3A_1169 = arith.constant 8.000000e+00 : f32
        %mul3A_1170 = vector.broadcast %mul3A_1169 : f32 to vector<16xf32>
        %mul3A_1171 = arith.mulf %get3A_1168, %mul3A_1170 : vector<16xf32>
        %add3A_1172 = arith.addf %mul3A_1171, %get3A_1147 : vector<16xf32>
        %swap3A_1173 = arith.index_cast %add3A_1164 : i32 to index
        %swap3A_1174 = arith.constant 48 : index
        %swap3A_1175 = tpu.vector_load %arg11[%swap3A_1173, %swap3A_1174] {strides = array<i32>} : memref<400x64xf32, #tpu.memory_space<vmem>>, vector<1x16xf32>,
        %swap3A_1176 = vector.shape_cast %swap3A_1175 : vector<1x16xf32> to vector<16xf32>
        %swap3A_1177 = vector.shape_cast %add3A_1172 : vector<16xf32> to vector<1x16xf32>
        tpu.vector_store %arg11[%swap3A_1173, %swap3A_1174], %swap3A_1177 {strides = array<i32>} : memref<400x64xf32, #tpu.memory_space<vmem>>, vector<1x16xf32>,
      }
      %scan3A_376 = arith.constant 200 : i32
      %mul3A_377 = arith.constant 2 : i32
      %mul3A_378 = arith.muli %add3A_311, %mul3A_377 : i32
      %add3A_379 = arith.addi %mul3A_2, %mul3A_378 : i32
      %add3A_380 = arith.constant 0 : i32
      %add3A_381 = arith.addi %add3A_379, %add3A_380 : i32
      %dma_start3A_382 = arith.constant 0 : i32
      %dma_start3A_383 = arith.constant 0 : i32
      %dma_start3A_384 = tpu.memref_slice %arg11[%dma_start3A_382, %dma_start3A_383] : memref<400x64xf32, #tpu.memory_space<vmem>> -> memref<200x64xf32, #tpu.memory_space<vmem>>
      %dma_start3A_385 = arith.constant 0 : i32
      %dma_start3A_386 = arith.constant 0 : i32
      %dma_start3A_387 = tpu.memref_slice %arg5[%add3A_381, %dma_start3A_385, %dma_start3A_386] : memref<4096x200x128xf32, #tpu.memory_space<hbm>> -> memref<1x200x64xf32, #tpu.memory_space<hbm>>
      %dma_start3A_388 = tpu.memref_squeeze %dma_start3A_387 : memref<1x200x64xf32, #tpu.memory_space<hbm>> -> memref<200x64xf32, #tpu.memory_space<hbm>>
      %dma_start3A_389 = arith.constant 0 : i32
      %dma_start3A_390 = arith.constant 0 : i32
      %dma_start3A_391 = tpu.memref_slice %arg5[%add3A_381, %dma_start3A_389, %dma_start3A_390] : memref<4096x200x128xf32, #tpu.memory_space<hbm>> -> memref<1x200x64xf32, #tpu.memory_space<hbm>>
      %dma_start3A_392 = tpu.memref_squeeze %dma_start3A_391 : memref<1x200x64xf32, #tpu.memory_space<hbm>> -> memref<200x64xf32, #tpu.memory_space<hbm>>
      %dma_start3A_393 = arith.constant 0 : i32
      %dma_start3A_394 = arith.constant 0 : i32
      %dma_start3A_395 = tpu.memref_slice %arg11[%dma_start3A_393, %dma_start3A_394] : memref<400x64xf32, #tpu.memory_space<vmem>> -> memref<200x64xf32, #tpu.memory_space<vmem>>
      tpu.enqueue_dma source(%dma_start3A_395 : memref<200x64xf32, #tpu.memory_space<vmem>>) target(%dma_start3A_392 : memref<200x64xf32, #tpu.memory_space<hbm>>) target_semaphore(%arg20 : memref<!tpu.dma_semaphore, #tpu.memory_space<semaphore_mem>>)
      %mul3A_396 = arith.constant 2 : i32
      %mul3A_397 = arith.muli %add3A_311, %mul3A_396 : i32
      %add3A_398 = arith.addi %mul3A_2, %mul3A_397 : i32
      %add3A_399 = arith.constant 1 : i32
      %add3A_400 = arith.addi %add3A_398, %add3A_399 : i32
      %dma_start3A_401 = arith.constant 200 : i32
      %dma_start3A_402 = arith.constant 0 : i32
      %dma_start3A_403 = tpu.memref_slice %arg11[%dma_start3A_401, %dma_start3A_402] : memref<400x64xf32, #tpu.memory_space<vmem>> -> memref<200x64xf32, #tpu.memory_space<vmem>>
      %dma_start3A_404 = arith.constant 0 : i32
      %dma_start3A_405 = arith.constant 0 : i32
      %dma_start3A_406 = tpu.memref_slice %arg5[%add3A_400, %dma_start3A_404, %dma_start3A_405] : memref<4096x200x128xf32, #tpu.memory_space<hbm>> -> memref<1x200x64xf32, #tpu.memory_space<hbm>>
      %dma_start3A_407 = tpu.memref_squeeze %dma_start3A_406 : memref<1x200x64xf32, #tpu.memory_space<hbm>> -> memref<200x64xf32, #tpu.memory_space<hbm>>
      %dma_start3A_408 = arith.constant 0 : i32
      %dma_start3A_409 = arith.constant 0 : i32
      %dma_start3A_410 = tpu.memref_slice %arg5[%add3A_400, %dma_start3A_408, %dma_start3A_409] : memref<4096x200x128xf32, #tpu.memory_space<hbm>> -> memref<1x200x64xf32, #tpu.memory_space<hbm>>
      %dma_start3A_411 = tpu.memref_squeeze %dma_start3A_410 : memref<1x200x64xf32, #tpu.memory_space<hbm>> -> memref<200x64xf32, #tpu.memory_space<hbm>>
      %dma_start3A_412 = arith.constant 200 : i32
      %dma_start3A_413 = arith.constant 0 : i32
      %dma_start3A_414 = tpu.memref_slice %arg11[%dma_start3A_412, %dma_start3A_413] : memref<400x64xf32, #tpu.memory_space<vmem>> -> memref<200x64xf32, #tpu.memory_space<vmem>>
      tpu.enqueue_dma source(%dma_start3A_414 : memref<200x64xf32, #tpu.memory_space<vmem>>) target(%dma_start3A_411 : memref<200x64xf32, #tpu.memory_space<hbm>>) target_semaphore(%arg20 : memref<!tpu.dma_semaphore, #tpu.memory_space<semaphore_mem>>)
      %mul3A_415 = arith.constant 4 : i32
      %mul3A_416 = arith.muli %scan3A_204, %mul3A_415 : i32
      %add3A_417 = arith.constant 2 : i32
      %add3A_418 = arith.addi %mul3A_416, %add3A_417 : i32
      %ge3A_419 = arith.constant 1 : i32
      %ge3A_420 = arith.cmpi sge, %add3A_418, %ge3A_419 : i32
      %convert_element_type3A_421 = arith.extui %ge3A_420 : i1 to i32
      %cond3A_422 = arith.constant 0 : i32
      %cond3A_423 = arith.cmpi ne, %convert_element_type3A_421, %cond3A_422 : i32
      scf.if %cond3A_423 {
        %sub3A = arith.constant 1 : i32
        %sub3A_629 = arith.subi %add3A_418, %sub3A : i32
        %mul3A_630 = arith.constant 2 : i32
        %mul3A_631 = arith.muli %sub3A_629, %mul3A_630 : i32
        %add3A_632 = arith.addi %mul3A_2, %mul3A_631 : i32
        %add3A_633 = arith.constant 0 : i32
        %add3A_634 = arith.addi %add3A_632, %add3A_633 : i32
        %dma_wait3A_635 = arith.constant 0 : i32
        %dma_wait3A_636 = arith.constant 0 : i32
        %dma_wait3A_637 = tpu.memref_slice %arg11[%dma_wait3A_635, %dma_wait3A_636] : memref<400x64xf32, #tpu.memory_space<vmem>> -> memref<200x64xf32, #tpu.memory_space<vmem>>
        %dma_wait3A_638 = arith.constant 0 : i32
        %dma_wait3A_639 = arith.constant 0 : i32
        %dma_wait3A_640 = tpu.memref_slice %arg5[%add3A_634, %dma_wait3A_638, %dma_wait3A_639] : memref<4096x200x128xf32, #tpu.memory_space<hbm>> -> memref<1x200x64xf32, #tpu.memory_space<hbm>>
        %dma_wait3A_641 = tpu.memref_squeeze %dma_wait3A_640 : memref<1x200x64xf32, #tpu.memory_space<hbm>> -> memref<200x64xf32, #tpu.memory_space<hbm>>
        %dma_wait3A_642 = arith.constant 0 : i32
        %dma_wait3A_643 = arith.constant 0 : i32
        %dma_wait3A_644 = tpu.memref_slice %arg5[%add3A_634, %dma_wait3A_642, %dma_wait3A_643] : memref<4096x200x128xf32, #tpu.memory_space<hbm>> -> memref<1x200x64xf32, #tpu.memory_space<hbm>>
        %dma_wait3A_645 = tpu.memref_squeeze %dma_wait3A_644 : memref<1x200x64xf32, #tpu.memory_space<hbm>> -> memref<200x64xf32, #tpu.memory_space<hbm>>
        %dma_wait3A_646 = arith.constant 0 : i32
        %dma_wait3A_647 = arith.constant 0 : i32
        %dma_wait3A_648 = tpu.memref_slice %arg11[%dma_wait3A_646, %dma_wait3A_647] : memref<400x64xf32, #tpu.memory_space<vmem>> -> memref<200x64xf32, #tpu.memory_space<vmem>>
        tpu.wait_dma2 semaphore(%arg20 : memref<!tpu.dma_semaphore, #tpu.memory_space<semaphore_mem>>) src(%dma_wait3A_648 : memref<200x64xf32, #tpu.memory_space<vmem>>) dst(%dma_wait3A_645 : memref<200x64xf32, #tpu.memory_space<hbm>>)
        %mul3A_649 = arith.constant 2 : i32
        %mul3A_650 = arith.muli %sub3A_629, %mul3A_649 : i32
        %add3A_651 = arith.addi %mul3A_2, %mul3A_650 : i32
        %add3A_652 = arith.constant 1 : i32
        %add3A_653 = arith.addi %add3A_651, %add3A_652 : i32
        %dma_wait3A_654 = arith.constant 200 : i32
        %dma_wait3A_655 = arith.constant 0 : i32
        %dma_wait3A_656 = tpu.memref_slice %arg11[%dma_wait3A_654, %dma_wait3A_655] : memref<400x64xf32, #tpu.memory_space<vmem>> -> memref<200x64xf32, #tpu.memory_space<vmem>>
        %dma_wait3A_657 = arith.constant 0 : i32
        %dma_wait3A_658 = arith.constant 0 : i32
        %dma_wait3A_659 = tpu.memref_slice %arg5[%add3A_653, %dma_wait3A_657, %dma_wait3A_658] : memref<4096x200x128xf32, #tpu.memory_space<hbm>> -> memref<1x200x64xf32, #tpu.memory_space<hbm>>
        %dma_wait3A_660 = tpu.memref_squeeze %dma_wait3A_659 : memref<1x200x64xf32, #tpu.memory_space<hbm>> -> memref<200x64xf32, #tpu.memory_space<hbm>>
        %dma_wait3A_661 = arith.constant 0 : i32
        %dma_wait3A_662 = arith.constant 0 : i32
        %dma_wait3A_663 = tpu.memref_slice %arg5[%add3A_653, %dma_wait3A_661, %dma_wait3A_662] : memref<4096x200x128xf32, #tpu.memory_space<hbm>> -> memref<1x200x64xf32, #tpu.memory_space<hbm>>
        %dma_wait3A_664 = tpu.memref_squeeze %dma_wait3A_663 : memref<1x200x64xf32, #tpu.memory_space<hbm>> -> memref<200x64xf32, #tpu.memory_space<hbm>>
        %dma_wait3A_665 = arith.constant 200 : i32
        %dma_wait3A_666 = arith.constant 0 : i32
        %dma_wait3A_667 = tpu.memref_slice %arg11[%dma_wait3A_665, %dma_wait3A_666] : memref<400x64xf32, #tpu.memory_space<vmem>> -> memref<200x64xf32, #tpu.memory_space<vmem>>
        tpu.wait_dma2 semaphore(%arg20 : memref<!tpu.dma_semaphore, #tpu.memory_space<semaphore_mem>>) src(%dma_wait3A_667 : memref<200x64xf32, #tpu.memory_space<vmem>>) dst(%dma_wait3A_664 : memref<200x64xf32, #tpu.memory_space<hbm>>)
      } else {
      }
      %add3A_424 = arith.constant 3 : i32
      %add3A_425 = arith.addi %add3A_418, %add3A_424 : i32
      %lt3A_426 = arith.constant 64 : i32
      %lt3A_427 = arith.cmpi slt, %add3A_425, %lt3A_426 : i32
      %convert_element_type3A_428 = arith.extui %lt3A_427 : i1 to i32
      %cond3A_429 = arith.constant 0 : i32
      %cond3A_430 = arith.cmpi ne, %convert_element_type3A_428, %cond3A_429 : i32
      scf.if %cond3A_430 {
        %add3A_629 = arith.constant 3 : i32
        %add3A_630 = arith.addi %add3A_418, %add3A_629 : i32
        %mul3A_631 = arith.constant 2 : i32
        %mul3A_632 = arith.muli %add3A_630, %mul3A_631 : i32
        %add3A_633 = arith.addi %mul3A_2, %mul3A_632 : i32
        %dma_wait3A_634 = arith.constant 0 : i32
        %dma_wait3A_635 = tpu.memref_slice %arg2[%add3A_633, %dma_wait3A_634] : memref<4096x200xi32, #tpu.memory_space<hbm>> -> memref<2x200xi32, #tpu.memory_space<hbm>>
        %dma_wait3A_636 = arith.constant 0 : i32
        %dma_wait3A_637 = tpu.memref_slice %arg2[%add3A_633, %dma_wait3A_636] : memref<4096x200xi32, #tpu.memory_space<hbm>> -> memref<2x200xi32, #tpu.memory_space<hbm>>
        tpu.wait_dma2 semaphore(%arg24 : memref<!tpu.dma_semaphore, #tpu.memory_space<semaphore_mem>>) src(%dma_wait3A_637 : memref<2x200xi32, #tpu.memory_space<hbm>>) dst(%arg7 : memref<2x200xi32, #tpu.memory_space<vmem>>)
        %dma_start3A_638 = arith.constant 0 : i32
        %dma_start3A_639 = arith.constant 0 : i32
        %dma_start3A_640 = arith.constant 0 : i32
        %dma_start3A_641 = tpu.memref_slice %arg11[%dma_start3A_639, %dma_start3A_640] : memref<400x64xf32, #tpu.memory_space<vmem>> -> memref<128x64xf32, #tpu.memory_space<vmem>>
        %dma_start3A_642 = arith.constant 0 : i32
        %dma_start3A_643 = tpu.memref_slice %arg7[%dma_start3A_638, %dma_start3A_642] : memref<2x200xi32, #tpu.memory_space<vmem>> -> memref<1x128xi32, #tpu.memory_space<vmem>>
        %dma_start3A_644 = tpu.memref_squeeze %dma_start3A_643 : memref<1x128xi32, #tpu.memory_space<vmem>> -> memref<128xi32, #tpu.memory_space<vmem>>
        %dma_start3A_645 = arith.constant 0 : i32
        %dma_start3A_646 = arith.constant 0 : i32
        %dma_start3A_647 = tpu.memref_slice %arg3[%dma_start3A_645, %dma_start3A_646] : memref<1000000x64xf32, #tpu.memory_space<hbm>> -> memref<1000000x64xf32, #tpu.memory_space<hbm>>
        tpu.enqueue_indirect_dma source(%dma_start3A_647 : memref<1000000x64xf32, #tpu.memory_space<hbm>>) target(%dma_start3A_641 : memref<128x64xf32, #tpu.memory_space<vmem>>) offsets(%dma_start3A_644 : memref<128xi32, #tpu.memory_space<vmem>>) semaphore(%arg16 : memref<!tpu.dma_semaphore, #tpu.memory_space<semaphore_mem>>)
        %dma_start3A_648 = arith.constant 0 : i32
        %dma_start3A_649 = arith.constant 128 : i32
        %dma_start3A_650 = arith.constant 0 : i32
        %dma_start3A_651 = tpu.memref_slice %arg11[%dma_start3A_649, %dma_start3A_650] : memref<400x64xf32, #tpu.memory_space<vmem>> -> memref<72x64xf32, #tpu.memory_space<vmem>>
        %dma_start3A_652 = arith.constant 128 : i32
        %dma_start3A_653 = tpu.memref_slice %arg7[%dma_start3A_648, %dma_start3A_652] : memref<2x200xi32, #tpu.memory_space<vmem>> -> memref<1x72xi32, #tpu.memory_space<vmem>>
        %dma_start3A_654 = tpu.memref_squeeze %dma_start3A_653 : memref<1x72xi32, #tpu.memory_space<vmem>> -> memref<72xi32, #tpu.memory_space<vmem>>
        %dma_start3A_655 = arith.constant 0 : i32
        %dma_start3A_656 = arith.constant 0 : i32
        %dma_start3A_657 = tpu.memref_slice %arg3[%dma_start3A_655, %dma_start3A_656] : memref<1000000x64xf32, #tpu.memory_space<hbm>> -> memref<1000000x64xf32, #tpu.memory_space<hbm>>
        tpu.enqueue_indirect_dma source(%dma_start3A_657 : memref<1000000x64xf32, #tpu.memory_space<hbm>>) target(%dma_start3A_651 : memref<72x64xf32, #tpu.memory_space<vmem>>) offsets(%dma_start3A_654 : memref<72xi32, #tpu.memory_space<vmem>>) semaphore(%arg16 : memref<!tpu.dma_semaphore, #tpu.memory_space<semaphore_mem>>)
        %dma_start3A_658 = arith.constant 1 : i32
        %dma_start3A_659 = arith.constant 200 : i32
        %dma_start3A_660 = arith.constant 0 : i32
        %dma_start3A_661 = tpu.memref_slice %arg11[%dma_start3A_659, %dma_start3A_660] : memref<400x64xf32, #tpu.memory_space<vmem>> -> memref<128x64xf32, #tpu.memory_space<vmem>>
        %dma_start3A_662 = arith.constant 0 : i32
        %dma_start3A_663 = tpu.memref_slice %arg7[%dma_start3A_658, %dma_start3A_662] : memref<2x200xi32, #tpu.memory_space<vmem>> -> memref<1x128xi32, #tpu.memory_space<vmem>>
        %dma_start3A_664 = tpu.memref_squeeze %dma_start3A_663 : memref<1x128xi32, #tpu.memory_space<vmem>> -> memref<128xi32, #tpu.memory_space<vmem>>
        %dma_start3A_665 = arith.constant 0 : i32
        %dma_start3A_666 = arith.constant 0 : i32
        %dma_start3A_667 = tpu.memref_slice %arg3[%dma_start3A_665, %dma_start3A_666] : memref<1000000x64xf32, #tpu.memory_space<hbm>> -> memref<1000000x64xf32, #tpu.memory_space<hbm>>
        tpu.enqueue_indirect_dma source(%dma_start3A_667 : memref<1000000x64xf32, #tpu.memory_space<hbm>>) target(%dma_start3A_661 : memref<128x64xf32, #tpu.memory_space<vmem>>) offsets(%dma_start3A_664 : memref<128xi32, #tpu.memory_space<vmem>>) semaphore(%arg16 : memref<!tpu.dma_semaphore, #tpu.memory_space<semaphore_mem>>)
        %dma_start3A_668 = arith.constant 1 : i32
        %dma_start3A_669 = arith.constant 328 : i32
        %dma_start3A_670 = arith.constant 0 : i32
        %dma_start3A_671 = tpu.memref_slice %arg11[%dma_start3A_669, %dma_start3A_670] : memref<400x64xf32, #tpu.memory_space<vmem>> -> memref<72x64xf32, #tpu.memory_space<vmem>>
        %dma_start3A_672 = arith.constant 128 : i32
        %dma_start3A_673 = tpu.memref_slice %arg7[%dma_start3A_668, %dma_start3A_672] : memref<2x200xi32, #tpu.memory_space<vmem>> -> memref<1x72xi32, #tpu.memory_space<vmem>>
        %dma_start3A_674 = tpu.memref_squeeze %dma_start3A_673 : memref<1x72xi32, #tpu.memory_space<vmem>> -> memref<72xi32, #tpu.memory_space<vmem>>
        %dma_start3A_675 = arith.constant 0 : i32
        %dma_start3A_676 = arith.constant 0 : i32
        %dma_start3A_677 = tpu.memref_slice %arg3[%dma_start3A_675, %dma_start3A_676] : memref<1000000x64xf32, #tpu.memory_space<hbm>> -> memref<1000000x64xf32, #tpu.memory_space<hbm>>
        tpu.enqueue_indirect_dma source(%dma_start3A_677 : memref<1000000x64xf32, #tpu.memory_space<hbm>>) target(%dma_start3A_671 : memref<72x64xf32, #tpu.memory_space<vmem>>) offsets(%dma_start3A_674 : memref<72xi32, #tpu.memory_space<vmem>>) semaphore(%arg16 : memref<!tpu.dma_semaphore, #tpu.memory_space<semaphore_mem>>)
      } else {
      }
      %dma_wait3A_431 = arith.constant 0 : i32
      %dma_wait3A_432 = arith.constant 0 : i32
      %dma_wait3A_433 = arith.constant 0 : i32
      %dma_wait3A_434 = tpu.memref_slice %arg12[%dma_wait3A_432, %dma_wait3A_433] : memref<400x64xf32, #tpu.memory_space<vmem>> -> memref<128x64xf32, #tpu.memory_space<vmem>>
      %dma_wait3A_435 = arith.constant 0 : i32
      %dma_wait3A_436 = tpu.memref_slice %arg8[%dma_wait3A_431, %dma_wait3A_435] : memref<2x200xi32, #tpu.memory_space<vmem>> -> memref<1x128xi32, #tpu.memory_space<vmem>>
      %dma_wait3A_437 = tpu.memref_squeeze %dma_wait3A_436 : memref<1x128xi32, #tpu.memory_space<vmem>> -> memref<128xi32, #tpu.memory_space<vmem>>
      %dma_wait3A_438 = arith.constant 0 : i32
      %dma_wait3A_439 = arith.constant 0 : i32
      %dma_wait3A_440 = tpu.memref_slice %arg3[%dma_wait3A_438, %dma_wait3A_439] : memref<1000000x64xf32, #tpu.memory_space<hbm>> -> memref<1000000x64xf32, #tpu.memory_space<hbm>>
      tpu.wait_indirect_dma semaphore(%arg17 : memref<!tpu.dma_semaphore, #tpu.memory_space<semaphore_mem>>) src(%dma_wait3A_440 : memref<1000000x64xf32, #tpu.memory_space<hbm>>) dst(%dma_wait3A_434 : memref<128x64xf32, #tpu.memory_space<vmem>>)
      %dma_wait3A_441 = arith.constant 0 : i32
      %dma_wait3A_442 = arith.constant 128 : i32
      %dma_wait3A_443 = arith.constant 0 : i32
      %dma_wait3A_444 = tpu.memref_slice %arg12[%dma_wait3A_442, %dma_wait3A_443] : memref<400x64xf32, #tpu.memory_space<vmem>> -> memref<72x64xf32, #tpu.memory_space<vmem>>
      %dma_wait3A_445 = arith.constant 128 : i32
      %dma_wait3A_446 = tpu.memref_slice %arg8[%dma_wait3A_441, %dma_wait3A_445] : memref<2x200xi32, #tpu.memory_space<vmem>> -> memref<1x72xi32, #tpu.memory_space<vmem>>
      %dma_wait3A_447 = tpu.memref_squeeze %dma_wait3A_446 : memref<1x72xi32, #tpu.memory_space<vmem>> -> memref<72xi32, #tpu.memory_space<vmem>>
      %dma_wait3A_448 = arith.constant 0 : i32
      %dma_wait3A_449 = arith.constant 0 : i32
      %dma_wait3A_450 = tpu.memref_slice %arg3[%dma_wait3A_448, %dma_wait3A_449] : memref<1000000x64xf32, #tpu.memory_space<hbm>> -> memref<1000000x64xf32, #tpu.memory_space<hbm>>
      tpu.wait_indirect_dma semaphore(%arg17 : memref<!tpu.dma_semaphore, #tpu.memory_space<semaphore_mem>>) src(%dma_wait3A_450 : memref<1000000x64xf32, #tpu.memory_space<hbm>>) dst(%dma_wait3A_444 : memref<72x64xf32, #tpu.memory_space<vmem>>)
      %dma_wait3A_451 = arith.constant 1 : i32
      %dma_wait3A_452 = arith.constant 200 : i32
      %dma_wait3A_453 = arith.constant 0 : i32
      %dma_wait3A_454 = tpu.memref_slice %arg12[%dma_wait3A_452, %dma_wait3A_453] : memref<400x64xf32, #tpu.memory_space<vmem>> -> memref<128x64xf32, #tpu.memory_space<vmem>>
      %dma_wait3A_455 = arith.constant 0 : i32
      %dma_wait3A_456 = tpu.memref_slice %arg8[%dma_wait3A_451, %dma_wait3A_455] : memref<2x200xi32, #tpu.memory_space<vmem>> -> memref<1x128xi32, #tpu.memory_space<vmem>>
      %dma_wait3A_457 = tpu.memref_squeeze %dma_wait3A_456 : memref<1x128xi32, #tpu.memory_space<vmem>> -> memref<128xi32, #tpu.memory_space<vmem>>
      %dma_wait3A_458 = arith.constant 0 : i32
      %dma_wait3A_459 = arith.constant 0 : i32
      %dma_wait3A_460 = tpu.memref_slice %arg3[%dma_wait3A_458, %dma_wait3A_459] : memref<1000000x64xf32, #tpu.memory_space<hbm>> -> memref<1000000x64xf32, #tpu.memory_space<hbm>>
      tpu.wait_indirect_dma semaphore(%arg17 : memref<!tpu.dma_semaphore, #tpu.memory_space<semaphore_mem>>) src(%dma_wait3A_460 : memref<1000000x64xf32, #tpu.memory_space<hbm>>) dst(%dma_wait3A_454 : memref<128x64xf32, #tpu.memory_space<vmem>>)
      %dma_wait3A_461 = arith.constant 1 : i32
      %dma_wait3A_462 = arith.constant 328 : i32
      %dma_wait3A_463 = arith.constant 0 : i32
      %dma_wait3A_464 = tpu.memref_slice %arg12[%dma_wait3A_462, %dma_wait3A_463] : memref<400x64xf32, #tpu.memory_space<vmem>> -> memref<72x64xf32, #tpu.memory_space<vmem>>
      %dma_wait3A_465 = arith.constant 128 : i32
      %dma_wait3A_466 = tpu.memref_slice %arg8[%dma_wait3A_461, %dma_wait3A_465] : memref<2x200xi32, #tpu.memory_space<vmem>> -> memref<1x72xi32, #tpu.memory_space<vmem>>
      %dma_wait3A_467 = tpu.memref_squeeze %dma_wait3A_466 : memref<1x72xi32, #tpu.memory_space<vmem>> -> memref<72xi32, #tpu.memory_space<vmem>>
      %dma_wait3A_468 = arith.constant 0 : i32
      %dma_wait3A_469 = arith.constant 0 : i32
      %dma_wait3A_470 = tpu.memref_slice %arg3[%dma_wait3A_468, %dma_wait3A_469] : memref<1000000x64xf32, #tpu.memory_space<hbm>> -> memref<1000000x64xf32, #tpu.memory_space<hbm>>
      tpu.wait_indirect_dma semaphore(%arg17 : memref<!tpu.dma_semaphore, #tpu.memory_space<semaphore_mem>>) src(%dma_wait3A_470 : memref<1000000x64xf32, #tpu.memory_space<hbm>>) dst(%dma_wait3A_464 : memref<72x64xf32, #tpu.memory_space<vmem>>)
      %add3A_471 = arith.constant 4 : i32
      %add3A_472 = arith.addi %add3A_418, %add3A_471 : i32
      %lt3A_473 = arith.constant 64 : i32
      %lt3A_474 = arith.cmpi slt, %add3A_472, %lt3A_473 : i32
      %convert_element_type3A_475 = arith.extui %lt3A_474 : i1 to i32
      %cond3A_476 = arith.constant 0 : i32
      %cond3A_477 = arith.cmpi ne, %convert_element_type3A_475, %cond3A_476 : i32
      scf.if %cond3A_477 {
        %add3A_629 = arith.constant 4 : i32
        %add3A_630 = arith.addi %add3A_418, %add3A_629 : i32
        %mul3A_631 = arith.constant 2 : i32
        %mul3A_632 = arith.muli %add3A_630, %mul3A_631 : i32
        %add3A_633 = arith.addi %mul3A_2, %mul3A_632 : i32
        %dma_start3A_634 = arith.constant 0 : i32
        %dma_start3A_635 = tpu.memref_slice %arg2[%add3A_633, %dma_start3A_634] : memref<4096x200xi32, #tpu.memory_space<hbm>> -> memref<2x200xi32, #tpu.memory_space<hbm>>
        %dma_start3A_636 = arith.constant 0 : i32
        %dma_start3A_637 = tpu.memref_slice %arg2[%add3A_633, %dma_start3A_636] : memref<4096x200xi32, #tpu.memory_space<hbm>> -> memref<2x200xi32, #tpu.memory_space<hbm>>
        tpu.enqueue_dma source(%dma_start3A_637 : memref<2x200xi32, #tpu.memory_space<hbm>>) target(%arg8 : memref<2x200xi32, #tpu.memory_space<vmem>>) target_semaphore(%arg25 : memref<!tpu.dma_semaphore, #tpu.memory_space<semaphore_mem>>)
      } else {
      }
      %scan3A_478 = arith.constant 0 : i32
      %scan3A_479 = arith.constant 0 : i32
      %scan3A_480 = arith.constant 200 : i32
      %scan3A_481 = arith.addi %scan3A_479, %scan3A_480 : i32
      %scan3A_482 = arith.constant 4 : i32
      scf.for %scan3A_629 = %scan3A_479 to %scan3A_481 step %scan3A_482  : i32 {
        %get3A = arith.index_cast %scan3A_629 : i32 to index
        %get3A_630 = arith.constant 0 : index
        %get3A_631 = tpu.vector_load %arg14[%get3A, %get3A_630] {strides = array<i32>} : memref<200x64xf32, #tpu.memory_space<vmem>>, vector<1x16xf32>,
        %get3A_632 = vector.shape_cast %get3A_631 : vector<1x16xf32> to vector<16xf32>
        %add3A_633 = arith.constant 0 : i32
        %add3A_634 = arith.addi %add3A_633, %scan3A_629 : i32
        %get3A_635 = arith.index_cast %add3A_634 : i32 to index
        %get3A_636 = arith.constant 0 : index
        %get3A_637 = tpu.vector_load %arg12[%get3A_635, %get3A_636] {strides = array<i32>} : memref<400x64xf32, #tpu.memory_space<vmem>>, vector<1x16xf32>,
        %get3A_638 = vector.shape_cast %get3A_637 : vector<1x16xf32> to vector<16xf32>
        %mul3A_639 = arith.constant 8.000000e+00 : f32
        %mul3A_640 = vector.broadcast %mul3A_639 : f32 to vector<16xf32>
        %mul3A_641 = arith.mulf %get3A_638, %mul3A_640 : vector<16xf32>
        %add3A_642 = arith.addf %mul3A_641, %get3A_632 : vector<16xf32>
        %swap3A = arith.index_cast %add3A_634 : i32 to index
        %swap3A_643 = arith.constant 0 : index
        %swap3A_644 = tpu.vector_load %arg12[%swap3A, %swap3A_643] {strides = array<i32>} : memref<400x64xf32, #tpu.memory_space<vmem>>, vector<1x16xf32>,
        %swap3A_645 = vector.shape_cast %swap3A_644 : vector<1x16xf32> to vector<16xf32>
        %swap3A_646 = vector.shape_cast %add3A_642 : vector<16xf32> to vector<1x16xf32>
        tpu.vector_store %arg12[%swap3A, %swap3A_643], %swap3A_646 {strides = array<i32>} : memref<400x64xf32, #tpu.memory_space<vmem>>, vector<1x16xf32>,
        %add3A_647 = arith.constant 200 : i32
        %add3A_648 = arith.addi %add3A_647, %scan3A_629 : i32
        %get3A_649 = arith.index_cast %add3A_648 : i32 to index
        %get3A_650 = arith.constant 0 : index
        %get3A_651 = tpu.vector_load %arg12[%get3A_649, %get3A_650] {strides = array<i32>} : memref<400x64xf32, #tpu.memory_space<vmem>>, vector<1x16xf32>,
        %get3A_652 = vector.shape_cast %get3A_651 : vector<1x16xf32> to vector<16xf32>
        %mul3A_653 = arith.constant 8.000000e+00 : f32
        %mul3A_654 = vector.broadcast %mul3A_653 : f32 to vector<16xf32>
        %mul3A_655 = arith.mulf %get3A_652, %mul3A_654 : vector<16xf32>
        %add3A_656 = arith.addf %mul3A_655, %get3A_632 : vector<16xf32>
        %swap3A_657 = arith.index_cast %add3A_648 : i32 to index
        %swap3A_658 = arith.constant 0 : index
        %swap3A_659 = tpu.vector_load %arg12[%swap3A_657, %swap3A_658] {strides = array<i32>} : memref<400x64xf32, #tpu.memory_space<vmem>>, vector<1x16xf32>,
        %swap3A_660 = vector.shape_cast %swap3A_659 : vector<1x16xf32> to vector<16xf32>
        %swap3A_661 = vector.shape_cast %add3A_656 : vector<16xf32> to vector<1x16xf32>
        tpu.vector_store %arg12[%swap3A_657, %swap3A_658], %swap3A_661 {strides = array<i32>} : memref<400x64xf32, #tpu.memory_space<vmem>>, vector<1x16xf32>,
        %get3A_662 = arith.index_cast %scan3A_629 : i32 to index
        %get3A_663 = arith.constant 16 : index
        %get3A_664 = tpu.vector_load %arg14[%get3A_662, %get3A_663] {strides = array<i32>} : memref<200x64xf32, #tpu.memory_space<vmem>>, vector<1x16xf32>,
        %get3A_665 = vector.shape_cast %get3A_664 : vector<1x16xf32> to vector<16xf32>
        %add3A_666 = arith.constant 0 : i32
        %add3A_667 = arith.addi %add3A_666, %scan3A_629 : i32
        %get3A_668 = arith.index_cast %add3A_667 : i32 to index
        %get3A_669 = arith.constant 16 : index
        %get3A_670 = tpu.vector_load %arg12[%get3A_668, %get3A_669] {strides = array<i32>} : memref<400x64xf32, #tpu.memory_space<vmem>>, vector<1x16xf32>,
        %get3A_671 = vector.shape_cast %get3A_670 : vector<1x16xf32> to vector<16xf32>
        %mul3A_672 = arith.constant 8.000000e+00 : f32
        %mul3A_673 = vector.broadcast %mul3A_672 : f32 to vector<16xf32>
        %mul3A_674 = arith.mulf %get3A_671, %mul3A_673 : vector<16xf32>
        %add3A_675 = arith.addf %mul3A_674, %get3A_665 : vector<16xf32>
        %swap3A_676 = arith.index_cast %add3A_667 : i32 to index
        %swap3A_677 = arith.constant 16 : index
        %swap3A_678 = tpu.vector_load %arg12[%swap3A_676, %swap3A_677] {strides = array<i32>} : memref<400x64xf32, #tpu.memory_space<vmem>>, vector<1x16xf32>,
        %swap3A_679 = vector.shape_cast %swap3A_678 : vector<1x16xf32> to vector<16xf32>
        %swap3A_680 = vector.shape_cast %add3A_675 : vector<16xf32> to vector<1x16xf32>
        tpu.vector_store %arg12[%swap3A_676, %swap3A_677], %swap3A_680 {strides = array<i32>} : memref<400x64xf32, #tpu.memory_space<vmem>>, vector<1x16xf32>,
        %add3A_681 = arith.constant 200 : i32
        %add3A_682 = arith.addi %add3A_681, %scan3A_629 : i32
        %get3A_683 = arith.index_cast %add3A_682 : i32 to index
        %get3A_684 = arith.constant 16 : index
        %get3A_685 = tpu.vector_load %arg12[%get3A_683, %get3A_684] {strides = array<i32>} : memref<400x64xf32, #tpu.memory_space<vmem>>, vector<1x16xf32>,
        %get3A_686 = vector.shape_cast %get3A_685 : vector<1x16xf32> to vector<16xf32>
        %mul3A_687 = arith.constant 8.000000e+00 : f32
        %mul3A_688 = vector.broadcast %mul3A_687 : f32 to vector<16xf32>
        %mul3A_689 = arith.mulf %get3A_686, %mul3A_688 : vector<16xf32>
        %add3A_690 = arith.addf %mul3A_689, %get3A_665 : vector<16xf32>
        %swap3A_691 = arith.index_cast %add3A_682 : i32 to index
        %swap3A_692 = arith.constant 16 : index
        %swap3A_693 = tpu.vector_load %arg12[%swap3A_691, %swap3A_692] {strides = array<i32>} : memref<400x64xf32, #tpu.memory_space<vmem>>, vector<1x16xf32>,
        %swap3A_694 = vector.shape_cast %swap3A_693 : vector<1x16xf32> to vector<16xf32>
        %swap3A_695 = vector.shape_cast %add3A_690 : vector<16xf32> to vector<1x16xf32>
        tpu.vector_store %arg12[%swap3A_691, %swap3A_692], %swap3A_695 {strides = array<i32>} : memref<400x64xf32, #tpu.memory_space<vmem>>, vector<1x16xf32>,
        %get3A_696 = arith.index_cast %scan3A_629 : i32 to index
        %get3A_697 = arith.constant 32 : index
        %get3A_698 = tpu.vector_load %arg14[%get3A_696, %get3A_697] {strides = array<i32>} : memref<200x64xf32, #tpu.memory_space<vmem>>, vector<1x16xf32>,
        %get3A_699 = vector.shape_cast %get3A_698 : vector<1x16xf32> to vector<16xf32>
        %add3A_700 = arith.constant 0 : i32
        %add3A_701 = arith.addi %add3A_700, %scan3A_629 : i32
        %get3A_702 = arith.index_cast %add3A_701 : i32 to index
        %get3A_703 = arith.constant 32 : index
        %get3A_704 = tpu.vector_load %arg12[%get3A_702, %get3A_703] {strides = array<i32>} : memref<400x64xf32, #tpu.memory_space<vmem>>, vector<1x16xf32>,
        %get3A_705 = vector.shape_cast %get3A_704 : vector<1x16xf32> to vector<16xf32>
        %mul3A_706 = arith.constant 8.000000e+00 : f32
        %mul3A_707 = vector.broadcast %mul3A_706 : f32 to vector<16xf32>
        %mul3A_708 = arith.mulf %get3A_705, %mul3A_707 : vector<16xf32>
        %add3A_709 = arith.addf %mul3A_708, %get3A_699 : vector<16xf32>
        %swap3A_710 = arith.index_cast %add3A_701 : i32 to index
        %swap3A_711 = arith.constant 32 : index
        %swap3A_712 = tpu.vector_load %arg12[%swap3A_710, %swap3A_711] {strides = array<i32>} : memref<400x64xf32, #tpu.memory_space<vmem>>, vector<1x16xf32>,
        %swap3A_713 = vector.shape_cast %swap3A_712 : vector<1x16xf32> to vector<16xf32>
        %swap3A_714 = vector.shape_cast %add3A_709 : vector<16xf32> to vector<1x16xf32>
        tpu.vector_store %arg12[%swap3A_710, %swap3A_711], %swap3A_714 {strides = array<i32>} : memref<400x64xf32, #tpu.memory_space<vmem>>, vector<1x16xf32>,
        %add3A_715 = arith.constant 200 : i32
        %add3A_716 = arith.addi %add3A_715, %scan3A_629 : i32
        %get3A_717 = arith.index_cast %add3A_716 : i32 to index
        %get3A_718 = arith.constant 32 : index
        %get3A_719 = tpu.vector_load %arg12[%get3A_717, %get3A_718] {strides = array<i32>} : memref<400x64xf32, #tpu.memory_space<vmem>>, vector<1x16xf32>,
        %get3A_720 = vector.shape_cast %get3A_719 : vector<1x16xf32> to vector<16xf32>
        %mul3A_721 = arith.constant 8.000000e+00 : f32
        %mul3A_722 = vector.broadcast %mul3A_721 : f32 to vector<16xf32>
        %mul3A_723 = arith.mulf %get3A_720, %mul3A_722 : vector<16xf32>
        %add3A_724 = arith.addf %mul3A_723, %get3A_699 : vector<16xf32>
        %swap3A_725 = arith.index_cast %add3A_716 : i32 to index
        %swap3A_726 = arith.constant 32 : index
        %swap3A_727 = tpu.vector_load %arg12[%swap3A_725, %swap3A_726] {strides = array<i32>} : memref<400x64xf32, #tpu.memory_space<vmem>>, vector<1x16xf32>,
        %swap3A_728 = vector.shape_cast %swap3A_727 : vector<1x16xf32> to vector<16xf32>
        %swap3A_729 = vector.shape_cast %add3A_724 : vector<16xf32> to vector<1x16xf32>
        tpu.vector_store %arg12[%swap3A_725, %swap3A_726], %swap3A_729 {strides = array<i32>} : memref<400x64xf32, #tpu.memory_space<vmem>>, vector<1x16xf32>,
        %get3A_730 = arith.index_cast %scan3A_629 : i32 to index
        %get3A_731 = arith.constant 48 : index
        %get3A_732 = tpu.vector_load %arg14[%get3A_730, %get3A_731] {strides = array<i32>} : memref<200x64xf32, #tpu.memory_space<vmem>>, vector<1x16xf32>,
        %get3A_733 = vector.shape_cast %get3A_732 : vector<1x16xf32> to vector<16xf32>
        %add3A_734 = arith.constant 0 : i32
        %add3A_735 = arith.addi %add3A_734, %scan3A_629 : i32
        %get3A_736 = arith.index_cast %add3A_735 : i32 to index
        %get3A_737 = arith.constant 48 : index
        %get3A_738 = tpu.vector_load %arg12[%get3A_736, %get3A_737] {strides = array<i32>} : memref<400x64xf32, #tpu.memory_space<vmem>>, vector<1x16xf32>,
        %get3A_739 = vector.shape_cast %get3A_738 : vector<1x16xf32> to vector<16xf32>
        %mul3A_740 = arith.constant 8.000000e+00 : f32
        %mul3A_741 = vector.broadcast %mul3A_740 : f32 to vector<16xf32>
        %mul3A_742 = arith.mulf %get3A_739, %mul3A_741 : vector<16xf32>
        %add3A_743 = arith.addf %mul3A_742, %get3A_733 : vector<16xf32>
        %swap3A_744 = arith.index_cast %add3A_735 : i32 to index
        %swap3A_745 = arith.constant 48 : index
        %swap3A_746 = tpu.vector_load %arg12[%swap3A_744, %swap3A_745] {strides = array<i32>} : memref<400x64xf32, #tpu.memory_space<vmem>>, vector<1x16xf32>,
        %swap3A_747 = vector.shape_cast %swap3A_746 : vector<1x16xf32> to vector<16xf32>
        %swap3A_748 = vector.shape_cast %add3A_743 : vector<16xf32> to vector<1x16xf32>
        tpu.vector_store %arg12[%swap3A_744, %swap3A_745], %swap3A_748 {strides = array<i32>} : memref<400x64xf32, #tpu.memory_space<vmem>>, vector<1x16xf32>,
        %add3A_749 = arith.constant 200 : i32
        %add3A_750 = arith.addi %add3A_749, %scan3A_629 : i32
        %get3A_751 = arith.index_cast %add3A_750 : i32 to index
        %get3A_752 = arith.constant 48 : index
        %get3A_753 = tpu.vector_load %arg12[%get3A_751, %get3A_752] {strides = array<i32>} : memref<400x64xf32, #tpu.memory_space<vmem>>, vector<1x16xf32>,
        %get3A_754 = vector.shape_cast %get3A_753 : vector<1x16xf32> to vector<16xf32>
        %mul3A_755 = arith.constant 8.000000e+00 : f32
        %mul3A_756 = vector.broadcast %mul3A_755 : f32 to vector<16xf32>
        %mul3A_757 = arith.mulf %get3A_754, %mul3A_756 : vector<16xf32>
        %add3A_758 = arith.addf %mul3A_757, %get3A_733 : vector<16xf32>
        %swap3A_759 = arith.index_cast %add3A_750 : i32 to index
        %swap3A_760 = arith.constant 48 : index
        %swap3A_761 = tpu.vector_load %arg12[%swap3A_759, %swap3A_760] {strides = array<i32>} : memref<400x64xf32, #tpu.memory_space<vmem>>, vector<1x16xf32>,
        %swap3A_762 = vector.shape_cast %swap3A_761 : vector<1x16xf32> to vector<16xf32>
        %swap3A_763 = vector.shape_cast %add3A_758 : vector<16xf32> to vector<1x16xf32>
        tpu.vector_store %arg12[%swap3A_759, %swap3A_760], %swap3A_763 {strides = array<i32>} : memref<400x64xf32, #tpu.memory_space<vmem>>, vector<1x16xf32>,
        %scan3A_764 = arith.constant 1 : i32
        %scan3A_765 = arith.addi %scan3A_629, %scan3A_764 : i32
        %get3A_766 = arith.index_cast %scan3A_765 : i32 to index
        %get3A_767 = arith.constant 0 : index
        %get3A_768 = tpu.vector_load %arg14[%get3A_766, %get3A_767] {strides = array<i32>} : memref<200x64xf32, #tpu.memory_space<vmem>>, vector<1x16xf32>,
        %get3A_769 = vector.shape_cast %get3A_768 : vector<1x16xf32> to vector<16xf32>
        %add3A_770 = arith.constant 0 : i32
        %add3A_771 = arith.addi %add3A_770, %scan3A_765 : i32
        %get3A_772 = arith.index_cast %add3A_771 : i32 to index
        %get3A_773 = arith.constant 0 : index
        %get3A_774 = tpu.vector_load %arg12[%get3A_772, %get3A_773] {strides = array<i32>} : memref<400x64xf32, #tpu.memory_space<vmem>>, vector<1x16xf32>,
        %get3A_775 = vector.shape_cast %get3A_774 : vector<1x16xf32> to vector<16xf32>
        %mul3A_776 = arith.constant 8.000000e+00 : f32
        %mul3A_777 = vector.broadcast %mul3A_776 : f32 to vector<16xf32>
        %mul3A_778 = arith.mulf %get3A_775, %mul3A_777 : vector<16xf32>
        %add3A_779 = arith.addf %mul3A_778, %get3A_769 : vector<16xf32>
        %swap3A_780 = arith.index_cast %add3A_771 : i32 to index
        %swap3A_781 = arith.constant 0 : index
        %swap3A_782 = tpu.vector_load %arg12[%swap3A_780, %swap3A_781] {strides = array<i32>} : memref<400x64xf32, #tpu.memory_space<vmem>>, vector<1x16xf32>,
        %swap3A_783 = vector.shape_cast %swap3A_782 : vector<1x16xf32> to vector<16xf32>
        %swap3A_784 = vector.shape_cast %add3A_779 : vector<16xf32> to vector<1x16xf32>
        tpu.vector_store %arg12[%swap3A_780, %swap3A_781], %swap3A_784 {strides = array<i32>} : memref<400x64xf32, #tpu.memory_space<vmem>>, vector<1x16xf32>,
        %add3A_785 = arith.constant 200 : i32
        %add3A_786 = arith.addi %add3A_785, %scan3A_765 : i32
        %get3A_787 = arith.index_cast %add3A_786 : i32 to index
        %get3A_788 = arith.constant 0 : index
        %get3A_789 = tpu.vector_load %arg12[%get3A_787, %get3A_788] {strides = array<i32>} : memref<400x64xf32, #tpu.memory_space<vmem>>, vector<1x16xf32>,
        %get3A_790 = vector.shape_cast %get3A_789 : vector<1x16xf32> to vector<16xf32>
        %mul3A_791 = arith.constant 8.000000e+00 : f32
        %mul3A_792 = vector.broadcast %mul3A_791 : f32 to vector<16xf32>
        %mul3A_793 = arith.mulf %get3A_790, %mul3A_792 : vector<16xf32>
        %add3A_794 = arith.addf %mul3A_793, %get3A_769 : vector<16xf32>
        %swap3A_795 = arith.index_cast %add3A_786 : i32 to index
        %swap3A_796 = arith.constant 0 : index
        %swap3A_797 = tpu.vector_load %arg12[%swap3A_795, %swap3A_796] {strides = array<i32>} : memref<400x64xf32, #tpu.memory_space<vmem>>, vector<1x16xf32>,
        %swap3A_798 = vector.shape_cast %swap3A_797 : vector<1x16xf32> to vector<16xf32>
        %swap3A_799 = vector.shape_cast %add3A_794 : vector<16xf32> to vector<1x16xf32>
        tpu.vector_store %arg12[%swap3A_795, %swap3A_796], %swap3A_799 {strides = array<i32>} : memref<400x64xf32, #tpu.memory_space<vmem>>, vector<1x16xf32>,
        %get3A_800 = arith.index_cast %scan3A_765 : i32 to index
        %get3A_801 = arith.constant 16 : index
        %get3A_802 = tpu.vector_load %arg14[%get3A_800, %get3A_801] {strides = array<i32>} : memref<200x64xf32, #tpu.memory_space<vmem>>, vector<1x16xf32>,
        %get3A_803 = vector.shape_cast %get3A_802 : vector<1x16xf32> to vector<16xf32>
        %add3A_804 = arith.constant 0 : i32
        %add3A_805 = arith.addi %add3A_804, %scan3A_765 : i32
        %get3A_806 = arith.index_cast %add3A_805 : i32 to index
        %get3A_807 = arith.constant 16 : index
        %get3A_808 = tpu.vector_load %arg12[%get3A_806, %get3A_807] {strides = array<i32>} : memref<400x64xf32, #tpu.memory_space<vmem>>, vector<1x16xf32>,
        %get3A_809 = vector.shape_cast %get3A_808 : vector<1x16xf32> to vector<16xf32>
        %mul3A_810 = arith.constant 8.000000e+00 : f32
        %mul3A_811 = vector.broadcast %mul3A_810 : f32 to vector<16xf32>
        %mul3A_812 = arith.mulf %get3A_809, %mul3A_811 : vector<16xf32>
        %add3A_813 = arith.addf %mul3A_812, %get3A_803 : vector<16xf32>
        %swap3A_814 = arith.index_cast %add3A_805 : i32 to index
        %swap3A_815 = arith.constant 16 : index
        %swap3A_816 = tpu.vector_load %arg12[%swap3A_814, %swap3A_815] {strides = array<i32>} : memref<400x64xf32, #tpu.memory_space<vmem>>, vector<1x16xf32>,
        %swap3A_817 = vector.shape_cast %swap3A_816 : vector<1x16xf32> to vector<16xf32>
        %swap3A_818 = vector.shape_cast %add3A_813 : vector<16xf32> to vector<1x16xf32>
        tpu.vector_store %arg12[%swap3A_814, %swap3A_815], %swap3A_818 {strides = array<i32>} : memref<400x64xf32, #tpu.memory_space<vmem>>, vector<1x16xf32>,
        %add3A_819 = arith.constant 200 : i32
        %add3A_820 = arith.addi %add3A_819, %scan3A_765 : i32
        %get3A_821 = arith.index_cast %add3A_820 : i32 to index
        %get3A_822 = arith.constant 16 : index
        %get3A_823 = tpu.vector_load %arg12[%get3A_821, %get3A_822] {strides = array<i32>} : memref<400x64xf32, #tpu.memory_space<vmem>>, vector<1x16xf32>,
        %get3A_824 = vector.shape_cast %get3A_823 : vector<1x16xf32> to vector<16xf32>
        %mul3A_825 = arith.constant 8.000000e+00 : f32
        %mul3A_826 = vector.broadcast %mul3A_825 : f32 to vector<16xf32>
        %mul3A_827 = arith.mulf %get3A_824, %mul3A_826 : vector<16xf32>
        %add3A_828 = arith.addf %mul3A_827, %get3A_803 : vector<16xf32>
        %swap3A_829 = arith.index_cast %add3A_820 : i32 to index
        %swap3A_830 = arith.constant 16 : index
        %swap3A_831 = tpu.vector_load %arg12[%swap3A_829, %swap3A_830] {strides = array<i32>} : memref<400x64xf32, #tpu.memory_space<vmem>>, vector<1x16xf32>,
        %swap3A_832 = vector.shape_cast %swap3A_831 : vector<1x16xf32> to vector<16xf32>
        %swap3A_833 = vector.shape_cast %add3A_828 : vector<16xf32> to vector<1x16xf32>
        tpu.vector_store %arg12[%swap3A_829, %swap3A_830], %swap3A_833 {strides = array<i32>} : memref<400x64xf32, #tpu.memory_space<vmem>>, vector<1x16xf32>,
        %get3A_834 = arith.index_cast %scan3A_765 : i32 to index
        %get3A_835 = arith.constant 32 : index
        %get3A_836 = tpu.vector_load %arg14[%get3A_834, %get3A_835] {strides = array<i32>} : memref<200x64xf32, #tpu.memory_space<vmem>>, vector<1x16xf32>,
        %get3A_837 = vector.shape_cast %get3A_836 : vector<1x16xf32> to vector<16xf32>
        %add3A_838 = arith.constant 0 : i32
        %add3A_839 = arith.addi %add3A_838, %scan3A_765 : i32
        %get3A_840 = arith.index_cast %add3A_839 : i32 to index
        %get3A_841 = arith.constant 32 : index
        %get3A_842 = tpu.vector_load %arg12[%get3A_840, %get3A_841] {strides = array<i32>} : memref<400x64xf32, #tpu.memory_space<vmem>>, vector<1x16xf32>,
        %get3A_843 = vector.shape_cast %get3A_842 : vector<1x16xf32> to vector<16xf32>
        %mul3A_844 = arith.constant 8.000000e+00 : f32
        %mul3A_845 = vector.broadcast %mul3A_844 : f32 to vector<16xf32>
        %mul3A_846 = arith.mulf %get3A_843, %mul3A_845 : vector<16xf32>
        %add3A_847 = arith.addf %mul3A_846, %get3A_837 : vector<16xf32>
        %swap3A_848 = arith.index_cast %add3A_839 : i32 to index
        %swap3A_849 = arith.constant 32 : index
        %swap3A_850 = tpu.vector_load %arg12[%swap3A_848, %swap3A_849] {strides = array<i32>} : memref<400x64xf32, #tpu.memory_space<vmem>>, vector<1x16xf32>,
        %swap3A_851 = vector.shape_cast %swap3A_850 : vector<1x16xf32> to vector<16xf32>
        %swap3A_852 = vector.shape_cast %add3A_847 : vector<16xf32> to vector<1x16xf32>
        tpu.vector_store %arg12[%swap3A_848, %swap3A_849], %swap3A_852 {strides = array<i32>} : memref<400x64xf32, #tpu.memory_space<vmem>>, vector<1x16xf32>,
        %add3A_853 = arith.constant 200 : i32
        %add3A_854 = arith.addi %add3A_853, %scan3A_765 : i32
        %get3A_855 = arith.index_cast %add3A_854 : i32 to index
        %get3A_856 = arith.constant 32 : index
        %get3A_857 = tpu.vector_load %arg12[%get3A_855, %get3A_856] {strides = array<i32>} : memref<400x64xf32, #tpu.memory_space<vmem>>, vector<1x16xf32>,
        %get3A_858 = vector.shape_cast %get3A_857 : vector<1x16xf32> to vector<16xf32>
        %mul3A_859 = arith.constant 8.000000e+00 : f32
        %mul3A_860 = vector.broadcast %mul3A_859 : f32 to vector<16xf32>
        %mul3A_861 = arith.mulf %get3A_858, %mul3A_860 : vector<16xf32>
        %add3A_862 = arith.addf %mul3A_861, %get3A_837 : vector<16xf32>
        %swap3A_863 = arith.index_cast %add3A_854 : i32 to index
        %swap3A_864 = arith.constant 32 : index
        %swap3A_865 = tpu.vector_load %arg12[%swap3A_863, %swap3A_864] {strides = array<i32>} : memref<400x64xf32, #tpu.memory_space<vmem>>, vector<1x16xf32>,
        %swap3A_866 = vector.shape_cast %swap3A_865 : vector<1x16xf32> to vector<16xf32>
        %swap3A_867 = vector.shape_cast %add3A_862 : vector<16xf32> to vector<1x16xf32>
        tpu.vector_store %arg12[%swap3A_863, %swap3A_864], %swap3A_867 {strides = array<i32>} : memref<400x64xf32, #tpu.memory_space<vmem>>, vector<1x16xf32>,
        %get3A_868 = arith.index_cast %scan3A_765 : i32 to index
        %get3A_869 = arith.constant 48 : index
        %get3A_870 = tpu.vector_load %arg14[%get3A_868, %get3A_869] {strides = array<i32>} : memref<200x64xf32, #tpu.memory_space<vmem>>, vector<1x16xf32>,
        %get3A_871 = vector.shape_cast %get3A_870 : vector<1x16xf32> to vector<16xf32>
        %add3A_872 = arith.constant 0 : i32
        %add3A_873 = arith.addi %add3A_872, %scan3A_765 : i32
        %get3A_874 = arith.index_cast %add3A_873 : i32 to index
        %get3A_875 = arith.constant 48 : index
        %get3A_876 = tpu.vector_load %arg12[%get3A_874, %get3A_875] {strides = array<i32>} : memref<400x64xf32, #tpu.memory_space<vmem>>, vector<1x16xf32>,
        %get3A_877 = vector.shape_cast %get3A_876 : vector<1x16xf32> to vector<16xf32>
        %mul3A_878 = arith.constant 8.000000e+00 : f32
        %mul3A_879 = vector.broadcast %mul3A_878 : f32 to vector<16xf32>
        %mul3A_880 = arith.mulf %get3A_877, %mul3A_879 : vector<16xf32>
        %add3A_881 = arith.addf %mul3A_880, %get3A_871 : vector<16xf32>
        %swap3A_882 = arith.index_cast %add3A_873 : i32 to index
        %swap3A_883 = arith.constant 48 : index
        %swap3A_884 = tpu.vector_load %arg12[%swap3A_882, %swap3A_883] {strides = array<i32>} : memref<400x64xf32, #tpu.memory_space<vmem>>, vector<1x16xf32>,
        %swap3A_885 = vector.shape_cast %swap3A_884 : vector<1x16xf32> to vector<16xf32>
        %swap3A_886 = vector.shape_cast %add3A_881 : vector<16xf32> to vector<1x16xf32>
        tpu.vector_store %arg12[%swap3A_882, %swap3A_883], %swap3A_886 {strides = array<i32>} : memref<400x64xf32, #tpu.memory_space<vmem>>, vector<1x16xf32>,
        %add3A_887 = arith.constant 200 : i32
        %add3A_888 = arith.addi %add3A_887, %scan3A_765 : i32
        %get3A_889 = arith.index_cast %add3A_888 : i32 to index
        %get3A_890 = arith.constant 48 : index
        %get3A_891 = tpu.vector_load %arg12[%get3A_889, %get3A_890] {strides = array<i32>} : memref<400x64xf32, #tpu.memory_space<vmem>>, vector<1x16xf32>,
        %get3A_892 = vector.shape_cast %get3A_891 : vector<1x16xf32> to vector<16xf32>
        %mul3A_893 = arith.constant 8.000000e+00 : f32
        %mul3A_894 = vector.broadcast %mul3A_893 : f32 to vector<16xf32>
        %mul3A_895 = arith.mulf %get3A_892, %mul3A_894 : vector<16xf32>
        %add3A_896 = arith.addf %mul3A_895, %get3A_871 : vector<16xf32>
        %swap3A_897 = arith.index_cast %add3A_888 : i32 to index
        %swap3A_898 = arith.constant 48 : index
        %swap3A_899 = tpu.vector_load %arg12[%swap3A_897, %swap3A_898] {strides = array<i32>} : memref<400x64xf32, #tpu.memory_space<vmem>>, vector<1x16xf32>,
        %swap3A_900 = vector.shape_cast %swap3A_899 : vector<1x16xf32> to vector<16xf32>
        %swap3A_901 = vector.shape_cast %add3A_896 : vector<16xf32> to vector<1x16xf32>
        tpu.vector_store %arg12[%swap3A_897, %swap3A_898], %swap3A_901 {strides = array<i32>} : memref<400x64xf32, #tpu.memory_space<vmem>>, vector<1x16xf32>,
        %scan3A_902 = arith.constant 2 : i32
        %scan3A_903 = arith.addi %scan3A_629, %scan3A_902 : i32
        %get3A_904 = arith.index_cast %scan3A_903 : i32 to index
        %get3A_905 = arith.constant 0 : index
        %get3A_906 = tpu.vector_load %arg14[%get3A_904, %get3A_905] {strides = array<i32>} : memref<200x64xf32, #tpu.memory_space<vmem>>, vector<1x16xf32>,
        %get3A_907 = vector.shape_cast %get3A_906 : vector<1x16xf32> to vector<16xf32>
        %add3A_908 = arith.constant 0 : i32
        %add3A_909 = arith.addi %add3A_908, %scan3A_903 : i32
        %get3A_910 = arith.index_cast %add3A_909 : i32 to index
        %get3A_911 = arith.constant 0 : index
        %get3A_912 = tpu.vector_load %arg12[%get3A_910, %get3A_911] {strides = array<i32>} : memref<400x64xf32, #tpu.memory_space<vmem>>, vector<1x16xf32>,
        %get3A_913 = vector.shape_cast %get3A_912 : vector<1x16xf32> to vector<16xf32>
        %mul3A_914 = arith.constant 8.000000e+00 : f32
        %mul3A_915 = vector.broadcast %mul3A_914 : f32 to vector<16xf32>
        %mul3A_916 = arith.mulf %get3A_913, %mul3A_915 : vector<16xf32>
        %add3A_917 = arith.addf %mul3A_916, %get3A_907 : vector<16xf32>
        %swap3A_918 = arith.index_cast %add3A_909 : i32 to index
        %swap3A_919 = arith.constant 0 : index
        %swap3A_920 = tpu.vector_load %arg12[%swap3A_918, %swap3A_919] {strides = array<i32>} : memref<400x64xf32, #tpu.memory_space<vmem>>, vector<1x16xf32>,
        %swap3A_921 = vector.shape_cast %swap3A_920 : vector<1x16xf32> to vector<16xf32>
        %swap3A_922 = vector.shape_cast %add3A_917 : vector<16xf32> to vector<1x16xf32>
        tpu.vector_store %arg12[%swap3A_918, %swap3A_919], %swap3A_922 {strides = array<i32>} : memref<400x64xf32, #tpu.memory_space<vmem>>, vector<1x16xf32>,
        %add3A_923 = arith.constant 200 : i32
        %add3A_924 = arith.addi %add3A_923, %scan3A_903 : i32
        %get3A_925 = arith.index_cast %add3A_924 : i32 to index
        %get3A_926 = arith.constant 0 : index
        %get3A_927 = tpu.vector_load %arg12[%get3A_925, %get3A_926] {strides = array<i32>} : memref<400x64xf32, #tpu.memory_space<vmem>>, vector<1x16xf32>,
        %get3A_928 = vector.shape_cast %get3A_927 : vector<1x16xf32> to vector<16xf32>
        %mul3A_929 = arith.constant 8.000000e+00 : f32
        %mul3A_930 = vector.broadcast %mul3A_929 : f32 to vector<16xf32>
        %mul3A_931 = arith.mulf %get3A_928, %mul3A_930 : vector<16xf32>
        %add3A_932 = arith.addf %mul3A_931, %get3A_907 : vector<16xf32>
        %swap3A_933 = arith.index_cast %add3A_924 : i32 to index
        %swap3A_934 = arith.constant 0 : index
        %swap3A_935 = tpu.vector_load %arg12[%swap3A_933, %swap3A_934] {strides = array<i32>} : memref<400x64xf32, #tpu.memory_space<vmem>>, vector<1x16xf32>,
        %swap3A_936 = vector.shape_cast %swap3A_935 : vector<1x16xf32> to vector<16xf32>
        %swap3A_937 = vector.shape_cast %add3A_932 : vector<16xf32> to vector<1x16xf32>
        tpu.vector_store %arg12[%swap3A_933, %swap3A_934], %swap3A_937 {strides = array<i32>} : memref<400x64xf32, #tpu.memory_space<vmem>>, vector<1x16xf32>,
        %get3A_938 = arith.index_cast %scan3A_903 : i32 to index
        %get3A_939 = arith.constant 16 : index
        %get3A_940 = tpu.vector_load %arg14[%get3A_938, %get3A_939] {strides = array<i32>} : memref<200x64xf32, #tpu.memory_space<vmem>>, vector<1x16xf32>,
        %get3A_941 = vector.shape_cast %get3A_940 : vector<1x16xf32> to vector<16xf32>
        %add3A_942 = arith.constant 0 : i32
        %add3A_943 = arith.addi %add3A_942, %scan3A_903 : i32
        %get3A_944 = arith.index_cast %add3A_943 : i32 to index
        %get3A_945 = arith.constant 16 : index
        %get3A_946 = tpu.vector_load %arg12[%get3A_944, %get3A_945] {strides = array<i32>} : memref<400x64xf32, #tpu.memory_space<vmem>>, vector<1x16xf32>,
        %get3A_947 = vector.shape_cast %get3A_946 : vector<1x16xf32> to vector<16xf32>
        %mul3A_948 = arith.constant 8.000000e+00 : f32
        %mul3A_949 = vector.broadcast %mul3A_948 : f32 to vector<16xf32>
        %mul3A_950 = arith.mulf %get3A_947, %mul3A_949 : vector<16xf32>
        %add3A_951 = arith.addf %mul3A_950, %get3A_941 : vector<16xf32>
        %swap3A_952 = arith.index_cast %add3A_943 : i32 to index
        %swap3A_953 = arith.constant 16 : index
        %swap3A_954 = tpu.vector_load %arg12[%swap3A_952, %swap3A_953] {strides = array<i32>} : memref<400x64xf32, #tpu.memory_space<vmem>>, vector<1x16xf32>,
        %swap3A_955 = vector.shape_cast %swap3A_954 : vector<1x16xf32> to vector<16xf32>
        %swap3A_956 = vector.shape_cast %add3A_951 : vector<16xf32> to vector<1x16xf32>
        tpu.vector_store %arg12[%swap3A_952, %swap3A_953], %swap3A_956 {strides = array<i32>} : memref<400x64xf32, #tpu.memory_space<vmem>>, vector<1x16xf32>,
        %add3A_957 = arith.constant 200 : i32
        %add3A_958 = arith.addi %add3A_957, %scan3A_903 : i32
        %get3A_959 = arith.index_cast %add3A_958 : i32 to index
        %get3A_960 = arith.constant 16 : index
        %get3A_961 = tpu.vector_load %arg12[%get3A_959, %get3A_960] {strides = array<i32>} : memref<400x64xf32, #tpu.memory_space<vmem>>, vector<1x16xf32>,
        %get3A_962 = vector.shape_cast %get3A_961 : vector<1x16xf32> to vector<16xf32>
        %mul3A_963 = arith.constant 8.000000e+00 : f32
        %mul3A_964 = vector.broadcast %mul3A_963 : f32 to vector<16xf32>
        %mul3A_965 = arith.mulf %get3A_962, %mul3A_964 : vector<16xf32>
        %add3A_966 = arith.addf %mul3A_965, %get3A_941 : vector<16xf32>
        %swap3A_967 = arith.index_cast %add3A_958 : i32 to index
        %swap3A_968 = arith.constant 16 : index
        %swap3A_969 = tpu.vector_load %arg12[%swap3A_967, %swap3A_968] {strides = array<i32>} : memref<400x64xf32, #tpu.memory_space<vmem>>, vector<1x16xf32>,
        %swap3A_970 = vector.shape_cast %swap3A_969 : vector<1x16xf32> to vector<16xf32>
        %swap3A_971 = vector.shape_cast %add3A_966 : vector<16xf32> to vector<1x16xf32>
        tpu.vector_store %arg12[%swap3A_967, %swap3A_968], %swap3A_971 {strides = array<i32>} : memref<400x64xf32, #tpu.memory_space<vmem>>, vector<1x16xf32>,
        %get3A_972 = arith.index_cast %scan3A_903 : i32 to index
        %get3A_973 = arith.constant 32 : index
        %get3A_974 = tpu.vector_load %arg14[%get3A_972, %get3A_973] {strides = array<i32>} : memref<200x64xf32, #tpu.memory_space<vmem>>, vector<1x16xf32>,
        %get3A_975 = vector.shape_cast %get3A_974 : vector<1x16xf32> to vector<16xf32>
        %add3A_976 = arith.constant 0 : i32
        %add3A_977 = arith.addi %add3A_976, %scan3A_903 : i32
        %get3A_978 = arith.index_cast %add3A_977 : i32 to index
        %get3A_979 = arith.constant 32 : index
        %get3A_980 = tpu.vector_load %arg12[%get3A_978, %get3A_979] {strides = array<i32>} : memref<400x64xf32, #tpu.memory_space<vmem>>, vector<1x16xf32>,
        %get3A_981 = vector.shape_cast %get3A_980 : vector<1x16xf32> to vector<16xf32>
        %mul3A_982 = arith.constant 8.000000e+00 : f32
        %mul3A_983 = vector.broadcast %mul3A_982 : f32 to vector<16xf32>
        %mul3A_984 = arith.mulf %get3A_981, %mul3A_983 : vector<16xf32>
        %add3A_985 = arith.addf %mul3A_984, %get3A_975 : vector<16xf32>
        %swap3A_986 = arith.index_cast %add3A_977 : i32 to index
        %swap3A_987 = arith.constant 32 : index
        %swap3A_988 = tpu.vector_load %arg12[%swap3A_986, %swap3A_987] {strides = array<i32>} : memref<400x64xf32, #tpu.memory_space<vmem>>, vector<1x16xf32>,
        %swap3A_989 = vector.shape_cast %swap3A_988 : vector<1x16xf32> to vector<16xf32>
        %swap3A_990 = vector.shape_cast %add3A_985 : vector<16xf32> to vector<1x16xf32>
        tpu.vector_store %arg12[%swap3A_986, %swap3A_987], %swap3A_990 {strides = array<i32>} : memref<400x64xf32, #tpu.memory_space<vmem>>, vector<1x16xf32>,
        %add3A_991 = arith.constant 200 : i32
        %add3A_992 = arith.addi %add3A_991, %scan3A_903 : i32
        %get3A_993 = arith.index_cast %add3A_992 : i32 to index
        %get3A_994 = arith.constant 32 : index
        %get3A_995 = tpu.vector_load %arg12[%get3A_993, %get3A_994] {strides = array<i32>} : memref<400x64xf32, #tpu.memory_space<vmem>>, vector<1x16xf32>,
        %get3A_996 = vector.shape_cast %get3A_995 : vector<1x16xf32> to vector<16xf32>
        %mul3A_997 = arith.constant 8.000000e+00 : f32
        %mul3A_998 = vector.broadcast %mul3A_997 : f32 to vector<16xf32>
        %mul3A_999 = arith.mulf %get3A_996, %mul3A_998 : vector<16xf32>
        %add3A_1000 = arith.addf %mul3A_999, %get3A_975 : vector<16xf32>
        %swap3A_1001 = arith.index_cast %add3A_992 : i32 to index
        %swap3A_1002 = arith.constant 32 : index
        %swap3A_1003 = tpu.vector_load %arg12[%swap3A_1001, %swap3A_1002] {strides = array<i32>} : memref<400x64xf32, #tpu.memory_space<vmem>>, vector<1x16xf32>,
        %swap3A_1004 = vector.shape_cast %swap3A_1003 : vector<1x16xf32> to vector<16xf32>
        %swap3A_1005 = vector.shape_cast %add3A_1000 : vector<16xf32> to vector<1x16xf32>
        tpu.vector_store %arg12[%swap3A_1001, %swap3A_1002], %swap3A_1005 {strides = array<i32>} : memref<400x64xf32, #tpu.memory_space<vmem>>, vector<1x16xf32>,
        %get3A_1006 = arith.index_cast %scan3A_903 : i32 to index
        %get3A_1007 = arith.constant 48 : index
        %get3A_1008 = tpu.vector_load %arg14[%get3A_1006, %get3A_1007] {strides = array<i32>} : memref<200x64xf32, #tpu.memory_space<vmem>>, vector<1x16xf32>,
        %get3A_1009 = vector.shape_cast %get3A_1008 : vector<1x16xf32> to vector<16xf32>
        %add3A_1010 = arith.constant 0 : i32
        %add3A_1011 = arith.addi %add3A_1010, %scan3A_903 : i32
        %get3A_1012 = arith.index_cast %add3A_1011 : i32 to index
        %get3A_1013 = arith.constant 48 : index
        %get3A_1014 = tpu.vector_load %arg12[%get3A_1012, %get3A_1013] {strides = array<i32>} : memref<400x64xf32, #tpu.memory_space<vmem>>, vector<1x16xf32>,
        %get3A_1015 = vector.shape_cast %get3A_1014 : vector<1x16xf32> to vector<16xf32>
        %mul3A_1016 = arith.constant 8.000000e+00 : f32
        %mul3A_1017 = vector.broadcast %mul3A_1016 : f32 to vector<16xf32>
        %mul3A_1018 = arith.mulf %get3A_1015, %mul3A_1017 : vector<16xf32>
        %add3A_1019 = arith.addf %mul3A_1018, %get3A_1009 : vector<16xf32>
        %swap3A_1020 = arith.index_cast %add3A_1011 : i32 to index
        %swap3A_1021 = arith.constant 48 : index
        %swap3A_1022 = tpu.vector_load %arg12[%swap3A_1020, %swap3A_1021] {strides = array<i32>} : memref<400x64xf32, #tpu.memory_space<vmem>>, vector<1x16xf32>,
        %swap3A_1023 = vector.shape_cast %swap3A_1022 : vector<1x16xf32> to vector<16xf32>
        %swap3A_1024 = vector.shape_cast %add3A_1019 : vector<16xf32> to vector<1x16xf32>
        tpu.vector_store %arg12[%swap3A_1020, %swap3A_1021], %swap3A_1024 {strides = array<i32>} : memref<400x64xf32, #tpu.memory_space<vmem>>, vector<1x16xf32>,
        %add3A_1025 = arith.constant 200 : i32
        %add3A_1026 = arith.addi %add3A_1025, %scan3A_903 : i32
        %get3A_1027 = arith.index_cast %add3A_1026 : i32 to index
        %get3A_1028 = arith.constant 48 : index
        %get3A_1029 = tpu.vector_load %arg12[%get3A_1027, %get3A_1028] {strides = array<i32>} : memref<400x64xf32, #tpu.memory_space<vmem>>, vector<1x16xf32>,
        %get3A_1030 = vector.shape_cast %get3A_1029 : vector<1x16xf32> to vector<16xf32>
        %mul3A_1031 = arith.constant 8.000000e+00 : f32
        %mul3A_1032 = vector.broadcast %mul3A_1031 : f32 to vector<16xf32>
        %mul3A_1033 = arith.mulf %get3A_1030, %mul3A_1032 : vector<16xf32>
        %add3A_1034 = arith.addf %mul3A_1033, %get3A_1009 : vector<16xf32>
        %swap3A_1035 = arith.index_cast %add3A_1026 : i32 to index
        %swap3A_1036 = arith.constant 48 : index
        %swap3A_1037 = tpu.vector_load %arg12[%swap3A_1035, %swap3A_1036] {strides = array<i32>} : memref<400x64xf32, #tpu.memory_space<vmem>>, vector<1x16xf32>,
        %swap3A_1038 = vector.shape_cast %swap3A_1037 : vector<1x16xf32> to vector<16xf32>
        %swap3A_1039 = vector.shape_cast %add3A_1034 : vector<16xf32> to vector<1x16xf32>
        tpu.vector_store %arg12[%swap3A_1035, %swap3A_1036], %swap3A_1039 {strides = array<i32>} : memref<400x64xf32, #tpu.memory_space<vmem>>, vector<1x16xf32>,
        %scan3A_1040 = arith.constant 3 : i32
        %scan3A_1041 = arith.addi %scan3A_629, %scan3A_1040 : i32
        %get3A_1042 = arith.index_cast %scan3A_1041 : i32 to index
        %get3A_1043 = arith.constant 0 : index
        %get3A_1044 = tpu.vector_load %arg14[%get3A_1042, %get3A_1043] {strides = array<i32>} : memref<200x64xf32, #tpu.memory_space<vmem>>, vector<1x16xf32>,
        %get3A_1045 = vector.shape_cast %get3A_1044 : vector<1x16xf32> to vector<16xf32>
        %add3A_1046 = arith.constant 0 : i32
        %add3A_1047 = arith.addi %add3A_1046, %scan3A_1041 : i32
        %get3A_1048 = arith.index_cast %add3A_1047 : i32 to index
        %get3A_1049 = arith.constant 0 : index
        %get3A_1050 = tpu.vector_load %arg12[%get3A_1048, %get3A_1049] {strides = array<i32>} : memref<400x64xf32, #tpu.memory_space<vmem>>, vector<1x16xf32>,
        %get3A_1051 = vector.shape_cast %get3A_1050 : vector<1x16xf32> to vector<16xf32>
        %mul3A_1052 = arith.constant 8.000000e+00 : f32
        %mul3A_1053 = vector.broadcast %mul3A_1052 : f32 to vector<16xf32>
        %mul3A_1054 = arith.mulf %get3A_1051, %mul3A_1053 : vector<16xf32>
        %add3A_1055 = arith.addf %mul3A_1054, %get3A_1045 : vector<16xf32>
        %swap3A_1056 = arith.index_cast %add3A_1047 : i32 to index
        %swap3A_1057 = arith.constant 0 : index
        %swap3A_1058 = tpu.vector_load %arg12[%swap3A_1056, %swap3A_1057] {strides = array<i32>} : memref<400x64xf32, #tpu.memory_space<vmem>>, vector<1x16xf32>,
        %swap3A_1059 = vector.shape_cast %swap3A_1058 : vector<1x16xf32> to vector<16xf32>
        %swap3A_1060 = vector.shape_cast %add3A_1055 : vector<16xf32> to vector<1x16xf32>
        tpu.vector_store %arg12[%swap3A_1056, %swap3A_1057], %swap3A_1060 {strides = array<i32>} : memref<400x64xf32, #tpu.memory_space<vmem>>, vector<1x16xf32>,
        %add3A_1061 = arith.constant 200 : i32
        %add3A_1062 = arith.addi %add3A_1061, %scan3A_1041 : i32
        %get3A_1063 = arith.index_cast %add3A_1062 : i32 to index
        %get3A_1064 = arith.constant 0 : index
        %get3A_1065 = tpu.vector_load %arg12[%get3A_1063, %get3A_1064] {strides = array<i32>} : memref<400x64xf32, #tpu.memory_space<vmem>>, vector<1x16xf32>,
        %get3A_1066 = vector.shape_cast %get3A_1065 : vector<1x16xf32> to vector<16xf32>
        %mul3A_1067 = arith.constant 8.000000e+00 : f32
        %mul3A_1068 = vector.broadcast %mul3A_1067 : f32 to vector<16xf32>
        %mul3A_1069 = arith.mulf %get3A_1066, %mul3A_1068 : vector<16xf32>
        %add3A_1070 = arith.addf %mul3A_1069, %get3A_1045 : vector<16xf32>
        %swap3A_1071 = arith.index_cast %add3A_1062 : i32 to index
        %swap3A_1072 = arith.constant 0 : index
        %swap3A_1073 = tpu.vector_load %arg12[%swap3A_1071, %swap3A_1072] {strides = array<i32>} : memref<400x64xf32, #tpu.memory_space<vmem>>, vector<1x16xf32>,
        %swap3A_1074 = vector.shape_cast %swap3A_1073 : vector<1x16xf32> to vector<16xf32>
        %swap3A_1075 = vector.shape_cast %add3A_1070 : vector<16xf32> to vector<1x16xf32>
        tpu.vector_store %arg12[%swap3A_1071, %swap3A_1072], %swap3A_1075 {strides = array<i32>} : memref<400x64xf32, #tpu.memory_space<vmem>>, vector<1x16xf32>,
        %get3A_1076 = arith.index_cast %scan3A_1041 : i32 to index
        %get3A_1077 = arith.constant 16 : index
        %get3A_1078 = tpu.vector_load %arg14[%get3A_1076, %get3A_1077] {strides = array<i32>} : memref<200x64xf32, #tpu.memory_space<vmem>>, vector<1x16xf32>,
        %get3A_1079 = vector.shape_cast %get3A_1078 : vector<1x16xf32> to vector<16xf32>
        %add3A_1080 = arith.constant 0 : i32
        %add3A_1081 = arith.addi %add3A_1080, %scan3A_1041 : i32
        %get3A_1082 = arith.index_cast %add3A_1081 : i32 to index
        %get3A_1083 = arith.constant 16 : index
        %get3A_1084 = tpu.vector_load %arg12[%get3A_1082, %get3A_1083] {strides = array<i32>} : memref<400x64xf32, #tpu.memory_space<vmem>>, vector<1x16xf32>,
        %get3A_1085 = vector.shape_cast %get3A_1084 : vector<1x16xf32> to vector<16xf32>
        %mul3A_1086 = arith.constant 8.000000e+00 : f32
        %mul3A_1087 = vector.broadcast %mul3A_1086 : f32 to vector<16xf32>
        %mul3A_1088 = arith.mulf %get3A_1085, %mul3A_1087 : vector<16xf32>
        %add3A_1089 = arith.addf %mul3A_1088, %get3A_1079 : vector<16xf32>
        %swap3A_1090 = arith.index_cast %add3A_1081 : i32 to index
        %swap3A_1091 = arith.constant 16 : index
        %swap3A_1092 = tpu.vector_load %arg12[%swap3A_1090, %swap3A_1091] {strides = array<i32>} : memref<400x64xf32, #tpu.memory_space<vmem>>, vector<1x16xf32>,
        %swap3A_1093 = vector.shape_cast %swap3A_1092 : vector<1x16xf32> to vector<16xf32>
        %swap3A_1094 = vector.shape_cast %add3A_1089 : vector<16xf32> to vector<1x16xf32>
        tpu.vector_store %arg12[%swap3A_1090, %swap3A_1091], %swap3A_1094 {strides = array<i32>} : memref<400x64xf32, #tpu.memory_space<vmem>>, vector<1x16xf32>,
        %add3A_1095 = arith.constant 200 : i32
        %add3A_1096 = arith.addi %add3A_1095, %scan3A_1041 : i32
        %get3A_1097 = arith.index_cast %add3A_1096 : i32 to index
        %get3A_1098 = arith.constant 16 : index
        %get3A_1099 = tpu.vector_load %arg12[%get3A_1097, %get3A_1098] {strides = array<i32>} : memref<400x64xf32, #tpu.memory_space<vmem>>, vector<1x16xf32>,
        %get3A_1100 = vector.shape_cast %get3A_1099 : vector<1x16xf32> to vector<16xf32>
        %mul3A_1101 = arith.constant 8.000000e+00 : f32
        %mul3A_1102 = vector.broadcast %mul3A_1101 : f32 to vector<16xf32>
        %mul3A_1103 = arith.mulf %get3A_1100, %mul3A_1102 : vector<16xf32>
        %add3A_1104 = arith.addf %mul3A_1103, %get3A_1079 : vector<16xf32>
        %swap3A_1105 = arith.index_cast %add3A_1096 : i32 to index
        %swap3A_1106 = arith.constant 16 : index
        %swap3A_1107 = tpu.vector_load %arg12[%swap3A_1105, %swap3A_1106] {strides = array<i32>} : memref<400x64xf32, #tpu.memory_space<vmem>>, vector<1x16xf32>,
        %swap3A_1108 = vector.shape_cast %swap3A_1107 : vector<1x16xf32> to vector<16xf32>
        %swap3A_1109 = vector.shape_cast %add3A_1104 : vector<16xf32> to vector<1x16xf32>
        tpu.vector_store %arg12[%swap3A_1105, %swap3A_1106], %swap3A_1109 {strides = array<i32>} : memref<400x64xf32, #tpu.memory_space<vmem>>, vector<1x16xf32>,
        %get3A_1110 = arith.index_cast %scan3A_1041 : i32 to index
        %get3A_1111 = arith.constant 32 : index
        %get3A_1112 = tpu.vector_load %arg14[%get3A_1110, %get3A_1111] {strides = array<i32>} : memref<200x64xf32, #tpu.memory_space<vmem>>, vector<1x16xf32>,
        %get3A_1113 = vector.shape_cast %get3A_1112 : vector<1x16xf32> to vector<16xf32>
        %add3A_1114 = arith.constant 0 : i32
        %add3A_1115 = arith.addi %add3A_1114, %scan3A_1041 : i32
        %get3A_1116 = arith.index_cast %add3A_1115 : i32 to index
        %get3A_1117 = arith.constant 32 : index
        %get3A_1118 = tpu.vector_load %arg12[%get3A_1116, %get3A_1117] {strides = array<i32>} : memref<400x64xf32, #tpu.memory_space<vmem>>, vector<1x16xf32>,
        %get3A_1119 = vector.shape_cast %get3A_1118 : vector<1x16xf32> to vector<16xf32>
        %mul3A_1120 = arith.constant 8.000000e+00 : f32
        %mul3A_1121 = vector.broadcast %mul3A_1120 : f32 to vector<16xf32>
        %mul3A_1122 = arith.mulf %get3A_1119, %mul3A_1121 : vector<16xf32>
        %add3A_1123 = arith.addf %mul3A_1122, %get3A_1113 : vector<16xf32>
        %swap3A_1124 = arith.index_cast %add3A_1115 : i32 to index
        %swap3A_1125 = arith.constant 32 : index
        %swap3A_1126 = tpu.vector_load %arg12[%swap3A_1124, %swap3A_1125] {strides = array<i32>} : memref<400x64xf32, #tpu.memory_space<vmem>>, vector<1x16xf32>,
        %swap3A_1127 = vector.shape_cast %swap3A_1126 : vector<1x16xf32> to vector<16xf32>
        %swap3A_1128 = vector.shape_cast %add3A_1123 : vector<16xf32> to vector<1x16xf32>
        tpu.vector_store %arg12[%swap3A_1124, %swap3A_1125], %swap3A_1128 {strides = array<i32>} : memref<400x64xf32, #tpu.memory_space<vmem>>, vector<1x16xf32>,
        %add3A_1129 = arith.constant 200 : i32
        %add3A_1130 = arith.addi %add3A_1129, %scan3A_1041 : i32
        %get3A_1131 = arith.index_cast %add3A_1130 : i32 to index
        %get3A_1132 = arith.constant 32 : index
        %get3A_1133 = tpu.vector_load %arg12[%get3A_1131, %get3A_1132] {strides = array<i32>} : memref<400x64xf32, #tpu.memory_space<vmem>>, vector<1x16xf32>,
        %get3A_1134 = vector.shape_cast %get3A_1133 : vector<1x16xf32> to vector<16xf32>
        %mul3A_1135 = arith.constant 8.000000e+00 : f32
        %mul3A_1136 = vector.broadcast %mul3A_1135 : f32 to vector<16xf32>
        %mul3A_1137 = arith.mulf %get3A_1134, %mul3A_1136 : vector<16xf32>
        %add3A_1138 = arith.addf %mul3A_1137, %get3A_1113 : vector<16xf32>
        %swap3A_1139 = arith.index_cast %add3A_1130 : i32 to index
        %swap3A_1140 = arith.constant 32 : index
        %swap3A_1141 = tpu.vector_load %arg12[%swap3A_1139, %swap3A_1140] {strides = array<i32>} : memref<400x64xf32, #tpu.memory_space<vmem>>, vector<1x16xf32>,
        %swap3A_1142 = vector.shape_cast %swap3A_1141 : vector<1x16xf32> to vector<16xf32>
        %swap3A_1143 = vector.shape_cast %add3A_1138 : vector<16xf32> to vector<1x16xf32>
        tpu.vector_store %arg12[%swap3A_1139, %swap3A_1140], %swap3A_1143 {strides = array<i32>} : memref<400x64xf32, #tpu.memory_space<vmem>>, vector<1x16xf32>,
        %get3A_1144 = arith.index_cast %scan3A_1041 : i32 to index
        %get3A_1145 = arith.constant 48 : index
        %get3A_1146 = tpu.vector_load %arg14[%get3A_1144, %get3A_1145] {strides = array<i32>} : memref<200x64xf32, #tpu.memory_space<vmem>>, vector<1x16xf32>,
        %get3A_1147 = vector.shape_cast %get3A_1146 : vector<1x16xf32> to vector<16xf32>
        %add3A_1148 = arith.constant 0 : i32
        %add3A_1149 = arith.addi %add3A_1148, %scan3A_1041 : i32
        %get3A_1150 = arith.index_cast %add3A_1149 : i32 to index
        %get3A_1151 = arith.constant 48 : index
        %get3A_1152 = tpu.vector_load %arg12[%get3A_1150, %get3A_1151] {strides = array<i32>} : memref<400x64xf32, #tpu.memory_space<vmem>>, vector<1x16xf32>,
        %get3A_1153 = vector.shape_cast %get3A_1152 : vector<1x16xf32> to vector<16xf32>
        %mul3A_1154 = arith.constant 8.000000e+00 : f32
        %mul3A_1155 = vector.broadcast %mul3A_1154 : f32 to vector<16xf32>
        %mul3A_1156 = arith.mulf %get3A_1153, %mul3A_1155 : vector<16xf32>
        %add3A_1157 = arith.addf %mul3A_1156, %get3A_1147 : vector<16xf32>
        %swap3A_1158 = arith.index_cast %add3A_1149 : i32 to index
        %swap3A_1159 = arith.constant 48 : index
        %swap3A_1160 = tpu.vector_load %arg12[%swap3A_1158, %swap3A_1159] {strides = array<i32>} : memref<400x64xf32, #tpu.memory_space<vmem>>, vector<1x16xf32>,
        %swap3A_1161 = vector.shape_cast %swap3A_1160 : vector<1x16xf32> to vector<16xf32>
        %swap3A_1162 = vector.shape_cast %add3A_1157 : vector<16xf32> to vector<1x16xf32>
        tpu.vector_store %arg12[%swap3A_1158, %swap3A_1159], %swap3A_1162 {strides = array<i32>} : memref<400x64xf32, #tpu.memory_space<vmem>>, vector<1x16xf32>,
        %add3A_1163 = arith.constant 200 : i32
        %add3A_1164 = arith.addi %add3A_1163, %scan3A_1041 : i32
        %get3A_1165 = arith.index_cast %add3A_1164 : i32 to index
        %get3A_1166 = arith.constant 48 : index
        %get3A_1167 = tpu.vector_load %arg12[%get3A_1165, %get3A_1166] {strides = array<i32>} : memref<400x64xf32, #tpu.memory_space<vmem>>, vector<1x16xf32>,
        %get3A_1168 = vector.shape_cast %get3A_1167 : vector<1x16xf32> to vector<16xf32>
        %mul3A_1169 = arith.constant 8.000000e+00 : f32
        %mul3A_1170 = vector.broadcast %mul3A_1169 : f32 to vector<16xf32>
        %mul3A_1171 = arith.mulf %get3A_1168, %mul3A_1170 : vector<16xf32>
        %add3A_1172 = arith.addf %mul3A_1171, %get3A_1147 : vector<16xf32>
        %swap3A_1173 = arith.index_cast %add3A_1164 : i32 to index
        %swap3A_1174 = arith.constant 48 : index
        %swap3A_1175 = tpu.vector_load %arg12[%swap3A_1173, %swap3A_1174] {strides = array<i32>} : memref<400x64xf32, #tpu.memory_space<vmem>>, vector<1x16xf32>,
        %swap3A_1176 = vector.shape_cast %swap3A_1175 : vector<1x16xf32> to vector<16xf32>
        %swap3A_1177 = vector.shape_cast %add3A_1172 : vector<16xf32> to vector<1x16xf32>
        tpu.vector_store %arg12[%swap3A_1173, %swap3A_1174], %swap3A_1177 {strides = array<i32>} : memref<400x64xf32, #tpu.memory_space<vmem>>, vector<1x16xf32>,
      }
      %scan3A_483 = arith.constant 200 : i32
      %mul3A_484 = arith.constant 2 : i32
      %mul3A_485 = arith.muli %add3A_418, %mul3A_484 : i32
      %add3A_486 = arith.addi %mul3A_2, %mul3A_485 : i32
      %add3A_487 = arith.constant 0 : i32
      %add3A_488 = arith.addi %add3A_486, %add3A_487 : i32
      %dma_start3A_489 = arith.constant 0 : i32
      %dma_start3A_490 = arith.constant 0 : i32
      %dma_start3A_491 = tpu.memref_slice %arg12[%dma_start3A_489, %dma_start3A_490] : memref<400x64xf32, #tpu.memory_space<vmem>> -> memref<200x64xf32, #tpu.memory_space<vmem>>
      %dma_start3A_492 = arith.constant 0 : i32
      %dma_start3A_493 = arith.constant 0 : i32
      %dma_start3A_494 = tpu.memref_slice %arg5[%add3A_488, %dma_start3A_492, %dma_start3A_493] : memref<4096x200x128xf32, #tpu.memory_space<hbm>> -> memref<1x200x64xf32, #tpu.memory_space<hbm>>
      %dma_start3A_495 = tpu.memref_squeeze %dma_start3A_494 : memref<1x200x64xf32, #tpu.memory_space<hbm>> -> memref<200x64xf32, #tpu.memory_space<hbm>>
      %dma_start3A_496 = arith.constant 0 : i32
      %dma_start3A_497 = arith.constant 0 : i32
      %dma_start3A_498 = tpu.memref_slice %arg5[%add3A_488, %dma_start3A_496, %dma_start3A_497] : memref<4096x200x128xf32, #tpu.memory_space<hbm>> -> memref<1x200x64xf32, #tpu.memory_space<hbm>>
      %dma_start3A_499 = tpu.memref_squeeze %dma_start3A_498 : memref<1x200x64xf32, #tpu.memory_space<hbm>> -> memref<200x64xf32, #tpu.memory_space<hbm>>
      %dma_start3A_500 = arith.constant 0 : i32
      %dma_start3A_501 = arith.constant 0 : i32
      %dma_start3A_502 = tpu.memref_slice %arg12[%dma_start3A_500, %dma_start3A_501] : memref<400x64xf32, #tpu.memory_space<vmem>> -> memref<200x64xf32, #tpu.memory_space<vmem>>
      tpu.enqueue_dma source(%dma_start3A_502 : memref<200x64xf32, #tpu.memory_space<vmem>>) target(%dma_start3A_499 : memref<200x64xf32, #tpu.memory_space<hbm>>) target_semaphore(%arg21 : memref<!tpu.dma_semaphore, #tpu.memory_space<semaphore_mem>>)
      %mul3A_503 = arith.constant 2 : i32
      %mul3A_504 = arith.muli %add3A_418, %mul3A_503 : i32
      %add3A_505 = arith.addi %mul3A_2, %mul3A_504 : i32
      %add3A_506 = arith.constant 1 : i32
      %add3A_507 = arith.addi %add3A_505, %add3A_506 : i32
      %dma_start3A_508 = arith.constant 200 : i32
      %dma_start3A_509 = arith.constant 0 : i32
      %dma_start3A_510 = tpu.memref_slice %arg12[%dma_start3A_508, %dma_start3A_509] : memref<400x64xf32, #tpu.memory_space<vmem>> -> memref<200x64xf32, #tpu.memory_space<vmem>>
      %dma_start3A_511 = arith.constant 0 : i32
      %dma_start3A_512 = arith.constant 0 : i32
      %dma_start3A_513 = tpu.memref_slice %arg5[%add3A_507, %dma_start3A_511, %dma_start3A_512] : memref<4096x200x128xf32, #tpu.memory_space<hbm>> -> memref<1x200x64xf32, #tpu.memory_space<hbm>>
      %dma_start3A_514 = tpu.memref_squeeze %dma_start3A_513 : memref<1x200x64xf32, #tpu.memory_space<hbm>> -> memref<200x64xf32, #tpu.memory_space<hbm>>
      %dma_start3A_515 = arith.constant 0 : i32
      %dma_start3A_516 = arith.constant 0 : i32
      %dma_start3A_517 = tpu.memref_slice %arg5[%add3A_507, %dma_start3A_515, %dma_start3A_516] : memref<4096x200x128xf32, #tpu.memory_space<hbm>> -> memref<1x200x64xf32, #tpu.memory_space<hbm>>
      %dma_start3A_518 = tpu.memref_squeeze %dma_start3A_517 : memref<1x200x64xf32, #tpu.memory_space<hbm>> -> memref<200x64xf32, #tpu.memory_space<hbm>>
      %dma_start3A_519 = arith.constant 200 : i32
      %dma_start3A_520 = arith.constant 0 : i32
      %dma_start3A_521 = tpu.memref_slice %arg12[%dma_start3A_519, %dma_start3A_520] : memref<400x64xf32, #tpu.memory_space<vmem>> -> memref<200x64xf32, #tpu.memory_space<vmem>>
      tpu.enqueue_dma source(%dma_start3A_521 : memref<200x64xf32, #tpu.memory_space<vmem>>) target(%dma_start3A_518 : memref<200x64xf32, #tpu.memory_space<hbm>>) target_semaphore(%arg21 : memref<!tpu.dma_semaphore, #tpu.memory_space<semaphore_mem>>)
      %mul3A_522 = arith.constant 4 : i32
      %mul3A_523 = arith.muli %scan3A_204, %mul3A_522 : i32
      %add3A_524 = arith.constant 3 : i32
      %add3A_525 = arith.addi %mul3A_523, %add3A_524 : i32
      %ge3A_526 = arith.constant 1 : i32
      %ge3A_527 = arith.cmpi sge, %add3A_525, %ge3A_526 : i32
      %convert_element_type3A_528 = arith.extui %ge3A_527 : i1 to i32
      %cond3A_529 = arith.constant 0 : i32
      %cond3A_530 = arith.cmpi ne, %convert_element_type3A_528, %cond3A_529 : i32
      scf.if %cond3A_530 {
        %sub3A = arith.constant 1 : i32
        %sub3A_629 = arith.subi %add3A_525, %sub3A : i32
        %mul3A_630 = arith.constant 2 : i32
        %mul3A_631 = arith.muli %sub3A_629, %mul3A_630 : i32
        %add3A_632 = arith.addi %mul3A_2, %mul3A_631 : i32
        %add3A_633 = arith.constant 0 : i32
        %add3A_634 = arith.addi %add3A_632, %add3A_633 : i32
        %dma_wait3A_635 = arith.constant 0 : i32
        %dma_wait3A_636 = arith.constant 0 : i32
        %dma_wait3A_637 = tpu.memref_slice %arg12[%dma_wait3A_635, %dma_wait3A_636] : memref<400x64xf32, #tpu.memory_space<vmem>> -> memref<200x64xf32, #tpu.memory_space<vmem>>
        %dma_wait3A_638 = arith.constant 0 : i32
        %dma_wait3A_639 = arith.constant 0 : i32
        %dma_wait3A_640 = tpu.memref_slice %arg5[%add3A_634, %dma_wait3A_638, %dma_wait3A_639] : memref<4096x200x128xf32, #tpu.memory_space<hbm>> -> memref<1x200x64xf32, #tpu.memory_space<hbm>>
        %dma_wait3A_641 = tpu.memref_squeeze %dma_wait3A_640 : memref<1x200x64xf32, #tpu.memory_space<hbm>> -> memref<200x64xf32, #tpu.memory_space<hbm>>
        %dma_wait3A_642 = arith.constant 0 : i32
        %dma_wait3A_643 = arith.constant 0 : i32
        %dma_wait3A_644 = tpu.memref_slice %arg5[%add3A_634, %dma_wait3A_642, %dma_wait3A_643] : memref<4096x200x128xf32, #tpu.memory_space<hbm>> -> memref<1x200x64xf32, #tpu.memory_space<hbm>>
        %dma_wait3A_645 = tpu.memref_squeeze %dma_wait3A_644 : memref<1x200x64xf32, #tpu.memory_space<hbm>> -> memref<200x64xf32, #tpu.memory_space<hbm>>
        %dma_wait3A_646 = arith.constant 0 : i32
        %dma_wait3A_647 = arith.constant 0 : i32
        %dma_wait3A_648 = tpu.memref_slice %arg12[%dma_wait3A_646, %dma_wait3A_647] : memref<400x64xf32, #tpu.memory_space<vmem>> -> memref<200x64xf32, #tpu.memory_space<vmem>>
        tpu.wait_dma2 semaphore(%arg21 : memref<!tpu.dma_semaphore, #tpu.memory_space<semaphore_mem>>) src(%dma_wait3A_648 : memref<200x64xf32, #tpu.memory_space<vmem>>) dst(%dma_wait3A_645 : memref<200x64xf32, #tpu.memory_space<hbm>>)
        %mul3A_649 = arith.constant 2 : i32
        %mul3A_650 = arith.muli %sub3A_629, %mul3A_649 : i32
        %add3A_651 = arith.addi %mul3A_2, %mul3A_650 : i32
        %add3A_652 = arith.constant 1 : i32
        %add3A_653 = arith.addi %add3A_651, %add3A_652 : i32
        %dma_wait3A_654 = arith.constant 200 : i32
        %dma_wait3A_655 = arith.constant 0 : i32
        %dma_wait3A_656 = tpu.memref_slice %arg12[%dma_wait3A_654, %dma_wait3A_655] : memref<400x64xf32, #tpu.memory_space<vmem>> -> memref<200x64xf32, #tpu.memory_space<vmem>>
        %dma_wait3A_657 = arith.constant 0 : i32
        %dma_wait3A_658 = arith.constant 0 : i32
        %dma_wait3A_659 = tpu.memref_slice %arg5[%add3A_653, %dma_wait3A_657, %dma_wait3A_658] : memref<4096x200x128xf32, #tpu.memory_space<hbm>> -> memref<1x200x64xf32, #tpu.memory_space<hbm>>
        %dma_wait3A_660 = tpu.memref_squeeze %dma_wait3A_659 : memref<1x200x64xf32, #tpu.memory_space<hbm>> -> memref<200x64xf32, #tpu.memory_space<hbm>>
        %dma_wait3A_661 = arith.constant 0 : i32
        %dma_wait3A_662 = arith.constant 0 : i32
        %dma_wait3A_663 = tpu.memref_slice %arg5[%add3A_653, %dma_wait3A_661, %dma_wait3A_662] : memref<4096x200x128xf32, #tpu.memory_space<hbm>> -> memref<1x200x64xf32, #tpu.memory_space<hbm>>
        %dma_wait3A_664 = tpu.memref_squeeze %dma_wait3A_663 : memref<1x200x64xf32, #tpu.memory_space<hbm>> -> memref<200x64xf32, #tpu.memory_space<hbm>>
        %dma_wait3A_665 = arith.constant 200 : i32
        %dma_wait3A_666 = arith.constant 0 : i32
        %dma_wait3A_667 = tpu.memref_slice %arg12[%dma_wait3A_665, %dma_wait3A_666] : memref<400x64xf32, #tpu.memory_space<vmem>> -> memref<200x64xf32, #tpu.memory_space<vmem>>
        tpu.wait_dma2 semaphore(%arg21 : memref<!tpu.dma_semaphore, #tpu.memory_space<semaphore_mem>>) src(%dma_wait3A_667 : memref<200x64xf32, #tpu.memory_space<vmem>>) dst(%dma_wait3A_664 : memref<200x64xf32, #tpu.memory_space<hbm>>)
      } else {
      }
      %add3A_531 = arith.constant 3 : i32
      %add3A_532 = arith.addi %add3A_525, %add3A_531 : i32
      %lt3A_533 = arith.constant 64 : i32
      %lt3A_534 = arith.cmpi slt, %add3A_532, %lt3A_533 : i32
      %convert_element_type3A_535 = arith.extui %lt3A_534 : i1 to i32
      %cond3A_536 = arith.constant 0 : i32
      %cond3A_537 = arith.cmpi ne, %convert_element_type3A_535, %cond3A_536 : i32
      scf.if %cond3A_537 {
        %add3A_629 = arith.constant 3 : i32
        %add3A_630 = arith.addi %add3A_525, %add3A_629 : i32
        %mul3A_631 = arith.constant 2 : i32
        %mul3A_632 = arith.muli %add3A_630, %mul3A_631 : i32
        %add3A_633 = arith.addi %mul3A_2, %mul3A_632 : i32
        %dma_wait3A_634 = arith.constant 0 : i32
        %dma_wait3A_635 = tpu.memref_slice %arg2[%add3A_633, %dma_wait3A_634] : memref<4096x200xi32, #tpu.memory_space<hbm>> -> memref<2x200xi32, #tpu.memory_space<hbm>>
        %dma_wait3A_636 = arith.constant 0 : i32
        %dma_wait3A_637 = tpu.memref_slice %arg2[%add3A_633, %dma_wait3A_636] : memref<4096x200xi32, #tpu.memory_space<hbm>> -> memref<2x200xi32, #tpu.memory_space<hbm>>
        tpu.wait_dma2 semaphore(%arg25 : memref<!tpu.dma_semaphore, #tpu.memory_space<semaphore_mem>>) src(%dma_wait3A_637 : memref<2x200xi32, #tpu.memory_space<hbm>>) dst(%arg8 : memref<2x200xi32, #tpu.memory_space<vmem>>)
        %dma_start3A_638 = arith.constant 0 : i32
        %dma_start3A_639 = arith.constant 0 : i32
        %dma_start3A_640 = arith.constant 0 : i32
        %dma_start3A_641 = tpu.memref_slice %arg12[%dma_start3A_639, %dma_start3A_640] : memref<400x64xf32, #tpu.memory_space<vmem>> -> memref<128x64xf32, #tpu.memory_space<vmem>>
        %dma_start3A_642 = arith.constant 0 : i32
        %dma_start3A_643 = tpu.memref_slice %arg8[%dma_start3A_638, %dma_start3A_642] : memref<2x200xi32, #tpu.memory_space<vmem>> -> memref<1x128xi32, #tpu.memory_space<vmem>>
        %dma_start3A_644 = tpu.memref_squeeze %dma_start3A_643 : memref<1x128xi32, #tpu.memory_space<vmem>> -> memref<128xi32, #tpu.memory_space<vmem>>
        %dma_start3A_645 = arith.constant 0 : i32
        %dma_start3A_646 = arith.constant 0 : i32
        %dma_start3A_647 = tpu.memref_slice %arg3[%dma_start3A_645, %dma_start3A_646] : memref<1000000x64xf32, #tpu.memory_space<hbm>> -> memref<1000000x64xf32, #tpu.memory_space<hbm>>
        tpu.enqueue_indirect_dma source(%dma_start3A_647 : memref<1000000x64xf32, #tpu.memory_space<hbm>>) target(%dma_start3A_641 : memref<128x64xf32, #tpu.memory_space<vmem>>) offsets(%dma_start3A_644 : memref<128xi32, #tpu.memory_space<vmem>>) semaphore(%arg17 : memref<!tpu.dma_semaphore, #tpu.memory_space<semaphore_mem>>)
        %dma_start3A_648 = arith.constant 0 : i32
        %dma_start3A_649 = arith.constant 128 : i32
        %dma_start3A_650 = arith.constant 0 : i32
        %dma_start3A_651 = tpu.memref_slice %arg12[%dma_start3A_649, %dma_start3A_650] : memref<400x64xf32, #tpu.memory_space<vmem>> -> memref<72x64xf32, #tpu.memory_space<vmem>>
        %dma_start3A_652 = arith.constant 128 : i32
        %dma_start3A_653 = tpu.memref_slice %arg8[%dma_start3A_648, %dma_start3A_652] : memref<2x200xi32, #tpu.memory_space<vmem>> -> memref<1x72xi32, #tpu.memory_space<vmem>>
        %dma_start3A_654 = tpu.memref_squeeze %dma_start3A_653 : memref<1x72xi32, #tpu.memory_space<vmem>> -> memref<72xi32, #tpu.memory_space<vmem>>
        %dma_start3A_655 = arith.constant 0 : i32
        %dma_start3A_656 = arith.constant 0 : i32
        %dma_start3A_657 = tpu.memref_slice %arg3[%dma_start3A_655, %dma_start3A_656] : memref<1000000x64xf32, #tpu.memory_space<hbm>> -> memref<1000000x64xf32, #tpu.memory_space<hbm>>
        tpu.enqueue_indirect_dma source(%dma_start3A_657 : memref<1000000x64xf32, #tpu.memory_space<hbm>>) target(%dma_start3A_651 : memref<72x64xf32, #tpu.memory_space<vmem>>) offsets(%dma_start3A_654 : memref<72xi32, #tpu.memory_space<vmem>>) semaphore(%arg17 : memref<!tpu.dma_semaphore, #tpu.memory_space<semaphore_mem>>)
        %dma_start3A_658 = arith.constant 1 : i32
        %dma_start3A_659 = arith.constant 200 : i32
        %dma_start3A_660 = arith.constant 0 : i32
        %dma_start3A_661 = tpu.memref_slice %arg12[%dma_start3A_659, %dma_start3A_660] : memref<400x64xf32, #tpu.memory_space<vmem>> -> memref<128x64xf32, #tpu.memory_space<vmem>>
        %dma_start3A_662 = arith.constant 0 : i32
        %dma_start3A_663 = tpu.memref_slice %arg8[%dma_start3A_658, %dma_start3A_662] : memref<2x200xi32, #tpu.memory_space<vmem>> -> memref<1x128xi32, #tpu.memory_space<vmem>>
        %dma_start3A_664 = tpu.memref_squeeze %dma_start3A_663 : memref<1x128xi32, #tpu.memory_space<vmem>> -> memref<128xi32, #tpu.memory_space<vmem>>
        %dma_start3A_665 = arith.constant 0 : i32
        %dma_start3A_666 = arith.constant 0 : i32
        %dma_start3A_667 = tpu.memref_slice %arg3[%dma_start3A_665, %dma_start3A_666] : memref<1000000x64xf32, #tpu.memory_space<hbm>> -> memref<1000000x64xf32, #tpu.memory_space<hbm>>
        tpu.enqueue_indirect_dma source(%dma_start3A_667 : memref<1000000x64xf32, #tpu.memory_space<hbm>>) target(%dma_start3A_661 : memref<128x64xf32, #tpu.memory_space<vmem>>) offsets(%dma_start3A_664 : memref<128xi32, #tpu.memory_space<vmem>>) semaphore(%arg17 : memref<!tpu.dma_semaphore, #tpu.memory_space<semaphore_mem>>)
        %dma_start3A_668 = arith.constant 1 : i32
        %dma_start3A_669 = arith.constant 328 : i32
        %dma_start3A_670 = arith.constant 0 : i32
        %dma_start3A_671 = tpu.memref_slice %arg12[%dma_start3A_669, %dma_start3A_670] : memref<400x64xf32, #tpu.memory_space<vmem>> -> memref<72x64xf32, #tpu.memory_space<vmem>>
        %dma_start3A_672 = arith.constant 128 : i32
        %dma_start3A_673 = tpu.memref_slice %arg8[%dma_start3A_668, %dma_start3A_672] : memref<2x200xi32, #tpu.memory_space<vmem>> -> memref<1x72xi32, #tpu.memory_space<vmem>>
        %dma_start3A_674 = tpu.memref_squeeze %dma_start3A_673 : memref<1x72xi32, #tpu.memory_space<vmem>> -> memref<72xi32, #tpu.memory_space<vmem>>
        %dma_start3A_675 = arith.constant 0 : i32
        %dma_start3A_676 = arith.constant 0 : i32
        %dma_start3A_677 = tpu.memref_slice %arg3[%dma_start3A_675, %dma_start3A_676] : memref<1000000x64xf32, #tpu.memory_space<hbm>> -> memref<1000000x64xf32, #tpu.memory_space<hbm>>
        tpu.enqueue_indirect_dma source(%dma_start3A_677 : memref<1000000x64xf32, #tpu.memory_space<hbm>>) target(%dma_start3A_671 : memref<72x64xf32, #tpu.memory_space<vmem>>) offsets(%dma_start3A_674 : memref<72xi32, #tpu.memory_space<vmem>>) semaphore(%arg17 : memref<!tpu.dma_semaphore, #tpu.memory_space<semaphore_mem>>)
      } else {
      }
      %dma_wait3A_538 = arith.constant 0 : i32
      %dma_wait3A_539 = arith.constant 0 : i32
      %dma_wait3A_540 = arith.constant 0 : i32
      %dma_wait3A_541 = tpu.memref_slice %arg13[%dma_wait3A_539, %dma_wait3A_540] : memref<400x64xf32, #tpu.memory_space<vmem>> -> memref<128x64xf32, #tpu.memory_space<vmem>>
      %dma_wait3A_542 = arith.constant 0 : i32
      %dma_wait3A_543 = tpu.memref_slice %arg9[%dma_wait3A_538, %dma_wait3A_542] : memref<2x200xi32, #tpu.memory_space<vmem>> -> memref<1x128xi32, #tpu.memory_space<vmem>>
      %dma_wait3A_544 = tpu.memref_squeeze %dma_wait3A_543 : memref<1x128xi32, #tpu.memory_space<vmem>> -> memref<128xi32, #tpu.memory_space<vmem>>
      %dma_wait3A_545 = arith.constant 0 : i32
      %dma_wait3A_546 = arith.constant 0 : i32
      %dma_wait3A_547 = tpu.memref_slice %arg3[%dma_wait3A_545, %dma_wait3A_546] : memref<1000000x64xf32, #tpu.memory_space<hbm>> -> memref<1000000x64xf32, #tpu.memory_space<hbm>>
      tpu.wait_indirect_dma semaphore(%arg18 : memref<!tpu.dma_semaphore, #tpu.memory_space<semaphore_mem>>) src(%dma_wait3A_547 : memref<1000000x64xf32, #tpu.memory_space<hbm>>) dst(%dma_wait3A_541 : memref<128x64xf32, #tpu.memory_space<vmem>>)
      %dma_wait3A_548 = arith.constant 0 : i32
      %dma_wait3A_549 = arith.constant 128 : i32
      %dma_wait3A_550 = arith.constant 0 : i32
      %dma_wait3A_551 = tpu.memref_slice %arg13[%dma_wait3A_549, %dma_wait3A_550] : memref<400x64xf32, #tpu.memory_space<vmem>> -> memref<72x64xf32, #tpu.memory_space<vmem>>
      %dma_wait3A_552 = arith.constant 128 : i32
      %dma_wait3A_553 = tpu.memref_slice %arg9[%dma_wait3A_548, %dma_wait3A_552] : memref<2x200xi32, #tpu.memory_space<vmem>> -> memref<1x72xi32, #tpu.memory_space<vmem>>
      %dma_wait3A_554 = tpu.memref_squeeze %dma_wait3A_553 : memref<1x72xi32, #tpu.memory_space<vmem>> -> memref<72xi32, #tpu.memory_space<vmem>>
      %dma_wait3A_555 = arith.constant 0 : i32
      %dma_wait3A_556 = arith.constant 0 : i32
      %dma_wait3A_557 = tpu.memref_slice %arg3[%dma_wait3A_555, %dma_wait3A_556] : memref<1000000x64xf32, #tpu.memory_space<hbm>> -> memref<1000000x64xf32, #tpu.memory_space<hbm>>
      tpu.wait_indirect_dma semaphore(%arg18 : memref<!tpu.dma_semaphore, #tpu.memory_space<semaphore_mem>>) src(%dma_wait3A_557 : memref<1000000x64xf32, #tpu.memory_space<hbm>>) dst(%dma_wait3A_551 : memref<72x64xf32, #tpu.memory_space<vmem>>)
      %dma_wait3A_558 = arith.constant 1 : i32
      %dma_wait3A_559 = arith.constant 200 : i32
      %dma_wait3A_560 = arith.constant 0 : i32
      %dma_wait3A_561 = tpu.memref_slice %arg13[%dma_wait3A_559, %dma_wait3A_560] : memref<400x64xf32, #tpu.memory_space<vmem>> -> memref<128x64xf32, #tpu.memory_space<vmem>>
      %dma_wait3A_562 = arith.constant 0 : i32
      %dma_wait3A_563 = tpu.memref_slice %arg9[%dma_wait3A_558, %dma_wait3A_562] : memref<2x200xi32, #tpu.memory_space<vmem>> -> memref<1x128xi32, #tpu.memory_space<vmem>>
      %dma_wait3A_564 = tpu.memref_squeeze %dma_wait3A_563 : memref<1x128xi32, #tpu.memory_space<vmem>> -> memref<128xi32, #tpu.memory_space<vmem>>
      %dma_wait3A_565 = arith.constant 0 : i32
      %dma_wait3A_566 = arith.constant 0 : i32
      %dma_wait3A_567 = tpu.memref_slice %arg3[%dma_wait3A_565, %dma_wait3A_566] : memref<1000000x64xf32, #tpu.memory_space<hbm>> -> memref<1000000x64xf32, #tpu.memory_space<hbm>>
      tpu.wait_indirect_dma semaphore(%arg18 : memref<!tpu.dma_semaphore, #tpu.memory_space<semaphore_mem>>) src(%dma_wait3A_567 : memref<1000000x64xf32, #tpu.memory_space<hbm>>) dst(%dma_wait3A_561 : memref<128x64xf32, #tpu.memory_space<vmem>>)
      %dma_wait3A_568 = arith.constant 1 : i32
      %dma_wait3A_569 = arith.constant 328 : i32
      %dma_wait3A_570 = arith.constant 0 : i32
      %dma_wait3A_571 = tpu.memref_slice %arg13[%dma_wait3A_569, %dma_wait3A_570] : memref<400x64xf32, #tpu.memory_space<vmem>> -> memref<72x64xf32, #tpu.memory_space<vmem>>
      %dma_wait3A_572 = arith.constant 128 : i32
      %dma_wait3A_573 = tpu.memref_slice %arg9[%dma_wait3A_568, %dma_wait3A_572] : memref<2x200xi32, #tpu.memory_space<vmem>> -> memref<1x72xi32, #tpu.memory_space<vmem>>
      %dma_wait3A_574 = tpu.memref_squeeze %dma_wait3A_573 : memref<1x72xi32, #tpu.memory_space<vmem>> -> memref<72xi32, #tpu.memory_space<vmem>>
      %dma_wait3A_575 = arith.constant 0 : i32
      %dma_wait3A_576 = arith.constant 0 : i32
      %dma_wait3A_577 = tpu.memref_slice %arg3[%dma_wait3A_575, %dma_wait3A_576] : memref<1000000x64xf32, #tpu.memory_space<hbm>> -> memref<1000000x64xf32, #tpu.memory_space<hbm>>
      tpu.wait_indirect_dma semaphore(%arg18 : memref<!tpu.dma_semaphore, #tpu.memory_space<semaphore_mem>>) src(%dma_wait3A_577 : memref<1000000x64xf32, #tpu.memory_space<hbm>>) dst(%dma_wait3A_571 : memref<72x64xf32, #tpu.memory_space<vmem>>)
      %add3A_578 = arith.constant 4 : i32
      %add3A_579 = arith.addi %add3A_525, %add3A_578 : i32
      %lt3A_580 = arith.constant 64 : i32
      %lt3A_581 = arith.cmpi slt, %add3A_579, %lt3A_580 : i32
      %convert_element_type3A_582 = arith.extui %lt3A_581 : i1 to i32
      %cond3A_583 = arith.constant 0 : i32
      %cond3A_584 = arith.cmpi ne, %convert_element_type3A_582, %cond3A_583 : i32
      scf.if %cond3A_584 {
        %add3A_629 = arith.constant 4 : i32
        %add3A_630 = arith.addi %add3A_525, %add3A_629 : i32
        %mul3A_631 = arith.constant 2 : i32
        %mul3A_632 = arith.muli %add3A_630, %mul3A_631 : i32
        %add3A_633 = arith.addi %mul3A_2, %mul3A_632 : i32
        %dma_start3A_634 = arith.constant 0 : i32
        %dma_start3A_635 = tpu.memref_slice %arg2[%add3A_633, %dma_start3A_634] : memref<4096x200xi32, #tpu.memory_space<hbm>> -> memref<2x200xi32, #tpu.memory_space<hbm>>
        %dma_start3A_636 = arith.constant 0 : i32
        %dma_start3A_637 = tpu.memref_slice %arg2[%add3A_633, %dma_start3A_636] : memref<4096x200xi32, #tpu.memory_space<hbm>> -> memref<2x200xi32, #tpu.memory_space<hbm>>
        tpu.enqueue_dma source(%dma_start3A_637 : memref<2x200xi32, #tpu.memory_space<hbm>>) target(%arg9 : memref<2x200xi32, #tpu.memory_space<vmem>>) target_semaphore(%arg26 : memref<!tpu.dma_semaphore, #tpu.memory_space<semaphore_mem>>)
      } else {
      }
      %scan3A_585 = arith.constant 0 : i32
      %scan3A_586 = arith.constant 0 : i32
      %scan3A_587 = arith.constant 200 : i32
      %scan3A_588 = arith.addi %scan3A_586, %scan3A_587 : i32
      %scan3A_589 = arith.constant 4 : i32
      scf.for %scan3A_629 = %scan3A_586 to %scan3A_588 step %scan3A_589  : i32 {
        %get3A = arith.index_cast %scan3A_629 : i32 to index
        %get3A_630 = arith.constant 0 : index
        %get3A_631 = tpu.vector_load %arg14[%get3A, %get3A_630] {strides = array<i32>} : memref<200x64xf32, #tpu.memory_space<vmem>>, vector<1x16xf32>,
        %get3A_632 = vector.shape_cast %get3A_631 : vector<1x16xf32> to vector<16xf32>
        %add3A_633 = arith.constant 0 : i32
        %add3A_634 = arith.addi %add3A_633, %scan3A_629 : i32
        %get3A_635 = arith.index_cast %add3A_634 : i32 to index
        %get3A_636 = arith.constant 0 : index
        %get3A_637 = tpu.vector_load %arg13[%get3A_635, %get3A_636] {strides = array<i32>} : memref<400x64xf32, #tpu.memory_space<vmem>>, vector<1x16xf32>,
        %get3A_638 = vector.shape_cast %get3A_637 : vector<1x16xf32> to vector<16xf32>
        %mul3A_639 = arith.constant 8.000000e+00 : f32
        %mul3A_640 = vector.broadcast %mul3A_639 : f32 to vector<16xf32>
        %mul3A_641 = arith.mulf %get3A_638, %mul3A_640 : vector<16xf32>
        %add3A_642 = arith.addf %mul3A_641, %get3A_632 : vector<16xf32>
        %swap3A = arith.index_cast %add3A_634 : i32 to index
        %swap3A_643 = arith.constant 0 : index
        %swap3A_644 = tpu.vector_load %arg13[%swap3A, %swap3A_643] {strides = array<i32>} : memref<400x64xf32, #tpu.memory_space<vmem>>, vector<1x16xf32>,
        %swap3A_645 = vector.shape_cast %swap3A_644 : vector<1x16xf32> to vector<16xf32>
        %swap3A_646 = vector.shape_cast %add3A_642 : vector<16xf32> to vector<1x16xf32>
        tpu.vector_store %arg13[%swap3A, %swap3A_643], %swap3A_646 {strides = array<i32>} : memref<400x64xf32, #tpu.memory_space<vmem>>, vector<1x16xf32>,
        %add3A_647 = arith.constant 200 : i32
        %add3A_648 = arith.addi %add3A_647, %scan3A_629 : i32
        %get3A_649 = arith.index_cast %add3A_648 : i32 to index
        %get3A_650 = arith.constant 0 : index
        %get3A_651 = tpu.vector_load %arg13[%get3A_649, %get3A_650] {strides = array<i32>} : memref<400x64xf32, #tpu.memory_space<vmem>>, vector<1x16xf32>,
        %get3A_652 = vector.shape_cast %get3A_651 : vector<1x16xf32> to vector<16xf32>
        %mul3A_653 = arith.constant 8.000000e+00 : f32
        %mul3A_654 = vector.broadcast %mul3A_653 : f32 to vector<16xf32>
        %mul3A_655 = arith.mulf %get3A_652, %mul3A_654 : vector<16xf32>
        %add3A_656 = arith.addf %mul3A_655, %get3A_632 : vector<16xf32>
        %swap3A_657 = arith.index_cast %add3A_648 : i32 to index
        %swap3A_658 = arith.constant 0 : index
        %swap3A_659 = tpu.vector_load %arg13[%swap3A_657, %swap3A_658] {strides = array<i32>} : memref<400x64xf32, #tpu.memory_space<vmem>>, vector<1x16xf32>,
        %swap3A_660 = vector.shape_cast %swap3A_659 : vector<1x16xf32> to vector<16xf32>
        %swap3A_661 = vector.shape_cast %add3A_656 : vector<16xf32> to vector<1x16xf32>
        tpu.vector_store %arg13[%swap3A_657, %swap3A_658], %swap3A_661 {strides = array<i32>} : memref<400x64xf32, #tpu.memory_space<vmem>>, vector<1x16xf32>,
        %get3A_662 = arith.index_cast %scan3A_629 : i32 to index
        %get3A_663 = arith.constant 16 : index
        %get3A_664 = tpu.vector_load %arg14[%get3A_662, %get3A_663] {strides = array<i32>} : memref<200x64xf32, #tpu.memory_space<vmem>>, vector<1x16xf32>,
        %get3A_665 = vector.shape_cast %get3A_664 : vector<1x16xf32> to vector<16xf32>
        %add3A_666 = arith.constant 0 : i32
        %add3A_667 = arith.addi %add3A_666, %scan3A_629 : i32
        %get3A_668 = arith.index_cast %add3A_667 : i32 to index
        %get3A_669 = arith.constant 16 : index
        %get3A_670 = tpu.vector_load %arg13[%get3A_668, %get3A_669] {strides = array<i32>} : memref<400x64xf32, #tpu.memory_space<vmem>>, vector<1x16xf32>,
        %get3A_671 = vector.shape_cast %get3A_670 : vector<1x16xf32> to vector<16xf32>
        %mul3A_672 = arith.constant 8.000000e+00 : f32
        %mul3A_673 = vector.broadcast %mul3A_672 : f32 to vector<16xf32>
        %mul3A_674 = arith.mulf %get3A_671, %mul3A_673 : vector<16xf32>
        %add3A_675 = arith.addf %mul3A_674, %get3A_665 : vector<16xf32>
        %swap3A_676 = arith.index_cast %add3A_667 : i32 to index
        %swap3A_677 = arith.constant 16 : index
        %swap3A_678 = tpu.vector_load %arg13[%swap3A_676, %swap3A_677] {strides = array<i32>} : memref<400x64xf32, #tpu.memory_space<vmem>>, vector<1x16xf32>,
        %swap3A_679 = vector.shape_cast %swap3A_678 : vector<1x16xf32> to vector<16xf32>
        %swap3A_680 = vector.shape_cast %add3A_675 : vector<16xf32> to vector<1x16xf32>
        tpu.vector_store %arg13[%swap3A_676, %swap3A_677], %swap3A_680 {strides = array<i32>} : memref<400x64xf32, #tpu.memory_space<vmem>>, vector<1x16xf32>,
        %add3A_681 = arith.constant 200 : i32
        %add3A_682 = arith.addi %add3A_681, %scan3A_629 : i32
        %get3A_683 = arith.index_cast %add3A_682 : i32 to index
        %get3A_684 = arith.constant 16 : index
        %get3A_685 = tpu.vector_load %arg13[%get3A_683, %get3A_684] {strides = array<i32>} : memref<400x64xf32, #tpu.memory_space<vmem>>, vector<1x16xf32>,
        %get3A_686 = vector.shape_cast %get3A_685 : vector<1x16xf32> to vector<16xf32>
        %mul3A_687 = arith.constant 8.000000e+00 : f32
        %mul3A_688 = vector.broadcast %mul3A_687 : f32 to vector<16xf32>
        %mul3A_689 = arith.mulf %get3A_686, %mul3A_688 : vector<16xf32>
        %add3A_690 = arith.addf %mul3A_689, %get3A_665 : vector<16xf32>
        %swap3A_691 = arith.index_cast %add3A_682 : i32 to index
        %swap3A_692 = arith.constant 16 : index
        %swap3A_693 = tpu.vector_load %arg13[%swap3A_691, %swap3A_692] {strides = array<i32>} : memref<400x64xf32, #tpu.memory_space<vmem>>, vector<1x16xf32>,
        %swap3A_694 = vector.shape_cast %swap3A_693 : vector<1x16xf32> to vector<16xf32>
        %swap3A_695 = vector.shape_cast %add3A_690 : vector<16xf32> to vector<1x16xf32>
        tpu.vector_store %arg13[%swap3A_691, %swap3A_692], %swap3A_695 {strides = array<i32>} : memref<400x64xf32, #tpu.memory_space<vmem>>, vector<1x16xf32>,
        %get3A_696 = arith.index_cast %scan3A_629 : i32 to index
        %get3A_697 = arith.constant 32 : index
        %get3A_698 = tpu.vector_load %arg14[%get3A_696, %get3A_697] {strides = array<i32>} : memref<200x64xf32, #tpu.memory_space<vmem>>, vector<1x16xf32>,
        %get3A_699 = vector.shape_cast %get3A_698 : vector<1x16xf32> to vector<16xf32>
        %add3A_700 = arith.constant 0 : i32
        %add3A_701 = arith.addi %add3A_700, %scan3A_629 : i32
        %get3A_702 = arith.index_cast %add3A_701 : i32 to index
        %get3A_703 = arith.constant 32 : index
        %get3A_704 = tpu.vector_load %arg13[%get3A_702, %get3A_703] {strides = array<i32>} : memref<400x64xf32, #tpu.memory_space<vmem>>, vector<1x16xf32>,
        %get3A_705 = vector.shape_cast %get3A_704 : vector<1x16xf32> to vector<16xf32>
        %mul3A_706 = arith.constant 8.000000e+00 : f32
        %mul3A_707 = vector.broadcast %mul3A_706 : f32 to vector<16xf32>
        %mul3A_708 = arith.mulf %get3A_705, %mul3A_707 : vector<16xf32>
        %add3A_709 = arith.addf %mul3A_708, %get3A_699 : vector<16xf32>
        %swap3A_710 = arith.index_cast %add3A_701 : i32 to index
        %swap3A_711 = arith.constant 32 : index
        %swap3A_712 = tpu.vector_load %arg13[%swap3A_710, %swap3A_711] {strides = array<i32>} : memref<400x64xf32, #tpu.memory_space<vmem>>, vector<1x16xf32>,
        %swap3A_713 = vector.shape_cast %swap3A_712 : vector<1x16xf32> to vector<16xf32>
        %swap3A_714 = vector.shape_cast %add3A_709 : vector<16xf32> to vector<1x16xf32>
        tpu.vector_store %arg13[%swap3A_710, %swap3A_711], %swap3A_714 {strides = array<i32>} : memref<400x64xf32, #tpu.memory_space<vmem>>, vector<1x16xf32>,
        %add3A_715 = arith.constant 200 : i32
        %add3A_716 = arith.addi %add3A_715, %scan3A_629 : i32
        %get3A_717 = arith.index_cast %add3A_716 : i32 to index
        %get3A_718 = arith.constant 32 : index
        %get3A_719 = tpu.vector_load %arg13[%get3A_717, %get3A_718] {strides = array<i32>} : memref<400x64xf32, #tpu.memory_space<vmem>>, vector<1x16xf32>,
        %get3A_720 = vector.shape_cast %get3A_719 : vector<1x16xf32> to vector<16xf32>
        %mul3A_721 = arith.constant 8.000000e+00 : f32
        %mul3A_722 = vector.broadcast %mul3A_721 : f32 to vector<16xf32>
        %mul3A_723 = arith.mulf %get3A_720, %mul3A_722 : vector<16xf32>
        %add3A_724 = arith.addf %mul3A_723, %get3A_699 : vector<16xf32>
        %swap3A_725 = arith.index_cast %add3A_716 : i32 to index
        %swap3A_726 = arith.constant 32 : index
        %swap3A_727 = tpu.vector_load %arg13[%swap3A_725, %swap3A_726] {strides = array<i32>} : memref<400x64xf32, #tpu.memory_space<vmem>>, vector<1x16xf32>,
        %swap3A_728 = vector.shape_cast %swap3A_727 : vector<1x16xf32> to vector<16xf32>
        %swap3A_729 = vector.shape_cast %add3A_724 : vector<16xf32> to vector<1x16xf32>
        tpu.vector_store %arg13[%swap3A_725, %swap3A_726], %swap3A_729 {strides = array<i32>} : memref<400x64xf32, #tpu.memory_space<vmem>>, vector<1x16xf32>,
        %get3A_730 = arith.index_cast %scan3A_629 : i32 to index
        %get3A_731 = arith.constant 48 : index
        %get3A_732 = tpu.vector_load %arg14[%get3A_730, %get3A_731] {strides = array<i32>} : memref<200x64xf32, #tpu.memory_space<vmem>>, vector<1x16xf32>,
        %get3A_733 = vector.shape_cast %get3A_732 : vector<1x16xf32> to vector<16xf32>
        %add3A_734 = arith.constant 0 : i32
        %add3A_735 = arith.addi %add3A_734, %scan3A_629 : i32
        %get3A_736 = arith.index_cast %add3A_735 : i32 to index
        %get3A_737 = arith.constant 48 : index
        %get3A_738 = tpu.vector_load %arg13[%get3A_736, %get3A_737] {strides = array<i32>} : memref<400x64xf32, #tpu.memory_space<vmem>>, vector<1x16xf32>,
        %get3A_739 = vector.shape_cast %get3A_738 : vector<1x16xf32> to vector<16xf32>
        %mul3A_740 = arith.constant 8.000000e+00 : f32
        %mul3A_741 = vector.broadcast %mul3A_740 : f32 to vector<16xf32>
        %mul3A_742 = arith.mulf %get3A_739, %mul3A_741 : vector<16xf32>
        %add3A_743 = arith.addf %mul3A_742, %get3A_733 : vector<16xf32>
        %swap3A_744 = arith.index_cast %add3A_735 : i32 to index
        %swap3A_745 = arith.constant 48 : index
        %swap3A_746 = tpu.vector_load %arg13[%swap3A_744, %swap3A_745] {strides = array<i32>} : memref<400x64xf32, #tpu.memory_space<vmem>>, vector<1x16xf32>,
        %swap3A_747 = vector.shape_cast %swap3A_746 : vector<1x16xf32> to vector<16xf32>
        %swap3A_748 = vector.shape_cast %add3A_743 : vector<16xf32> to vector<1x16xf32>
        tpu.vector_store %arg13[%swap3A_744, %swap3A_745], %swap3A_748 {strides = array<i32>} : memref<400x64xf32, #tpu.memory_space<vmem>>, vector<1x16xf32>,
        %add3A_749 = arith.constant 200 : i32
        %add3A_750 = arith.addi %add3A_749, %scan3A_629 : i32
        %get3A_751 = arith.index_cast %add3A_750 : i32 to index
        %get3A_752 = arith.constant 48 : index
        %get3A_753 = tpu.vector_load %arg13[%get3A_751, %get3A_752] {strides = array<i32>} : memref<400x64xf32, #tpu.memory_space<vmem>>, vector<1x16xf32>,
        %get3A_754 = vector.shape_cast %get3A_753 : vector<1x16xf32> to vector<16xf32>
        %mul3A_755 = arith.constant 8.000000e+00 : f32
        %mul3A_756 = vector.broadcast %mul3A_755 : f32 to vector<16xf32>
        %mul3A_757 = arith.mulf %get3A_754, %mul3A_756 : vector<16xf32>
        %add3A_758 = arith.addf %mul3A_757, %get3A_733 : vector<16xf32>
        %swap3A_759 = arith.index_cast %add3A_750 : i32 to index
        %swap3A_760 = arith.constant 48 : index
        %swap3A_761 = tpu.vector_load %arg13[%swap3A_759, %swap3A_760] {strides = array<i32>} : memref<400x64xf32, #tpu.memory_space<vmem>>, vector<1x16xf32>,
        %swap3A_762 = vector.shape_cast %swap3A_761 : vector<1x16xf32> to vector<16xf32>
        %swap3A_763 = vector.shape_cast %add3A_758 : vector<16xf32> to vector<1x16xf32>
        tpu.vector_store %arg13[%swap3A_759, %swap3A_760], %swap3A_763 {strides = array<i32>} : memref<400x64xf32, #tpu.memory_space<vmem>>, vector<1x16xf32>,
        %scan3A_764 = arith.constant 1 : i32
        %scan3A_765 = arith.addi %scan3A_629, %scan3A_764 : i32
        %get3A_766 = arith.index_cast %scan3A_765 : i32 to index
        %get3A_767 = arith.constant 0 : index
        %get3A_768 = tpu.vector_load %arg14[%get3A_766, %get3A_767] {strides = array<i32>} : memref<200x64xf32, #tpu.memory_space<vmem>>, vector<1x16xf32>,
        %get3A_769 = vector.shape_cast %get3A_768 : vector<1x16xf32> to vector<16xf32>
        %add3A_770 = arith.constant 0 : i32
        %add3A_771 = arith.addi %add3A_770, %scan3A_765 : i32
        %get3A_772 = arith.index_cast %add3A_771 : i32 to index
        %get3A_773 = arith.constant 0 : index
        %get3A_774 = tpu.vector_load %arg13[%get3A_772, %get3A_773] {strides = array<i32>} : memref<400x64xf32, #tpu.memory_space<vmem>>, vector<1x16xf32>,
        %get3A_775 = vector.shape_cast %get3A_774 : vector<1x16xf32> to vector<16xf32>
        %mul3A_776 = arith.constant 8.000000e+00 : f32
        %mul3A_777 = vector.broadcast %mul3A_776 : f32 to vector<16xf32>
        %mul3A_778 = arith.mulf %get3A_775, %mul3A_777 : vector<16xf32>
        %add3A_779 = arith.addf %mul3A_778, %get3A_769 : vector<16xf32>
        %swap3A_780 = arith.index_cast %add3A_771 : i32 to index
        %swap3A_781 = arith.constant 0 : index
        %swap3A_782 = tpu.vector_load %arg13[%swap3A_780, %swap3A_781] {strides = array<i32>} : memref<400x64xf32, #tpu.memory_space<vmem>>, vector<1x16xf32>,
        %swap3A_783 = vector.shape_cast %swap3A_782 : vector<1x16xf32> to vector<16xf32>
        %swap3A_784 = vector.shape_cast %add3A_779 : vector<16xf32> to vector<1x16xf32>
        tpu.vector_store %arg13[%swap3A_780, %swap3A_781], %swap3A_784 {strides = array<i32>} : memref<400x64xf32, #tpu.memory_space<vmem>>, vector<1x16xf32>,
        %add3A_785 = arith.constant 200 : i32
        %add3A_786 = arith.addi %add3A_785, %scan3A_765 : i32
        %get3A_787 = arith.index_cast %add3A_786 : i32 to index
        %get3A_788 = arith.constant 0 : index
        %get3A_789 = tpu.vector_load %arg13[%get3A_787, %get3A_788] {strides = array<i32>} : memref<400x64xf32, #tpu.memory_space<vmem>>, vector<1x16xf32>,
        %get3A_790 = vector.shape_cast %get3A_789 : vector<1x16xf32> to vector<16xf32>
        %mul3A_791 = arith.constant 8.000000e+00 : f32
        %mul3A_792 = vector.broadcast %mul3A_791 : f32 to vector<16xf32>
        %mul3A_793 = arith.mulf %get3A_790, %mul3A_792 : vector<16xf32>
        %add3A_794 = arith.addf %mul3A_793, %get3A_769 : vector<16xf32>
        %swap3A_795 = arith.index_cast %add3A_786 : i32 to index
        %swap3A_796 = arith.constant 0 : index
        %swap3A_797 = tpu.vector_load %arg13[%swap3A_795, %swap3A_796] {strides = array<i32>} : memref<400x64xf32, #tpu.memory_space<vmem>>, vector<1x16xf32>,
        %swap3A_798 = vector.shape_cast %swap3A_797 : vector<1x16xf32> to vector<16xf32>
        %swap3A_799 = vector.shape_cast %add3A_794 : vector<16xf32> to vector<1x16xf32>
        tpu.vector_store %arg13[%swap3A_795, %swap3A_796], %swap3A_799 {strides = array<i32>} : memref<400x64xf32, #tpu.memory_space<vmem>>, vector<1x16xf32>,
        %get3A_800 = arith.index_cast %scan3A_765 : i32 to index
        %get3A_801 = arith.constant 16 : index
        %get3A_802 = tpu.vector_load %arg14[%get3A_800, %get3A_801] {strides = array<i32>} : memref<200x64xf32, #tpu.memory_space<vmem>>, vector<1x16xf32>,
        %get3A_803 = vector.shape_cast %get3A_802 : vector<1x16xf32> to vector<16xf32>
        %add3A_804 = arith.constant 0 : i32
        %add3A_805 = arith.addi %add3A_804, %scan3A_765 : i32
        %get3A_806 = arith.index_cast %add3A_805 : i32 to index
        %get3A_807 = arith.constant 16 : index
        %get3A_808 = tpu.vector_load %arg13[%get3A_806, %get3A_807] {strides = array<i32>} : memref<400x64xf32, #tpu.memory_space<vmem>>, vector<1x16xf32>,
        %get3A_809 = vector.shape_cast %get3A_808 : vector<1x16xf32> to vector<16xf32>
        %mul3A_810 = arith.constant 8.000000e+00 : f32
        %mul3A_811 = vector.broadcast %mul3A_810 : f32 to vector<16xf32>
        %mul3A_812 = arith.mulf %get3A_809, %mul3A_811 : vector<16xf32>
        %add3A_813 = arith.addf %mul3A_812, %get3A_803 : vector<16xf32>
        %swap3A_814 = arith.index_cast %add3A_805 : i32 to index
        %swap3A_815 = arith.constant 16 : index
        %swap3A_816 = tpu.vector_load %arg13[%swap3A_814, %swap3A_815] {strides = array<i32>} : memref<400x64xf32, #tpu.memory_space<vmem>>, vector<1x16xf32>,
        %swap3A_817 = vector.shape_cast %swap3A_816 : vector<1x16xf32> to vector<16xf32>
        %swap3A_818 = vector.shape_cast %add3A_813 : vector<16xf32> to vector<1x16xf32>
        tpu.vector_store %arg13[%swap3A_814, %swap3A_815], %swap3A_818 {strides = array<i32>} : memref<400x64xf32, #tpu.memory_space<vmem>>, vector<1x16xf32>,
        %add3A_819 = arith.constant 200 : i32
        %add3A_820 = arith.addi %add3A_819, %scan3A_765 : i32
        %get3A_821 = arith.index_cast %add3A_820 : i32 to index
        %get3A_822 = arith.constant 16 : index
        %get3A_823 = tpu.vector_load %arg13[%get3A_821, %get3A_822] {strides = array<i32>} : memref<400x64xf32, #tpu.memory_space<vmem>>, vector<1x16xf32>,
        %get3A_824 = vector.shape_cast %get3A_823 : vector<1x16xf32> to vector<16xf32>
        %mul3A_825 = arith.constant 8.000000e+00 : f32
        %mul3A_826 = vector.broadcast %mul3A_825 : f32 to vector<16xf32>
        %mul3A_827 = arith.mulf %get3A_824, %mul3A_826 : vector<16xf32>
        %add3A_828 = arith.addf %mul3A_827, %get3A_803 : vector<16xf32>
        %swap3A_829 = arith.index_cast %add3A_820 : i32 to index
        %swap3A_830 = arith.constant 16 : index
        %swap3A_831 = tpu.vector_load %arg13[%swap3A_829, %swap3A_830] {strides = array<i32>} : memref<400x64xf32, #tpu.memory_space<vmem>>, vector<1x16xf32>,
        %swap3A_832 = vector.shape_cast %swap3A_831 : vector<1x16xf32> to vector<16xf32>
        %swap3A_833 = vector.shape_cast %add3A_828 : vector<16xf32> to vector<1x16xf32>
        tpu.vector_store %arg13[%swap3A_829, %swap3A_830], %swap3A_833 {strides = array<i32>} : memref<400x64xf32, #tpu.memory_space<vmem>>, vector<1x16xf32>,
        %get3A_834 = arith.index_cast %scan3A_765 : i32 to index
        %get3A_835 = arith.constant 32 : index
        %get3A_836 = tpu.vector_load %arg14[%get3A_834, %get3A_835] {strides = array<i32>} : memref<200x64xf32, #tpu.memory_space<vmem>>, vector<1x16xf32>,
        %get3A_837 = vector.shape_cast %get3A_836 : vector<1x16xf32> to vector<16xf32>
        %add3A_838 = arith.constant 0 : i32
        %add3A_839 = arith.addi %add3A_838, %scan3A_765 : i32
        %get3A_840 = arith.index_cast %add3A_839 : i32 to index
        %get3A_841 = arith.constant 32 : index
        %get3A_842 = tpu.vector_load %arg13[%get3A_840, %get3A_841] {strides = array<i32>} : memref<400x64xf32, #tpu.memory_space<vmem>>, vector<1x16xf32>,
        %get3A_843 = vector.shape_cast %get3A_842 : vector<1x16xf32> to vector<16xf32>
        %mul3A_844 = arith.constant 8.000000e+00 : f32
        %mul3A_845 = vector.broadcast %mul3A_844 : f32 to vector<16xf32>
        %mul3A_846 = arith.mulf %get3A_843, %mul3A_845 : vector<16xf32>
        %add3A_847 = arith.addf %mul3A_846, %get3A_837 : vector<16xf32>
        %swap3A_848 = arith.index_cast %add3A_839 : i32 to index
        %swap3A_849 = arith.constant 32 : index
        %swap3A_850 = tpu.vector_load %arg13[%swap3A_848, %swap3A_849] {strides = array<i32>} : memref<400x64xf32, #tpu.memory_space<vmem>>, vector<1x16xf32>,
        %swap3A_851 = vector.shape_cast %swap3A_850 : vector<1x16xf32> to vector<16xf32>
        %swap3A_852 = vector.shape_cast %add3A_847 : vector<16xf32> to vector<1x16xf32>
        tpu.vector_store %arg13[%swap3A_848, %swap3A_849], %swap3A_852 {strides = array<i32>} : memref<400x64xf32, #tpu.memory_space<vmem>>, vector<1x16xf32>,
        %add3A_853 = arith.constant 200 : i32
        %add3A_854 = arith.addi %add3A_853, %scan3A_765 : i32
        %get3A_855 = arith.index_cast %add3A_854 : i32 to index
        %get3A_856 = arith.constant 32 : index
        %get3A_857 = tpu.vector_load %arg13[%get3A_855, %get3A_856] {strides = array<i32>} : memref<400x64xf32, #tpu.memory_space<vmem>>, vector<1x16xf32>,
        %get3A_858 = vector.shape_cast %get3A_857 : vector<1x16xf32> to vector<16xf32>
        %mul3A_859 = arith.constant 8.000000e+00 : f32
        %mul3A_860 = vector.broadcast %mul3A_859 : f32 to vector<16xf32>
        %mul3A_861 = arith.mulf %get3A_858, %mul3A_860 : vector<16xf32>
        %add3A_862 = arith.addf %mul3A_861, %get3A_837 : vector<16xf32>
        %swap3A_863 = arith.index_cast %add3A_854 : i32 to index
        %swap3A_864 = arith.constant 32 : index
        %swap3A_865 = tpu.vector_load %arg13[%swap3A_863, %swap3A_864] {strides = array<i32>} : memref<400x64xf32, #tpu.memory_space<vmem>>, vector<1x16xf32>,
        %swap3A_866 = vector.shape_cast %swap3A_865 : vector<1x16xf32> to vector<16xf32>
        %swap3A_867 = vector.shape_cast %add3A_862 : vector<16xf32> to vector<1x16xf32>
        tpu.vector_store %arg13[%swap3A_863, %swap3A_864], %swap3A_867 {strides = array<i32>} : memref<400x64xf32, #tpu.memory_space<vmem>>, vector<1x16xf32>,
        %get3A_868 = arith.index_cast %scan3A_765 : i32 to index
        %get3A_869 = arith.constant 48 : index
        %get3A_870 = tpu.vector_load %arg14[%get3A_868, %get3A_869] {strides = array<i32>} : memref<200x64xf32, #tpu.memory_space<vmem>>, vector<1x16xf32>,
        %get3A_871 = vector.shape_cast %get3A_870 : vector<1x16xf32> to vector<16xf32>
        %add3A_872 = arith.constant 0 : i32
        %add3A_873 = arith.addi %add3A_872, %scan3A_765 : i32
        %get3A_874 = arith.index_cast %add3A_873 : i32 to index
        %get3A_875 = arith.constant 48 : index
        %get3A_876 = tpu.vector_load %arg13[%get3A_874, %get3A_875] {strides = array<i32>} : memref<400x64xf32, #tpu.memory_space<vmem>>, vector<1x16xf32>,
        %get3A_877 = vector.shape_cast %get3A_876 : vector<1x16xf32> to vector<16xf32>
        %mul3A_878 = arith.constant 8.000000e+00 : f32
        %mul3A_879 = vector.broadcast %mul3A_878 : f32 to vector<16xf32>
        %mul3A_880 = arith.mulf %get3A_877, %mul3A_879 : vector<16xf32>
        %add3A_881 = arith.addf %mul3A_880, %get3A_871 : vector<16xf32>
        %swap3A_882 = arith.index_cast %add3A_873 : i32 to index
        %swap3A_883 = arith.constant 48 : index
        %swap3A_884 = tpu.vector_load %arg13[%swap3A_882, %swap3A_883] {strides = array<i32>} : memref<400x64xf32, #tpu.memory_space<vmem>>, vector<1x16xf32>,
        %swap3A_885 = vector.shape_cast %swap3A_884 : vector<1x16xf32> to vector<16xf32>
        %swap3A_886 = vector.shape_cast %add3A_881 : vector<16xf32> to vector<1x16xf32>
        tpu.vector_store %arg13[%swap3A_882, %swap3A_883], %swap3A_886 {strides = array<i32>} : memref<400x64xf32, #tpu.memory_space<vmem>>, vector<1x16xf32>,
        %add3A_887 = arith.constant 200 : i32
        %add3A_888 = arith.addi %add3A_887, %scan3A_765 : i32
        %get3A_889 = arith.index_cast %add3A_888 : i32 to index
        %get3A_890 = arith.constant 48 : index
        %get3A_891 = tpu.vector_load %arg13[%get3A_889, %get3A_890] {strides = array<i32>} : memref<400x64xf32, #tpu.memory_space<vmem>>, vector<1x16xf32>,
        %get3A_892 = vector.shape_cast %get3A_891 : vector<1x16xf32> to vector<16xf32>
        %mul3A_893 = arith.constant 8.000000e+00 : f32
        %mul3A_894 = vector.broadcast %mul3A_893 : f32 to vector<16xf32>
        %mul3A_895 = arith.mulf %get3A_892, %mul3A_894 : vector<16xf32>
        %add3A_896 = arith.addf %mul3A_895, %get3A_871 : vector<16xf32>
        %swap3A_897 = arith.index_cast %add3A_888 : i32 to index
        %swap3A_898 = arith.constant 48 : index
        %swap3A_899 = tpu.vector_load %arg13[%swap3A_897, %swap3A_898] {strides = array<i32>} : memref<400x64xf32, #tpu.memory_space<vmem>>, vector<1x16xf32>,
        %swap3A_900 = vector.shape_cast %swap3A_899 : vector<1x16xf32> to vector<16xf32>
        %swap3A_901 = vector.shape_cast %add3A_896 : vector<16xf32> to vector<1x16xf32>
        tpu.vector_store %arg13[%swap3A_897, %swap3A_898], %swap3A_901 {strides = array<i32>} : memref<400x64xf32, #tpu.memory_space<vmem>>, vector<1x16xf32>,
        %scan3A_902 = arith.constant 2 : i32
        %scan3A_903 = arith.addi %scan3A_629, %scan3A_902 : i32
        %get3A_904 = arith.index_cast %scan3A_903 : i32 to index
        %get3A_905 = arith.constant 0 : index
        %get3A_906 = tpu.vector_load %arg14[%get3A_904, %get3A_905] {strides = array<i32>} : memref<200x64xf32, #tpu.memory_space<vmem>>, vector<1x16xf32>,
        %get3A_907 = vector.shape_cast %get3A_906 : vector<1x16xf32> to vector<16xf32>
        %add3A_908 = arith.constant 0 : i32
        %add3A_909 = arith.addi %add3A_908, %scan3A_903 : i32
        %get3A_910 = arith.index_cast %add3A_909 : i32 to index
        %get3A_911 = arith.constant 0 : index
        %get3A_912 = tpu.vector_load %arg13[%get3A_910, %get3A_911] {strides = array<i32>} : memref<400x64xf32, #tpu.memory_space<vmem>>, vector<1x16xf32>,
        %get3A_913 = vector.shape_cast %get3A_912 : vector<1x16xf32> to vector<16xf32>
        %mul3A_914 = arith.constant 8.000000e+00 : f32
        %mul3A_915 = vector.broadcast %mul3A_914 : f32 to vector<16xf32>
        %mul3A_916 = arith.mulf %get3A_913, %mul3A_915 : vector<16xf32>
        %add3A_917 = arith.addf %mul3A_916, %get3A_907 : vector<16xf32>
        %swap3A_918 = arith.index_cast %add3A_909 : i32 to index
        %swap3A_919 = arith.constant 0 : index
        %swap3A_920 = tpu.vector_load %arg13[%swap3A_918, %swap3A_919] {strides = array<i32>} : memref<400x64xf32, #tpu.memory_space<vmem>>, vector<1x16xf32>,
        %swap3A_921 = vector.shape_cast %swap3A_920 : vector<1x16xf32> to vector<16xf32>
        %swap3A_922 = vector.shape_cast %add3A_917 : vector<16xf32> to vector<1x16xf32>
        tpu.vector_store %arg13[%swap3A_918, %swap3A_919], %swap3A_922 {strides = array<i32>} : memref<400x64xf32, #tpu.memory_space<vmem>>, vector<1x16xf32>,
        %add3A_923 = arith.constant 200 : i32
        %add3A_924 = arith.addi %add3A_923, %scan3A_903 : i32
        %get3A_925 = arith.index_cast %add3A_924 : i32 to index
        %get3A_926 = arith.constant 0 : index
        %get3A_927 = tpu.vector_load %arg13[%get3A_925, %get3A_926] {strides = array<i32>} : memref<400x64xf32, #tpu.memory_space<vmem>>, vector<1x16xf32>,
        %get3A_928 = vector.shape_cast %get3A_927 : vector<1x16xf32> to vector<16xf32>
        %mul3A_929 = arith.constant 8.000000e+00 : f32
        %mul3A_930 = vector.broadcast %mul3A_929 : f32 to vector<16xf32>
        %mul3A_931 = arith.mulf %get3A_928, %mul3A_930 : vector<16xf32>
        %add3A_932 = arith.addf %mul3A_931, %get3A_907 : vector<16xf32>
        %swap3A_933 = arith.index_cast %add3A_924 : i32 to index
        %swap3A_934 = arith.constant 0 : index
        %swap3A_935 = tpu.vector_load %arg13[%swap3A_933, %swap3A_934] {strides = array<i32>} : memref<400x64xf32, #tpu.memory_space<vmem>>, vector<1x16xf32>,
        %swap3A_936 = vector.shape_cast %swap3A_935 : vector<1x16xf32> to vector<16xf32>
        %swap3A_937 = vector.shape_cast %add3A_932 : vector<16xf32> to vector<1x16xf32>
        tpu.vector_store %arg13[%swap3A_933, %swap3A_934], %swap3A_937 {strides = array<i32>} : memref<400x64xf32, #tpu.memory_space<vmem>>, vector<1x16xf32>,
        %get3A_938 = arith.index_cast %scan3A_903 : i32 to index
        %get3A_939 = arith.constant 16 : index
        %get3A_940 = tpu.vector_load %arg14[%get3A_938, %get3A_939] {strides = array<i32>} : memref<200x64xf32, #tpu.memory_space<vmem>>, vector<1x16xf32>,
        %get3A_941 = vector.shape_cast %get3A_940 : vector<1x16xf32> to vector<16xf32>
        %add3A_942 = arith.constant 0 : i32
        %add3A_943 = arith.addi %add3A_942, %scan3A_903 : i32
        %get3A_944 = arith.index_cast %add3A_943 : i32 to index
        %get3A_945 = arith.constant 16 : index
        %get3A_946 = tpu.vector_load %arg13[%get3A_944, %get3A_945] {strides = array<i32>} : memref<400x64xf32, #tpu.memory_space<vmem>>, vector<1x16xf32>,
        %get3A_947 = vector.shape_cast %get3A_946 : vector<1x16xf32> to vector<16xf32>
        %mul3A_948 = arith.constant 8.000000e+00 : f32
        %mul3A_949 = vector.broadcast %mul3A_948 : f32 to vector<16xf32>
        %mul3A_950 = arith.mulf %get3A_947, %mul3A_949 : vector<16xf32>
        %add3A_951 = arith.addf %mul3A_950, %get3A_941 : vector<16xf32>
        %swap3A_952 = arith.index_cast %add3A_943 : i32 to index
        %swap3A_953 = arith.constant 16 : index
        %swap3A_954 = tpu.vector_load %arg13[%swap3A_952, %swap3A_953] {strides = array<i32>} : memref<400x64xf32, #tpu.memory_space<vmem>>, vector<1x16xf32>,
        %swap3A_955 = vector.shape_cast %swap3A_954 : vector<1x16xf32> to vector<16xf32>
        %swap3A_956 = vector.shape_cast %add3A_951 : vector<16xf32> to vector<1x16xf32>
        tpu.vector_store %arg13[%swap3A_952, %swap3A_953], %swap3A_956 {strides = array<i32>} : memref<400x64xf32, #tpu.memory_space<vmem>>, vector<1x16xf32>,
        %add3A_957 = arith.constant 200 : i32
        %add3A_958 = arith.addi %add3A_957, %scan3A_903 : i32
        %get3A_959 = arith.index_cast %add3A_958 : i32 to index
        %get3A_960 = arith.constant 16 : index
        %get3A_961 = tpu.vector_load %arg13[%get3A_959, %get3A_960] {strides = array<i32>} : memref<400x64xf32, #tpu.memory_space<vmem>>, vector<1x16xf32>,
        %get3A_962 = vector.shape_cast %get3A_961 : vector<1x16xf32> to vector<16xf32>
        %mul3A_963 = arith.constant 8.000000e+00 : f32
        %mul3A_964 = vector.broadcast %mul3A_963 : f32 to vector<16xf32>
        %mul3A_965 = arith.mulf %get3A_962, %mul3A_964 : vector<16xf32>
        %add3A_966 = arith.addf %mul3A_965, %get3A_941 : vector<16xf32>
        %swap3A_967 = arith.index_cast %add3A_958 : i32 to index
        %swap3A_968 = arith.constant 16 : index
        %swap3A_969 = tpu.vector_load %arg13[%swap3A_967, %swap3A_968] {strides = array<i32>} : memref<400x64xf32, #tpu.memory_space<vmem>>, vector<1x16xf32>,
        %swap3A_970 = vector.shape_cast %swap3A_969 : vector<1x16xf32> to vector<16xf32>
        %swap3A_971 = vector.shape_cast %add3A_966 : vector<16xf32> to vector<1x16xf32>
        tpu.vector_store %arg13[%swap3A_967, %swap3A_968], %swap3A_971 {strides = array<i32>} : memref<400x64xf32, #tpu.memory_space<vmem>>, vector<1x16xf32>,
        %get3A_972 = arith.index_cast %scan3A_903 : i32 to index
        %get3A_973 = arith.constant 32 : index
        %get3A_974 = tpu.vector_load %arg14[%get3A_972, %get3A_973] {strides = array<i32>} : memref<200x64xf32, #tpu.memory_space<vmem>>, vector<1x16xf32>,
        %get3A_975 = vector.shape_cast %get3A_974 : vector<1x16xf32> to vector<16xf32>
        %add3A_976 = arith.constant 0 : i32
        %add3A_977 = arith.addi %add3A_976, %scan3A_903 : i32
        %get3A_978 = arith.index_cast %add3A_977 : i32 to index
        %get3A_979 = arith.constant 32 : index
        %get3A_980 = tpu.vector_load %arg13[%get3A_978, %get3A_979] {strides = array<i32>} : memref<400x64xf32, #tpu.memory_space<vmem>>, vector<1x16xf32>,
        %get3A_981 = vector.shape_cast %get3A_980 : vector<1x16xf32> to vector<16xf32>
        %mul3A_982 = arith.constant 8.000000e+00 : f32
        %mul3A_983 = vector.broadcast %mul3A_982 : f32 to vector<16xf32>
        %mul3A_984 = arith.mulf %get3A_981, %mul3A_983 : vector<16xf32>
        %add3A_985 = arith.addf %mul3A_984, %get3A_975 : vector<16xf32>
        %swap3A_986 = arith.index_cast %add3A_977 : i32 to index
        %swap3A_987 = arith.constant 32 : index
        %swap3A_988 = tpu.vector_load %arg13[%swap3A_986, %swap3A_987] {strides = array<i32>} : memref<400x64xf32, #tpu.memory_space<vmem>>, vector<1x16xf32>,
        %swap3A_989 = vector.shape_cast %swap3A_988 : vector<1x16xf32> to vector<16xf32>
        %swap3A_990 = vector.shape_cast %add3A_985 : vector<16xf32> to vector<1x16xf32>
        tpu.vector_store %arg13[%swap3A_986, %swap3A_987], %swap3A_990 {strides = array<i32>} : memref<400x64xf32, #tpu.memory_space<vmem>>, vector<1x16xf32>,
        %add3A_991 = arith.constant 200 : i32
        %add3A_992 = arith.addi %add3A_991, %scan3A_903 : i32
        %get3A_993 = arith.index_cast %add3A_992 : i32 to index
        %get3A_994 = arith.constant 32 : index
        %get3A_995 = tpu.vector_load %arg13[%get3A_993, %get3A_994] {strides = array<i32>} : memref<400x64xf32, #tpu.memory_space<vmem>>, vector<1x16xf32>,
        %get3A_996 = vector.shape_cast %get3A_995 : vector<1x16xf32> to vector<16xf32>
        %mul3A_997 = arith.constant 8.000000e+00 : f32
        %mul3A_998 = vector.broadcast %mul3A_997 : f32 to vector<16xf32>
        %mul3A_999 = arith.mulf %get3A_996, %mul3A_998 : vector<16xf32>
        %add3A_1000 = arith.addf %mul3A_999, %get3A_975 : vector<16xf32>
        %swap3A_1001 = arith.index_cast %add3A_992 : i32 to index
        %swap3A_1002 = arith.constant 32 : index
        %swap3A_1003 = tpu.vector_load %arg13[%swap3A_1001, %swap3A_1002] {strides = array<i32>} : memref<400x64xf32, #tpu.memory_space<vmem>>, vector<1x16xf32>,
        %swap3A_1004 = vector.shape_cast %swap3A_1003 : vector<1x16xf32> to vector<16xf32>
        %swap3A_1005 = vector.shape_cast %add3A_1000 : vector<16xf32> to vector<1x16xf32>
        tpu.vector_store %arg13[%swap3A_1001, %swap3A_1002], %swap3A_1005 {strides = array<i32>} : memref<400x64xf32, #tpu.memory_space<vmem>>, vector<1x16xf32>,
        %get3A_1006 = arith.index_cast %scan3A_903 : i32 to index
        %get3A_1007 = arith.constant 48 : index
        %get3A_1008 = tpu.vector_load %arg14[%get3A_1006, %get3A_1007] {strides = array<i32>} : memref<200x64xf32, #tpu.memory_space<vmem>>, vector<1x16xf32>,
        %get3A_1009 = vector.shape_cast %get3A_1008 : vector<1x16xf32> to vector<16xf32>
        %add3A_1010 = arith.constant 0 : i32
        %add3A_1011 = arith.addi %add3A_1010, %scan3A_903 : i32
        %get3A_1012 = arith.index_cast %add3A_1011 : i32 to index
        %get3A_1013 = arith.constant 48 : index
        %get3A_1014 = tpu.vector_load %arg13[%get3A_1012, %get3A_1013] {strides = array<i32>} : memref<400x64xf32, #tpu.memory_space<vmem>>, vector<1x16xf32>,
        %get3A_1015 = vector.shape_cast %get3A_1014 : vector<1x16xf32> to vector<16xf32>
        %mul3A_1016 = arith.constant 8.000000e+00 : f32
        %mul3A_1017 = vector.broadcast %mul3A_1016 : f32 to vector<16xf32>
        %mul3A_1018 = arith.mulf %get3A_1015, %mul3A_1017 : vector<16xf32>
        %add3A_1019 = arith.addf %mul3A_1018, %get3A_1009 : vector<16xf32>
        %swap3A_1020 = arith.index_cast %add3A_1011 : i32 to index
        %swap3A_1021 = arith.constant 48 : index
        %swap3A_1022 = tpu.vector_load %arg13[%swap3A_1020, %swap3A_1021] {strides = array<i32>} : memref<400x64xf32, #tpu.memory_space<vmem>>, vector<1x16xf32>,
        %swap3A_1023 = vector.shape_cast %swap3A_1022 : vector<1x16xf32> to vector<16xf32>
        %swap3A_1024 = vector.shape_cast %add3A_1019 : vector<16xf32> to vector<1x16xf32>
        tpu.vector_store %arg13[%swap3A_1020, %swap3A_1021], %swap3A_1024 {strides = array<i32>} : memref<400x64xf32, #tpu.memory_space<vmem>>, vector<1x16xf32>,
        %add3A_1025 = arith.constant 200 : i32
        %add3A_1026 = arith.addi %add3A_1025, %scan3A_903 : i32
        %get3A_1027 = arith.index_cast %add3A_1026 : i32 to index
        %get3A_1028 = arith.constant 48 : index
        %get3A_1029 = tpu.vector_load %arg13[%get3A_1027, %get3A_1028] {strides = array<i32>} : memref<400x64xf32, #tpu.memory_space<vmem>>, vector<1x16xf32>,
        %get3A_1030 = vector.shape_cast %get3A_1029 : vector<1x16xf32> to vector<16xf32>
        %mul3A_1031 = arith.constant 8.000000e+00 : f32
        %mul3A_1032 = vector.broadcast %mul3A_1031 : f32 to vector<16xf32>
        %mul3A_1033 = arith.mulf %get3A_1030, %mul3A_1032 : vector<16xf32>
        %add3A_1034 = arith.addf %mul3A_1033, %get3A_1009 : vector<16xf32>
        %swap3A_1035 = arith.index_cast %add3A_1026 : i32 to index
        %swap3A_1036 = arith.constant 48 : index
        %swap3A_1037 = tpu.vector_load %arg13[%swap3A_1035, %swap3A_1036] {strides = array<i32>} : memref<400x64xf32, #tpu.memory_space<vmem>>, vector<1x16xf32>,
        %swap3A_1038 = vector.shape_cast %swap3A_1037 : vector<1x16xf32> to vector<16xf32>
        %swap3A_1039 = vector.shape_cast %add3A_1034 : vector<16xf32> to vector<1x16xf32>
        tpu.vector_store %arg13[%swap3A_1035, %swap3A_1036], %swap3A_1039 {strides = array<i32>} : memref<400x64xf32, #tpu.memory_space<vmem>>, vector<1x16xf32>,
        %scan3A_1040 = arith.constant 3 : i32
        %scan3A_1041 = arith.addi %scan3A_629, %scan3A_1040 : i32
        %get3A_1042 = arith.index_cast %scan3A_1041 : i32 to index
        %get3A_1043 = arith.constant 0 : index
        %get3A_1044 = tpu.vector_load %arg14[%get3A_1042, %get3A_1043] {strides = array<i32>} : memref<200x64xf32, #tpu.memory_space<vmem>>, vector<1x16xf32>,
        %get3A_1045 = vector.shape_cast %get3A_1044 : vector<1x16xf32> to vector<16xf32>
        %add3A_1046 = arith.constant 0 : i32
        %add3A_1047 = arith.addi %add3A_1046, %scan3A_1041 : i32
        %get3A_1048 = arith.index_cast %add3A_1047 : i32 to index
        %get3A_1049 = arith.constant 0 : index
        %get3A_1050 = tpu.vector_load %arg13[%get3A_1048, %get3A_1049] {strides = array<i32>} : memref<400x64xf32, #tpu.memory_space<vmem>>, vector<1x16xf32>,
        %get3A_1051 = vector.shape_cast %get3A_1050 : vector<1x16xf32> to vector<16xf32>
        %mul3A_1052 = arith.constant 8.000000e+00 : f32
        %mul3A_1053 = vector.broadcast %mul3A_1052 : f32 to vector<16xf32>
        %mul3A_1054 = arith.mulf %get3A_1051, %mul3A_1053 : vector<16xf32>
        %add3A_1055 = arith.addf %mul3A_1054, %get3A_1045 : vector<16xf32>
        %swap3A_1056 = arith.index_cast %add3A_1047 : i32 to index
        %swap3A_1057 = arith.constant 0 : index
        %swap3A_1058 = tpu.vector_load %arg13[%swap3A_1056, %swap3A_1057] {strides = array<i32>} : memref<400x64xf32, #tpu.memory_space<vmem>>, vector<1x16xf32>,
        %swap3A_1059 = vector.shape_cast %swap3A_1058 : vector<1x16xf32> to vector<16xf32>
        %swap3A_1060 = vector.shape_cast %add3A_1055 : vector<16xf32> to vector<1x16xf32>
        tpu.vector_store %arg13[%swap3A_1056, %swap3A_1057], %swap3A_1060 {strides = array<i32>} : memref<400x64xf32, #tpu.memory_space<vmem>>, vector<1x16xf32>,
        %add3A_1061 = arith.constant 200 : i32
        %add3A_1062 = arith.addi %add3A_1061, %scan3A_1041 : i32
        %get3A_1063 = arith.index_cast %add3A_1062 : i32 to index
        %get3A_1064 = arith.constant 0 : index
        %get3A_1065 = tpu.vector_load %arg13[%get3A_1063, %get3A_1064] {strides = array<i32>} : memref<400x64xf32, #tpu.memory_space<vmem>>, vector<1x16xf32>,
        %get3A_1066 = vector.shape_cast %get3A_1065 : vector<1x16xf32> to vector<16xf32>
        %mul3A_1067 = arith.constant 8.000000e+00 : f32
        %mul3A_1068 = vector.broadcast %mul3A_1067 : f32 to vector<16xf32>
        %mul3A_1069 = arith.mulf %get3A_1066, %mul3A_1068 : vector<16xf32>
        %add3A_1070 = arith.addf %mul3A_1069, %get3A_1045 : vector<16xf32>
        %swap3A_1071 = arith.index_cast %add3A_1062 : i32 to index
        %swap3A_1072 = arith.constant 0 : index
        %swap3A_1073 = tpu.vector_load %arg13[%swap3A_1071, %swap3A_1072] {strides = array<i32>} : memref<400x64xf32, #tpu.memory_space<vmem>>, vector<1x16xf32>,
        %swap3A_1074 = vector.shape_cast %swap3A_1073 : vector<1x16xf32> to vector<16xf32>
        %swap3A_1075 = vector.shape_cast %add3A_1070 : vector<16xf32> to vector<1x16xf32>
        tpu.vector_store %arg13[%swap3A_1071, %swap3A_1072], %swap3A_1075 {strides = array<i32>} : memref<400x64xf32, #tpu.memory_space<vmem>>, vector<1x16xf32>,
        %get3A_1076 = arith.index_cast %scan3A_1041 : i32 to index
        %get3A_1077 = arith.constant 16 : index
        %get3A_1078 = tpu.vector_load %arg14[%get3A_1076, %get3A_1077] {strides = array<i32>} : memref<200x64xf32, #tpu.memory_space<vmem>>, vector<1x16xf32>,
        %get3A_1079 = vector.shape_cast %get3A_1078 : vector<1x16xf32> to vector<16xf32>
        %add3A_1080 = arith.constant 0 : i32
        %add3A_1081 = arith.addi %add3A_1080, %scan3A_1041 : i32
        %get3A_1082 = arith.index_cast %add3A_1081 : i32 to index
        %get3A_1083 = arith.constant 16 : index
        %get3A_1084 = tpu.vector_load %arg13[%get3A_1082, %get3A_1083] {strides = array<i32>} : memref<400x64xf32, #tpu.memory_space<vmem>>, vector<1x16xf32>,
        %get3A_1085 = vector.shape_cast %get3A_1084 : vector<1x16xf32> to vector<16xf32>
        %mul3A_1086 = arith.constant 8.000000e+00 : f32
        %mul3A_1087 = vector.broadcast %mul3A_1086 : f32 to vector<16xf32>
        %mul3A_1088 = arith.mulf %get3A_1085, %mul3A_1087 : vector<16xf32>
        %add3A_1089 = arith.addf %mul3A_1088, %get3A_1079 : vector<16xf32>
        %swap3A_1090 = arith.index_cast %add3A_1081 : i32 to index
        %swap3A_1091 = arith.constant 16 : index
        %swap3A_1092 = tpu.vector_load %arg13[%swap3A_1090, %swap3A_1091] {strides = array<i32>} : memref<400x64xf32, #tpu.memory_space<vmem>>, vector<1x16xf32>,
        %swap3A_1093 = vector.shape_cast %swap3A_1092 : vector<1x16xf32> to vector<16xf32>
        %swap3A_1094 = vector.shape_cast %add3A_1089 : vector<16xf32> to vector<1x16xf32>
        tpu.vector_store %arg13[%swap3A_1090, %swap3A_1091], %swap3A_1094 {strides = array<i32>} : memref<400x64xf32, #tpu.memory_space<vmem>>, vector<1x16xf32>,
        %add3A_1095 = arith.constant 200 : i32
        %add3A_1096 = arith.addi %add3A_1095, %scan3A_1041 : i32
        %get3A_1097 = arith.index_cast %add3A_1096 : i32 to index
        %get3A_1098 = arith.constant 16 : index
        %get3A_1099 = tpu.vector_load %arg13[%get3A_1097, %get3A_1098] {strides = array<i32>} : memref<400x64xf32, #tpu.memory_space<vmem>>, vector<1x16xf32>,
        %get3A_1100 = vector.shape_cast %get3A_1099 : vector<1x16xf32> to vector<16xf32>
        %mul3A_1101 = arith.constant 8.000000e+00 : f32
        %mul3A_1102 = vector.broadcast %mul3A_1101 : f32 to vector<16xf32>
        %mul3A_1103 = arith.mulf %get3A_1100, %mul3A_1102 : vector<16xf32>
        %add3A_1104 = arith.addf %mul3A_1103, %get3A_1079 : vector<16xf32>
        %swap3A_1105 = arith.index_cast %add3A_1096 : i32 to index
        %swap3A_1106 = arith.constant 16 : index
        %swap3A_1107 = tpu.vector_load %arg13[%swap3A_1105, %swap3A_1106] {strides = array<i32>} : memref<400x64xf32, #tpu.memory_space<vmem>>, vector<1x16xf32>,
        %swap3A_1108 = vector.shape_cast %swap3A_1107 : vector<1x16xf32> to vector<16xf32>
        %swap3A_1109 = vector.shape_cast %add3A_1104 : vector<16xf32> to vector<1x16xf32>
        tpu.vector_store %arg13[%swap3A_1105, %swap3A_1106], %swap3A_1109 {strides = array<i32>} : memref<400x64xf32, #tpu.memory_space<vmem>>, vector<1x16xf32>,
        %get3A_1110 = arith.index_cast %scan3A_1041 : i32 to index
        %get3A_1111 = arith.constant 32 : index
        %get3A_1112 = tpu.vector_load %arg14[%get3A_1110, %get3A_1111] {strides = array<i32>} : memref<200x64xf32, #tpu.memory_space<vmem>>, vector<1x16xf32>,
        %get3A_1113 = vector.shape_cast %get3A_1112 : vector<1x16xf32> to vector<16xf32>
        %add3A_1114 = arith.constant 0 : i32
        %add3A_1115 = arith.addi %add3A_1114, %scan3A_1041 : i32
        %get3A_1116 = arith.index_cast %add3A_1115 : i32 to index
        %get3A_1117 = arith.constant 32 : index
        %get3A_1118 = tpu.vector_load %arg13[%get3A_1116, %get3A_1117] {strides = array<i32>} : memref<400x64xf32, #tpu.memory_space<vmem>>, vector<1x16xf32>,
        %get3A_1119 = vector.shape_cast %get3A_1118 : vector<1x16xf32> to vector<16xf32>
        %mul3A_1120 = arith.constant 8.000000e+00 : f32
        %mul3A_1121 = vector.broadcast %mul3A_1120 : f32 to vector<16xf32>
        %mul3A_1122 = arith.mulf %get3A_1119, %mul3A_1121 : vector<16xf32>
        %add3A_1123 = arith.addf %mul3A_1122, %get3A_1113 : vector<16xf32>
        %swap3A_1124 = arith.index_cast %add3A_1115 : i32 to index
        %swap3A_1125 = arith.constant 32 : index
        %swap3A_1126 = tpu.vector_load %arg13[%swap3A_1124, %swap3A_1125] {strides = array<i32>} : memref<400x64xf32, #tpu.memory_space<vmem>>, vector<1x16xf32>,
        %swap3A_1127 = vector.shape_cast %swap3A_1126 : vector<1x16xf32> to vector<16xf32>
        %swap3A_1128 = vector.shape_cast %add3A_1123 : vector<16xf32> to vector<1x16xf32>
        tpu.vector_store %arg13[%swap3A_1124, %swap3A_1125], %swap3A_1128 {strides = array<i32>} : memref<400x64xf32, #tpu.memory_space<vmem>>, vector<1x16xf32>,
        %add3A_1129 = arith.constant 200 : i32
        %add3A_1130 = arith.addi %add3A_1129, %scan3A_1041 : i32
        %get3A_1131 = arith.index_cast %add3A_1130 : i32 to index
        %get3A_1132 = arith.constant 32 : index
        %get3A_1133 = tpu.vector_load %arg13[%get3A_1131, %get3A_1132] {strides = array<i32>} : memref<400x64xf32, #tpu.memory_space<vmem>>, vector<1x16xf32>,
        %get3A_1134 = vector.shape_cast %get3A_1133 : vector<1x16xf32> to vector<16xf32>
        %mul3A_1135 = arith.constant 8.000000e+00 : f32
        %mul3A_1136 = vector.broadcast %mul3A_1135 : f32 to vector<16xf32>
        %mul3A_1137 = arith.mulf %get3A_1134, %mul3A_1136 : vector<16xf32>
        %add3A_1138 = arith.addf %mul3A_1137, %get3A_1113 : vector<16xf32>
        %swap3A_1139 = arith.index_cast %add3A_1130 : i32 to index
        %swap3A_1140 = arith.constant 32 : index
        %swap3A_1141 = tpu.vector_load %arg13[%swap3A_1139, %swap3A_1140] {strides = array<i32>} : memref<400x64xf32, #tpu.memory_space<vmem>>, vector<1x16xf32>,
        %swap3A_1142 = vector.shape_cast %swap3A_1141 : vector<1x16xf32> to vector<16xf32>
        %swap3A_1143 = vector.shape_cast %add3A_1138 : vector<16xf32> to vector<1x16xf32>
        tpu.vector_store %arg13[%swap3A_1139, %swap3A_1140], %swap3A_1143 {strides = array<i32>} : memref<400x64xf32, #tpu.memory_space<vmem>>, vector<1x16xf32>,
        %get3A_1144 = arith.index_cast %scan3A_1041 : i32 to index
        %get3A_1145 = arith.constant 48 : index
        %get3A_1146 = tpu.vector_load %arg14[%get3A_1144, %get3A_1145] {strides = array<i32>} : memref<200x64xf32, #tpu.memory_space<vmem>>, vector<1x16xf32>,
        %get3A_1147 = vector.shape_cast %get3A_1146 : vector<1x16xf32> to vector<16xf32>
        %add3A_1148 = arith.constant 0 : i32
        %add3A_1149 = arith.addi %add3A_1148, %scan3A_1041 : i32
        %get3A_1150 = arith.index_cast %add3A_1149 : i32 to index
        %get3A_1151 = arith.constant 48 : index
        %get3A_1152 = tpu.vector_load %arg13[%get3A_1150, %get3A_1151] {strides = array<i32>} : memref<400x64xf32, #tpu.memory_space<vmem>>, vector<1x16xf32>,
        %get3A_1153 = vector.shape_cast %get3A_1152 : vector<1x16xf32> to vector<16xf32>
        %mul3A_1154 = arith.constant 8.000000e+00 : f32
        %mul3A_1155 = vector.broadcast %mul3A_1154 : f32 to vector<16xf32>
        %mul3A_1156 = arith.mulf %get3A_1153, %mul3A_1155 : vector<16xf32>
        %add3A_1157 = arith.addf %mul3A_1156, %get3A_1147 : vector<16xf32>
        %swap3A_1158 = arith.index_cast %add3A_1149 : i32 to index
        %swap3A_1159 = arith.constant 48 : index
        %swap3A_1160 = tpu.vector_load %arg13[%swap3A_1158, %swap3A_1159] {strides = array<i32>} : memref<400x64xf32, #tpu.memory_space<vmem>>, vector<1x16xf32>,
        %swap3A_1161 = vector.shape_cast %swap3A_1160 : vector<1x16xf32> to vector<16xf32>
        %swap3A_1162 = vector.shape_cast %add3A_1157 : vector<16xf32> to vector<1x16xf32>
        tpu.vector_store %arg13[%swap3A_1158, %swap3A_1159], %swap3A_1162 {strides = array<i32>} : memref<400x64xf32, #tpu.memory_space<vmem>>, vector<1x16xf32>,
        %add3A_1163 = arith.constant 200 : i32
        %add3A_1164 = arith.addi %add3A_1163, %scan3A_1041 : i32
        %get3A_1165 = arith.index_cast %add3A_1164 : i32 to index
        %get3A_1166 = arith.constant 48 : index
        %get3A_1167 = tpu.vector_load %arg13[%get3A_1165, %get3A_1166] {strides = array<i32>} : memref<400x64xf32, #tpu.memory_space<vmem>>, vector<1x16xf32>,
        %get3A_1168 = vector.shape_cast %get3A_1167 : vector<1x16xf32> to vector<16xf32>
        %mul3A_1169 = arith.constant 8.000000e+00 : f32
        %mul3A_1170 = vector.broadcast %mul3A_1169 : f32 to vector<16xf32>
        %mul3A_1171 = arith.mulf %get3A_1168, %mul3A_1170 : vector<16xf32>
        %add3A_1172 = arith.addf %mul3A_1171, %get3A_1147 : vector<16xf32>
        %swap3A_1173 = arith.index_cast %add3A_1164 : i32 to index
        %swap3A_1174 = arith.constant 48 : index
        %swap3A_1175 = tpu.vector_load %arg13[%swap3A_1173, %swap3A_1174] {strides = array<i32>} : memref<400x64xf32, #tpu.memory_space<vmem>>, vector<1x16xf32>,
        %swap3A_1176 = vector.shape_cast %swap3A_1175 : vector<1x16xf32> to vector<16xf32>
        %swap3A_1177 = vector.shape_cast %add3A_1172 : vector<16xf32> to vector<1x16xf32>
        tpu.vector_store %arg13[%swap3A_1173, %swap3A_1174], %swap3A_1177 {strides = array<i32>} : memref<400x64xf32, #tpu.memory_space<vmem>>, vector<1x16xf32>,
      }
      %scan3A_590 = arith.constant 200 : i32
      %mul3A_591 = arith.constant 2 : i32
      %mul3A_592 = arith.muli %add3A_525, %mul3A_591 : i32
      %add3A_593 = arith.addi %mul3A_2, %mul3A_592 : i32
      %add3A_594 = arith.constant 0 : i32
      %add3A_595 = arith.addi %add3A_593, %add3A_594 : i32
      %dma_start3A_596 = arith.constant 0 : i32
      %dma_start3A_597 = arith.constant 0 : i32
      %dma_start3A_598 = tpu.memref_slice %arg13[%dma_start3A_596, %dma_start3A_597] : memref<400x64xf32, #tpu.memory_space<vmem>> -> memref<200x64xf32, #tpu.memory_space<vmem>>
      %dma_start3A_599 = arith.constant 0 : i32
      %dma_start3A_600 = arith.constant 0 : i32
      %dma_start3A_601 = tpu.memref_slice %arg5[%add3A_595, %dma_start3A_599, %dma_start3A_600] : memref<4096x200x128xf32, #tpu.memory_space<hbm>> -> memref<1x200x64xf32, #tpu.memory_space<hbm>>
      %dma_start3A_602 = tpu.memref_squeeze %dma_start3A_601 : memref<1x200x64xf32, #tpu.memory_space<hbm>> -> memref<200x64xf32, #tpu.memory_space<hbm>>
      %dma_start3A_603 = arith.constant 0 : i32
      %dma_start3A_604 = arith.constant 0 : i32
      %dma_start3A_605 = tpu.memref_slice %arg5[%add3A_595, %dma_start3A_603, %dma_start3A_604] : memref<4096x200x128xf32, #tpu.memory_space<hbm>> -> memref<1x200x64xf32, #tpu.memory_space<hbm>>
      %dma_start3A_606 = tpu.memref_squeeze %dma_start3A_605 : memref<1x200x64xf32, #tpu.memory_space<hbm>> -> memref<200x64xf32, #tpu.memory_space<hbm>>
      %dma_start3A_607 = arith.constant 0 : i32
      %dma_start3A_608 = arith.constant 0 : i32
      %dma_start3A_609 = tpu.memref_slice %arg13[%dma_start3A_607, %dma_start3A_608] : memref<400x64xf32, #tpu.memory_space<vmem>> -> memref<200x64xf32, #tpu.memory_space<vmem>>
      tpu.enqueue_dma source(%dma_start3A_609 : memref<200x64xf32, #tpu.memory_space<vmem>>) target(%dma_start3A_606 : memref<200x64xf32, #tpu.memory_space<hbm>>) target_semaphore(%arg22 : memref<!tpu.dma_semaphore, #tpu.memory_space<semaphore_mem>>)
      %mul3A_610 = arith.constant 2 : i32
      %mul3A_611 = arith.muli %add3A_525, %mul3A_610 : i32
      %add3A_612 = arith.addi %mul3A_2, %mul3A_611 : i32
      %add3A_613 = arith.constant 1 : i32
      %add3A_614 = arith.addi %add3A_612, %add3A_613 : i32
      %dma_start3A_615 = arith.constant 200 : i32
      %dma_start3A_616 = arith.constant 0 : i32
      %dma_start3A_617 = tpu.memref_slice %arg13[%dma_start3A_615, %dma_start3A_616] : memref<400x64xf32, #tpu.memory_space<vmem>> -> memref<200x64xf32, #tpu.memory_space<vmem>>
      %dma_start3A_618 = arith.constant 0 : i32
      %dma_start3A_619 = arith.constant 0 : i32
      %dma_start3A_620 = tpu.memref_slice %arg5[%add3A_614, %dma_start3A_618, %dma_start3A_619] : memref<4096x200x128xf32, #tpu.memory_space<hbm>> -> memref<1x200x64xf32, #tpu.memory_space<hbm>>
      %dma_start3A_621 = tpu.memref_squeeze %dma_start3A_620 : memref<1x200x64xf32, #tpu.memory_space<hbm>> -> memref<200x64xf32, #tpu.memory_space<hbm>>
      %dma_start3A_622 = arith.constant 0 : i32
      %dma_start3A_623 = arith.constant 0 : i32
      %dma_start3A_624 = tpu.memref_slice %arg5[%add3A_614, %dma_start3A_622, %dma_start3A_623] : memref<4096x200x128xf32, #tpu.memory_space<hbm>> -> memref<1x200x64xf32, #tpu.memory_space<hbm>>
      %dma_start3A_625 = tpu.memref_squeeze %dma_start3A_624 : memref<1x200x64xf32, #tpu.memory_space<hbm>> -> memref<200x64xf32, #tpu.memory_space<hbm>>
      %dma_start3A_626 = arith.constant 200 : i32
      %dma_start3A_627 = arith.constant 0 : i32
      %dma_start3A_628 = tpu.memref_slice %arg13[%dma_start3A_626, %dma_start3A_627] : memref<400x64xf32, #tpu.memory_space<vmem>> -> memref<200x64xf32, #tpu.memory_space<vmem>>
      tpu.enqueue_dma source(%dma_start3A_628 : memref<200x64xf32, #tpu.memory_space<vmem>>) target(%dma_start3A_625 : memref<200x64xf32, #tpu.memory_space<hbm>>) target_semaphore(%arg22 : memref<!tpu.dma_semaphore, #tpu.memory_space<semaphore_mem>>)
    }
    %scan3A_167 = arith.constant 16 : i32
    %add3A_168 = arith.constant 126 : i32
    %add3A_169 = arith.addi %mul3A_2, %add3A_168 : i32
    %add3A_170 = arith.constant 0 : i32
    %add3A_171 = arith.addi %add3A_169, %add3A_170 : i32
    %dma_wait3A_172 = arith.constant 0 : i32
    %dma_wait3A_173 = arith.constant 0 : i32
    %dma_wait3A_174 = tpu.memref_slice %arg13[%dma_wait3A_172, %dma_wait3A_173] : memref<400x64xf32, #tpu.memory_space<vmem>> -> memref<200x64xf32, #tpu.memory_space<vmem>>
    %dma_wait3A_175 = arith.constant 0 : i32
    %dma_wait3A_176 = arith.constant 0 : i32
    %dma_wait3A_177 = tpu.memref_slice %arg5[%add3A_171, %dma_wait3A_175, %dma_wait3A_176] : memref<4096x200x128xf32, #tpu.memory_space<hbm>> -> memref<1x200x64xf32, #tpu.memory_space<hbm>>
    %dma_wait3A_178 = tpu.memref_squeeze %dma_wait3A_177 : memref<1x200x64xf32, #tpu.memory_space<hbm>> -> memref<200x64xf32, #tpu.memory_space<hbm>>
    %dma_wait3A_179 = arith.constant 0 : i32
    %dma_wait3A_180 = arith.constant 0 : i32
    %dma_wait3A_181 = tpu.memref_slice %arg5[%add3A_171, %dma_wait3A_179, %dma_wait3A_180] : memref<4096x200x128xf32, #tpu.memory_space<hbm>> -> memref<1x200x64xf32, #tpu.memory_space<hbm>>
    %dma_wait3A_182 = tpu.memref_squeeze %dma_wait3A_181 : memref<1x200x64xf32, #tpu.memory_space<hbm>> -> memref<200x64xf32, #tpu.memory_space<hbm>>
    %dma_wait3A_183 = arith.constant 0 : i32
    %dma_wait3A_184 = arith.constant 0 : i32
    %dma_wait3A_185 = tpu.memref_slice %arg13[%dma_wait3A_183, %dma_wait3A_184] : memref<400x64xf32, #tpu.memory_space<vmem>> -> memref<200x64xf32, #tpu.memory_space<vmem>>
    tpu.wait_dma2 semaphore(%arg22 : memref<!tpu.dma_semaphore, #tpu.memory_space<semaphore_mem>>) src(%dma_wait3A_185 : memref<200x64xf32, #tpu.memory_space<vmem>>) dst(%dma_wait3A_182 : memref<200x64xf32, #tpu.memory_space<hbm>>)
    %add3A_186 = arith.constant 126 : i32
    %add3A_187 = arith.addi %mul3A_2, %add3A_186 : i32
    %add3A_188 = arith.constant 1 : i32
    %add3A_189 = arith.addi %add3A_187, %add3A_188 : i32
    %dma_wait3A_190 = arith.constant 200 : i32
    %dma_wait3A_191 = arith.constant 0 : i32
    %dma_wait3A_192 = tpu.memref_slice %arg13[%dma_wait3A_190, %dma_wait3A_191] : memref<400x64xf32, #tpu.memory_space<vmem>> -> memref<200x64xf32, #tpu.memory_space<vmem>>
    %dma_wait3A_193 = arith.constant 0 : i32
    %dma_wait3A_194 = arith.constant 0 : i32
    %dma_wait3A_195 = tpu.memref_slice %arg5[%add3A_189, %dma_wait3A_193, %dma_wait3A_194] : memref<4096x200x128xf32, #tpu.memory_space<hbm>> -> memref<1x200x64xf32, #tpu.memory_space<hbm>>
    %dma_wait3A_196 = tpu.memref_squeeze %dma_wait3A_195 : memref<1x200x64xf32, #tpu.memory_space<hbm>> -> memref<200x64xf32, #tpu.memory_space<hbm>>
    %dma_wait3A_197 = arith.constant 0 : i32
    %dma_wait3A_198 = arith.constant 0 : i32
    %dma_wait3A_199 = tpu.memref_slice %arg5[%add3A_189, %dma_wait3A_197, %dma_wait3A_198] : memref<4096x200x128xf32, #tpu.memory_space<hbm>> -> memref<1x200x64xf32, #tpu.memory_space<hbm>>
    %dma_wait3A_200 = tpu.memref_squeeze %dma_wait3A_199 : memref<1x200x64xf32, #tpu.memory_space<hbm>> -> memref<200x64xf32, #tpu.memory_space<hbm>>
    %dma_wait3A_201 = arith.constant 200 : i32
    %dma_wait3A_202 = arith.constant 0 : i32
    %dma_wait3A_203 = tpu.memref_slice %arg13[%dma_wait3A_201, %dma_wait3A_202] : memref<400x64xf32, #tpu.memory_space<vmem>> -> memref<200x64xf32, #tpu.memory_space<vmem>>
    tpu.wait_dma2 semaphore(%arg22 : memref<!tpu.dma_semaphore, #tpu.memory_space<semaphore_mem>>) src(%dma_wait3A_203 : memref<200x64xf32, #tpu.memory_space<vmem>>) dst(%dma_wait3A_200 : memref<200x64xf32, #tpu.memory_space<hbm>>)
    return
  }
}

</mosaic_0001>

<sc_bundles>
// kernel: _embed.3.cloned.1.call-start
scs
__scs_entry_jumppad:
0x0: {  	(pc) =	sbr.rel $0x88, $3  }
0x1: {  	(tag) =	ssettag $0x0;
	lr =	simm.s32 $0x1  }
0x2: {  	[smem:$0x3F9E] =	sst lr;
	_ =	strace $0xD0000000  }
0x3: {  	_ = 	snop  }
0x4: {  	_ = 	snop  }
0x5: {  	_ = 	snop  }
0x6: {  	_ = 	snop  }
0x7: {  	_ = 	snop  }
__scs_overlays_trampoline_lowered:
0x8: {  	[smem:$0x3FAD] =	sst s0  }
0x9: {  	[smem:$0x3FAE] =	sst s1  }
0xa: {  	[smem:$0x3FAF] =	sst s2  }
0xb: {  	[smem:$0x3FB0] =	sst s3  }
0xc: {  	[smem:$0x3FB1] =	sst s4  }
0xd: {  	[smem:$0x3FB2] =	sst s5  }
0xe: {  	[smem:$0x3FB3] =	sst s6  }
0xf: {  	[smem:$0x3FB4] =	sst s7  }
0x10: {  	[smem:$0x3FB5] =	sst s8  }
0x11: {  	[smem:$0x3FB6] =	sst s9;
	s0 =	simm.s32 @!p0 $0x0  }
0x12: {  	s1 =	sld [smem:$0x3F9C];
	s0 =	simm.s32 @p0 $0x1  }
0x13: {  	[smem:$0x3FB7] =	sst s0;
	s0 =	simm.s32 @!p1 $0x0  }
0x14: {  	s2 =	sld [smem:$0x3F9B];
	s0 =	simm.s32 @p1 $0x1  }
0x15: {  	[smem:$0x3FB8] =	sst s0;
	s0 =	simm.s32 @!p2 $0x0  }
0x16: {  	s3 =	sld [smem:$0x3FDB];
	s0 =	simm.s32 @p2 $0x1  }
0x17: {  	s4 =	simm.s32 $0x1BF5;
	[smem:$0x3FBA] =	sst s0  }
0x18: {  	s0 =	sld [smem:$0x3F9D];
	_ =	swait.ge [sflag:s4], $0x0  }
0x19: {  	s7 =	sld [smem:$0x3F9E]  }
0x1a: {  	s8 =	sadd.s32 $0xFFFFE003, lr  }
0x1b: {  	s9 =	sadd.s32 $0xFFFFFEF7, lr;
	s5 =	simm.s32 $0xFFFFFFFF;
	p2 =	slt.u32 s8, $0xFFFFF086  }
0x1c: {  	p1 =	slt.u32 s9, $0xF7A;
	s5 =	simm.s32 @!p2 $0x0  }
0x1d: {  	s5 =	simm.s32 @p1 $0x1;
	p0 =	seq.s32 s7, s2  }
0x1e: {  	s7 =	smul.u32 @!p0 $0xF7A, s2;
	p2 =	seq.s32 @!p0 s5, $0x0  }
0x1f: {  	s9 =	smul.u32 $0xF7A, s1;
	s8 =	simm.s32 @!p0 $0x1BF5;
	p2 =	por !p2, p0  }
0x20: {  	[sflag:s8] =	ssyncset.s32 @!p0 $0xFFFFF086;
	s6 =	sadd.s32 @!p0 s3, s7;
	s7 =	simm.s32 @!p0 $0x108  }
0x21: {  	s3 =	sadd.s32 s3, s9;
	s6 =	sadd.s32 @!p0 $0x88, s6;
	s7 =	simm.s32 @p2 $0x1082  }
0x22: {  	[simem:s7], [sflag:s8] =	dma.local @!p0 [hbm:s6], $0xF7A  }
0x23: {  	s9 =	sor.u32 $0xD0000000, s2;
	s6 =	simm.s32 $0x108;
	_ =	swait.ge @!p0 [sflag:s8], $0x0  }
0x24: {  	s3 =	sadd.s32 $0x88, s3;
	s6 =	simm.s32 @!p1 $0x1082;
	[sflag:s4] =	ssyncset.s32 $0xFFFFF086  }
0x25: {  	[simem:s6], [sflag:s4] =	dma.local [hbm:s3], $0xF7A  }
0x26: {  	[smem:$0x3F9E] =	sst s1;
	(tag) =	ssettag s2;
	_ =	strace s9  }
0x27: {  	s1 =	sld [smem:$0x3FAE]  }
0x28: {  	s2 =	sld [smem:$0x3FAF]  }
0x29: {  	s4 =	sld [smem:$0x3FB1]  }
0x2a: {  	p0 =	seq.s32 s5, $0x0;
	s5 =	sld [smem:$0x3FB2]  }
0x2b: {  	s6 =	sld [smem:$0x3FB3]  }
0x2c: {  	s7 =	sld [smem:$0x3FB4]  }
0x2d: {  	s3 =	simm.s32 $0x108;
	s8 =	sld [smem:$0x3FB5]  }
0x2e: {  	s3 =	simm.s32 @!p0 $0x1082;
	s9 =	sld [smem:$0x3FB6]  }
0x2f: {  	lr =	sadd.s32 s0, s3;
	s0 =	sld [smem:$0x3FAD]  }
0x30: {  	s3 =	sld [smem:$0x3FB0]  }
0x31: {  	[smem:$0x3FB9] =	sst s10  }
0x32: {  	s10 =	sld [smem:$0x3FB7];
	_ =	sdelay $0x3  }
0x33: {  	p0 =	seq.s32 s10, $0x1;
	s10 =	sld [smem:$0x3FB9];
	_ =	sdelay $0x3  }
0x34: {  	[smem:$0x3FB9] =	sst s10  }
0x35: {  	s10 =	sld [smem:$0x3FB8];
	_ =	sdelay $0x3  }
0x36: {  	p1 =	seq.s32 s10, $0x1;
	s10 =	sld [smem:$0x3FB9];
	_ =	sdelay $0x3  }
0x37: {  	[smem:$0x3FB9] =	sst s10  }
0x38: {  	s10 =	sld [smem:$0x3FBA]  }
0x39: {  	_ = 	snop;
	(pc) =	sbr.ind lr, $3  }
0x3a: {  	_ = 	snop  }
0x3b: {  	_ = 	snop  }
0x3c: {  	p2 =	seq.s32 s10, $0x1;
	s10 =	sld [smem:$0x3FB9]  }
0x3d: {  	_ =	shalt  }
0x3e: {  	_ =	shalt  }
0x3f: {  	_ =	shalt  }
0x40: {  	_ =	shalt  }
0x41: {  	_ =	shalt  }
0x42: {  	_ =	shalt  }
0x43: {  	_ =	shalt  }
0x44: {  	_ =	shalt  }
0x45: {  	_ =	shalt  }
0x46: {  	_ =	shalt  }
0x47: {  	_ =	shalt  }
0x48: {  	_ =	shalt  }
0x49: {  	_ =	shalt  }
0x4a: {  	_ =	shalt  }
0x4b: {  	_ =	shalt  }
0x4c: {  	_ =	shalt  }
0x4d: {  	_ =	shalt  }
0x4e: {  	_ =	shalt  }
0x4f: {  	_ =	shalt  }
0x50: {  	_ =	shalt  }
0x51: {  	_ =	shalt  }
0x52: {  	_ =	shalt  }
0x53: {  	_ =	shalt  }
0x54: {  	_ =	shalt  }
0x55: {  	_ =	shalt  }
0x56: {  	_ =	shalt  }
0x57: {  	_ =	shalt  }
0x58: {  	_ =	shalt  }
0x59: {  	_ =	shalt  }
0x5a: {  	_ =	shalt  }
0x5b: {  	_ =	shalt  }
0x5c: {  	_ =	shalt  }
0x5d: {  	_ =	shalt  }
0x5e: {  	_ =	shalt  }
0x5f: {  	_ =	shalt  }
0x60: {  	_ =	shalt  }
0x61: {  	_ =	shalt  }
0x62: {  	_ =	shalt  }
0x63: {  	_ =	shalt  }
0x64: {  	_ =	shalt  }
0x65: {  	_ =	shalt  }
0x66: {  	_ =	shalt  }
0x67: {  	_ =	shalt  }
0x68: {  	_ =	shalt  }
0x69: {  	_ =	shalt  }
0x6a: {  	_ =	shalt  }
0x6b: {  	_ =	shalt  }
0x6c: {  	_ =	shalt  }
0x6d: {  	_ =	shalt  }
0x6e: {  	_ =	shalt  }
0x6f: {  	_ =	shalt  }
0x70: {  	_ =	shalt  }
0x71: {  	_ =	shalt  }
0x72: {  	_ =	shalt  }
0x73: {  	_ =	shalt  }
0x74: {  	_ =	shalt  }
0x75: {  	_ =	shalt  }
0x76: {  	_ =	shalt  }
0x77: {  	_ =	shalt  }
0x78: {  	_ =	shalt  }
0x79: {  	_ =	shalt  }
0x7a: {  	_ =	shalt  }
0x7b: {  	_ =	shalt  }
0x7c: {  	_ =	shalt  }
0x7d: {  	_ =	shalt  }
0x7e: {  	_ =	shalt  }
0x7f: {  	_ =	shalt  }
0x80: {  	_ =	shalt  }
0x81: {  	_ =	shalt  }
0x82: {  	_ =	shalt  }
0x83: {  	_ =	shalt  }
0x84: {  	_ =	shalt  }
0x85: {  	_ =	shalt  }
0x86: {  	_ =	shalt  }
0x87: {  	_ =	shalt  }
.Lfunc_end0:
.L_simem_size_0:
called_computation_lowered:
.L_overlay_start_0:
0x88: {  	s2 =	sld [smem:$0x3FD9]  }
0x89: {  	s3 =	sld [smem:$0x3FFE];
	_ =	sdelay $0x1  }
0x8a: {  	s1 =	srdreg.scid  }
0x8b: {  	s0 =	sand.u32 $0x1, s1  }
0x8c: {  	s17 =	sshll.u32 s0, $0xA;
	s2 =	sadd.s32 s3, s2  }
0x8d: {  	s2 =	sadd.s32 s2, s17  }
0x8e: {  	[smem:$0x3FC5] =	sst s2  }
0x8f: {  	_ = 	snop  }
0x90: {  	s2 =	sld [smem:$0x3FD0];
	(tm) =	ssettm $0x1  }
0x91: {  	s18 =	sld [smem:$0x3FFB];
	_ =	sdelay $0x3  }
0x92: {  	_ =	strace s18  }
0x93: {  	s3 =	sld [smem:$0x3FFC];
	_ =	sdelay $0x3  }
0x94: {  	_ =	strace s3  }
0x95: {  	s3 =	sld [smem:$0x3FFD];
	_ =	sdelay $0x3  }
0x96: {  	_ =	strace s3  }
0x97: {  	_ =	strace $0x8FFFFFFF  }
0x98: {  	s19 =	sld [smem:$0x3FDB];
	_ =	sdelay $0x1  }
0x99: {  	s4 =	simm.s32 $_scs_section_size  }
0x9a: {  	s5 =	simm.s32 $_size__tile_overlayer_lowered;
	s6 =	simm.s32 $_tile_overlayer_lowered  }
0x9b: {  	s22 =	simm.s32 $0x1BFF;
	s21 =	sshll.u32 s6, $0x1;
	s3 =	sadd.s32 s4, s19  }
0x9c: {  	s7 =	simm.s32 $0x0;
	s20 =	sshll.u32 s5, $0x1;
	s5 =	sadd.s32 s21, s3  }
0x9d: {  	[timem:s7], [sflag:s22] =	dma.local [hbm:s5], s20  }
0x9e: {  	_ =	swait.ge [sflag:s22], s20  }
0x9f: {  	s4 =	ssub.s32 $0x0, s20;
	[sflag:s22] =	ssyncset.done $0x0  }
0xa0: {  	[sflag:s22] =	ssyncadd.s32 s4;
	_ =	sdelay $0x1  }
0xa1: {  	s23 =	simm.s32 $0x1B8B  }
0xa2: {  	_ =	swait.ge [sflag:s23], $0x1  }
0xa3: {  	[sflag:s23] =	ssyncset.done $0x0  }
0xa4: {  	s25 =	simm.s32 $0x1B8E;
	s24 =	sld [smem:$0x3FFE];
	[sflag:s23] =	ssyncadd.s32 $0xFFFFFFFF  }
0xa5: {  	s26 =	simm.s32 $execute0_lowered;
	[smem:$0x3FD2] =	sst s25  }
0xa6: {  	s5 =	sshll.u32 s26, $0x1;
	_ =	strace $0x80000046;
	[dreg:$0x1] =	wrdreg $0xFFFFFFFF  }
0xa7: {  	s28 =	simm.s32 $_size_execute0_lowered;
	s3 =	sadd.s32 s3, s5;
	[dreg:$0x0] =	wrdreg $0x0  }
0xa8: {  	s5 =	sshll.u32 s28, $0x1;
	[dreg:$0x2] =	wrdreg s3  }
0xa9: {  	[dreg:$0x3] =	wrdreg s5  }
0xaa: {  	[dreg:$0x4] =	wrdreg $0xC0  }
0xab: {  	_ =	task [dreg:s7], $0x5FFFF  }
0xac: {  	[dreg:$0x1] =	wrdreg $0xFFFFFFFF  }
0xad: {  	[dreg:$0x0] =	wrdreg $0x60  }
0xae: {  	[dreg:$0x2] =	wrdreg s24  }
0xaf: {  	[dreg:$0x3] =	wrdreg s2  }
0xb0: {  	[dreg:$0x4] =	wrdreg $0x9  }
0xb1: {  	_ =	task.clear_ibuf [dreg:s7], $0x5FFFF;
	_ =	strace $0x90000046  }
0xb2: {  	s29 =	simm.s32 $0x9;
	_ =	strace $0x80000048  }
0xb3: {  	_ =	swait.ge [sflag:s29], $0x1  }
0xb4: {  	[sflag:s29] =	ssyncadd.s32 $0xFFFFFFFF  }
0xb5: {  	_ =	strace $0x90000048  }
0xb6: {  	_ =	sfence  }
0xb7: {  	s30 =	sld [smem:$0x0];
	_ =	sdelay $0x2  }
0xb8: {  	s31 =	sshll.u32 s1, $0xD;
	s1 =	sshrl.u32 s1, $0x2  }
0xb9: {  	s3 =	sand.u32 $0x4000, s31;
	s1 =	sadd.s32 s1, s30  }
0xba: {  	s0 =	sor.u32 s3, s0;
	s1 =	sshll.u32 s1, $0x11  }
0xbb: {  	s0 =	sor.u32 s1, s0  }
0xbc: {  	s0 =	sadd.s32 $0x8F2B, s0  }
0xbd: {  	[sflag:s0] =	ssyncadd.remote.s32 $0x1  }
0xbe: {  	_ =	sfence.sel $0xFFFF  }
0xbf: {  	[dreg:$0x0] =	wrdreg $0xFFFFFFFF;
	(pc) =	sbr.abs _section_cstart, $3  }
0xc0: {  	[dreg:$0x1] =	wrdreg $0xFFFFFFFF  }
0xc1: {  	_ =	task.clear_ibuf [dreg:s7], $0x2FFFF;
	_ =	strace $0x9FFFFFFF  }
0xc2: {  	(tm) =	ssettm $0x7FFFFFFF  }
0xc3: {  	_ =	shalt  }
tec
execute0_lowered:
.L_overlay_start_1:
0x0: {  	(tag) =	ssettag $0x1  }
0x1: {  	s0 =	rddreg [dreg:$0x0]  }
0x2: {  	s2 =	rddreg [dreg:$0x1]  }
0x3: {  	s1 =	srdreg.scid;
	s3 =	stileid.u32  }
0x4: {  	s5 =	simm.s32 $0x0;
	s23 =	simm.s32 $0x80;
	s25 =	simm.s32 $0x48  }
0x5: {  	s28 =	simm.s32 $0xCE40;
	s17 =	simm.s32 $0x10040;
	s31 =	simm.s32 $0xC  }
0x6: {  	s19 =	simm.s32 $0x13240;
	s10 =	simm.s32 $0x16440;
	s8 =	simm.s32 $0x1  }
0x7: {  	s18 =	simm.s32 $0x40;
	s22 =	simm.s32 $0x5;
	s20 =	simm.s32 $0x7  }
0x8: {  	s11 =	simm.s32 $0x0;
	s1 =	sand.u32 $0x1, s1;
	s3 =	sshll.u32 s3, $0x8  }
0x9: {  	[smem:$0x7FF] =	sst s5;
	s5 =	sadd.s32 $0x800, s0;
	s4 =	sshll.u32 s1, $0x7  }
0xa: {  	s6 =	sadd.s32 $0xF42C00, s0;
	s0 =	sadd.s32 $0x19800, s0;
	s4 =	sor.u32 s4, s3  }
0xb: {  	_ =	strace $0x80000047;
	s1 =	ssub.s32 $0x2, s1;
	s3 =	smul.u32 $0x19, s4  }
0xc: {  	[dreg:$0x3] =	wrdreg s0;
	s26 =	sshrl.u32 s1, $0x1;
	s7 =	smul.u32 $0xC8, s4  }
0xd: {  	s0 =	ssub.s32 s1, s26;
	s12 =	sor.u32 $0x8, s4;
	s13 =	sor.u32 $0xA, s4  }
0xe: {  	s14 =	sor.u32 $0xC, s4;
	s15 =	sor.u32 $0xE, s4;
	s0 =	smax.u32 s0, $0x1  }
0xf: {  	s26 =	simm.s32 $0x6;
	s3 =	sadd.s32 s5, s3;
	[dreg:$0x8] =	wrdreg s0  }
0x10: {  	s29 =	sshrl.u32 s7, $0x3;
	s30 =	sadd.s32 $0x32, s3;
	[dreg:$0x4] =	wrdreg s3  }
0x11: {  	s3 =	sadd.s32 $0x64, s3;
	s1 =	sadd.s32 s5, s29;
	[dreg:$0x5] =	wrdreg s30  }
0x12: {  	s0 =	simm.s32 $0x2;
	[dreg:$0x6] =	wrdreg s3;
	s1 =	sadd.s32 $0x96, s1  }
0x13: {  	s7 =	simm.s32 $0x4;
	s3 =	simm.s32 $0x3;
	[dreg:$0x7] =	wrdreg s1  }
.LBB2_1:
0x14: {  	[dreg:$0x9] =	wrdreg s11;
	s1 =	simm.s32 $0x0  }
0x15: {  	s9 =	rddreg [dreg:$0x3];
	s30 =	simm.s32 $0x19640;
	s11 =	simm.s32 $0xD  }
0x16: {  	[tilespmem:s30], [sflag:$0xD] =	stream.linear.gather [hbm4b:s9+s1], $0x3200, $0x38;
	[tilespmem:$0x1C840] =	vst v63  }
0x17: {  	_ =	swait.ge [sflag:s11], $0x3200  }
0x18: {  	[sflag:s11] =	ssyncset.done $0x0  }
0x19: {  	s16 =	rddreg [dreg:$0x4];
	[sflag:s11] =	ssyncadd.s32 $0xFFFFCE00  }
0x1a: {  	[tilespmem:s1], [sflag:$0x9] =	stream.linear.gather [hbm4b:s16+s1], $0x190, $0x38;
	[tilespmem:$0x1C840] =	vst v63  }
0x1b: {  	s21 =	rddreg [dreg:$0x5];
	s11 =	simm.s32 $0x190  }
0x1c: {  	[tilespmem:s11], [sflag:$0xA] =	stream.linear.gather [hbm4b:s21+s1], $0x190, $0x38;
	[tilespmem:$0x1C840] =	vst v63  }
0x1d: {  	s24 =	rddreg [dreg:$0x6];
	s16 =	simm.s32 $0x320  }
0x1e: {  	[tilespmem:s16], [sflag:$0xB] =	stream.linear.gather [hbm4b:s24+s1], $0x190, $0x38;
	[tilespmem:$0x1C840] =	vst v63  }
0x1f: {  	s30 =	simm.s32 $0x9;
	s29 =	rddreg [dreg:$0x7];
	s21 =	simm.s32 $0x4B0  }
0x20: {  	[tilespmem:s21], [sflag:$0xC] =	stream.linear.gather [hbm4b:s29+s1], $0x190, $0x38;
	[tilespmem:$0x1C840] =	vst v63  }
0x21: {  	_ =	swait.ge [sflag:s30], $0x190  }
0x22: {  	[sflag:s30] =	ssyncset.done $0x0  }
0x23: {  	s21 =	simm.s32 $0x640;
	[sflag:s30] =	ssyncadd.s32 $0xFFFFFE70  }
0x24: {  	[tilespmem:s21], [sflag:$0x1] =	stream.indirect.gather [hbm4b:s6+s23], $0x40, s1, s23, $0xb8;
	[tilespmem:$0x1C840] =	vst v63  }
0x25: {  	s24 =	simm.s32 $0x2640  }
0x26: {  	[tilespmem:s24], [sflag:$0x1] =	stream.indirect.gather [hbm4b:s6+s25], $0x40, s23, s25, $0xb8;
	[tilespmem:$0x1C840] =	vst v63  }
0x27: {  	s29 =	simm.s32 $0xC8;
	s30 =	simm.s32 $0x3840  }
0x28: {  	[tilespmem:s30], [sflag:$0x1] =	stream.indirect.gather [hbm4b:s6+s23], $0x40, s29, s23, $0xb8;
	[tilespmem:$0x1C840] =	vst v63  }
0x29: {  	s21 =	simm.s32 $0x148;
	s24 =	simm.s32 $0x5840;
	s29 =	simm.s32 $0xA  }
0x2a: {  	[tilespmem:s24], [sflag:$0x1] =	stream.indirect.gather [hbm4b:s6+s25], $0x40, s21, s25, $0xb8;
	[tilespmem:$0x1C840] =	vst v63  }
0x2b: {  	_ =	swait.ge [sflag:s29], $0x190  }
0x2c: {  	[sflag:s29] =	ssyncset.done $0x0  }
0x2d: {  	s30 =	simm.s32 $0x6A40;
	[sflag:s29] =	ssyncadd.s32 $0xFFFFFE70  }
0x2e: {  	[tilespmem:s30], [sflag:$0x2] =	stream.indirect.gather [hbm4b:s6+s23], $0x40, s11, s23, $0xb8;
	[tilespmem:$0x1C840] =	vst v63  }
0x2f: {  	s9 =	simm.s32 $0x210;
	s11 =	simm.s32 $0x8A40  }
0x30: {  	[tilespmem:s11], [sflag:$0x2] =	stream.indirect.gather [hbm4b:s6+s25], $0x40, s9, s25, $0xb8;
	[tilespmem:$0x1C840] =	vst v63  }
0x31: {  	s21 =	simm.s32 $0x258;
	s24 =	simm.s32 $0x9C40  }
0x32: {  	[tilespmem:s24], [sflag:$0x2] =	stream.indirect.gather [hbm4b:s6+s23], $0x40, s21, s23, $0xb8;
	[tilespmem:$0x1C840] =	vst v63  }
0x33: {  	s29 =	simm.s32 $0x2D8;
	s30 =	simm.s32 $0xBC40;
	s11 =	simm.s32 $0xB  }
0x34: {  	[tilespmem:s30], [sflag:$0x2] =	stream.indirect.gather [hbm4b:s6+s25], $0x40, s29, s25, $0xb8;
	[tilespmem:$0x1C840] =	vst v63  }
0x35: {  	_ =	swait.ge [sflag:s11], $0x190  }
0x36: {  	[sflag:s11] =	ssyncset.done $0x0  }
0x37: {  	[sflag:s11] =	ssyncadd.s32 $0xFFFFFE70  }
0x38: {  	[tilespmem:s28], [sflag:$0x3] =	stream.indirect.gather [hbm4b:s6+s23], $0x40, s16, s23, $0xb8;
	[tilespmem:$0x1C840] =	vst v63  }
0x39: {  	s21 =	simm.s32 $0xEE40;
	s16 =	simm.s32 $0x3A0  }
0x3a: {  	[tilespmem:s21], [sflag:$0x3] =	stream.indirect.gather [hbm4b:s6+s25], $0x40, s16, s25, $0xb8;
	[tilespmem:$0x1C840] =	vst v63  }
0x3b: {  	s24 =	simm.s32 $0x3E8  }
0x3c: {  	[tilespmem:s17], [sflag:$0x3] =	stream.indirect.gather [hbm4b:s6+s23], $0x40, s24, s23, $0xb8;
	[tilespmem:$0x1C840] =	vst v63  }
0x3d: {  	s9 =	simm.s32 $0x0;
	s29 =	simm.s32 $0x468;
	s30 =	simm.s32 $0x12040  }
0x3e: {  	[tilespmem:s30], [sflag:$0x3] =	stream.indirect.gather [hbm4b:s6+s25], $0x40, s29, s25, $0xb8;
	[tilespmem:$0x1C840] =	vst v63  }
.LBB2_2:
0x3f: {  	p0 =	seq.s32 s9, $0x0  }
0x40: {  	s1 =	simm.s32 @!p0 $0x8  }
0x41: {  	_ =	swait.ge @!p0 [sflag:s1], $0x3200  }
0x42: {  	[sflag:s1] =	ssyncset.done @!p0 $0x0  }
0x43: {  	[sflag:s1] =	ssyncadd.s32 @!p0 $0xFFFFCE00  }
0x44: {  	_ =	swait.ge @!p0 [sflag:s1], $0x3200  }
0x45: {  	[sflag:s1] =	ssyncset.done @!p0 $0x0  }
0x46: {  	[sflag:s1] =	ssyncadd.s32 @!p0 $0xFFFFCE00  }
0x47: {  	_ =	swait.ge [sflag:s31], $0x190  }
0x48: {  	[sflag:s31] =	ssyncset.done $0x0  }
0x49: {  	s11 =	simm.s32 $0x4B0;
	[sflag:s31] =	ssyncadd.s32 $0xFFFFFE70  }
0x4a: {  	[tilespmem:s19], [sflag:$0x4] =	stream.indirect.gather [hbm4b:s6+s23], $0x40, s11, s23, $0xb8;
	[tilespmem:$0x1C840] =	vst v63  }
0x4b: {  	s16 =	simm.s32 $0x530;
	s11 =	simm.s32 $0x15240  }
0x4c: {  	[tilespmem:s11], [sflag:$0x4] =	stream.indirect.gather [hbm4b:s6+s25], $0x40, s16, s25, $0xb8;
	[tilespmem:$0x1C840] =	vst v63  }
0x4d: {  	s21 =	simm.s32 $0x578  }
0x4e: {  	[tilespmem:s10], [sflag:$0x4] =	stream.indirect.gather [hbm4b:s6+s23], $0x40, s21, s23, $0xb8;
	[tilespmem:$0x1C840] =	vst v63  }
0x4f: {  	s24 =	simm.s32 $0x5F8;
	s30 =	simm.s32 $0x18440  }
0x50: {  	[tilespmem:s30], [sflag:$0x4] =	stream.indirect.gather [hbm4b:s6+s25], $0x40, s24, s25, $0xb8;
	[tilespmem:$0x1C840] =	vst v63  }
0x51: {  	_ =	swait.ge [sflag:s8], $0x2000  }
0x52: {  	[sflag:s8] =	ssyncset.done $0x0  }
0x53: {  	[sflag:s8] =	ssyncadd.s32 $0xFFFFE000  }
0x54: {  	_ =	swait.ge [sflag:s8], $0x1200  }
0x55: {  	[sflag:s8] =	ssyncset.done $0x0  }
0x56: {  	[sflag:s8] =	ssyncadd.s32 $0xFFFFEE00  }
0x57: {  	_ =	swait.ge [sflag:s8], $0x2000  }
0x58: {  	p0 =	seq.s32 s9, $0xF;
	s11 =	sshll.u32 s9, $0x3;
	[sflag:s8] =	ssyncset.done $0x0  }
0x59: {  	s1 =	sadd.s32 @!p0 s11, s12;
	[sflag:s8] =	ssyncadd.s32 $0xFFFFE000  }
0x5a: {  	s1 =	smul.u32 @!p0 $0x19, s1;
	_ =	swait.ge [sflag:s8], $0x1200  }
0x5b: {  	[sflag:s8] =	ssyncset.done $0x0  }
0x5c: {  	s16 =	simm.s32 @!p0 $0x0;
	s1 =	sadd.s32 @!p0 s5, s1;
	[sflag:s8] =	ssyncadd.s32 $0xFFFFEE00  }
0x5d: {  	[tilespmem:s16], [sflag:$0x9] =	stream.linear.gather @!p0 [hbm4b:s1+s16], $0x190, $0x38;
	[tilespmem:$0x1C840] =	vst v63  }
0x5e: {  	s16 =	simm.s32 $0x3930  }
0x5f: {  	v0 =	vld [tilespmem:s16+$0xFFFFCD10]  }
0x60: {  	s21 =	simm.s32 $0x196C0;
	v1 =	vld [tilespmem:s16+$0xFFFFFF10]  }
0x61: {  	v2 =	vld [tilespmem:s21+$0xFFFFFF80];
	_ =	sdelay $0x2  }
0x62: {  	v0 =	vmul.f32 $8.000000000e+00, v0  }
0x63: {  	v1 =	vmul.f32 $8.000000000e+00, v1  }
0x64: {  	v0 =	vadd.f32 v0, v2  }
0x65: {  	v1 =	vadd.f32 v1, v2  }
0x66: {  	[tilespmem:s16+$0xFFFFCD10] =	vst v0;
	v0 =	vld [tilespmem:s16+$0xFFFFCD20]  }
0x67: {  	v2 =	vld [tilespmem:s16+$0xFFFFFF20];
	[tilespmem:s16+$0xFFFFFF10] =	vst v1  }
0x68: {  	v1 =	vld [tilespmem:s21+$0xFFFFFF90];
	_ =	sdelay $0x2  }
0x69: {  	v0 =	vmul.f32 $8.000000000e+00, v0  }
0x6a: {  	v2 =	vmul.f32 $8.000000000e+00, v2  }
0x6b: {  	v0 =	vadd.f32 v0, v1  }
0x6c: {  	v1 =	vadd.f32 v2, v1  }
0x6d: {  	[tilespmem:s16+$0xFFFFCD20] =	vst v0;
	v0 =	vld [tilespmem:s16+$0xFFFFCD30]  }
0x6e: {  	v2 =	vld [tilespmem:s16+$0xFFFFFF30];
	[tilespmem:s16+$0xFFFFFF20] =	vst v1  }
0x6f: {  	v1 =	vld [tilespmem:s21+$0xFFFFFFA0];
	_ =	sdelay $0x2  }
0x70: {  	v0 =	vmul.f32 $8.000000000e+00, v0  }
0x71: {  	v2 =	vmul.f32 $8.000000000e+00, v2  }
0x72: {  	v0 =	vadd.f32 v0, v1  }
0x73: {  	v1 =	vadd.f32 v2, v1  }
0x74: {  	[tilespmem:s16+$0xFFFFCD30] =	vst v0;
	v0 =	vld [tilespmem:s16+$0xFFFFCD40]  }
0x75: {  	v2 =	vld [tilespmem:s16+$0xFFFFFF40];
	[tilespmem:s16+$0xFFFFFF30] =	vst v1  }
0x76: {  	v1 =	vld [tilespmem:s21+$0xFFFFFFB0];
	_ =	sdelay $0x2  }
0x77: {  	v0 =	vmul.f32 $8.000000000e+00, v0  }
0x78: {  	v2 =	vmul.f32 $8.000000000e+00, v2  }
0x79: {  	v0 =	vadd.f32 v0, v1  }
0x7a: {  	v1 =	vadd.f32 v2, v1  }
0x7b: {  	[tilespmem:s16+$0xFFFFCD40] =	vst v0;
	v0 =	vld [tilespmem:s16+$0xFFFFCD50]  }
0x7c: {  	v2 =	vld [tilespmem:s16+$0xFFFFFF50];
	[tilespmem:s16+$0xFFFFFF40] =	vst v1  }
0x7d: {  	v1 =	vld [tilespmem:s21+$0xFFFFFFC0];
	_ =	sdelay $0x2  }
0x7e: {  	v0 =	vmul.f32 $8.000000000e+00, v0  }
0x7f: {  	v2 =	vmul.f32 $8.000000000e+00, v2  }
0x80: {  	v0 =	vadd.f32 v0, v1  }
0x81: {  	v1 =	vadd.f32 v2, v1  }
0x82: {  	[tilespmem:s16+$0xFFFFCD50] =	vst v0;
	v0 =	vld [tilespmem:s16+$0xFFFFCD60]  }
0x83: {  	v2 =	vld [tilespmem:s16+$0xFFFFFF60];
	[tilespmem:s16+$0xFFFFFF50] =	vst v1  }
0x84: {  	v1 =	vld [tilespmem:s21+$0xFFFFFFD0];
	_ =	sdelay $0x2  }
0x85: {  	v0 =	vmul.f32 $8.000000000e+00, v0  }
0x86: {  	v2 =	vmul.f32 $8.000000000e+00, v2  }
0x87: {  	v0 =	vadd.f32 v0, v1  }
0x88: {  	v1 =	vadd.f32 v2, v1  }
0x89: {  	[tilespmem:s16+$0xFFFFCD60] =	vst v0;
	v0 =	vld [tilespmem:s16+$0xFFFFCD70]  }
0x8a: {  	v2 =	vld [tilespmem:s16+$0xFFFFFF70];
	[tilespmem:s16+$0xFFFFFF60] =	vst v1  }
0x8b: {  	v1 =	vld [tilespmem:s21+$0xFFFFFFE0];
	_ =	sdelay $0x2  }
0x8c: {  	v0 =	vmul.f32 $8.000000000e+00, v0  }
0x8d: {  	v2 =	vmul.f32 $8.000000000e+00, v2  }
0x8e: {  	v0 =	vadd.f32 v0, v1  }
0x8f: {  	v1 =	vadd.f32 v2, v1  }
0x90: {  	[tilespmem:s16+$0xFFFFCD70] =	vst v0;
	v0 =	vld [tilespmem:s16+$0xFFFFCD80]  }
0x91: {  	v2 =	vld [tilespmem:s16+$0xFFFFFF80];
	[tilespmem:s16+$0xFFFFFF70] =	vst v1  }
0x92: {  	v1 =	vld [tilespmem:s21+$0xFFFFFFF0];
	_ =	sdelay $0x2  }
0x93: {  	v0 =	vmul.f32 $8.000000000e+00, v0  }
0x94: {  	v2 =	vmul.f32 $8.000000000e+00, v2  }
0x95: {  	v0 =	vadd.f32 v0, v1  }
0x96: {  	v1 =	vadd.f32 v2, v1  }
0x97: {  	[tilespmem:s16+$0xFFFFCD80] =	vst v0;
	v0 =	vld [tilespmem:s16+$0xFFFFCD90]  }
0x98: {  	v2 =	vld [tilespmem:s16+$0xFFFFFF90];
	[tilespmem:s16+$0xFFFFFF80] =	vst v1  }
0x99: {  	v1 =	vld [tilespmem:s21+$0x0];
	_ =	sdelay $0x2  }
0x9a: {  	v0 =	vmul.f32 $8.000000000e+00, v0  }
0x9b: {  	v2 =	vmul.f32 $8.000000000e+00, v2  }
0x9c: {  	v0 =	vadd.f32 v0, v1  }
0x9d: {  	v1 =	vadd.f32 v2, v1  }
0x9e: {  	[tilespmem:s16+$0xFFFFCD90] =	vst v0;
	v0 =	vld [tilespmem:s16+$0xFFFFCDA0]  }
0x9f: {  	v2 =	vld [tilespmem:s16+$0xFFFFFFA0];
	[tilespmem:s16+$0xFFFFFF90] =	vst v1  }
0xa0: {  	v1 =	vld [tilespmem:s21+$0x10];
	_ =	sdelay $0x2  }
0xa1: {  	v0 =	vmul.f32 $8.000000000e+00, v0  }
0xa2: {  	v2 =	vmul.f32 $8.000000000e+00, v2  }
0xa3: {  	v0 =	vadd.f32 v0, v1  }
0xa4: {  	v1 =	vadd.f32 v2, v1  }
0xa5: {  	[tilespmem:s16+$0xFFFFCDA0] =	vst v0;
	v0 =	vld [tilespmem:s16+$0xFFFFCDB0]  }
0xa6: {  	v2 =	vld [tilespmem:s16+$0xFFFFFFB0];
	[tilespmem:s16+$0xFFFFFFA0] =	vst v1  }
0xa7: {  	v1 =	vld [tilespmem:s21+$0x20];
	_ =	sdelay $0x2  }
0xa8: {  	v0 =	vmul.f32 $8.000000000e+00, v0  }
0xa9: {  	v2 =	vmul.f32 $8.000000000e+00, v2  }
0xaa: {  	v0 =	vadd.f32 v0, v1  }
0xab: {  	v1 =	vadd.f32 v2, v1  }
0xac: {  	[tilespmem:s16+$0xFFFFCDB0] =	vst v0;
	v0 =	vld [tilespmem:s16+$0xFFFFCDC0]  }
0xad: {  	v2 =	vld [tilespmem:s16+$0xFFFFFFC0];
	[tilespmem:s16+$0xFFFFFFB0] =	vst v1  }
0xae: {  	v1 =	vld [tilespmem:s21+$0x30];
	_ =	sdelay $0x2  }
0xaf: {  	v0 =	vmul.f32 $8.000000000e+00, v0  }
0xb0: {  	v2 =	vmul.f32 $8.000000000e+00, v2  }
0xb1: {  	v0 =	vadd.f32 v0, v1  }
0xb2: {  	v1 =	vadd.f32 v2, v1  }
0xb3: {  	[tilespmem:s16+$0xFFFFCDC0] =	vst v0;
	v0 =	vld [tilespmem:s16+$0xFFFFCDD0]  }
0xb4: {  	v2 =	vld [tilespmem:s16+$0xFFFFFFD0];
	[tilespmem:s16+$0xFFFFFFC0] =	vst v1  }
0xb5: {  	v1 =	vld [tilespmem:s21+$0x40];
	_ =	sdelay $0x2  }
0xb6: {  	v0 =	vmul.f32 $8.000000000e+00, v0  }
0xb7: {  	v2 =	vmul.f32 $8.000000000e+00, v2  }
0xb8: {  	v0 =	vadd.f32 v0, v1  }
0xb9: {  	v1 =	vadd.f32 v2, v1  }
0xba: {  	[tilespmem:s16+$0xFFFFCDD0] =	vst v0;
	v0 =	vld [tilespmem:s16+$0xFFFFCDE0]  }
0xbb: {  	v2 =	vld [tilespmem:s16+$0xFFFFFFE0];
	[tilespmem:s16+$0xFFFFFFD0] =	vst v1  }
0xbc: {  	v1 =	vld [tilespmem:s21+$0x50];
	_ =	sdelay $0x2  }
0xbd: {  	v0 =	vmul.f32 $8.000000000e+00, v0  }
0xbe: {  	v2 =	vmul.f32 $8.000000000e+00, v2  }
0xbf: {  	v3 =	vadd.f32 v0, v1  }
0xc0: {  	v1 =	vadd.f32 v2, v1;
	v0 =	vld [tilespmem:s16+$0xFFFFFFF0]  }
0xc1: {  	v2 =	vld [tilespmem:s16+$0xFFFFCDF0];
	[tilespmem:s16+$0xFFFFCDE0] =	vst v3  }
0xc2: {  	[tilespmem:s16+$0xFFFFFFE0] =	vst v1  }
0xc3: {  	s29 =	simm.s32 $0x196C0;
	s24 =	simm.s32 $0x3930;
	s1 =	simm.s32 $0x0;
	v1 =	vld [tilespmem:s21+$0x60]  }
.LBB2_3:
0xc4: {  	s1 =	sadd.s32 $0x4, s1;
	s16 =	sadd.s32 $0x100, s16;
	s21 =	sadd.s32 $0x100, s21  }
0xc5: {  	p1 =	slt.u32 s1, $0xC4  }
0xc6: {  	v0 =	vmul.f32 $8.000000000e+00, v0;
	v2 =	vmul.f32 $8.000000000e+00, v2;
	_ =	sdelay $0x1  }
0xc7: {  	v2 =	vadd.f32 v2, v1;
	v0 =	vadd.f32 v0, v1  }
0xc8: {  	v1 =	vld [tilespmem:s24+$0xFFFFCE00]  }
0xc9: {  	[tilespmem:s24+$0xFFFFCDF0] =	vst v2;
	v2 =	vld [tilespmem:s24+$0x0]  }
0xca: {  	[tilespmem:s24+$0xFFFFFFF0] =	vst v0  }
0xcb: {  	v0 =	vld [tilespmem:s29+$0x70];
	s29 =	smov.u32 s21;
	_ =	sdelay $0x2  }
0xcc: {  	v1 =	vmul.f32 $8.000000000e+00, v1;
	v2 =	vmul.f32 $8.000000000e+00, v2;
	_ =	sdelay $0x1  }
0xcd: {  	v1 =	vadd.f32 v1, v0;
	v0 =	vadd.f32 v2, v0  }
0xce: {  	v2 =	vld [tilespmem:s16+$0xFFFFFF10]  }
0xcf: {  	v3 =	vld [tilespmem:s16+$0xFFFFCD10];
	[tilespmem:s24+$0xFFFFCE00] =	vst v1  }
0xd0: {  	[tilespmem:s24+$0x0] =	vst v0;
	s24 =	smov.u32 s16  }
0xd1: {  	v0 =	vld [tilespmem:s21+$0xFFFFFF80];
	_ =	sdelay $0x2  }
0xd2: {  	v2 =	vmul.f32 $8.000000000e+00, v2;
	v1 =	vmul.f32 $8.000000000e+00, v3;
	_ =	sdelay $0x1  }
0xd3: {  	v1 =	vadd.f32 v1, v0;
	v0 =	vadd.f32 v2, v0  }
0xd4: {  	v2 =	vld [tilespmem:s16+$0xFFFFFF20]  }
0xd5: {  	[tilespmem:s16+$0xFFFFCD10] =	vst v1;
	v1 =	vld [tilespmem:s16+$0xFFFFCD20]  }
0xd6: {  	[tilespmem:s16+$0xFFFFFF10] =	vst v0  }
0xd7: {  	v0 =	vld [tilespmem:s21+$0xFFFFFF90];
	_ =	sdelay $0x2  }
0xd8: {  	v2 =	vmul.f32 $8.000000000e+00, v2;
	v1 =	vmul.f32 $8.000000000e+00, v1;
	_ =	sdelay $0x1  }
0xd9: {  	v1 =	vadd.f32 v1, v0;
	v0 =	vadd.f32 v2, v0  }
0xda: {  	v2 =	vld [tilespmem:s16+$0xFFFFFF30]  }
0xdb: {  	[tilespmem:s16+$0xFFFFCD20] =	vst v1;
	v1 =	vld [tilespmem:s16+$0xFFFFCD30]  }
0xdc: {  	[tilespmem:s16+$0xFFFFFF20] =	vst v0  }
0xdd: {  	v0 =	vld [tilespmem:s21+$0xFFFFFFA0];
	_ =	sdelay $0x2  }
0xde: {  	v2 =	vmul.f32 $8.000000000e+00, v2;
	v1 =	vmul.f32 $8.000000000e+00, v1;
	_ =	sdelay $0x1  }
0xdf: {  	v1 =	vadd.f32 v1, v0;
	v0 =	vadd.f32 v2, v0  }
0xe0: {  	v2 =	vld [tilespmem:s16+$0xFFFFFF40]  }
0xe1: {  	[tilespmem:s16+$0xFFFFCD30] =	vst v1;
	v1 =	vld [tilespmem:s16+$0xFFFFCD40]  }
0xe2: {  	[tilespmem:s16+$0xFFFFFF30] =	vst v0  }
0xe3: {  	v0 =	vld [tilespmem:s21+$0xFFFFFFB0];
	_ =	sdelay $0x2  }
0xe4: {  	v2 =	vmul.f32 $8.000000000e+00, v2;
	v1 =	vmul.f32 $8.000000000e+00, v1;
	_ =	sdelay $0x1  }
0xe5: {  	v1 =	vadd.f32 v1, v0;
	v0 =	vadd.f32 v2, v0  }
0xe6: {  	v2 =	vld [tilespmem:s16+$0xFFFFFF50]  }
0xe7: {  	[tilespmem:s16+$0xFFFFCD40] =	vst v1;
	v1 =	vld [tilespmem:s16+$0xFFFFCD50]  }
0xe8: {  	[tilespmem:s16+$0xFFFFFF40] =	vst v0  }
0xe9: {  	v0 =	vld [tilespmem:s21+$0xFFFFFFC0];
	_ =	sdelay $0x2  }
0xea: {  	v2 =	vmul.f32 $8.000000000e+00, v2;
	v1 =	vmul.f32 $8.000000000e+00, v1;
	_ =	sdelay $0x1  }
0xeb: {  	v1 =	vadd.f32 v1, v0;
	v0 =	vadd.f32 v2, v0  }
0xec: {  	v2 =	vld [tilespmem:s16+$0xFFFFFF60]  }
0xed: {  	[tilespmem:s16+$0xFFFFCD50] =	vst v1;
	v1 =	vld [tilespmem:s16+$0xFFFFCD60]  }
0xee: {  	[tilespmem:s16+$0xFFFFFF50] =	vst v0  }
0xef: {  	v0 =	vld [tilespmem:s21+$0xFFFFFFD0];
	_ =	sdelay $0x2  }
0xf0: {  	v2 =	vmul.f32 $8.000000000e+00, v2;
	v1 =	vmul.f32 $8.000000000e+00, v1;
	_ =	sdelay $0x1  }
0xf1: {  	v1 =	vadd.f32 v1, v0;
	v0 =	vadd.f32 v2, v0  }
0xf2: {  	v2 =	vld [tilespmem:s16+$0xFFFFFF70]  }
0xf3: {  	[tilespmem:s16+$0xFFFFCD60] =	vst v1;
	v1 =	vld [tilespmem:s16+$0xFFFFCD70]  }
0xf4: {  	[tilespmem:s16+$0xFFFFFF60] =	vst v0  }
0xf5: {  	v0 =	vld [tilespmem:s21+$0xFFFFFFE0];
	_ =	sdelay $0x2  }
0xf6: {  	v2 =	vmul.f32 $8.000000000e+00, v2;
	v1 =	vmul.f32 $8.000000000e+00, v1;
	_ =	sdelay $0x1  }
0xf7: {  	v1 =	vadd.f32 v1, v0;
	v0 =	vadd.f32 v2, v0  }
0xf8: {  	v2 =	vld [tilespmem:s16+$0xFFFFFF80]  }
0xf9: {  	[tilespmem:s16+$0xFFFFCD70] =	vst v1;
	v1 =	vld [tilespmem:s16+$0xFFFFCD80]  }
0xfa: {  	[tilespmem:s16+$0xFFFFFF70] =	vst v0  }
0xfb: {  	v0 =	vld [tilespmem:s21+$0xFFFFFFF0];
	_ =	sdelay $0x2  }
0xfc: {  	v2 =	vmul.f32 $8.000000000e+00, v2;
	v1 =	vmul.f32 $8.000000000e+00, v1;
	_ =	sdelay $0x1  }
0xfd: {  	v1 =	vadd.f32 v1, v0;
	v0 =	vadd.f32 v2, v0  }
0xfe: {  	v2 =	vld [tilespmem:s16+$0xFFFFFF90]  }
0xff: {  	[tilespmem:s16+$0xFFFFCD80] =	vst v1;
	v1 =	vld [tilespmem:s16+$0xFFFFCD90]  }
0x100: {  	[tilespmem:s16+$0xFFFFFF80] =	vst v0  }
0x101: {  	v0 =	vld [tilespmem:s21+$0x0];
	_ =	sdelay $0x2  }
0x102: {  	v2 =	vmul.f32 $8.000000000e+00, v2;
	v1 =	vmul.f32 $8.000000000e+00, v1;
	_ =	sdelay $0x1  }
0x103: {  	v1 =	vadd.f32 v1, v0;
	v0 =	vadd.f32 v2, v0  }
0x104: {  	v2 =	vld [tilespmem:s16+$0xFFFFFFA0]  }
0x105: {  	[tilespmem:s16+$0xFFFFCD90] =	vst v1;
	v1 =	vld [tilespmem:s16+$0xFFFFCDA0]  }
0x106: {  	[tilespmem:s16+$0xFFFFFF90] =	vst v0  }
0x107: {  	v0 =	vld [tilespmem:s21+$0x10];
	_ =	sdelay $0x2  }
0x108: {  	v2 =	vmul.f32 $8.000000000e+00, v2;
	v1 =	vmul.f32 $8.000000000e+00, v1;
	_ =	sdelay $0x1  }
0x109: {  	v1 =	vadd.f32 v1, v0;
	v0 =	vadd.f32 v2, v0  }
0x10a: {  	v2 =	vld [tilespmem:s16+$0xFFFFFFB0]  }
0x10b: {  	[tilespmem:s16+$0xFFFFCDA0] =	vst v1;
	v1 =	vld [tilespmem:s16+$0xFFFFCDB0]  }
0x10c: {  	[tilespmem:s16+$0xFFFFFFA0] =	vst v0  }
0x10d: {  	v0 =	vld [tilespmem:s21+$0x20];
	_ =	sdelay $0x2  }
0x10e: {  	v2 =	vmul.f32 $8.000000000e+00, v2;
	v1 =	vmul.f32 $8.000000000e+00, v1;
	_ =	sdelay $0x1  }
0x10f: {  	v1 =	vadd.f32 v1, v0;
	v0 =	vadd.f32 v2, v0  }
0x110: {  	v2 =	vld [tilespmem:s16+$0xFFFFFFC0]  }
0x111: {  	[tilespmem:s16+$0xFFFFCDB0] =	vst v1;
	v1 =	vld [tilespmem:s16+$0xFFFFCDC0]  }
0x112: {  	[tilespmem:s16+$0xFFFFFFB0] =	vst v0  }
0x113: {  	v0 =	vld [tilespmem:s21+$0x30];
	_ =	sdelay $0x2  }
0x114: {  	v2 =	vmul.f32 $8.000000000e+00, v2;
	v1 =	vmul.f32 $8.000000000e+00, v1;
	_ =	sdelay $0x1  }
0x115: {  	v1 =	vadd.f32 v1, v0;
	v0 =	vadd.f32 v2, v0  }
0x116: {  	v2 =	vld [tilespmem:s16+$0xFFFFFFD0]  }
0x117: {  	[tilespmem:s16+$0xFFFFCDC0] =	vst v1;
	v1 =	vld [tilespmem:s16+$0xFFFFCDD0]  }
0x118: {  	[tilespmem:s16+$0xFFFFFFC0] =	vst v0  }
0x119: {  	v0 =	vld [tilespmem:s21+$0x40];
	_ =	sdelay $0x2  }
0x11a: {  	v2 =	vmul.f32 $8.000000000e+00, v2;
	v1 =	vmul.f32 $8.000000000e+00, v1;
	_ =	sdelay $0x1  }
0x11b: {  	v1 =	vadd.f32 v1, v0;
	v0 =	vadd.f32 v2, v0  }
0x11c: {  	v2 =	vld [tilespmem:s16+$0xFFFFFFE0]  }
0x11d: {  	[tilespmem:s16+$0xFFFFCDD0] =	vst v1;
	v1 =	vld [tilespmem:s16+$0xFFFFCDE0]  }
0x11e: {  	[tilespmem:s16+$0xFFFFFFD0] =	vst v0  }
0x11f: {  	v0 =	vld [tilespmem:s21+$0x50];
	_ =	sdelay $0x2  }
0x120: {  	v2 =	vmul.f32 $8.000000000e+00, v2;
	v1 =	vmul.f32 $8.000000000e+00, v1;
	_ =	sdelay $0x1  }
.Ltmp0:
0x121: {  	v1 =	vadd.f32 v1, v0;
	v3 =	vadd.f32 v2, v0;
	(pc) =	sbr.rel @p1 .LBB2_3-.Ltmp0, $4  }
0x122: {  	v0 =	vld [tilespmem:s16+$0xFFFFFFF0]  }
0x123: {  	[tilespmem:s16+$0xFFFFCDE0] =	vst v1;
	v2 =	vld [tilespmem:s16+$0xFFFFCDF0]  }
0x124: {  	[tilespmem:s16+$0xFFFFFFE0] =	vst v3  }
0x125: {  	v1 =	vld [tilespmem:s21+$0x60]  }
0x126: {  	_ =	sdelay $0x1  }
0x127: {  	v2 =	vmul.f32 $8.000000000e+00, v2  }
0x128: {  	v0 =	vmul.f32 $8.000000000e+00, v0  }
0x129: {  	v2 =	vadd.f32 v2, v1  }
0x12a: {  	v0 =	vadd.f32 v0, v1  }
0x12b: {  	v1 =	vld [tilespmem:s24+$0xFFFFCE00];
	[tilespmem:s24+$0xFFFFCDF0] =	vst v2  }
0x12c: {  	v2 =	vld [tilespmem:s24+$0x0];
	[tilespmem:s24+$0xFFFFFFF0] =	vst v0  }
0x12d: {  	v0 =	vld [tilespmem:s29+$0x70];
	_ =	sdelay $0x2  }
0x12e: {  	v1 =	vmul.f32 $8.000000000e+00, v1  }
0x12f: {  	s16 =	sor.u32 s4, s11;
	v2 =	vmul.f32 $8.000000000e+00, v2  }
0x130: {  	s1 =	smul.u32 $0xC80, s16;
	v1 =	vadd.f32 v1, v0  }
0x131: {  	s21 =	smul.u32 $0x6400, s16;
	v0 =	vadd.f32 v2, v0  }
0x132: {  	[tilespmem:s24+$0xFFFFCE00] =	vst v1  }
0x133: {  	s1 =	sadd.s32 s2, s1;
	s21 =	sshrl.u32 s21, $0x3;
	[tilespmem:s24+$0x0] =	vst v0;
	s24 =	simm.s32 $0x640  }
0x134: {  	[hbm4b:s1+s18] =	stream.strided.scatter [tilespmem:s24], [sflag:$0x5], $0x3200, s23, s18, $0x38;
	[tilespmem:$0x1C840] =	vst v63  }
0x135: {  	s1 =	sadd.s32 s2, s21  }
0x136: {  	s24 =	simm.s32 $0x3840;
	s1 =	sadd.s32 $0xC80, s1  }
0x137: {  	[hbm4b:s1+s18] =	stream.strided.scatter [tilespmem:s24], [sflag:$0x5], $0x3200, s23, s18, $0x38;
	[tilespmem:$0x1C840] =	vst v63  }
0x138: {  	_ =	swait.ge [sflag:s22], $0x3200  }
0x139: {  	[sflag:s22] =	ssyncset.done $0x0  }
0x13a: {  	[sflag:s22] =	ssyncadd.s32 $0xFFFFCE00  }
0x13b: {  	_ =	swait.ge [sflag:s22], $0x3200  }
0x13c: {  	[sflag:s22] =	ssyncset.done $0x0  }
0x13d: {  	s1 =	simm.s32 @!p0 $0x9;
	[sflag:s22] =	ssyncadd.s32 $0xFFFFCE00  }
0x13e: {  	_ =	swait.ge @!p0 [sflag:s1], $0x190  }
0x13f: {  	s21 =	simm.s32 @!p0 $0x0;
	[sflag:s1] =	ssyncset.done @!p0 $0x0  }
0x140: {  	s24 =	simm.s32 @!p0 $0x640;
	[sflag:s1] =	ssyncadd.s32 @!p0 $0xFFFFFE70;
	s1 =	simm.s32 @!p0 $0x80  }
0x141: {  	[tilespmem:s24], [sflag:$0x1] =	stream.indirect.gather @!p0 [hbm4b:s6+s1], $0x40, s21, s1, $0xb8;
	[tilespmem:$0x1C840] =	vst v63  }
0x142: {  	s29 =	simm.s32 @!p0 $0x2640;
	s24 =	simm.s32 @!p0 $0x48  }
0x143: {  	[tilespmem:s29], [sflag:$0x1] =	stream.indirect.gather @!p0 [hbm4b:s6+s24], $0x40, s1, s24, $0xb8;
	[tilespmem:$0x1C840] =	vst v63  }
0x144: {  	s30 =	simm.s32 @!p0 $0x3840;
	s29 =	simm.s32 @!p0 $0xC8  }
0x145: {  	[tilespmem:s30], [sflag:$0x1] =	stream.indirect.gather @!p0 [hbm4b:s6+s1], $0x40, s29, s1, $0xb8;
	[tilespmem:$0x1C840] =	vst v63  }
0x146: {  	s1 =	simm.s32 @!p0 $0x148;
	s29 =	simm.s32 @!p0 $0x5840  }
0x147: {  	[tilespmem:s29], [sflag:$0x1] =	stream.indirect.gather @!p0 [hbm4b:s6+s24], $0x40, s1, s24, $0xb8;
	[tilespmem:$0x1C840] =	vst v63  }
0x148: {  	_ =	swait.ge [sflag:s0], $0x2000  }
0x149: {  	[sflag:s0] =	ssyncset.done $0x0  }
0x14a: {  	[sflag:s0] =	ssyncadd.s32 $0xFFFFE000  }
0x14b: {  	_ =	swait.ge [sflag:s0], $0x1200  }
0x14c: {  	[sflag:s0] =	ssyncset.done $0x0  }
0x14d: {  	[sflag:s0] =	ssyncadd.s32 $0xFFFFEE00  }
0x14e: {  	_ =	swait.ge [sflag:s0], $0x2000  }
0x14f: {  	[sflag:s0] =	ssyncset.done $0x0  }
0x150: {  	s1 =	sadd.s32 @!p0 s11, s13;
	[sflag:s0] =	ssyncadd.s32 $0xFFFFE000  }
0x151: {  	s1 =	smul.u32 @!p0 $0x19, s1;
	_ =	swait.ge [sflag:s0], $0x1200  }
0x152: {  	[sflag:s0] =	ssyncset.done $0x0  }
0x153: {  	s24 =	simm.s32 @!p0 $0x190;
	s1 =	sadd.s32 @!p0 s5, s1;
	[sflag:s0] =	ssyncadd.s32 $0xFFFFEE00  }
0x154: {  	[tilespmem:s24], [sflag:$0xA] =	stream.linear.gather @!p0 [hbm4b:s1+s21], $0x190, $0x38;
	[tilespmem:$0x1C840] =	vst v63  }
0x155: {  	s21 =	simm.s32 $0x9D30  }
0x156: {  	v0 =	vld [tilespmem:s21+$0xFFFFCD10]  }
0x157: {  	s24 =	simm.s32 $0x196C0;
	v1 =	vld [tilespmem:s21+$0xFFFFFF10]  }
0x158: {  	v2 =	vld [tilespmem:s24+$0xFFFFFF80];
	_ =	sdelay $0x2  }
0x159: {  	v0 =	vmul.f32 $8.000000000e+00, v0  }
0x15a: {  	v1 =	vmul.f32 $8.000000000e+00, v1  }
0x15b: {  	v0 =	vadd.f32 v0, v2  }
0x15c: {  	v1 =	vadd.f32 v1, v2  }
0x15d: {  	[tilespmem:s21+$0xFFFFCD10] =	vst v0;
	v0 =	vld [tilespmem:s21+$0xFFFFCD20]  }
0x15e: {  	v2 =	vld [tilespmem:s21+$0xFFFFFF20];
	[tilespmem:s21+$0xFFFFFF10] =	vst v1  }
0x15f: {  	v1 =	vld [tilespmem:s24+$0xFFFFFF90];
	_ =	sdelay $0x2  }
0x160: {  	v0 =	vmul.f32 $8.000000000e+00, v0  }
0x161: {  	v2 =	vmul.f32 $8.000000000e+00, v2  }
0x162: {  	v0 =	vadd.f32 v0, v1  }
0x163: {  	v1 =	vadd.f32 v2, v1  }
0x164: {  	[tilespmem:s21+$0xFFFFCD20] =	vst v0;
	v0 =	vld [tilespmem:s21+$0xFFFFCD30]  }
0x165: {  	v2 =	vld [tilespmem:s21+$0xFFFFFF30];
	[tilespmem:s21+$0xFFFFFF20] =	vst v1  }
0x166: {  	v1 =	vld [tilespmem:s24+$0xFFFFFFA0];
	_ =	sdelay $0x2  }
0x167: {  	v0 =	vmul.f32 $8.000000000e+00, v0  }
0x168: {  	v2 =	vmul.f32 $8.000000000e+00, v2  }
0x169: {  	v0 =	vadd.f32 v0, v1  }
0x16a: {  	v1 =	vadd.f32 v2, v1  }
0x16b: {  	[tilespmem:s21+$0xFFFFCD30] =	vst v0;
	v0 =	vld [tilespmem:s21+$0xFFFFCD40]  }
0x16c: {  	v2 =	vld [tilespmem:s21+$0xFFFFFF40];
	[tilespmem:s21+$0xFFFFFF30] =	vst v1  }
0x16d: {  	v1 =	vld [tilespmem:s24+$0xFFFFFFB0];
	_ =	sdelay $0x2  }
0x16e: {  	v0 =	vmul.f32 $8.000000000e+00, v0  }
0x16f: {  	v2 =	vmul.f32 $8.000000000e+00, v2  }
0x170: {  	v0 =	vadd.f32 v0, v1  }
0x171: {  	v1 =	vadd.f32 v2, v1  }
0x172: {  	[tilespmem:s21+$0xFFFFCD40] =	vst v0;
	v0 =	vld [tilespmem:s21+$0xFFFFCD50]  }
0x173: {  	v2 =	vld [tilespmem:s21+$0xFFFFFF50];
	[tilespmem:s21+$0xFFFFFF40] =	vst v1  }
0x174: {  	v1 =	vld [tilespmem:s24+$0xFFFFFFC0];
	_ =	sdelay $0x2  }
0x175: {  	v0 =	vmul.f32 $8.000000000e+00, v0  }
0x176: {  	v2 =	vmul.f32 $8.000000000e+00, v2  }
0x177: {  	v0 =	vadd.f32 v0, v1  }
0x178: {  	v1 =	vadd.f32 v2, v1  }
0x179: {  	[tilespmem:s21+$0xFFFFCD50] =	vst v0;
	v0 =	vld [tilespmem:s21+$0xFFFFCD60]  }
0x17a: {  	v2 =	vld [tilespmem:s21+$0xFFFFFF60];
	[tilespmem:s21+$0xFFFFFF50] =	vst v1  }
0x17b: {  	v1 =	vld [tilespmem:s24+$0xFFFFFFD0];
	_ =	sdelay $0x2  }
0x17c: {  	v0 =	vmul.f32 $8.000000000e+00, v0  }
0x17d: {  	v2 =	vmul.f32 $8.000000000e+00, v2  }
0x17e: {  	v0 =	vadd.f32 v0, v1  }
0x17f: {  	v1 =	vadd.f32 v2, v1  }
0x180: {  	[tilespmem:s21+$0xFFFFCD60] =	vst v0;
	v0 =	vld [tilespmem:s21+$0xFFFFCD70]  }
0x181: {  	v2 =	vld [tilespmem:s21+$0xFFFFFF70];
	[tilespmem:s21+$0xFFFFFF60] =	vst v1  }
0x182: {  	v1 =	vld [tilespmem:s24+$0xFFFFFFE0];
	_ =	sdelay $0x2  }
0x183: {  	v0 =	vmul.f32 $8.000000000e+00, v0  }
0x184: {  	v2 =	vmul.f32 $8.000000000e+00, v2  }
0x185: {  	v0 =	vadd.f32 v0, v1  }
0x186: {  	v1 =	vadd.f32 v2, v1  }
0x187: {  	[tilespmem:s21+$0xFFFFCD70] =	vst v0;
	v0 =	vld [tilespmem:s21+$0xFFFFCD80]  }
0x188: {  	v2 =	vld [tilespmem:s21+$0xFFFFFF80];
	[tilespmem:s21+$0xFFFFFF70] =	vst v1  }
0x189: {  	v1 =	vld [tilespmem:s24+$0xFFFFFFF0];
	_ =	sdelay $0x2  }
0x18a: {  	v0 =	vmul.f32 $8.000000000e+00, v0  }
0x18b: {  	v2 =	vmul.f32 $8.000000000e+00, v2  }
0x18c: {  	v0 =	vadd.f32 v0, v1  }
0x18d: {  	v1 =	vadd.f32 v2, v1  }
0x18e: {  	[tilespmem:s21+$0xFFFFCD80] =	vst v0;
	v0 =	vld [tilespmem:s21+$0xFFFFCD90]  }
0x18f: {  	v2 =	vld [tilespmem:s21+$0xFFFFFF90];
	[tilespmem:s21+$0xFFFFFF80] =	vst v1  }
0x190: {  	v1 =	vld [tilespmem:s24+$0x0];
	_ =	sdelay $0x2  }
0x191: {  	v0 =	vmul.f32 $8.000000000e+00, v0  }
0x192: {  	v2 =	vmul.f32 $8.000000000e+00, v2  }
0x193: {  	v0 =	vadd.f32 v0, v1  }
0x194: {  	v1 =	vadd.f32 v2, v1  }
0x195: {  	[tilespmem:s21+$0xFFFFCD90] =	vst v0;
	v0 =	vld [tilespmem:s21+$0xFFFFCDA0]  }
0x196: {  	v2 =	vld [tilespmem:s21+$0xFFFFFFA0];
	[tilespmem:s21+$0xFFFFFF90] =	vst v1  }
0x197: {  	v1 =	vld [tilespmem:s24+$0x10];
	_ =	sdelay $0x2  }
0x198: {  	v0 =	vmul.f32 $8.000000000e+00, v0  }
0x199: {  	v2 =	vmul.f32 $8.000000000e+00, v2  }
0x19a: {  	v0 =	vadd.f32 v0, v1  }
0x19b: {  	v1 =	vadd.f32 v2, v1  }
0x19c: {  	[tilespmem:s21+$0xFFFFCDA0] =	vst v0;
	v0 =	vld [tilespmem:s21+$0xFFFFCDB0]  }
0x19d: {  	v2 =	vld [tilespmem:s21+$0xFFFFFFB0];
	[tilespmem:s21+$0xFFFFFFA0] =	vst v1  }
0x19e: {  	v1 =	vld [tilespmem:s24+$0x20];
	_ =	sdelay $0x2  }
0x19f: {  	v0 =	vmul.f32 $8.000000000e+00, v0  }
0x1a0: {  	v2 =	vmul.f32 $8.000000000e+00, v2  }
0x1a1: {  	v0 =	vadd.f32 v0, v1  }
0x1a2: {  	v1 =	vadd.f32 v2, v1  }
0x1a3: {  	[tilespmem:s21+$0xFFFFCDB0] =	vst v0;
	v0 =	vld [tilespmem:s21+$0xFFFFCDC0]  }
0x1a4: {  	v2 =	vld [tilespmem:s21+$0xFFFFFFC0];
	[tilespmem:s21+$0xFFFFFFB0] =	vst v1  }
0x1a5: {  	v1 =	vld [tilespmem:s24+$0x30];
	_ =	sdelay $0x2  }
0x1a6: {  	v0 =	vmul.f32 $8.000000000e+00, v0  }
0x1a7: {  	v2 =	vmul.f32 $8.000000000e+00, v2  }
0x1a8: {  	v0 =	vadd.f32 v0, v1  }
0x1a9: {  	v1 =	vadd.f32 v2, v1  }
0x1aa: {  	[tilespmem:s21+$0xFFFFCDC0] =	vst v0;
	v0 =	vld [tilespmem:s21+$0xFFFFCDD0]  }
0x1ab: {  	v2 =	vld [tilespmem:s21+$0xFFFFFFD0];
	[tilespmem:s21+$0xFFFFFFC0] =	vst v1  }
0x1ac: {  	v1 =	vld [tilespmem:s24+$0x40];
	_ =	sdelay $0x2  }
0x1ad: {  	v0 =	vmul.f32 $8.000000000e+00, v0  }
0x1ae: {  	v2 =	vmul.f32 $8.000000000e+00, v2  }
0x1af: {  	v0 =	vadd.f32 v0, v1  }
0x1b0: {  	v1 =	vadd.f32 v2, v1  }
0x1b1: {  	[tilespmem:s21+$0xFFFFCDD0] =	vst v0;
	v0 =	vld [tilespmem:s21+$0xFFFFCDE0]  }
0x1b2: {  	v2 =	vld [tilespmem:s21+$0xFFFFFFE0];
	[tilespmem:s21+$0xFFFFFFD0] =	vst v1  }
0x1b3: {  	v1 =	vld [tilespmem:s24+$0x50];
	_ =	sdelay $0x2  }
0x1b4: {  	v0 =	vmul.f32 $8.000000000e+00, v0  }
0x1b5: {  	v2 =	vmul.f32 $8.000000000e+00, v2  }
0x1b6: {  	v3 =	vadd.f32 v0, v1  }
0x1b7: {  	v1 =	vadd.f32 v2, v1;
	v0 =	vld [tilespmem:s21+$0xFFFFFFF0]  }
0x1b8: {  	v2 =	vld [tilespmem:s21+$0xFFFFCDF0];
	[tilespmem:s21+$0xFFFFCDE0] =	vst v3  }
0x1b9: {  	[tilespmem:s21+$0xFFFFFFE0] =	vst v1  }
0x1ba: {  	s30 =	simm.s32 $0x0;
	s29 =	simm.s32 $0x9D30;
	s1 =	simm.s32 $0x196C0;
	v1 =	vld [tilespmem:s24+$0x60]  }
.LBB2_5:
0x1bb: {  	s30 =	sadd.s32 $0x4, s30;
	s21 =	sadd.s32 $0x100, s21;
	s24 =	sadd.s32 $0x100, s24  }
0x1bc: {  	p1 =	slt.u32 s30, $0xC4  }
0x1bd: {  	v0 =	vmul.f32 $8.000000000e+00, v0;
	v2 =	vmul.f32 $8.000000000e+00, v2;
	_ =	sdelay $0x1  }
0x1be: {  	v2 =	vadd.f32 v2, v1;
	v0 =	vadd.f32 v0, v1  }
0x1bf: {  	v1 =	vld [tilespmem:s29+$0xFFFFCE00]  }
0x1c0: {  	[tilespmem:s29+$0xFFFFCDF0] =	vst v2;
	v2 =	vld [tilespmem:s29+$0x0]  }
0x1c1: {  	[tilespmem:s29+$0xFFFFFFF0] =	vst v0  }
0x1c2: {  	v0 =	vld [tilespmem:s1+$0x70];
	s1 =	smov.u32 s24;
	_ =	sdelay $0x2  }
0x1c3: {  	v1 =	vmul.f32 $8.000000000e+00, v1;
	v2 =	vmul.f32 $8.000000000e+00, v2;
	_ =	sdelay $0x1  }
0x1c4: {  	v1 =	vadd.f32 v1, v0;
	v0 =	vadd.f32 v2, v0  }
0x1c5: {  	v2 =	vld [tilespmem:s21+$0xFFFFFF10]  }
0x1c6: {  	v3 =	vld [tilespmem:s21+$0xFFFFCD10];
	[tilespmem:s29+$0xFFFFCE00] =	vst v1  }
0x1c7: {  	[tilespmem:s29+$0x0] =	vst v0;
	s29 =	smov.u32 s21  }
0x1c8: {  	v0 =	vld [tilespmem:s24+$0xFFFFFF80];
	_ =	sdelay $0x2  }
0x1c9: {  	v2 =	vmul.f32 $8.000000000e+00, v2;
	v1 =	vmul.f32 $8.000000000e+00, v3;
	_ =	sdelay $0x1  }
0x1ca: {  	v1 =	vadd.f32 v1, v0;
	v0 =	vadd.f32 v2, v0  }
0x1cb: {  	v2 =	vld [tilespmem:s21+$0xFFFFFF20]  }
0x1cc: {  	[tilespmem:s21+$0xFFFFCD10] =	vst v1;
	v1 =	vld [tilespmem:s21+$0xFFFFCD20]  }
0x1cd: {  	[tilespmem:s21+$0xFFFFFF10] =	vst v0  }
0x1ce: {  	v0 =	vld [tilespmem:s24+$0xFFFFFF90];
	_ =	sdelay $0x2  }
0x1cf: {  	v2 =	vmul.f32 $8.000000000e+00, v2;
	v1 =	vmul.f32 $8.000000000e+00, v1;
	_ =	sdelay $0x1  }
0x1d0: {  	v1 =	vadd.f32 v1, v0;
	v0 =	vadd.f32 v2, v0  }
0x1d1: {  	v2 =	vld [tilespmem:s21+$0xFFFFFF30]  }
0x1d2: {  	[tilespmem:s21+$0xFFFFCD20] =	vst v1;
	v1 =	vld [tilespmem:s21+$0xFFFFCD30]  }
0x1d3: {  	[tilespmem:s21+$0xFFFFFF20] =	vst v0  }
0x1d4: {  	v0 =	vld [tilespmem:s24+$0xFFFFFFA0];
	_ =	sdelay $0x2  }
0x1d5: {  	v2 =	vmul.f32 $8.000000000e+00, v2;
	v1 =	vmul.f32 $8.000000000e+00, v1;
	_ =	sdelay $0x1  }
0x1d6: {  	v1 =	vadd.f32 v1, v0;
	v0 =	vadd.f32 v2, v0  }
0x1d7: {  	v2 =	vld [tilespmem:s21+$0xFFFFFF40]  }
0x1d8: {  	[tilespmem:s21+$0xFFFFCD30] =	vst v1;
	v1 =	vld [tilespmem:s21+$0xFFFFCD40]  }
0x1d9: {  	[tilespmem:s21+$0xFFFFFF30] =	vst v0  }
0x1da: {  	v0 =	vld [tilespmem:s24+$0xFFFFFFB0];
	_ =	sdelay $0x2  }
0x1db: {  	v2 =	vmul.f32 $8.000000000e+00, v2;
	v1 =	vmul.f32 $8.000000000e+00, v1;
	_ =	sdelay $0x1  }
0x1dc: {  	v1 =	vadd.f32 v1, v0;
	v0 =	vadd.f32 v2, v0  }
0x1dd: {  	v2 =	vld [tilespmem:s21+$0xFFFFFF50]  }
0x1de: {  	[tilespmem:s21+$0xFFFFCD40] =	vst v1;
	v1 =	vld [tilespmem:s21+$0xFFFFCD50]  }
0x1df: {  	[tilespmem:s21+$0xFFFFFF40] =	vst v0  }
0x1e0: {  	v0 =	vld [tilespmem:s24+$0xFFFFFFC0];
	_ =	sdelay $0x2  }
0x1e1: {  	v2 =	vmul.f32 $8.000000000e+00, v2;
	v1 =	vmul.f32 $8.000000000e+00, v1;
	_ =	sdelay $0x1  }
0x1e2: {  	v1 =	vadd.f32 v1, v0;
	v0 =	vadd.f32 v2, v0  }
0x1e3: {  	v2 =	vld [tilespmem:s21+$0xFFFFFF60]  }
0x1e4: {  	[tilespmem:s21+$0xFFFFCD50] =	vst v1;
	v1 =	vld [tilespmem:s21+$0xFFFFCD60]  }
0x1e5: {  	[tilespmem:s21+$0xFFFFFF50] =	vst v0  }
0x1e6: {  	v0 =	vld [tilespmem:s24+$0xFFFFFFD0];
	_ =	sdelay $0x2  }
0x1e7: {  	v2 =	vmul.f32 $8.000000000e+00, v2;
	v1 =	vmul.f32 $8.000000000e+00, v1;
	_ =	sdelay $0x1  }
0x1e8: {  	v1 =	vadd.f32 v1, v0;
	v0 =	vadd.f32 v2, v0  }
0x1e9: {  	v2 =	vld [tilespmem:s21+$0xFFFFFF70]  }
0x1ea: {  	[tilespmem:s21+$0xFFFFCD60] =	vst v1;
	v1 =	vld [tilespmem:s21+$0xFFFFCD70]  }
0x1eb: {  	[tilespmem:s21+$0xFFFFFF60] =	vst v0  }
0x1ec: {  	v0 =	vld [tilespmem:s24+$0xFFFFFFE0];
	_ =	sdelay $0x2  }
0x1ed: {  	v2 =	vmul.f32 $8.000000000e+00, v2;
	v1 =	vmul.f32 $8.000000000e+00, v1;
	_ =	sdelay $0x1  }
0x1ee: {  	v1 =	vadd.f32 v1, v0;
	v0 =	vadd.f32 v2, v0  }
0x1ef: {  	v2 =	vld [tilespmem:s21+$0xFFFFFF80]  }
0x1f0: {  	[tilespmem:s21+$0xFFFFCD70] =	vst v1;
	v1 =	vld [tilespmem:s21+$0xFFFFCD80]  }
0x1f1: {  	[tilespmem:s21+$0xFFFFFF70] =	vst v0  }
0x1f2: {  	v0 =	vld [tilespmem:s24+$0xFFFFFFF0];
	_ =	sdelay $0x2  }
0x1f3: {  	v2 =	vmul.f32 $8.000000000e+00, v2;
	v1 =	vmul.f32 $8.000000000e+00, v1;
	_ =	sdelay $0x1  }
0x1f4: {  	v1 =	vadd.f32 v1, v0;
	v0 =	vadd.f32 v2, v0  }
0x1f5: {  	v2 =	vld [tilespmem:s21+$0xFFFFFF90]  }
0x1f6: {  	[tilespmem:s21+$0xFFFFCD80] =	vst v1;
	v1 =	vld [tilespmem:s21+$0xFFFFCD90]  }
0x1f7: {  	[tilespmem:s21+$0xFFFFFF80] =	vst v0  }
0x1f8: {  	v0 =	vld [tilespmem:s24+$0x0];
	_ =	sdelay $0x2  }
0x1f9: {  	v2 =	vmul.f32 $8.000000000e+00, v2;
	v1 =	vmul.f32 $8.000000000e+00, v1;
	_ =	sdelay $0x1  }
0x1fa: {  	v1 =	vadd.f32 v1, v0;
	v0 =	vadd.f32 v2, v0  }
0x1fb: {  	v2 =	vld [tilespmem:s21+$0xFFFFFFA0]  }
0x1fc: {  	[tilespmem:s21+$0xFFFFCD90] =	vst v1;
	v1 =	vld [tilespmem:s21+$0xFFFFCDA0]  }
0x1fd: {  	[tilespmem:s21+$0xFFFFFF90] =	vst v0  }
0x1fe: {  	v0 =	vld [tilespmem:s24+$0x10];
	_ =	sdelay $0x2  }
0x1ff: {  	v2 =	vmul.f32 $8.000000000e+00, v2;
	v1 =	vmul.f32 $8.000000000e+00, v1;
	_ =	sdelay $0x1  }
0x200: {  	v1 =	vadd.f32 v1, v0;
	v0 =	vadd.f32 v2, v0  }
0x201: {  	v2 =	vld [tilespmem:s21+$0xFFFFFFB0]  }
0x202: {  	[tilespmem:s21+$0xFFFFCDA0] =	vst v1;
	v1 =	vld [tilespmem:s21+$0xFFFFCDB0]  }
0x203: {  	[tilespmem:s21+$0xFFFFFFA0] =	vst v0  }
0x204: {  	v0 =	vld [tilespmem:s24+$0x20];
	_ =	sdelay $0x2  }
0x205: {  	v2 =	vmul.f32 $8.000000000e+00, v2;
	v1 =	vmul.f32 $8.000000000e+00, v1;
	_ =	sdelay $0x1  }
0x206: {  	v1 =	vadd.f32 v1, v0;
	v0 =	vadd.f32 v2, v0  }
0x207: {  	v2 =	vld [tilespmem:s21+$0xFFFFFFC0]  }
0x208: {  	[tilespmem:s21+$0xFFFFCDB0] =	vst v1;
	v1 =	vld [tilespmem:s21+$0xFFFFCDC0]  }
0x209: {  	[tilespmem:s21+$0xFFFFFFB0] =	vst v0  }
0x20a: {  	v0 =	vld [tilespmem:s24+$0x30];
	_ =	sdelay $0x2  }
0x20b: {  	v2 =	vmul.f32 $8.000000000e+00, v2;
	v1 =	vmul.f32 $8.000000000e+00, v1;
	_ =	sdelay $0x1  }
0x20c: {  	v1 =	vadd.f32 v1, v0;
	v0 =	vadd.f32 v2, v0  }
0x20d: {  	v2 =	vld [tilespmem:s21+$0xFFFFFFD0]  }
0x20e: {  	[tilespmem:s21+$0xFFFFCDC0] =	vst v1;
	v1 =	vld [tilespmem:s21+$0xFFFFCDD0]  }
0x20f: {  	[tilespmem:s21+$0xFFFFFFC0] =	vst v0  }
0x210: {  	v0 =	vld [tilespmem:s24+$0x40];
	_ =	sdelay $0x2  }
0x211: {  	v2 =	vmul.f32 $8.000000000e+00, v2;
	v1 =	vmul.f32 $8.000000000e+00, v1;
	_ =	sdelay $0x1  }
0x212: {  	v1 =	vadd.f32 v1, v0;
	v0 =	vadd.f32 v2, v0  }
0x213: {  	v2 =	vld [tilespmem:s21+$0xFFFFFFE0]  }
0x214: {  	[tilespmem:s21+$0xFFFFCDD0] =	vst v1;
	v1 =	vld [tilespmem:s21+$0xFFFFCDE0]  }
0x215: {  	[tilespmem:s21+$0xFFFFFFD0] =	vst v0  }
0x216: {  	v0 =	vld [tilespmem:s24+$0x50];
	_ =	sdelay $0x2  }
0x217: {  	v2 =	vmul.f32 $8.000000000e+00, v2;
	v1 =	vmul.f32 $8.000000000e+00, v1;
	_ =	sdelay $0x1  }
.Ltmp1:
0x218: {  	v1 =	vadd.f32 v1, v0;
	v3 =	vadd.f32 v2, v0;
	(pc) =	sbr.rel @p1 .LBB2_5-.Ltmp1, $4  }
0x219: {  	v0 =	vld [tilespmem:s21+$0xFFFFFFF0]  }
0x21a: {  	[tilespmem:s21+$0xFFFFCDE0] =	vst v1;
	v2 =	vld [tilespmem:s21+$0xFFFFCDF0]  }
0x21b: {  	[tilespmem:s21+$0xFFFFFFE0] =	vst v3  }
0x21c: {  	v1 =	vld [tilespmem:s24+$0x60]  }
0x21d: {  	_ =	sdelay $0x1  }
0x21e: {  	v2 =	vmul.f32 $8.000000000e+00, v2  }
0x21f: {  	v0 =	vmul.f32 $8.000000000e+00, v0  }
0x220: {  	v2 =	vadd.f32 v2, v1  }
0x221: {  	v0 =	vadd.f32 v0, v1  }
0x222: {  	v1 =	vld [tilespmem:s29+$0xFFFFCE00];
	[tilespmem:s29+$0xFFFFCDF0] =	vst v2  }
0x223: {  	v2 =	vld [tilespmem:s29+$0x0];
	[tilespmem:s29+$0xFFFFFFF0] =	vst v0  }
0x224: {  	v0 =	vld [tilespmem:s1+$0x70];
	_ =	sdelay $0x2  }
0x225: {  	v1 =	vmul.f32 $8.000000000e+00, v1  }
0x226: {  	s24 =	sor.u32 $0x2, s16;
	v2 =	vmul.f32 $8.000000000e+00, v2  }
0x227: {  	s1 =	smul.u32 $0x6400, s24;
	v1 =	vadd.f32 v1, v0  }
0x228: {  	s21 =	smul.u32 $0xC80, s24;
	v0 =	vadd.f32 v2, v0  }
0x229: {  	s1 =	sshrl.u32 s1, $0x3;
	[tilespmem:s29+$0xFFFFCE00] =	vst v1  }
0x22a: {  	s21 =	sadd.s32 s2, s21;
	s24 =	simm.s32 $0x6A40;
	s1 =	sadd.s32 s2, s1;
	[tilespmem:s29+$0x0] =	vst v0  }
0x22b: {  	[hbm4b:s21+s18] =	stream.strided.scatter [tilespmem:s24], [sflag:$0x6], $0x3200, s23, s18, $0x38;
	[tilespmem:$0x1C840] =	vst v63  }
0x22c: {  	s1 =	sadd.s32 $0xC80, s1;
	s24 =	simm.s32 $0x9C40  }
0x22d: {  	[hbm4b:s1+s18] =	stream.strided.scatter [tilespmem:s24], [sflag:$0x6], $0x3200, s23, s18, $0x38;
	[tilespmem:$0x1C840] =	vst v63  }
0x22e: {  	_ =	swait.ge [sflag:s26], $0x3200  }
0x22f: {  	[sflag:s26] =	ssyncset.done $0x0  }
0x230: {  	[sflag:s26] =	ssyncadd.s32 $0xFFFFCE00  }
0x231: {  	_ =	swait.ge [sflag:s26], $0x3200  }
0x232: {  	[sflag:s26] =	ssyncset.done $0x0  }
0x233: {  	s1 =	simm.s32 @!p0 $0xA;
	[sflag:s26] =	ssyncadd.s32 $0xFFFFCE00  }
0x234: {  	_ =	swait.ge @!p0 [sflag:s1], $0x190  }
0x235: {  	s21 =	simm.s32 @!p0 $0x190;
	[sflag:s1] =	ssyncset.done @!p0 $0x0  }
0x236: {  	s24 =	simm.s32 @!p0 $0x6A40;
	[sflag:s1] =	ssyncadd.s32 @!p0 $0xFFFFFE70;
	s1 =	simm.s32 @!p0 $0x80  }
0x237: {  	[tilespmem:s24], [sflag:$0x2] =	stream.indirect.gather @!p0 [hbm4b:s6+s1], $0x40, s21, s1, $0xb8;
	[tilespmem:$0x1C840] =	vst v63  }
0x238: {  	s29 =	simm.s32 @!p0 $0x8A40;
	s21 =	simm.s32 @!p0 $0x48;
	s24 =	simm.s32 @!p0 $0x210  }
0x239: {  	[tilespmem:s29], [sflag:$0x2] =	stream.indirect.gather @!p0 [hbm4b:s6+s21], $0x40, s24, s21, $0xb8;
	[tilespmem:$0x1C840] =	vst v63  }
0x23a: {  	s24 =	simm.s32 @!p0 $0x258;
	s29 =	simm.s32 @!p0 $0x9C40  }
0x23b: {  	[tilespmem:s29], [sflag:$0x2] =	stream.indirect.gather @!p0 [hbm4b:s6+s1], $0x40, s24, s1, $0xb8;
	[tilespmem:$0x1C840] =	vst v63  }
0x23c: {  	s1 =	simm.s32 @!p0 $0x2D8;
	s24 =	simm.s32 @!p0 $0xBC40  }
0x23d: {  	[tilespmem:s24], [sflag:$0x2] =	stream.indirect.gather @!p0 [hbm4b:s6+s21], $0x40, s1, s21, $0xb8;
	[tilespmem:$0x1C840] =	vst v63  }
0x23e: {  	_ =	swait.ge [sflag:s3], $0x2000  }
0x23f: {  	[sflag:s3] =	ssyncset.done $0x0  }
0x240: {  	[sflag:s3] =	ssyncadd.s32 $0xFFFFE000  }
0x241: {  	_ =	swait.ge [sflag:s3], $0x1200  }
0x242: {  	[sflag:s3] =	ssyncset.done $0x0  }
0x243: {  	[sflag:s3] =	ssyncadd.s32 $0xFFFFEE00  }
0x244: {  	_ =	swait.ge [sflag:s3], $0x2000  }
0x245: {  	[sflag:s3] =	ssyncset.done $0x0  }
0x246: {  	s1 =	sadd.s32 @!p0 s11, s14;
	[sflag:s3] =	ssyncadd.s32 $0xFFFFE000  }
0x247: {  	s1 =	smul.u32 @!p0 $0x19, s1;
	_ =	swait.ge [sflag:s3], $0x1200  }
0x248: {  	s21 =	simm.s32 @!p0 $0x0;
	[sflag:s3] =	ssyncset.done $0x0  }
0x249: {  	s24 =	simm.s32 @!p0 $0x320;
	s1 =	sadd.s32 @!p0 s5, s1;
	[sflag:s3] =	ssyncadd.s32 $0xFFFFEE00  }
0x24a: {  	[tilespmem:s24], [sflag:$0xB] =	stream.linear.gather @!p0 [hbm4b:s1+s21], $0x190, $0x38;
	[tilespmem:$0x1C840] =	vst v63  }
0x24b: {  	s21 =	simm.s32 $0x10130  }
0x24c: {  	v0 =	vld [tilespmem:s21+$0xFFFFCD10]  }
0x24d: {  	s24 =	simm.s32 $0x196C0;
	v1 =	vld [tilespmem:s21+$0xFFFFFF10]  }
0x24e: {  	v2 =	vld [tilespmem:s24+$0xFFFFFF80];
	_ =	sdelay $0x2  }
0x24f: {  	v0 =	vmul.f32 $8.000000000e+00, v0  }
0x250: {  	v1 =	vmul.f32 $8.000000000e+00, v1  }
0x251: {  	v0 =	vadd.f32 v0, v2  }
0x252: {  	v1 =	vadd.f32 v1, v2  }
0x253: {  	[tilespmem:s21+$0xFFFFCD10] =	vst v0;
	v0 =	vld [tilespmem:s21+$0xFFFFCD20]  }
0x254: {  	v2 =	vld [tilespmem:s21+$0xFFFFFF20];
	[tilespmem:s21+$0xFFFFFF10] =	vst v1  }
0x255: {  	v1 =	vld [tilespmem:s24+$0xFFFFFF90];
	_ =	sdelay $0x2  }
0x256: {  	v0 =	vmul.f32 $8.000000000e+00, v0  }
0x257: {  	v2 =	vmul.f32 $8.000000000e+00, v2  }
0x258: {  	v0 =	vadd.f32 v0, v1  }
0x259: {  	v1 =	vadd.f32 v2, v1  }
0x25a: {  	[tilespmem:s21+$0xFFFFCD20] =	vst v0;
	v0 =	vld [tilespmem:s21+$0xFFFFCD30]  }
0x25b: {  	v2 =	vld [tilespmem:s21+$0xFFFFFF30];
	[tilespmem:s21+$0xFFFFFF20] =	vst v1  }
0x25c: {  	v1 =	vld [tilespmem:s24+$0xFFFFFFA0];
	_ =	sdelay $0x2  }
0x25d: {  	v0 =	vmul.f32 $8.000000000e+00, v0  }
0x25e: {  	v2 =	vmul.f32 $8.000000000e+00, v2  }
0x25f: {  	v0 =	vadd.f32 v0, v1  }
0x260: {  	v1 =	vadd.f32 v2, v1  }
0x261: {  	[tilespmem:s21+$0xFFFFCD30] =	vst v0;
	v0 =	vld [tilespmem:s21+$0xFFFFCD40]  }
0x262: {  	v2 =	vld [tilespmem:s21+$0xFFFFFF40];
	[tilespmem:s21+$0xFFFFFF30] =	vst v1  }
0x263: {  	v1 =	vld [tilespmem:s24+$0xFFFFFFB0];
	_ =	sdelay $0x2  }
0x264: {  	v0 =	vmul.f32 $8.000000000e+00, v0  }
0x265: {  	v2 =	vmul.f32 $8.000000000e+00, v2  }
0x266: {  	v0 =	vadd.f32 v0, v1  }
0x267: {  	v1 =	vadd.f32 v2, v1  }
0x268: {  	[tilespmem:s21+$0xFFFFCD40] =	vst v0;
	v0 =	vld [tilespmem:s21+$0xFFFFCD50]  }
0x269: {  	v2 =	vld [tilespmem:s21+$0xFFFFFF50];
	[tilespmem:s21+$0xFFFFFF40] =	vst v1  }
0x26a: {  	v1 =	vld [tilespmem:s24+$0xFFFFFFC0];
	_ =	sdelay $0x2  }
0x26b: {  	v0 =	vmul.f32 $8.000000000e+00, v0  }
0x26c: {  	v2 =	vmul.f32 $8.000000000e+00, v2  }
0x26d: {  	v0 =	vadd.f32 v0, v1  }
0x26e: {  	v1 =	vadd.f32 v2, v1  }
0x26f: {  	[tilespmem:s21+$0xFFFFCD50] =	vst v0;
	v0 =	vld [tilespmem:s21+$0xFFFFCD60]  }
0x270: {  	v2 =	vld [tilespmem:s21+$0xFFFFFF60];
	[tilespmem:s21+$0xFFFFFF50] =	vst v1  }
0x271: {  	v1 =	vld [tilespmem:s24+$0xFFFFFFD0];
	_ =	sdelay $0x2  }
0x272: {  	v0 =	vmul.f32 $8.000000000e+00, v0  }
0x273: {  	v2 =	vmul.f32 $8.000000000e+00, v2  }
0x274: {  	v0 =	vadd.f32 v0, v1  }
0x275: {  	v1 =	vadd.f32 v2, v1  }
0x276: {  	[tilespmem:s21+$0xFFFFCD60] =	vst v0;
	v0 =	vld [tilespmem:s21+$0xFFFFCD70]  }
0x277: {  	v2 =	vld [tilespmem:s21+$0xFFFFFF70];
	[tilespmem:s21+$0xFFFFFF60] =	vst v1  }
0x278: {  	v1 =	vld [tilespmem:s24+$0xFFFFFFE0];
	_ =	sdelay $0x2  }
0x279: {  	v0 =	vmul.f32 $8.000000000e+00, v0  }
0x27a: {  	v2 =	vmul.f32 $8.000000000e+00, v2  }
0x27b: {  	v0 =	vadd.f32 v0, v1  }
0x27c: {  	v1 =	vadd.f32 v2, v1  }
0x27d: {  	[tilespmem:s21+$0xFFFFCD70] =	vst v0;
	v0 =	vld [tilespmem:s21+$0xFFFFCD80]  }
0x27e: {  	v2 =	vld [tilespmem:s21+$0xFFFFFF80];
	[tilespmem:s21+$0xFFFFFF70] =	vst v1  }
0x27f: {  	v1 =	vld [tilespmem:s24+$0xFFFFFFF0];
	_ =	sdelay $0x2  }
0x280: {  	v0 =	vmul.f32 $8.000000000e+00, v0  }
0x281: {  	v2 =	vmul.f32 $8.000000000e+00, v2  }
0x282: {  	v0 =	vadd.f32 v0, v1  }
0x283: {  	v1 =	vadd.f32 v2, v1  }
0x284: {  	[tilespmem:s21+$0xFFFFCD80] =	vst v0;
	v0 =	vld [tilespmem:s21+$0xFFFFCD90]  }
0x285: {  	v2 =	vld [tilespmem:s21+$0xFFFFFF90];
	[tilespmem:s21+$0xFFFFFF80] =	vst v1  }
0x286: {  	v1 =	vld [tilespmem:s24+$0x0];
	_ =	sdelay $0x2  }
0x287: {  	v0 =	vmul.f32 $8.000000000e+00, v0  }
0x288: {  	v2 =	vmul.f32 $8.000000000e+00, v2  }
0x289: {  	v0 =	vadd.f32 v0, v1  }
0x28a: {  	v1 =	vadd.f32 v2, v1  }
0x28b: {  	[tilespmem:s21+$0xFFFFCD90] =	vst v0;
	v0 =	vld [tilespmem:s21+$0xFFFFCDA0]  }
0x28c: {  	v2 =	vld [tilespmem:s21+$0xFFFFFFA0];
	[tilespmem:s21+$0xFFFFFF90] =	vst v1  }
0x28d: {  	v1 =	vld [tilespmem:s24+$0x10];
	_ =	sdelay $0x2  }
0x28e: {  	v0 =	vmul.f32 $8.000000000e+00, v0  }
0x28f: {  	v2 =	vmul.f32 $8.000000000e+00, v2  }
0x290: {  	v0 =	vadd.f32 v0, v1  }
0x291: {  	v1 =	vadd.f32 v2, v1  }
0x292: {  	[tilespmem:s21+$0xFFFFCDA0] =	vst v0;
	v0 =	vld [tilespmem:s21+$0xFFFFCDB0]  }
0x293: {  	v2 =	vld [tilespmem:s21+$0xFFFFFFB0];
	[tilespmem:s21+$0xFFFFFFA0] =	vst v1  }
0x294: {  	v1 =	vld [tilespmem:s24+$0x20];
	_ =	sdelay $0x2  }
0x295: {  	v0 =	vmul.f32 $8.000000000e+00, v0  }
0x296: {  	v2 =	vmul.f32 $8.000000000e+00, v2  }
0x297: {  	v0 =	vadd.f32 v0, v1  }
0x298: {  	v1 =	vadd.f32 v2, v1  }
0x299: {  	[tilespmem:s21+$0xFFFFCDB0] =	vst v0;
	v0 =	vld [tilespmem:s21+$0xFFFFCDC0]  }
0x29a: {  	v2 =	vld [tilespmem:s21+$0xFFFFFFC0];
	[tilespmem:s21+$0xFFFFFFB0] =	vst v1  }
0x29b: {  	v1 =	vld [tilespmem:s24+$0x30];
	_ =	sdelay $0x2  }
0x29c: {  	v0 =	vmul.f32 $8.000000000e+00, v0  }
0x29d: {  	v2 =	vmul.f32 $8.000000000e+00, v2  }
0x29e: {  	v0 =	vadd.f32 v0, v1  }
0x29f: {  	v1 =	vadd.f32 v2, v1  }
0x2a0: {  	[tilespmem:s21+$0xFFFFCDC0] =	vst v0;
	v0 =	vld [tilespmem:s21+$0xFFFFCDD0]  }
0x2a1: {  	v2 =	vld [tilespmem:s21+$0xFFFFFFD0];
	[tilespmem:s21+$0xFFFFFFC0] =	vst v1  }
0x2a2: {  	v1 =	vld [tilespmem:s24+$0x40];
	_ =	sdelay $0x2  }
0x2a3: {  	v0 =	vmul.f32 $8.000000000e+00, v0  }
0x2a4: {  	v2 =	vmul.f32 $8.000000000e+00, v2  }
0x2a5: {  	v0 =	vadd.f32 v0, v1  }
0x2a6: {  	v1 =	vadd.f32 v2, v1  }
0x2a7: {  	[tilespmem:s21+$0xFFFFCDD0] =	vst v0;
	v0 =	vld [tilespmem:s21+$0xFFFFCDE0]  }
0x2a8: {  	v2 =	vld [tilespmem:s21+$0xFFFFFFE0];
	[tilespmem:s21+$0xFFFFFFD0] =	vst v1  }
0x2a9: {  	v1 =	vld [tilespmem:s24+$0x50];
	_ =	sdelay $0x2  }
0x2aa: {  	v0 =	vmul.f32 $8.000000000e+00, v0  }
0x2ab: {  	v2 =	vmul.f32 $8.000000000e+00, v2  }
0x2ac: {  	v3 =	vadd.f32 v0, v1  }
0x2ad: {  	v1 =	vadd.f32 v2, v1;
	v0 =	vld [tilespmem:s21+$0xFFFFFFF0]  }
0x2ae: {  	v2 =	vld [tilespmem:s21+$0xFFFFCDF0];
	[tilespmem:s21+$0xFFFFCDE0] =	vst v3  }
0x2af: {  	[tilespmem:s21+$0xFFFFFFE0] =	vst v1  }
0x2b0: {  	s30 =	simm.s32 $0x0;
	s29 =	simm.s32 $0x10130;
	s1 =	simm.s32 $0x196C0;
	v1 =	vld [tilespmem:s24+$0x60]  }
.LBB2_7:
0x2b1: {  	s30 =	sadd.s32 $0x4, s30;
	s21 =	sadd.s32 $0x100, s21;
	s24 =	sadd.s32 $0x100, s24  }
0x2b2: {  	p1 =	slt.u32 s30, $0xC4  }
0x2b3: {  	v0 =	vmul.f32 $8.000000000e+00, v0;
	v2 =	vmul.f32 $8.000000000e+00, v2;
	_ =	sdelay $0x1  }
0x2b4: {  	v2 =	vadd.f32 v2, v1;
	v0 =	vadd.f32 v0, v1  }
0x2b5: {  	v1 =	vld [tilespmem:s29+$0xFFFFCE00]  }
0x2b6: {  	[tilespmem:s29+$0xFFFFCDF0] =	vst v2;
	v2 =	vld [tilespmem:s29+$0x0]  }
0x2b7: {  	[tilespmem:s29+$0xFFFFFFF0] =	vst v0  }
0x2b8: {  	v0 =	vld [tilespmem:s1+$0x70];
	s1 =	smov.u32 s24;
	_ =	sdelay $0x2  }
0x2b9: {  	v1 =	vmul.f32 $8.000000000e+00, v1;
	v2 =	vmul.f32 $8.000000000e+00, v2;
	_ =	sdelay $0x1  }
0x2ba: {  	v1 =	vadd.f32 v1, v0;
	v0 =	vadd.f32 v2, v0  }
0x2bb: {  	v2 =	vld [tilespmem:s21+$0xFFFFFF10]  }
0x2bc: {  	v3 =	vld [tilespmem:s21+$0xFFFFCD10];
	[tilespmem:s29+$0xFFFFCE00] =	vst v1  }
0x2bd: {  	[tilespmem:s29+$0x0] =	vst v0;
	s29 =	smov.u32 s21  }
0x2be: {  	v0 =	vld [tilespmem:s24+$0xFFFFFF80];
	_ =	sdelay $0x2  }
0x2bf: {  	v2 =	vmul.f32 $8.000000000e+00, v2;
	v1 =	vmul.f32 $8.000000000e+00, v3;
	_ =	sdelay $0x1  }
0x2c0: {  	v1 =	vadd.f32 v1, v0;
	v0 =	vadd.f32 v2, v0  }
0x2c1: {  	v2 =	vld [tilespmem:s21+$0xFFFFFF20]  }
0x2c2: {  	[tilespmem:s21+$0xFFFFCD10] =	vst v1;
	v1 =	vld [tilespmem:s21+$0xFFFFCD20]  }
0x2c3: {  	[tilespmem:s21+$0xFFFFFF10] =	vst v0  }
0x2c4: {  	v0 =	vld [tilespmem:s24+$0xFFFFFF90];
	_ =	sdelay $0x2  }
0x2c5: {  	v2 =	vmul.f32 $8.000000000e+00, v2;
	v1 =	vmul.f32 $8.000000000e+00, v1;
	_ =	sdelay $0x1  }
0x2c6: {  	v1 =	vadd.f32 v1, v0;
	v0 =	vadd.f32 v2, v0  }
0x2c7: {  	v2 =	vld [tilespmem:s21+$0xFFFFFF30]  }
0x2c8: {  	[tilespmem:s21+$0xFFFFCD20] =	vst v1;
	v1 =	vld [tilespmem:s21+$0xFFFFCD30]  }
0x2c9: {  	[tilespmem:s21+$0xFFFFFF20] =	vst v0  }
0x2ca: {  	v0 =	vld [tilespmem:s24+$0xFFFFFFA0];
	_ =	sdelay $0x2  }
0x2cb: {  	v2 =	vmul.f32 $8.000000000e+00, v2;
	v1 =	vmul.f32 $8.000000000e+00, v1;
	_ =	sdelay $0x1  }
0x2cc: {  	v1 =	vadd.f32 v1, v0;
	v0 =	vadd.f32 v2, v0  }
0x2cd: {  	v2 =	vld [tilespmem:s21+$0xFFFFFF40]  }
0x2ce: {  	[tilespmem:s21+$0xFFFFCD30] =	vst v1;
	v1 =	vld [tilespmem:s21+$0xFFFFCD40]  }
0x2cf: {  	[tilespmem:s21+$0xFFFFFF30] =	vst v0  }
0x2d0: {  	v0 =	vld [tilespmem:s24+$0xFFFFFFB0];
	_ =	sdelay $0x2  }
0x2d1: {  	v2 =	vmul.f32 $8.000000000e+00, v2;
	v1 =	vmul.f32 $8.000000000e+00, v1;
	_ =	sdelay $0x1  }
0x2d2: {  	v1 =	vadd.f32 v1, v0;
	v0 =	vadd.f32 v2, v0  }
0x2d3: {  	v2 =	vld [tilespmem:s21+$0xFFFFFF50]  }
0x2d4: {  	[tilespmem:s21+$0xFFFFCD40] =	vst v1;
	v1 =	vld [tilespmem:s21+$0xFFFFCD50]  }
0x2d5: {  	[tilespmem:s21+$0xFFFFFF40] =	vst v0  }
0x2d6: {  	v0 =	vld [tilespmem:s24+$0xFFFFFFC0];
	_ =	sdelay $0x2  }
0x2d7: {  	v2 =	vmul.f32 $8.000000000e+00, v2;
	v1 =	vmul.f32 $8.000000000e+00, v1;
	_ =	sdelay $0x1  }
0x2d8: {  	v1 =	vadd.f32 v1, v0;
	v0 =	vadd.f32 v2, v0  }
0x2d9: {  	v2 =	vld [tilespmem:s21+$0xFFFFFF60]  }
0x2da: {  	[tilespmem:s21+$0xFFFFCD50] =	vst v1;
	v1 =	vld [tilespmem:s21+$0xFFFFCD60]  }
0x2db: {  	[tilespmem:s21+$0xFFFFFF50] =	vst v0  }
0x2dc: {  	v0 =	vld [tilespmem:s24+$0xFFFFFFD0];
	_ =	sdelay $0x2  }
0x2dd: {  	v2 =	vmul.f32 $8.000000000e+00, v2;
	v1 =	vmul.f32 $8.000000000e+00, v1;
	_ =	sdelay $0x1  }
0x2de: {  	v1 =	vadd.f32 v1, v0;
	v0 =	vadd.f32 v2, v0  }
0x2df: {  	v2 =	vld [tilespmem:s21+$0xFFFFFF70]  }
0x2e0: {  	[tilespmem:s21+$0xFFFFCD60] =	vst v1;
	v1 =	vld [tilespmem:s21+$0xFFFFCD70]  }
0x2e1: {  	[tilespmem:s21+$0xFFFFFF60] =	vst v0  }
0x2e2: {  	v0 =	vld [tilespmem:s24+$0xFFFFFFE0];
	_ =	sdelay $0x2  }
0x2e3: {  	v2 =	vmul.f32 $8.000000000e+00, v2;
	v1 =	vmul.f32 $8.000000000e+00, v1;
	_ =	sdelay $0x1  }
0x2e4: {  	v1 =	vadd.f32 v1, v0;
	v0 =	vadd.f32 v2, v0  }
0x2e5: {  	v2 =	vld [tilespmem:s21+$0xFFFFFF80]  }
0x2e6: {  	[tilespmem:s21+$0xFFFFCD70] =	vst v1;
	v1 =	vld [tilespmem:s21+$0xFFFFCD80]  }
0x2e7: {  	[tilespmem:s21+$0xFFFFFF70] =	vst v0  }
0x2e8: {  	v0 =	vld [tilespmem:s24+$0xFFFFFFF0];
	_ =	sdelay $0x2  }
0x2e9: {  	v2 =	vmul.f32 $8.000000000e+00, v2;
	v1 =	vmul.f32 $8.000000000e+00, v1;
	_ =	sdelay $0x1  }
0x2ea: {  	v1 =	vadd.f32 v1, v0;
	v0 =	vadd.f32 v2, v0  }
0x2eb: {  	v2 =	vld [tilespmem:s21+$0xFFFFFF90]  }
0x2ec: {  	[tilespmem:s21+$0xFFFFCD80] =	vst v1;
	v1 =	vld [tilespmem:s21+$0xFFFFCD90]  }
0x2ed: {  	[tilespmem:s21+$0xFFFFFF80] =	vst v0  }
0x2ee: {  	v0 =	vld [tilespmem:s24+$0x0];
	_ =	sdelay $0x2  }
0x2ef: {  	v2 =	vmul.f32 $8.000000000e+00, v2;
	v1 =	vmul.f32 $8.000000000e+00, v1;
	_ =	sdelay $0x1  }
0x2f0: {  	v1 =	vadd.f32 v1, v0;
	v0 =	vadd.f32 v2, v0  }
0x2f1: {  	v2 =	vld [tilespmem:s21+$0xFFFFFFA0]  }
0x2f2: {  	[tilespmem:s21+$0xFFFFCD90] =	vst v1;
	v1 =	vld [tilespmem:s21+$0xFFFFCDA0]  }
0x2f3: {  	[tilespmem:s21+$0xFFFFFF90] =	vst v0  }
0x2f4: {  	v0 =	vld [tilespmem:s24+$0x10];
	_ =	sdelay $0x2  }
0x2f5: {  	v2 =	vmul.f32 $8.000000000e+00, v2;
	v1 =	vmul.f32 $8.000000000e+00, v1;
	_ =	sdelay $0x1  }
0x2f6: {  	v1 =	vadd.f32 v1, v0;
	v0 =	vadd.f32 v2, v0  }
0x2f7: {  	v2 =	vld [tilespmem:s21+$0xFFFFFFB0]  }
0x2f8: {  	[tilespmem:s21+$0xFFFFCDA0] =	vst v1;
	v1 =	vld [tilespmem:s21+$0xFFFFCDB0]  }
0x2f9: {  	[tilespmem:s21+$0xFFFFFFA0] =	vst v0  }
0x2fa: {  	v0 =	vld [tilespmem:s24+$0x20];
	_ =	sdelay $0x2  }
0x2fb: {  	v2 =	vmul.f32 $8.000000000e+00, v2;
	v1 =	vmul.f32 $8.000000000e+00, v1;
	_ =	sdelay $0x1  }
0x2fc: {  	v1 =	vadd.f32 v1, v0;
	v0 =	vadd.f32 v2, v0  }
0x2fd: {  	v2 =	vld [tilespmem:s21+$0xFFFFFFC0]  }
0x2fe: {  	[tilespmem:s21+$0xFFFFCDB0] =	vst v1;
	v1 =	vld [tilespmem:s21+$0xFFFFCDC0]  }
0x2ff: {  	[tilespmem:s21+$0xFFFFFFB0] =	vst v0  }
0x300: {  	v0 =	vld [tilespmem:s24+$0x30];
	_ =	sdelay $0x2  }
0x301: {  	v2 =	vmul.f32 $8.000000000e+00, v2;
	v1 =	vmul.f32 $8.000000000e+00, v1;
	_ =	sdelay $0x1  }
0x302: {  	v1 =	vadd.f32 v1, v0;
	v0 =	vadd.f32 v2, v0  }
0x303: {  	v2 =	vld [tilespmem:s21+$0xFFFFFFD0]  }
0x304: {  	[tilespmem:s21+$0xFFFFCDC0] =	vst v1;
	v1 =	vld [tilespmem:s21+$0xFFFFCDD0]  }
0x305: {  	[tilespmem:s21+$0xFFFFFFC0] =	vst v0  }
0x306: {  	v0 =	vld [tilespmem:s24+$0x40];
	_ =	sdelay $0x2  }
0x307: {  	v2 =	vmul.f32 $8.000000000e+00, v2;
	v1 =	vmul.f32 $8.000000000e+00, v1;
	_ =	sdelay $0x1  }
0x308: {  	v1 =	vadd.f32 v1, v0;
	v0 =	vadd.f32 v2, v0  }
0x309: {  	v2 =	vld [tilespmem:s21+$0xFFFFFFE0]  }
0x30a: {  	[tilespmem:s21+$0xFFFFCDD0] =	vst v1;
	v1 =	vld [tilespmem:s21+$0xFFFFCDE0]  }
0x30b: {  	[tilespmem:s21+$0xFFFFFFD0] =	vst v0  }
0x30c: {  	v0 =	vld [tilespmem:s24+$0x50];
	_ =	sdelay $0x2  }
0x30d: {  	v2 =	vmul.f32 $8.000000000e+00, v2;
	v1 =	vmul.f32 $8.000000000e+00, v1;
	_ =	sdelay $0x1  }
.Ltmp2:
0x30e: {  	v1 =	vadd.f32 v1, v0;
	v3 =	vadd.f32 v2, v0;
	(pc) =	sbr.rel @p1 .LBB2_7-.Ltmp2, $4  }
0x30f: {  	v0 =	vld [tilespmem:s21+$0xFFFFFFF0]  }
0x310: {  	[tilespmem:s21+$0xFFFFCDE0] =	vst v1;
	v2 =	vld [tilespmem:s21+$0xFFFFCDF0]  }
0x311: {  	[tilespmem:s21+$0xFFFFFFE0] =	vst v3  }
0x312: {  	v1 =	vld [tilespmem:s24+$0x60]  }
0x313: {  	_ =	sdelay $0x1  }
0x314: {  	v2 =	vmul.f32 $8.000000000e+00, v2  }
0x315: {  	v0 =	vmul.f32 $8.000000000e+00, v0  }
0x316: {  	v2 =	vadd.f32 v2, v1  }
0x317: {  	v0 =	vadd.f32 v0, v1  }
0x318: {  	v1 =	vld [tilespmem:s29+$0xFFFFCE00];
	[tilespmem:s29+$0xFFFFCDF0] =	vst v2  }
0x319: {  	v2 =	vld [tilespmem:s29+$0x0];
	[tilespmem:s29+$0xFFFFFFF0] =	vst v0  }
0x31a: {  	v0 =	vld [tilespmem:s1+$0x70];
	_ =	sdelay $0x2  }
0x31b: {  	v1 =	vmul.f32 $8.000000000e+00, v1  }
0x31c: {  	s30 =	sor.u32 $0x4, s16;
	v2 =	vmul.f32 $8.000000000e+00, v2  }
0x31d: {  	s1 =	smul.u32 $0x6400, s30;
	v1 =	vadd.f32 v1, v0  }
0x31e: {  	s21 =	smul.u32 $0xC80, s30;
	v0 =	vadd.f32 v2, v0  }
0x31f: {  	s1 =	sshrl.u32 s1, $0x3;
	[tilespmem:s29+$0xFFFFCE00] =	vst v1  }
0x320: {  	s21 =	sadd.s32 s2, s21;
	s1 =	sadd.s32 s2, s1;
	[tilespmem:s29+$0x0] =	vst v0  }
0x321: {  	[hbm4b:s21+s18] =	stream.strided.scatter [tilespmem:s28], [sflag:$0x7], $0x3200, s23, s18, $0x38;
	[tilespmem:$0x1C840] =	vst v63  }
0x322: {  	s1 =	sadd.s32 $0xC80, s1  }
0x323: {  	[hbm4b:s1+s18] =	stream.strided.scatter [tilespmem:s17], [sflag:$0x7], $0x3200, s23, s18, $0x38;
	[tilespmem:$0x1C840] =	vst v63  }
0x324: {  	_ =	swait.ge [sflag:s20], $0x3200  }
0x325: {  	[sflag:s20] =	ssyncset.done $0x0  }
0x326: {  	[sflag:s20] =	ssyncadd.s32 $0xFFFFCE00  }
0x327: {  	_ =	swait.ge [sflag:s20], $0x3200  }
0x328: {  	[sflag:s20] =	ssyncset.done $0x0  }
0x329: {  	s1 =	simm.s32 @!p0 $0xB;
	[sflag:s20] =	ssyncadd.s32 $0xFFFFCE00  }
0x32a: {  	_ =	swait.ge @!p0 [sflag:s1], $0x190  }
0x32b: {  	s24 =	simm.s32 @!p0 $0xCE40;
	[sflag:s1] =	ssyncset.done @!p0 $0x0  }
0x32c: {  	s21 =	simm.s32 @!p0 $0x320;
	[sflag:s1] =	ssyncadd.s32 @!p0 $0xFFFFFE70;
	s1 =	simm.s32 @!p0 $0x80  }
0x32d: {  	[tilespmem:s24], [sflag:$0x3] =	stream.indirect.gather @!p0 [hbm4b:s6+s1], $0x40, s21, s1, $0xb8;
	[tilespmem:$0x1C840] =	vst v63  }
0x32e: {  	s29 =	simm.s32 @!p0 $0xEE40;
	s21 =	simm.s32 @!p0 $0x48;
	s24 =	simm.s32 @!p0 $0x3A0  }
0x32f: {  	[tilespmem:s29], [sflag:$0x3] =	stream.indirect.gather @!p0 [hbm4b:s6+s21], $0x40, s24, s21, $0xb8;
	[tilespmem:$0x1C840] =	vst v63  }
0x330: {  	s24 =	simm.s32 @!p0 $0x3E8;
	s29 =	simm.s32 @!p0 $0x10040  }
0x331: {  	[tilespmem:s29], [sflag:$0x3] =	stream.indirect.gather @!p0 [hbm4b:s6+s1], $0x40, s24, s1, $0xb8;
	[tilespmem:$0x1C840] =	vst v63  }
0x332: {  	s1 =	simm.s32 @!p0 $0x468;
	s24 =	simm.s32 @!p0 $0x12040  }
0x333: {  	[tilespmem:s24], [sflag:$0x3] =	stream.indirect.gather @!p0 [hbm4b:s6+s21], $0x40, s1, s21, $0xb8;
	[tilespmem:$0x1C840] =	vst v63  }
0x334: {  	_ =	swait.ge [sflag:s7], $0x2000  }
0x335: {  	[sflag:s7] =	ssyncset.done $0x0  }
0x336: {  	[sflag:s7] =	ssyncadd.s32 $0xFFFFE000  }
0x337: {  	_ =	swait.ge [sflag:s7], $0x1200  }
0x338: {  	[sflag:s7] =	ssyncset.done $0x0  }
0x339: {  	[sflag:s7] =	ssyncadd.s32 $0xFFFFEE00  }
0x33a: {  	_ =	swait.ge [sflag:s7], $0x2000  }
0x33b: {  	[sflag:s7] =	ssyncset.done $0x0  }
0x33c: {  	s1 =	sadd.s32 @!p0 s11, s15;
	[sflag:s7] =	ssyncadd.s32 $0xFFFFE000  }
0x33d: {  	s1 =	smul.u32 @!p0 $0x19, s1;
	_ =	swait.ge [sflag:s7], $0x1200  }
0x33e: {  	s11 =	simm.s32 @!p0 $0x0;
	[sflag:s7] =	ssyncset.done $0x0  }
0x33f: {  	s21 =	simm.s32 @!p0 $0x4B0;
	s1 =	sadd.s32 @!p0 s5, s1;
	[sflag:s7] =	ssyncadd.s32 $0xFFFFEE00  }
0x340: {  	[tilespmem:s21], [sflag:$0xC] =	stream.linear.gather @!p0 [hbm4b:s1+s11], $0x190, $0x38;
	[tilespmem:$0x1C840] =	vst v63  }
0x341: {  	s11 =	simm.s32 $0x16530  }
0x342: {  	v0 =	vld [tilespmem:s11+$0xFFFFCD10]  }
0x343: {  	s21 =	simm.s32 $0x196C0;
	v1 =	vld [tilespmem:s11+$0xFFFFFF10]  }
0x344: {  	v2 =	vld [tilespmem:s21+$0xFFFFFF80];
	_ =	sdelay $0x2  }
0x345: {  	v0 =	vmul.f32 $8.000000000e+00, v0  }
0x346: {  	v1 =	vmul.f32 $8.000000000e+00, v1  }
0x347: {  	v0 =	vadd.f32 v0, v2  }
0x348: {  	v1 =	vadd.f32 v1, v2  }
0x349: {  	[tilespmem:s11+$0xFFFFCD10] =	vst v0;
	v0 =	vld [tilespmem:s11+$0xFFFFCD20]  }
0x34a: {  	v2 =	vld [tilespmem:s11+$0xFFFFFF20];
	[tilespmem:s11+$0xFFFFFF10] =	vst v1  }
0x34b: {  	v1 =	vld [tilespmem:s21+$0xFFFFFF90];
	_ =	sdelay $0x2  }
0x34c: {  	v0 =	vmul.f32 $8.000000000e+00, v0  }
0x34d: {  	v2 =	vmul.f32 $8.000000000e+00, v2  }
0x34e: {  	v0 =	vadd.f32 v0, v1  }
0x34f: {  	v1 =	vadd.f32 v2, v1  }
0x350: {  	[tilespmem:s11+$0xFFFFCD20] =	vst v0;
	v0 =	vld [tilespmem:s11+$0xFFFFCD30]  }
0x351: {  	v2 =	vld [tilespmem:s11+$0xFFFFFF30];
	[tilespmem:s11+$0xFFFFFF20] =	vst v1  }
0x352: {  	v1 =	vld [tilespmem:s21+$0xFFFFFFA0];
	_ =	sdelay $0x2  }
0x353: {  	v0 =	vmul.f32 $8.000000000e+00, v0  }
0x354: {  	v2 =	vmul.f32 $8.000000000e+00, v2  }
0x355: {  	v0 =	vadd.f32 v0, v1  }
0x356: {  	v1 =	vadd.f32 v2, v1  }
0x357: {  	[tilespmem:s11+$0xFFFFCD30] =	vst v0;
	v0 =	vld [tilespmem:s11+$0xFFFFCD40]  }
0x358: {  	v2 =	vld [tilespmem:s11+$0xFFFFFF40];
	[tilespmem:s11+$0xFFFFFF30] =	vst v1  }
0x359: {  	v1 =	vld [tilespmem:s21+$0xFFFFFFB0];
	_ =	sdelay $0x2  }
0x35a: {  	v0 =	vmul.f32 $8.000000000e+00, v0  }
0x35b: {  	v2 =	vmul.f32 $8.000000000e+00, v2  }
0x35c: {  	v0 =	vadd.f32 v0, v1  }
0x35d: {  	v1 =	vadd.f32 v2, v1  }
0x35e: {  	[tilespmem:s11+$0xFFFFCD40] =	vst v0;
	v0 =	vld [tilespmem:s11+$0xFFFFCD50]  }
0x35f: {  	v2 =	vld [tilespmem:s11+$0xFFFFFF50];
	[tilespmem:s11+$0xFFFFFF40] =	vst v1  }
0x360: {  	v1 =	vld [tilespmem:s21+$0xFFFFFFC0];
	_ =	sdelay $0x2  }
0x361: {  	v0 =	vmul.f32 $8.000000000e+00, v0  }
0x362: {  	v2 =	vmul.f32 $8.000000000e+00, v2  }
0x363: {  	v0 =	vadd.f32 v0, v1  }
0x364: {  	v1 =	vadd.f32 v2, v1  }
0x365: {  	[tilespmem:s11+$0xFFFFCD50] =	vst v0;
	v0 =	vld [tilespmem:s11+$0xFFFFCD60]  }
0x366: {  	v2 =	vld [tilespmem:s11+$0xFFFFFF60];
	[tilespmem:s11+$0xFFFFFF50] =	vst v1  }
0x367: {  	v1 =	vld [tilespmem:s21+$0xFFFFFFD0];
	_ =	sdelay $0x2  }
0x368: {  	v0 =	vmul.f32 $8.000000000e+00, v0  }
0x369: {  	v2 =	vmul.f32 $8.000000000e+00, v2  }
0x36a: {  	v0 =	vadd.f32 v0, v1  }
0x36b: {  	v1 =	vadd.f32 v2, v1  }
0x36c: {  	[tilespmem:s11+$0xFFFFCD60] =	vst v0;
	v0 =	vld [tilespmem:s11+$0xFFFFCD70]  }
0x36d: {  	v2 =	vld [tilespmem:s11+$0xFFFFFF70];
	[tilespmem:s11+$0xFFFFFF60] =	vst v1  }
0x36e: {  	v1 =	vld [tilespmem:s21+$0xFFFFFFE0];
	_ =	sdelay $0x2  }
0x36f: {  	v0 =	vmul.f32 $8.000000000e+00, v0  }
0x370: {  	v2 =	vmul.f32 $8.000000000e+00, v2  }
0x371: {  	v0 =	vadd.f32 v0, v1  }
0x372: {  	v1 =	vadd.f32 v2, v1  }
0x373: {  	[tilespmem:s11+$0xFFFFCD70] =	vst v0;
	v0 =	vld [tilespmem:s11+$0xFFFFCD80]  }
0x374: {  	v2 =	vld [tilespmem:s11+$0xFFFFFF80];
	[tilespmem:s11+$0xFFFFFF70] =	vst v1  }
0x375: {  	v1 =	vld [tilespmem:s21+$0xFFFFFFF0];
	_ =	sdelay $0x2  }
0x376: {  	v0 =	vmul.f32 $8.000000000e+00, v0  }
0x377: {  	v2 =	vmul.f32 $8.000000000e+00, v2  }
0x378: {  	v0 =	vadd.f32 v0, v1  }
0x379: {  	v1 =	vadd.f32 v2, v1  }
0x37a: {  	[tilespmem:s11+$0xFFFFCD80] =	vst v0;
	v0 =	vld [tilespmem:s11+$0xFFFFCD90]  }
0x37b: {  	v2 =	vld [tilespmem:s11+$0xFFFFFF90];
	[tilespmem:s11+$0xFFFFFF80] =	vst v1  }
0x37c: {  	v1 =	vld [tilespmem:s21+$0x0];
	_ =	sdelay $0x2  }
0x37d: {  	v0 =	vmul.f32 $8.000000000e+00, v0  }
0x37e: {  	v2 =	vmul.f32 $8.000000000e+00, v2  }
0x37f: {  	v0 =	vadd.f32 v0, v1  }
0x380: {  	v1 =	vadd.f32 v2, v1  }
0x381: {  	[tilespmem:s11+$0xFFFFCD90] =	vst v0;
	v0 =	vld [tilespmem:s11+$0xFFFFCDA0]  }
0x382: {  	v2 =	vld [tilespmem:s11+$0xFFFFFFA0];
	[tilespmem:s11+$0xFFFFFF90] =	vst v1  }
0x383: {  	v1 =	vld [tilespmem:s21+$0x10];
	_ =	sdelay $0x2  }
0x384: {  	v0 =	vmul.f32 $8.000000000e+00, v0  }
0x385: {  	v2 =	vmul.f32 $8.000000000e+00, v2  }
0x386: {  	v0 =	vadd.f32 v0, v1  }
0x387: {  	v1 =	vadd.f32 v2, v1  }
0x388: {  	[tilespmem:s11+$0xFFFFCDA0] =	vst v0;
	v0 =	vld [tilespmem:s11+$0xFFFFCDB0]  }
0x389: {  	v2 =	vld [tilespmem:s11+$0xFFFFFFB0];
	[tilespmem:s11+$0xFFFFFFA0] =	vst v1  }
0x38a: {  	v1 =	vld [tilespmem:s21+$0x20];
	_ =	sdelay $0x2  }
0x38b: {  	v0 =	vmul.f32 $8.000000000e+00, v0  }
0x38c: {  	v2 =	vmul.f32 $8.000000000e+00, v2  }
0x38d: {  	v0 =	vadd.f32 v0, v1  }
0x38e: {  	v1 =	vadd.f32 v2, v1  }
0x38f: {  	[tilespmem:s11+$0xFFFFCDB0] =	vst v0;
	v0 =	vld [tilespmem:s11+$0xFFFFCDC0]  }
0x390: {  	v2 =	vld [tilespmem:s11+$0xFFFFFFC0];
	[tilespmem:s11+$0xFFFFFFB0] =	vst v1  }
0x391: {  	v1 =	vld [tilespmem:s21+$0x30];
	_ =	sdelay $0x2  }
0x392: {  	v0 =	vmul.f32 $8.000000000e+00, v0  }
0x393: {  	v2 =	vmul.f32 $8.000000000e+00, v2  }
0x394: {  	v0 =	vadd.f32 v0, v1  }
0x395: {  	v1 =	vadd.f32 v2, v1  }
0x396: {  	[tilespmem:s11+$0xFFFFCDC0] =	vst v0;
	v0 =	vld [tilespmem:s11+$0xFFFFCDD0]  }
0x397: {  	v2 =	vld [tilespmem:s11+$0xFFFFFFD0];
	[tilespmem:s11+$0xFFFFFFC0] =	vst v1  }
0x398: {  	v1 =	vld [tilespmem:s21+$0x40];
	_ =	sdelay $0x2  }
0x399: {  	v0 =	vmul.f32 $8.000000000e+00, v0  }
0x39a: {  	v2 =	vmul.f32 $8.000000000e+00, v2  }
0x39b: {  	v0 =	vadd.f32 v0, v1  }
0x39c: {  	v1 =	vadd.f32 v2, v1  }
0x39d: {  	[tilespmem:s11+$0xFFFFCDD0] =	vst v0;
	v0 =	vld [tilespmem:s11+$0xFFFFCDE0]  }
0x39e: {  	v2 =	vld [tilespmem:s11+$0xFFFFFFE0];
	[tilespmem:s11+$0xFFFFFFD0] =	vst v1  }
0x39f: {  	v1 =	vld [tilespmem:s21+$0x50];
	_ =	sdelay $0x2  }
0x3a0: {  	v0 =	vmul.f32 $8.000000000e+00, v0  }
0x3a1: {  	v2 =	vmul.f32 $8.000000000e+00, v2  }
0x3a2: {  	v3 =	vadd.f32 v0, v1  }
0x3a3: {  	v1 =	vadd.f32 v2, v1;
	v0 =	vld [tilespmem:s11+$0xFFFFFFF0]  }
0x3a4: {  	v2 =	vld [tilespmem:s11+$0xFFFFCDF0];
	[tilespmem:s11+$0xFFFFCDE0] =	vst v3  }
0x3a5: {  	[tilespmem:s11+$0xFFFFFFE0] =	vst v1  }
0x3a6: {  	s29 =	simm.s32 $0x0;
	s24 =	simm.s32 $0x16530;
	s1 =	simm.s32 $0x196C0;
	v1 =	vld [tilespmem:s21+$0x60]  }
.LBB2_9:
0x3a7: {  	s29 =	sadd.s32 $0x4, s29;
	s11 =	sadd.s32 $0x100, s11;
	s21 =	sadd.s32 $0x100, s21  }
0x3a8: {  	p0 =	slt.u32 s29, $0xC4  }
0x3a9: {  	v0 =	vmul.f32 $8.000000000e+00, v0;
	v2 =	vmul.f32 $8.000000000e+00, v2;
	_ =	sdelay $0x1  }
0x3aa: {  	v2 =	vadd.f32 v2, v1;
	v0 =	vadd.f32 v0, v1  }
0x3ab: {  	v1 =	vld [tilespmem:s24+$0xFFFFCE00]  }
0x3ac: {  	[tilespmem:s24+$0xFFFFCDF0] =	vst v2;
	v2 =	vld [tilespmem:s24+$0x0]  }
0x3ad: {  	[tilespmem:s24+$0xFFFFFFF0] =	vst v0  }
0x3ae: {  	v0 =	vld [tilespmem:s1+$0x70];
	s1 =	smov.u32 s21;
	_ =	sdelay $0x2  }
0x3af: {  	v1 =	vmul.f32 $8.000000000e+00, v1;
	v2 =	vmul.f32 $8.000000000e+00, v2;
	_ =	sdelay $0x1  }
0x3b0: {  	v1 =	vadd.f32 v1, v0;
	v0 =	vadd.f32 v2, v0  }
0x3b1: {  	v2 =	vld [tilespmem:s11+$0xFFFFFF10]  }
0x3b2: {  	v3 =	vld [tilespmem:s11+$0xFFFFCD10];
	[tilespmem:s24+$0xFFFFCE00] =	vst v1  }
0x3b3: {  	[tilespmem:s24+$0x0] =	vst v0;
	s24 =	smov.u32 s11  }
0x3b4: {  	v0 =	vld [tilespmem:s21+$0xFFFFFF80];
	_ =	sdelay $0x2  }
0x3b5: {  	v2 =	vmul.f32 $8.000000000e+00, v2;
	v1 =	vmul.f32 $8.000000000e+00, v3;
	_ =	sdelay $0x1  }
0x3b6: {  	v1 =	vadd.f32 v1, v0;
	v0 =	vadd.f32 v2, v0  }
0x3b7: {  	v2 =	vld [tilespmem:s11+$0xFFFFFF20]  }
0x3b8: {  	[tilespmem:s11+$0xFFFFCD10] =	vst v1;
	v1 =	vld [tilespmem:s11+$0xFFFFCD20]  }
0x3b9: {  	[tilespmem:s11+$0xFFFFFF10] =	vst v0  }
0x3ba: {  	v0 =	vld [tilespmem:s21+$0xFFFFFF90];
	_ =	sdelay $0x2  }
0x3bb: {  	v2 =	vmul.f32 $8.000000000e+00, v2;
	v1 =	vmul.f32 $8.000000000e+00, v1;
	_ =	sdelay $0x1  }
0x3bc: {  	v1 =	vadd.f32 v1, v0;
	v0 =	vadd.f32 v2, v0  }
0x3bd: {  	v2 =	vld [tilespmem:s11+$0xFFFFFF30]  }
0x3be: {  	[tilespmem:s11+$0xFFFFCD20] =	vst v1;
	v1 =	vld [tilespmem:s11+$0xFFFFCD30]  }
0x3bf: {  	[tilespmem:s11+$0xFFFFFF20] =	vst v0  }
0x3c0: {  	v0 =	vld [tilespmem:s21+$0xFFFFFFA0];
	_ =	sdelay $0x2  }
0x3c1: {  	v2 =	vmul.f32 $8.000000000e+00, v2;
	v1 =	vmul.f32 $8.000000000e+00, v1;
	_ =	sdelay $0x1  }
0x3c2: {  	v1 =	vadd.f32 v1, v0;
	v0 =	vadd.f32 v2, v0  }
0x3c3: {  	v2 =	vld [tilespmem:s11+$0xFFFFFF40]  }
0x3c4: {  	[tilespmem:s11+$0xFFFFCD30] =	vst v1;
	v1 =	vld [tilespmem:s11+$0xFFFFCD40]  }
0x3c5: {  	[tilespmem:s11+$0xFFFFFF30] =	vst v0  }
0x3c6: {  	v0 =	vld [tilespmem:s21+$0xFFFFFFB0];
	_ =	sdelay $0x2  }
0x3c7: {  	v2 =	vmul.f32 $8.000000000e+00, v2;
	v1 =	vmul.f32 $8.000000000e+00, v1;
	_ =	sdelay $0x1  }
0x3c8: {  	v1 =	vadd.f32 v1, v0;
	v0 =	vadd.f32 v2, v0  }
0x3c9: {  	v2 =	vld [tilespmem:s11+$0xFFFFFF50]  }
0x3ca: {  	[tilespmem:s11+$0xFFFFCD40] =	vst v1;
	v1 =	vld [tilespmem:s11+$0xFFFFCD50]  }
0x3cb: {  	[tilespmem:s11+$0xFFFFFF40] =	vst v0  }
0x3cc: {  	v0 =	vld [tilespmem:s21+$0xFFFFFFC0];
	_ =	sdelay $0x2  }
0x3cd: {  	v2 =	vmul.f32 $8.000000000e+00, v2;
	v1 =	vmul.f32 $8.000000000e+00, v1;
	_ =	sdelay $0x1  }
0x3ce: {  	v1 =	vadd.f32 v1, v0;
	v0 =	vadd.f32 v2, v0  }
0x3cf: {  	v2 =	vld [tilespmem:s11+$0xFFFFFF60]  }
0x3d0: {  	[tilespmem:s11+$0xFFFFCD50] =	vst v1;
	v1 =	vld [tilespmem:s11+$0xFFFFCD60]  }
0x3d1: {  	[tilespmem:s11+$0xFFFFFF50] =	vst v0  }
0x3d2: {  	v0 =	vld [tilespmem:s21+$0xFFFFFFD0];
	_ =	sdelay $0x2  }
0x3d3: {  	v2 =	vmul.f32 $8.000000000e+00, v2;
	v1 =	vmul.f32 $8.000000000e+00, v1;
	_ =	sdelay $0x1  }
0x3d4: {  	v1 =	vadd.f32 v1, v0;
	v0 =	vadd.f32 v2, v0  }
0x3d5: {  	v2 =	vld [tilespmem:s11+$0xFFFFFF70]  }
0x3d6: {  	[tilespmem:s11+$0xFFFFCD60] =	vst v1;
	v1 =	vld [tilespmem:s11+$0xFFFFCD70]  }
0x3d7: {  	[tilespmem:s11+$0xFFFFFF60] =	vst v0  }
0x3d8: {  	v0 =	vld [tilespmem:s21+$0xFFFFFFE0];
	_ =	sdelay $0x2  }
0x3d9: {  	v2 =	vmul.f32 $8.000000000e+00, v2;
	v1 =	vmul.f32 $8.000000000e+00, v1;
	_ =	sdelay $0x1  }
0x3da: {  	v1 =	vadd.f32 v1, v0;
	v0 =	vadd.f32 v2, v0  }
0x3db: {  	v2 =	vld [tilespmem:s11+$0xFFFFFF80]  }
0x3dc: {  	[tilespmem:s11+$0xFFFFCD70] =	vst v1;
	v1 =	vld [tilespmem:s11+$0xFFFFCD80]  }
0x3dd: {  	[tilespmem:s11+$0xFFFFFF70] =	vst v0  }
0x3de: {  	v0 =	vld [tilespmem:s21+$0xFFFFFFF0];
	_ =	sdelay $0x2  }
0x3df: {  	v2 =	vmul.f32 $8.000000000e+00, v2;
	v1 =	vmul.f32 $8.000000000e+00, v1;
	_ =	sdelay $0x1  }
0x3e0: {  	v1 =	vadd.f32 v1, v0;
	v0 =	vadd.f32 v2, v0  }
0x3e1: {  	v2 =	vld [tilespmem:s11+$0xFFFFFF90]  }
0x3e2: {  	[tilespmem:s11+$0xFFFFCD80] =	vst v1;
	v1 =	vld [tilespmem:s11+$0xFFFFCD90]  }
0x3e3: {  	[tilespmem:s11+$0xFFFFFF80] =	vst v0  }
0x3e4: {  	v0 =	vld [tilespmem:s21+$0x0];
	_ =	sdelay $0x2  }
0x3e5: {  	v2 =	vmul.f32 $8.000000000e+00, v2;
	v1 =	vmul.f32 $8.000000000e+00, v1;
	_ =	sdelay $0x1  }
0x3e6: {  	v1 =	vadd.f32 v1, v0;
	v0 =	vadd.f32 v2, v0  }
0x3e7: {  	v2 =	vld [tilespmem:s11+$0xFFFFFFA0]  }
0x3e8: {  	[tilespmem:s11+$0xFFFFCD90] =	vst v1;
	v1 =	vld [tilespmem:s11+$0xFFFFCDA0]  }
0x3e9: {  	[tilespmem:s11+$0xFFFFFF90] =	vst v0  }
0x3ea: {  	v0 =	vld [tilespmem:s21+$0x10];
	_ =	sdelay $0x2  }
0x3eb: {  	v2 =	vmul.f32 $8.000000000e+00, v2;
	v1 =	vmul.f32 $8.000000000e+00, v1;
	_ =	sdelay $0x1  }
0x3ec: {  	v1 =	vadd.f32 v1, v0;
	v0 =	vadd.f32 v2, v0  }
0x3ed: {  	v2 =	vld [tilespmem:s11+$0xFFFFFFB0]  }
0x3ee: {  	[tilespmem:s11+$0xFFFFCDA0] =	vst v1;
	v1 =	vld [tilespmem:s11+$0xFFFFCDB0]  }
0x3ef: {  	[tilespmem:s11+$0xFFFFFFA0] =	vst v0  }
0x3f0: {  	v0 =	vld [tilespmem:s21+$0x20];
	_ =	sdelay $0x2  }
0x3f1: {  	v2 =	vmul.f32 $8.000000000e+00, v2;
	v1 =	vmul.f32 $8.000000000e+00, v1;
	_ =	sdelay $0x1  }
0x3f2: {  	v1 =	vadd.f32 v1, v0;
	v0 =	vadd.f32 v2, v0  }
0x3f3: {  	v2 =	vld [tilespmem:s11+$0xFFFFFFC0]  }
0x3f4: {  	[tilespmem:s11+$0xFFFFCDB0] =	vst v1;
	v1 =	vld [tilespmem:s11+$0xFFFFCDC0]  }
0x3f5: {  	[tilespmem:s11+$0xFFFFFFB0] =	vst v0  }
0x3f6: {  	v0 =	vld [tilespmem:s21+$0x30];
	_ =	sdelay $0x2  }
0x3f7: {  	v2 =	vmul.f32 $8.000000000e+00, v2;
	v1 =	vmul.f32 $8.000000000e+00, v1;
	_ =	sdelay $0x1  }
0x3f8: {  	v1 =	vadd.f32 v1, v0;
	v0 =	vadd.f32 v2, v0  }
0x3f9: {  	v2 =	vld [tilespmem:s11+$0xFFFFFFD0]  }
0x3fa: {  	[tilespmem:s11+$0xFFFFCDC0] =	vst v1;
	v1 =	vld [tilespmem:s11+$0xFFFFCDD0]  }
0x3fb: {  	[tilespmem:s11+$0xFFFFFFC0] =	vst v0  }
0x3fc: {  	v0 =	vld [tilespmem:s21+$0x40];
	_ =	sdelay $0x2  }
0x3fd: {  	v2 =	vmul.f32 $8.000000000e+00, v2;
	v1 =	vmul.f32 $8.000000000e+00, v1;
	_ =	sdelay $0x1  }
0x3fe: {  	v1 =	vadd.f32 v1, v0;
	v0 =	vadd.f32 v2, v0  }
0x3ff: {  	v2 =	vld [tilespmem:s11+$0xFFFFFFE0]  }
0x400: {  	[tilespmem:s11+$0xFFFFCDD0] =	vst v1;
	v1 =	vld [tilespmem:s11+$0xFFFFCDE0]  }
0x401: {  	[tilespmem:s11+$0xFFFFFFD0] =	vst v0  }
0x402: {  	v0 =	vld [tilespmem:s21+$0x50];
	_ =	sdelay $0x2  }
0x403: {  	v2 =	vmul.f32 $8.000000000e+00, v2;
	v1 =	vmul.f32 $8.000000000e+00, v1;
	_ =	sdelay $0x1  }
.Ltmp3:
0x404: {  	v1 =	vadd.f32 v1, v0;
	v3 =	vadd.f32 v2, v0;
	(pc) =	sbr.rel @p0 .LBB2_9-.Ltmp3, $4  }
0x405: {  	v0 =	vld [tilespmem:s11+$0xFFFFFFF0]  }
0x406: {  	[tilespmem:s11+$0xFFFFCDE0] =	vst v1;
	v2 =	vld [tilespmem:s11+$0xFFFFCDF0]  }
0x407: {  	[tilespmem:s11+$0xFFFFFFE0] =	vst v3  }
0x408: {  	v1 =	vld [tilespmem:s21+$0x60]  }
0x409: {  	_ =	sdelay $0x1  }
0x40a: {  	v2 =	vmul.f32 $8.000000000e+00, v2  }
0x40b: {  	v0 =	vmul.f32 $8.000000000e+00, v0  }
0x40c: {  	v2 =	vadd.f32 v2, v1  }
0x40d: {  	v0 =	vadd.f32 v0, v1  }
0x40e: {  	v62 =	vld [tilespmem:s24+$0xFFFFCE00];
	[tilespmem:s24+$0xFFFFCDF0] =	vst v2  }
0x40f: {  	v63 =	vld [tilespmem:s24+$0x0];
	[tilespmem:s24+$0xFFFFFFF0] =	vst v0  }
0x410: {  	v0 =	vld [tilespmem:s1+$0x70];
	_ =	sdelay $0x2  }
0x411: {  	v1 =	vmul.f32 $8.000000000e+00, v62  }
0x412: {  	s30 =	sor.u32 $0x6, s16;
	v2 =	vmul.f32 $8.000000000e+00, v63  }
0x413: {  	s9 =	sadd.s32 $0x1, s9;
	s1 =	smul.u32 $0x6400, s30;
	v1 =	vadd.f32 v1, v0  }
0x414: {  	s11 =	smul.u32 $0xC80, s30;
	p0 =	sne.s32 s9, $0x10;
	v0 =	vadd.f32 v2, v0  }
.Ltmp4:
0x415: {  	s1 =	sshrl.u32 s1, $0x3;
	[tilespmem:s24+$0xFFFFCE00] =	vst v1;
	(pc) =	sbr.rel @p0 .LBB2_2-.Ltmp4, $4  }
0x416: {  	s11 =	sadd.s32 s2, s11;
	s1 =	sadd.s32 s2, s1;
	[tilespmem:s24+$0x0] =	vst v0  }
0x417: {  	[hbm4b:s11+s18] =	stream.strided.scatter [tilespmem:s19], [sflag:$0x8], $0x3200, s23, s18, $0x38;
	[tilespmem:$0x1C840] =	vst v63  }
0x418: {  	s1 =	sadd.s32 $0xC80, s1  }
0x419: {  	[hbm4b:s1+s18] =	stream.strided.scatter [tilespmem:s10], [sflag:$0x8], $0x3200, s23, s18, $0x38;
	[tilespmem:$0x1C840] =	vst v63  }
0x41a: {  	s9 =	simm.s32 $0x8  }
0x41b: {  	_ =	swait.ge [sflag:s9], $0x3200  }
0x41c: {  	[sflag:s9] =	ssyncset.done $0x0  }
0x41d: {  	[sflag:s9] =	ssyncadd.s32 $0xFFFFCE00  }
0x41e: {  	_ =	swait.ge [sflag:s9], $0x3200  }
0x41f: {  	s11 =	rddreg [dreg:$0x9]  }
0x420: {  	s1 =	rddreg [dreg:$0x8];
	s11 =	sadd.s32 $0x1, s11  }
0x421: {  	p0 =	sne.s32 s11, s1  }
.Ltmp5:
0x422: {  	_ = 	snop;
	(pc) =	sbr.rel @p0 .LBB2_1-.Ltmp5, $3  }
0x423: {  	_ =	sdelay $0x1  }
0x424: {  	[sflag:s9] =	ssyncset.done $0x0  }
0x425: {  	[sflag:s9] =	ssyncadd.s32 $0xFFFFCE00  }
0x426: {  	_ =	sfence.sel $0x180000  }
0x427: {  	[bflag:$0x0] =	sbarrier.arrive $0xFFFF  }
0x428: {  	_ =	strace $0x90000047  }
0x429: {  	s0 =	stileid.u32;
	[bflag:$0x2] =	sbarrier.arrive $0xFFFF  }
0x42a: {  	p0 =	sne.s32 s0, $0x0;
	s0 =	rddreg [dreg:$0x2]  }
0x42b: {  	s0 =	sadd.s32 @!p0 $0x100000, s0  }
0x42c: {  	[sflag:s0] =	ssyncadd.tile.s32 @!p0 $0x1;
	_ =	shalt  }
.Lfunc_end2:
_tile_overlayer_lowered:
.L_overlay_start_2:
0x42d: {  	(tag) =	ssettag $0x2  }
0x42e: {  	s0 =	rddreg [dreg:$0x0];
	s2 =	stileid.u32  }
0x42f: {  	s1 =	rddreg [dreg:$0x1];
	p0 =	sne.s32 s2, $0x0  }
0x430: {  	s3 =	rddreg [dreg:$0x2];
	[bflag:$0x3] =	sbarrier.arrive $0xFFFF;
	s2 =	simm.s32 @!p0 $0x1C0D  }
0x431: {  	[timem:s3], [sflag:s2] =	dma.local @!p0 [hbm:s0], s1  }
0x432: {  	s0 =	simm.s32 @!p0 $0xD  }
0x433: {  	_ =	swait.ge @!p0 [sflag:s0], s1  }
0x434: {  	s1 =	ssub.s32 @!p0 $0x0, s1;
	[sflag:s0] =	ssyncset.done @!p0 $0x0  }
0x435: {  	[sflag:s0] =	ssyncadd.s32 @!p0 s1  }
0x436: {  	[bflag:$0x3] =	sbarrier.arrive $0xFFFF  }
0x437: {  	_ =	shalt  }

</sc_bundles>
